<compile_context>
chip_gen: v7x
topology: tpu7x:2x2x1
jax: 0.10.2.dev20260603
libtpu: 0.0.44.dev20260713+nightly
codegen_flags: <defaults>
</compile_context>

<pallas_src>
import functools

import jax
import jax.numpy as jnp
from jax import lax
from jax.experimental import pallas as pl
from jax.experimental.pallas import tpu as pltpu
from jax.experimental.pallas import tpu_sc as plsc

B = 16384
NUM_NUMERIC = 13
NUM_CAT = 26
VOCAB = 100000
EMB = 16
H1 = 256
H2 = 128
EPS = 1e-5

TOT = B * NUM_CAT
NC, NS = 2, 16
NW = NC * NS
LPW = TOT // NW
GPW = LPW // 128
SPW = B // NW
FLUSH = 13
ROWS_F = FLUSH * 128 // NUM_CAT
XD = 512
VPF = 12504
TAB_R = NUM_CAT * VPF



UB = 512
NBU = VOCAB // UB
BIGU = NUM_CAT * NBU
SMALL0 = NBU * UB
TAIL0 = SMALL0 + 128
NRING = 4


@functools.cache
def _make_sc_format():
    mesh = plsc.VectorSubcoreMesh(core_axis_name="c", subcore_axis_name="s")

    @functools.partial(
        pl.kernel,
        out_type=jax.ShapeDtypeStruct((TAB_R, 128), jnp.float32),
        mesh=mesh,
        scratch_types=[
            pltpu.VMEM((NRING, 16, UB), jnp.float32),
            pltpu.VMEM((NRING, UB * 17), jnp.float32),
            pltpu.VMEM((NRING, UB // 8, 128), jnp.float32),
            pltpu.VMEM((16, 128), jnp.float32),
            pltpu.SemaphoreType.DMA((NRING,)),
            pltpu.SemaphoreType.DMA((NRING,)),
            pltpu.SemaphoreType.DMA,
        ],
        compiler_params=pltpu.CompilerParams(needs_layout_passes=False),
    )
    def _sc_format(tabt_hbm, tailc_hbm, out_hbm, in_v, skw_v, tr_v, sm_v,
                   isems, osems, ssem):
        wid = lax.axis_index("s") * NC + lax.axis_index("c")
        iota = jnp.arange(16, dtype=jnp.int32)
        n_units = (BIGU - wid + NW - 1) // NW

        def unit_uid(k):
            return wid + k * NW

        def in_src(uid):
            f = uid // NBU
            t = lax.rem(uid, NBU)
            return tabt_hbm.at[pl.ds(pl.multiple_of(f * 16, 16), 16),
                               pl.ds(pl.multiple_of(t * UB, UB), UB)]

        def out_dst(uid):
            f = uid // NBU
            t = lax.rem(uid, NBU)
            return out_hbm.at[
                pl.ds(pl.multiple_of(f * VPF + t * (UB // 8), 8), UB // 8), :]

        def fire_in(k):
            slot = lax.rem(k, NRING)
            return pltpu.async_copy(in_src(unit_uid(k)), in_v.at[slot],
                                    isems.at[slot])

        for p in range(NRING - 1):
            fire_in(p)

        def unit_body(k, carry):
            slot = lax.rem(k, NRING)
            uid = unit_uid(k)

            @pl.when(k + NRING - 1 < n_units)
            def _():
                fire_in(k + NRING - 1)

            pltpu.make_async_copy(in_src(uid), in_v.at[slot],
                                  isems.at[slot]).wait()

            @pl.when(k >= NRING)
            def _():
                pltpu.make_async_copy(tr_v.at[slot],
                                      out_dst(unit_uid(k - NRING)),
                                      osems.at[slot]).wait()

            slotv = jnp.full((16,), slot, jnp.int32)
            iota17 = iota * 17

            def v0_body(v0, carry2):
                base = iota17 + v0 * (16 * 17)
                vals = [in_v[slot, e, pl.ds(v0 * 16, 16)] for e in range(16)]
                for e in range(16):
                    plsc.store_scatter(skw_v, [slotv, base + e], vals[e])
                return carry2

            lax.fori_loop(0, UB // 16, v0_body, 0)

            def vb_body(vb, carry2):
                vals = [plsc.load_gather(skw_v,
                                         [slotv, iota + (vb * 8 + i) * 17])
                        for i in range(8)]
                for i in range(8):
                    tr_v[slot, vb, pl.ds(i * 16, 16)] = vals[i]
                return carry2

            lax.fori_loop(0, UB // 8, vb_body, 0)
            pltpu.async_copy(tr_v.at[slot], out_dst(uid), osems.at[slot])
            return carry

        lax.fori_loop(0, n_units, unit_body, 0)

        def drain_body(j, carry):
            pltpu.make_async_copy(tr_v.at[lax.rem(j, NRING)],
                                  out_dst(unit_uid(j)),
                                  osems.at[lax.rem(j, NRING)]).wait()
            return carry

        lax.fori_loop(lax.max(n_units - NRING, 0), n_units, drain_body, 0)

        @pl.when(wid < NUM_CAT)
        def _():
            f = wid
            pltpu.sync_copy(
                tabt_hbm.at[pl.ds(pl.multiple_of(f * 16, 16), 16),
                            pl.ds(SMALL0, 128)],
                sm_v)
            def vb_body(vb, carry2):
                vbase = jnp.full((16,), vb * 8, jnp.int32)
                vals = [plsc.load_gather(sm_v, [iota, vbase + dv])
                        for dv in range(8)]
                for dv in range(8):
                    tr_v[0, vb, pl.ds(dv * 16, 16)] = vals[dv]
                return carry2

            lax.fori_loop(0, 16, vb_body, 0)
            pltpu.sync_copy(
                tr_v.at[0, pl.ds(0, 16), :],
                out_hbm.at[
                    pl.ds(pl.multiple_of(f * VPF + SMALL0 // 8, 8), 16), :])
            pltpu.sync_copy(tailc_hbm.at[f], sm_v.at[pl.ds(0, 8), :])
            pltpu.sync_copy(
                sm_v.at[pl.ds(0, 8), :],
                out_hbm.at[
                    pl.ds(pl.multiple_of(f * VPF + TAIL0 // 8, 8), 8), :])

    return _sc_format




@functools.cache
def _make_sc_gather():
    mesh = plsc.VectorSubcoreMesh(core_axis_name="c", subcore_axis_name="s")

    @functools.partial(
        pl.kernel,
        out_type=jax.ShapeDtypeStruct((B, XD), jnp.float32),
        mesh=mesh,
        scratch_types=[
            pltpu.VMEM((GPW, 128), jnp.int32),
            pltpu.VMEM((GPW, 128), jnp.int32),
            pltpu.VMEM((4, 128, 128), jnp.float32),
            pltpu.VMEM((ROWS_F, XD), jnp.float32),
            pltpu.SemaphoreType.DMA((4,)),
        ],
        compiler_params=pltpu.CompilerParams(needs_layout_passes=False),
    )
    def _sc_gather(tab_hbm, idx_hbm, out_hbm, idx_v, idxr_v, rows_v, asm_v,
                   sems):
        wid = lax.axis_index("s") * NC + lax.axis_index("c")
        pltpu.sync_copy(idx_hbm.at[wid], idx_v)

        iota = jnp.arange(16, dtype=jnp.int32)
        zeros = jnp.zeros((16,), jnp.float32)

        def zero_body(r, carry):
            for c in range(EMB * NUM_CAT // 16, XD // 16):
                asm_v[r, pl.ds(c * 16, 16)] = zeros
            return carry

        lax.fori_loop(0, ROWS_F, zero_body, 0)

        def shift_body(g, carry):
            for c in range(8):
                idxr_v[g, pl.ds(c * 16, 16)] = (
                    idx_v[g, pl.ds(c * 16, 16)] >> 3)
            return carry

        lax.fori_loop(0, GPW, shift_body, 0)

        def fire(g, slot):
            return pltpu.async_copy(
                tab_hbm.at[idxr_v.at[g]], rows_v.at[slot], sems.at[slot])

        for p in range(3):
            fire(p, p)

        def group_body(g, carry):
            slot = lax.rem(g, 4)

            @pl.when(g + 3 < GPW)
            def _():
                fire(g + 3, lax.rem(g + 3, 4))

            pltpu.make_async_copy(
                tab_hbm.at[idxr_v.at[g]], rows_v.at[slot],
                sems.at[slot]).wait()

            base = lax.rem(g, FLUSH) * 128
            arow_base = jnp.full((16,), 0, jnp.int32)
            slotv = jnp.full((16,), slot, jnp.int32)
            for c in range(8):
                flat = base + c * 16 + iota
                idxc = idx_v[g, pl.ds(c * 16, 16)]
                off = (idxc & 7) << 4
                srow = flat // NUM_CAT
                scol = lax.rem(flat, NUM_CAT) << 4
                jvec = jnp.full((16,), c * 16, jnp.int32) + iota
                vals = [plsc.load_gather(rows_v, [slotv, jvec, off + e])
                        for e in range(EMB)]
                for e in range(EMB):
                    plsc.store_scatter(asm_v, [srow, scol + e], vals[e])

            @pl.when(lax.rem(g, FLUSH) == FLUSH - 1)
            def _():
                s = g // FLUSH
                pltpu.sync_copy(
                    asm_v,
                    out_hbm.at[pl.ds(wid * SPW + s * ROWS_F, ROWS_F)])

            return carry

        lax.fori_loop(0, GPW, group_body, 0)

    return _sc_gather



BS = 1024
NB = B // BS
_INV_B = 1.0 / B
_F32 = jnp.float32


def _a_body(nx_ref, em_ref, w1a_ref, w1b_ref, b1_ref, wwa_ref, wwb_ref,
            h1_ref, wide_ref, s1_ref, s2_ref):
    i = pl.program_id(0)
    nx = nx_ref[...]
    em = em_ref[...]
    h = (jnp.dot(nx, w1a_ref[...], preferred_element_type=_F32)
         + jnp.dot(em, w1b_ref[...], preferred_element_type=_F32)
         + b1_ref[...])
    h1_ref[...] = h
    wide_ref[...] = (jnp.sum(nx * wwa_ref[...], axis=1)
                     + jnp.sum(em * wwb_ref[...], axis=1))
    s1 = jnp.sum(h, axis=0, keepdims=True)
    s2 = jnp.sum(h * h, axis=0, keepdims=True)

    @pl.when(i == 0)
    def _():
        s1_ref[...] = s1
        s2_ref[...] = s2

    @pl.when(i > 0)
    def _():
        s1_ref[...] += s1
        s2_ref[...] += s2


_a_call = pl.pallas_call(
    _a_body,
    grid=(NB,),
    in_specs=[
        pl.BlockSpec((BS, NUM_NUMERIC), lambda i: (i, 0)),
        pl.BlockSpec((BS, XD), lambda i: (i, 0)),
        pl.BlockSpec((NUM_NUMERIC, H1), lambda i: (0, 0)),
        pl.BlockSpec((XD, H1), lambda i: (0, 0)),
        pl.BlockSpec((H1,), lambda i: (0,)),
        pl.BlockSpec((1, NUM_NUMERIC), lambda i: (0, 0)),
        pl.BlockSpec((1, XD), lambda i: (0, 0)),
    ],
    out_specs=[
        pl.BlockSpec((BS, H1), lambda i: (i, 0)),
        pl.BlockSpec((BS,), lambda i: (i,)),
        pl.BlockSpec((1, H1), lambda i: (0, 0)),
        pl.BlockSpec((1, H1), lambda i: (0, 0)),
    ],
    out_shape=[
        jax.ShapeDtypeStruct((B, H1), _F32),
        jax.ShapeDtypeStruct((B,), _F32),
        jax.ShapeDtypeStruct((1, H1), _F32),
        jax.ShapeDtypeStruct((1, H1), _F32),
    ],
)


def _b_body(h1_ref, s1_ref, s2_ref, g1_ref, be1_ref, w2_ref, b2_ref,
            h2_ref, t1_ref, t2_ref):
    i = pl.program_id(0)
    mu = s1_ref[...] * _INV_B
    var = s2_ref[...] * _INV_B - mu * mu
    hn = jnp.maximum(
        g1_ref[...] * (h1_ref[...] - mu) * lax.rsqrt(var + EPS) + be1_ref[...],
        0.0)
    h2 = jnp.dot(hn, w2_ref[...], preferred_element_type=_F32) + b2_ref[...]
    h2_ref[...] = h2
    t1 = jnp.sum(h2, axis=0, keepdims=True)
    t2 = jnp.sum(h2 * h2, axis=0, keepdims=True)

    @pl.when(i == 0)
    def _():
        t1_ref[...] = t1
        t2_ref[...] = t2

    @pl.when(i > 0)
    def _():
        t1_ref[...] += t1
        t2_ref[...] += t2


_b_call = pl.pallas_call(
    _b_body,
    grid=(NB,),
    in_specs=[
        pl.BlockSpec((BS, H1), lambda i: (i, 0)),
        pl.BlockSpec((1, H1), lambda i: (0, 0)),
        pl.BlockSpec((1, H1), lambda i: (0, 0)),
        pl.BlockSpec((H1,), lambda i: (0,)),
        pl.BlockSpec((H1,), lambda i: (0,)),
        pl.BlockSpec((H1, H2), lambda i: (0, 0)),
        pl.BlockSpec((H2,), lambda i: (0,)),
    ],
    out_specs=[
        pl.BlockSpec((BS, H2), lambda i: (i, 0)),
        pl.BlockSpec((1, H2), lambda i: (0, 0)),
        pl.BlockSpec((1, H2), lambda i: (0, 0)),
    ],
    out_shape=[
        jax.ShapeDtypeStruct((B, H2), _F32),
        jax.ShapeDtypeStruct((1, H2), _F32),
        jax.ShapeDtypeStruct((1, H2), _F32),
    ],
)


def _c_body(h2_ref, t1_ref, t2_ref, g2_ref, be2_ref, w3_ref, wide_ref,
            b3w_ref, out_ref):
    mu = t1_ref[...] * _INV_B
    var = t2_ref[...] * _INV_B - mu * mu
    hn = jnp.maximum(
        g2_ref[...] * (h2_ref[...] - mu) * lax.rsqrt(var + EPS) + be2_ref[...],
        0.0)
    out_ref[...] = (jnp.sum(hn * w3_ref[...], axis=1) + wide_ref[...]
                    + b3w_ref[0, 0])


_c_call = pl.pallas_call(
    _c_body,
    grid=(NB,),
    in_specs=[
        pl.BlockSpec((BS, H2), lambda i: (i, 0)),
        pl.BlockSpec((1, H2), lambda i: (0, 0)),
        pl.BlockSpec((1, H2), lambda i: (0, 0)),
        pl.BlockSpec((H2,), lambda i: (0,)),
        pl.BlockSpec((H2,), lambda i: (0,)),
        pl.BlockSpec((1, H2), lambda i: (0, 0)),
        pl.BlockSpec((BS,), lambda i: (i,)),
        pl.BlockSpec(memory_space=pltpu.SMEM),
    ],
    out_specs=pl.BlockSpec((BS,), lambda i: (i,)),
    out_shape=jax.ShapeDtypeStruct((B,), _F32),
)


def kernel(num_x, cat_x, tables, W1, b1, g1, be1, W2, b2, g2, be2, W3, b3,
           Ww, bw):
    tabt = tables.transpose(0, 2, 1).reshape(NUM_CAT * EMB, VOCAB)
    tailc = jnp.pad(tables[:, TAIL0:, :].reshape(NUM_CAT, 4, 128),
                    ((0, 0), (0, 4), (0, 0)))
    tab = _make_sc_format()(tabt, tailc)
    idx = (cat_x.astype(jnp.int32)
           + (jnp.arange(NUM_CAT, dtype=jnp.int32) * (VPF * 8))[None, :]
           ).reshape(NW, GPW, 128)
    em = _make_sc_gather()(tab, idx)
    w1a, w1b = W1[:NUM_NUMERIC], W1[NUM_NUMERIC:]
    w1bp = jnp.pad(w1b, ((0, XD - NUM_CAT * EMB), (0, 0)))
    wwa = Ww[:NUM_NUMERIC, 0][None, :]
    wwb = jnp.pad(Ww[NUM_NUMERIC:, 0][None, :],
                  ((0, 0), (0, XD - NUM_CAT * EMB)))
    w3row = W3[:, 0][None, :]
    b3w = (b3 + bw).reshape(1, 1)
    h1, wide, s1, s2 = _a_call(num_x, em, w1a, w1bp, b1, wwa, wwb)
    h2, t1, t2 = _b_call(h1, s1, s2, g1, be1, W2, b2)
    return _c_call(h2, t1, t2, g2, be2, w3row, wide, b3w)

# --- scband reference (transcript-rebuilt; emitter-appended) ---
"""Pipeline reference for scband-neural-ranker-17471926960292 (READ-ONLY COPY).

The authoritative reference and input builder live on the scoring server;
editing this copy changes nothing except your own understanding.
"""

import jax, jax.numpy as jnp
import numpy as np

B = 16384
NUM_NUMERIC = 13
NUM_CAT = 26
VOCAB = 100000
EMB = 16
H1 = 256
H2 = 128
IN_DIM = NUM_NUMERIC + NUM_CAT * EMB
EPS = 1e-5


def setup_inputs(seed: int = 0) -> dict:
    key = jax.random.key(seed)
    ks = jax.random.split(key, 16)
    num_x = jax.random.normal(ks[0], (B, NUM_NUMERIC), dtype=jnp.float32)
    cat_x = jax.random.randint(ks[1], (B, NUM_CAT), 0, VOCAB, dtype=jnp.int64 if jax.config.jax_enable_x64 else jnp.int32)
    tables = jax.random.normal(ks[2], (NUM_CAT, VOCAB, EMB), dtype=jnp.float32) * 0.05
    W1 = jax.random.normal(ks[3], (IN_DIM, H1), dtype=jnp.float32) * (1.0 / np.sqrt(IN_DIM))
    b1 = jnp.zeros((H1,), dtype=jnp.float32)
    g1 = jnp.ones((H1,), dtype=jnp.float32)
    be1 = jnp.zeros((H1,), dtype=jnp.float32)
    W2 = jax.random.normal(ks[4], (H1, H2), dtype=jnp.float32) * (1.0 / np.sqrt(H1))
    b2 = jnp.zeros((H2,), dtype=jnp.float32)
    g2 = jnp.ones((H2,), dtype=jnp.float32)
    be2 = jnp.zeros((H2,), dtype=jnp.float32)
    W3 = jax.random.normal(ks[5], (H2, 1), dtype=jnp.float32) * (1.0 / np.sqrt(H2))
    b3 = jnp.zeros((1,), dtype=jnp.float32)
    Ww = jax.random.normal(ks[6], (IN_DIM, 1), dtype=jnp.float32) * (1.0 / np.sqrt(IN_DIM))
    bw = jnp.zeros((1,), dtype=jnp.float32)
    return {"num_x": num_x, "cat_x": cat_x, "tables": tables, "W1": W1, "b1": b1, "g1": g1, "be1": be1, "W2": W2, "b2": b2, "g2": g2, "be2": be2, "W3": W3, "b3": b3, "Ww": Ww, "bw": bw}


def _bn(h, g, b):
    mu = jnp.mean(h, axis=0, keepdims=True)
    var = jnp.mean((h - mu) ** 2, axis=0, keepdims=True)
    return g * (h - mu) / jnp.sqrt(var + EPS) + b


def reference(num_x, cat_x, tables, W1, b1, g1, be1, W2, b2, g2, be2, W3, b3, Ww, bw):
    # per-field embedding gather: tables[f, cat_x[:, f]] for each field f
    field_ids = jnp.arange(NUM_CAT)[None, :]
    embs = tables[field_ids, cat_x]  # [B, NUM_CAT, EMB]
    x = jnp.concatenate([num_x, embs.reshape(num_x.shape[0], -1)], axis=1)
    h = jnp.maximum(_bn(x @ W1 + b1, g1, be1), 0.0)
    h = jnp.maximum(_bn(h @ W2 + b2, g2, be2), 0.0)
    deep_score = h @ W3 + b3
    wide_score = x @ Ww + bw
    return jnp.squeeze(deep_score + wide_score, axis=1)

if __name__ == "__main__":
    import jax
    _d = setup_inputs()
    print(jax.jit(kernel)(*tuple(_d.values())))

</pallas_src>

<mosaic_0001>
#map = affine_map<(d0, d1) -> (0, 0)>
#map1 = affine_map<(d0, d1) -> (0, 0, 0)>
module attributes {stable_mosaic.version = 14 : i64} {
  func.func @_sc_gather(%arg0: i32, %arg1: i32, %arg2: memref<325104x128xf32, #tpu.memory_space<hbm>>, %arg3: memref<32x104x128xi32, #tpu.memory_space<hbm>>, %arg4: memref<16384x512xf32, #tpu.memory_space<hbm>>, %arg5: memref<104x128xi32, #tpu.memory_space<vmem>>, %arg6: memref<104x128xi32, #tpu.memory_space<vmem>>, %arg7: memref<4x128x128xf32, #tpu.memory_space<vmem>>, %arg8: memref<64x512xf32, #tpu.memory_space<vmem>>, %arg9: memref<4x!tpu.dma_semaphore, #tpu.memory_space<semaphore_mem>>) attributes {dimension_semantics = [#tpu.dimension_semantics<core_parallel>, #tpu.dimension_semantics<subcore_parallel>], iteration_bounds = array<i64: 2, 16>, scalar_prefetch = 0 : i64, scratch_operands = 5 : i64, tpu.core_type = #tpu.core_type<sc_vector_subcore>, window_params = [{transform_indices = #map}, {transform_indices = #map1}, {transform_indices = #map}]} {
    %mul3A = arith.constant 2 : i32
    %mul3A_0 = arith.muli %arg1, %mul3A : i32
    %add3A = arith.addi %mul3A_0, %arg0 : i32
    "tpu.region"() ({
      %run_scoped3A = tpu.sem_alloc : memref<!tpu.dma_semaphore, #tpu.memory_space<semaphore_mem>>
      %dma_start3A_63 = arith.constant 0 : i32
      %dma_start3A_64 = arith.constant 0 : i32
      %dma_start3A_65 = tpu.memref_slice %arg3[%add3A, %dma_start3A_63, %dma_start3A_64] : memref<32x104x128xi32, #tpu.memory_space<hbm>> -> memref<1x104x128xi32, #tpu.memory_space<hbm>>
      %dma_start3A_66 = tpu.memref_squeeze %dma_start3A_65 : memref<1x104x128xi32, #tpu.memory_space<hbm>> -> memref<104x128xi32, #tpu.memory_space<hbm>>
      %dma_start3A_67 = arith.constant 0 : i32
      %dma_start3A_68 = arith.constant 0 : i32
      %dma_start3A_69 = tpu.memref_slice %arg3[%add3A, %dma_start3A_67, %dma_start3A_68] : memref<32x104x128xi32, #tpu.memory_space<hbm>> -> memref<1x104x128xi32, #tpu.memory_space<hbm>>
      %dma_start3A_70 = tpu.memref_squeeze %dma_start3A_69 : memref<1x104x128xi32, #tpu.memory_space<hbm>> -> memref<104x128xi32, #tpu.memory_space<hbm>>
      tpu.enqueue_dma source(%dma_start3A_70 : memref<104x128xi32, #tpu.memory_space<hbm>>) target(%arg5 : memref<104x128xi32, #tpu.memory_space<vmem>>) target_semaphore(%run_scoped3A : memref<!tpu.dma_semaphore, #tpu.memory_space<semaphore_mem>>)
      %dma_wait3A = arith.constant 0 : i32
      %dma_wait3A_71 = arith.constant 0 : i32
      %dma_wait3A_72 = tpu.memref_slice %arg3[%add3A, %dma_wait3A, %dma_wait3A_71] : memref<32x104x128xi32, #tpu.memory_space<hbm>> -> memref<1x104x128xi32, #tpu.memory_space<hbm>>
      %dma_wait3A_73 = tpu.memref_squeeze %dma_wait3A_72 : memref<1x104x128xi32, #tpu.memory_space<hbm>> -> memref<104x128xi32, #tpu.memory_space<hbm>>
      %dma_wait3A_74 = arith.constant 0 : i32
      %dma_wait3A_75 = arith.constant 0 : i32
      %dma_wait3A_76 = tpu.memref_slice %arg3[%add3A, %dma_wait3A_74, %dma_wait3A_75] : memref<32x104x128xi32, #tpu.memory_space<hbm>> -> memref<1x104x128xi32, #tpu.memory_space<hbm>>
      %dma_wait3A_77 = tpu.memref_squeeze %dma_wait3A_76 : memref<1x104x128xi32, #tpu.memory_space<hbm>> -> memref<104x128xi32, #tpu.memory_space<hbm>>
      tpu.wait_dma2 semaphore(%run_scoped3A : memref<!tpu.dma_semaphore, #tpu.memory_space<semaphore_mem>>) src(%dma_wait3A_77 : memref<104x128xi32, #tpu.memory_space<hbm>>) dst(%arg5 : memref<104x128xi32, #tpu.memory_space<vmem>>)
      tpu.yield
    }) : () -> ()
    %iota3A = tpu.iota {dimensions = array<i32: 0>} : vector<16xi32>
    %broadcast_in_dim3A = arith.constant 0.000000e+00 : f32
    %broadcast_in_dim3A_1 = vector.broadcast %broadcast_in_dim3A : f32 to vector<16xf32>
    %scan3A = arith.constant 0 : i32
    %scan3A_2 = arith.constant 0 : i32
    %scan3A_3 = arith.constant 64 : i32
    %scan3A_4 = arith.addi %scan3A_2, %scan3A_3 : i32
    %scan3A_5 = arith.constant 1 : i32
    scf.for %scan3A_63 = %scan3A_2 to %scan3A_4 step %scan3A_5  : i32 {
      %swap3A = arith.index_cast %scan3A_63 : i32 to index
      %swap3A_64 = arith.constant 416 : index
      %swap3A_65 = tpu.vector_load %arg8[%swap3A, %swap3A_64] {strides = array<i32>} : memref<64x512xf32, #tpu.memory_space<vmem>>, vector<16xf32>,
      tpu.vector_store %arg8[%swap3A, %swap3A_64], %broadcast_in_dim3A_1 {strides = array<i32>} : memref<64x512xf32, #tpu.memory_space<vmem>>, vector<16xf32>,
      %swap3A_66 = arith.index_cast %scan3A_63 : i32 to index
      %swap3A_67 = arith.constant 432 : index
      %swap3A_68 = tpu.vector_load %arg8[%swap3A_66, %swap3A_67] {strides = array<i32>} : memref<64x512xf32, #tpu.memory_space<vmem>>, vector<16xf32>,
      tpu.vector_store %arg8[%swap3A_66, %swap3A_67], %broadcast_in_dim3A_1 {strides = array<i32>} : memref<64x512xf32, #tpu.memory_space<vmem>>, vector<16xf32>,
      %swap3A_69 = arith.index_cast %scan3A_63 : i32 to index
      %swap3A_70 = arith.constant 448 : index
      %swap3A_71 = tpu.vector_load %arg8[%swap3A_69, %swap3A_70] {strides = array<i32>} : memref<64x512xf32, #tpu.memory_space<vmem>>, vector<16xf32>,
      tpu.vector_store %arg8[%swap3A_69, %swap3A_70], %broadcast_in_dim3A_1 {strides = array<i32>} : memref<64x512xf32, #tpu.memory_space<vmem>>, vector<16xf32>,
      %swap3A_72 = arith.index_cast %scan3A_63 : i32 to index
      %swap3A_73 = arith.constant 464 : index
      %swap3A_74 = tpu.vector_load %arg8[%swap3A_72, %swap3A_73] {strides = array<i32>} : memref<64x512xf32, #tpu.memory_space<vmem>>, vector<16xf32>,
      tpu.vector_store %arg8[%swap3A_72, %swap3A_73], %broadcast_in_dim3A_1 {strides = array<i32>} : memref<64x512xf32, #tpu.memory_space<vmem>>, vector<16xf32>,
      %swap3A_75 = arith.index_cast %scan3A_63 : i32 to index
      %swap3A_76 = arith.constant 480 : index
      %swap3A_77 = tpu.vector_load %arg8[%swap3A_75, %swap3A_76] {strides = array<i32>} : memref<64x512xf32, #tpu.memory_space<vmem>>, vector<16xf32>,
      tpu.vector_store %arg8[%swap3A_75, %swap3A_76], %broadcast_in_dim3A_1 {strides = array<i32>} : memref<64x512xf32, #tpu.memory_space<vmem>>, vector<16xf32>,
      %swap3A_78 = arith.index_cast %scan3A_63 : i32 to index
      %swap3A_79 = arith.constant 496 : index
      %swap3A_80 = tpu.vector_load %arg8[%swap3A_78, %swap3A_79] {strides = array<i32>} : memref<64x512xf32, #tpu.memory_space<vmem>>, vector<16xf32>,
      tpu.vector_store %arg8[%swap3A_78, %swap3A_79], %broadcast_in_dim3A_1 {strides = array<i32>} : memref<64x512xf32, #tpu.memory_space<vmem>>, vector<16xf32>,
    }
    %scan3A_6 = arith.constant 64 : i32
    %scan3A_7 = arith.constant 0 : i32
    %scan3A_8 = arith.constant 0 : i32
    %scan3A_9 = arith.constant 104 : i32
    %scan3A_10 = arith.addi %scan3A_8, %scan3A_9 : i32
    %scan3A_11 = arith.constant 1 : i32
    scf.for %scan3A_63 = %scan3A_8 to %scan3A_10 step %scan3A_11  : i32 {
      %get3A = arith.index_cast %scan3A_63 : i32 to index
      %get3A_64 = arith.constant 0 : index
      %get3A_65 = tpu.vector_load %arg5[%get3A, %get3A_64] {strides = array<i32>} : memref<104x128xi32, #tpu.memory_space<vmem>>, vector<16xi32>,
      %shift_right_arithmetic3A = arith.constant 3 : i32
      %shift_right_arithmetic3A_66 = vector.broadcast %shift_right_arithmetic3A : i32 to vector<16xi32>
      %shift_right_arithmetic3A_67 = arith.shrsi %get3A_65, %shift_right_arithmetic3A_66 : vector<16xi32>
      %swap3A = arith.index_cast %scan3A_63 : i32 to index
      %swap3A_68 = arith.constant 0 : index
      %swap3A_69 = tpu.vector_load %arg6[%swap3A, %swap3A_68] {strides = array<i32>} : memref<104x128xi32, #tpu.memory_space<vmem>>, vector<16xi32>,
      tpu.vector_store %arg6[%swap3A, %swap3A_68], %shift_right_arithmetic3A_67 {strides = array<i32>} : memref<104x128xi32, #tpu.memory_space<vmem>>, vector<16xi32>,
      %get3A_70 = arith.index_cast %scan3A_63 : i32 to index
      %get3A_71 = arith.constant 16 : index
      %get3A_72 = tpu.vector_load %arg5[%get3A_70, %get3A_71] {strides = array<i32>} : memref<104x128xi32, #tpu.memory_space<vmem>>, vector<16xi32>,
      %shift_right_arithmetic3A_73 = arith.constant 3 : i32
      %shift_right_arithmetic3A_74 = vector.broadcast %shift_right_arithmetic3A_73 : i32 to vector<16xi32>
      %shift_right_arithmetic3A_75 = arith.shrsi %get3A_72, %shift_right_arithmetic3A_74 : vector<16xi32>
      %swap3A_76 = arith.index_cast %scan3A_63 : i32 to index
      %swap3A_77 = arith.constant 16 : index
      %swap3A_78 = tpu.vector_load %arg6[%swap3A_76, %swap3A_77] {strides = array<i32>} : memref<104x128xi32, #tpu.memory_space<vmem>>, vector<16xi32>,
      tpu.vector_store %arg6[%swap3A_76, %swap3A_77], %shift_right_arithmetic3A_75 {strides = array<i32>} : memref<104x128xi32, #tpu.memory_space<vmem>>, vector<16xi32>,
      %get3A_79 = arith.index_cast %scan3A_63 : i32 to index
      %get3A_80 = arith.constant 32 : index
      %get3A_81 = tpu.vector_load %arg5[%get3A_79, %get3A_80] {strides = array<i32>} : memref<104x128xi32, #tpu.memory_space<vmem>>, vector<16xi32>,
      %shift_right_arithmetic3A_82 = arith.constant 3 : i32
      %shift_right_arithmetic3A_83 = vector.broadcast %shift_right_arithmetic3A_82 : i32 to vector<16xi32>
      %shift_right_arithmetic3A_84 = arith.shrsi %get3A_81, %shift_right_arithmetic3A_83 : vector<16xi32>
      %swap3A_85 = arith.index_cast %scan3A_63 : i32 to index
      %swap3A_86 = arith.constant 32 : index
      %swap3A_87 = tpu.vector_load %arg6[%swap3A_85, %swap3A_86] {strides = array<i32>} : memref<104x128xi32, #tpu.memory_space<vmem>>, vector<16xi32>,
      tpu.vector_store %arg6[%swap3A_85, %swap3A_86], %shift_right_arithmetic3A_84 {strides = array<i32>} : memref<104x128xi32, #tpu.memory_space<vmem>>, vector<16xi32>,
      %get3A_88 = arith.index_cast %scan3A_63 : i32 to index
      %get3A_89 = arith.constant 48 : index
      %get3A_90 = tpu.vector_load %arg5[%get3A_88, %get3A_89] {strides = array<i32>} : memref<104x128xi32, #tpu.memory_space<vmem>>, vector<16xi32>,
      %shift_right_arithmetic3A_91 = arith.constant 3 : i32
      %shift_right_arithmetic3A_92 = vector.broadcast %shift_right_arithmetic3A_91 : i32 to vector<16xi32>
      %shift_right_arithmetic3A_93 = arith.shrsi %get3A_90, %shift_right_arithmetic3A_92 : vector<16xi32>
      %swap3A_94 = arith.index_cast %scan3A_63 : i32 to index
      %swap3A_95 = arith.constant 48 : index
      %swap3A_96 = tpu.vector_load %arg6[%swap3A_94, %swap3A_95] {strides = array<i32>} : memref<104x128xi32, #tpu.memory_space<vmem>>, vector<16xi32>,
      tpu.vector_store %arg6[%swap3A_94, %swap3A_95], %shift_right_arithmetic3A_93 {strides = array<i32>} : memref<104x128xi32, #tpu.memory_space<vmem>>, vector<16xi32>,
      %get3A_97 = arith.index_cast %scan3A_63 : i32 to index
      %get3A_98 = arith.constant 64 : index
      %get3A_99 = tpu.vector_load %arg5[%get3A_97, %get3A_98] {strides = array<i32>} : memref<104x128xi32, #tpu.memory_space<vmem>>, vector<16xi32>,
      %shift_right_arithmetic3A_100 = arith.constant 3 : i32
      %shift_right_arithmetic3A_101 = vector.broadcast %shift_right_arithmetic3A_100 : i32 to vector<16xi32>
      %shift_right_arithmetic3A_102 = arith.shrsi %get3A_99, %shift_right_arithmetic3A_101 : vector<16xi32>
      %swap3A_103 = arith.index_cast %scan3A_63 : i32 to index
      %swap3A_104 = arith.constant 64 : index
      %swap3A_105 = tpu.vector_load %arg6[%swap3A_103, %swap3A_104] {strides = array<i32>} : memref<104x128xi32, #tpu.memory_space<vmem>>, vector<16xi32>,
      tpu.vector_store %arg6[%swap3A_103, %swap3A_104], %shift_right_arithmetic3A_102 {strides = array<i32>} : memref<104x128xi32, #tpu.memory_space<vmem>>, vector<16xi32>,
      %get3A_106 = arith.index_cast %scan3A_63 : i32 to index
      %get3A_107 = arith.constant 80 : index
      %get3A_108 = tpu.vector_load %arg5[%get3A_106, %get3A_107] {strides = array<i32>} : memref<104x128xi32, #tpu.memory_space<vmem>>, vector<16xi32>,
      %shift_right_arithmetic3A_109 = arith.constant 3 : i32
      %shift_right_arithmetic3A_110 = vector.broadcast %shift_right_arithmetic3A_109 : i32 to vector<16xi32>
      %shift_right_arithmetic3A_111 = arith.shrsi %get3A_108, %shift_right_arithmetic3A_110 : vector<16xi32>
      %swap3A_112 = arith.index_cast %scan3A_63 : i32 to index
      %swap3A_113 = arith.constant 80 : index
      %swap3A_114 = tpu.vector_load %arg6[%swap3A_112, %swap3A_113] {strides = array<i32>} : memref<104x128xi32, #tpu.memory_space<vmem>>, vector<16xi32>,
      tpu.vector_store %arg6[%swap3A_112, %swap3A_113], %shift_right_arithmetic3A_111 {strides = array<i32>} : memref<104x128xi32, #tpu.memory_space<vmem>>, vector<16xi32>,
      %get3A_115 = arith.index_cast %scan3A_63 : i32 to index
      %get3A_116 = arith.constant 96 : index
      %get3A_117 = tpu.vector_load %arg5[%get3A_115, %get3A_116] {strides = array<i32>} : memref<104x128xi32, #tpu.memory_space<vmem>>, vector<16xi32>,
      %shift_right_arithmetic3A_118 = arith.constant 3 : i32
      %shift_right_arithmetic3A_119 = vector.broadcast %shift_right_arithmetic3A_118 : i32 to vector<16xi32>
      %shift_right_arithmetic3A_120 = arith.shrsi %get3A_117, %shift_right_arithmetic3A_119 : vector<16xi32>
      %swap3A_121 = arith.index_cast %scan3A_63 : i32 to index
      %swap3A_122 = arith.constant 96 : index
      %swap3A_123 = tpu.vector_load %arg6[%swap3A_121, %swap3A_122] {strides = array<i32>} : memref<104x128xi32, #tpu.memory_space<vmem>>, vector<16xi32>,
      tpu.vector_store %arg6[%swap3A_121, %swap3A_122], %shift_right_arithmetic3A_120 {strides = array<i32>} : memref<104x128xi32, #tpu.memory_space<vmem>>, vector<16xi32>,
      %get3A_124 = arith.index_cast %scan3A_63 : i32 to index
      %get3A_125 = arith.constant 112 : index
      %get3A_126 = tpu.vector_load %arg5[%get3A_124, %get3A_125] {strides = array<i32>} : memref<104x128xi32, #tpu.memory_space<vmem>>, vector<16xi32>,
      %shift_right_arithmetic3A_127 = arith.constant 3 : i32
      %shift_right_arithmetic3A_128 = vector.broadcast %shift_right_arithmetic3A_127 : i32 to vector<16xi32>
      %shift_right_arithmetic3A_129 = arith.shrsi %get3A_126, %shift_right_arithmetic3A_128 : vector<16xi32>
      %swap3A_130 = arith.index_cast %scan3A_63 : i32 to index
      %swap3A_131 = arith.constant 112 : index
      %swap3A_132 = tpu.vector_load %arg6[%swap3A_130, %swap3A_131] {strides = array<i32>} : memref<104x128xi32, #tpu.memory_space<vmem>>, vector<16xi32>,
      tpu.vector_store %arg6[%swap3A_130, %swap3A_131], %shift_right_arithmetic3A_129 {strides = array<i32>} : memref<104x128xi32, #tpu.memory_space<vmem>>, vector<16xi32>,
    }
    %scan3A_12 = arith.constant 104 : i32
    %dma_start3A = arith.constant 0 : i32
    %dma_start3A_13 = arith.constant 0 : i32
    %dma_start3A_14 = arith.constant 0 : i32
    %dma_start3A_15 = arith.constant 0 : i32
    %dma_start3A_16 = arith.constant 0 : i32
    %dma_start3A_17 = tpu.memref_slice %arg7[%dma_start3A_13, %dma_start3A_15, %dma_start3A_16] : memref<4x128x128xf32, #tpu.memory_space<vmem>> -> memref<1x128x128xf32, #tpu.memory_space<vmem>>
    %dma_start3A_18 = tpu.memref_squeeze %dma_start3A_17 : memref<1x128x128xf32, #tpu.memory_space<vmem>> -> memref<128x128xf32, #tpu.memory_space<vmem>>
    %dma_start3A_19 = arith.constant 0 : i32
    %dma_start3A_20 = tpu.memref_slice %arg6[%dma_start3A, %dma_start3A_19] : memref<104x128xi32, #tpu.memory_space<vmem>> -> memref<1x128xi32, #tpu.memory_space<vmem>>
    %dma_start3A_21 = tpu.memref_squeeze %dma_start3A_20 : memref<1x128xi32, #tpu.memory_space<vmem>> -> memref<128xi32, #tpu.memory_space<vmem>>
    %dma_start3A_22 = arith.constant 0 : i32
    %dma_start3A_23 = arith.constant 0 : i32
    %dma_start3A_24 = tpu.memref_slice %arg2[%dma_start3A_22, %dma_start3A_23] : memref<325104x128xf32, #tpu.memory_space<hbm>> -> memref<325104x128xf32, #tpu.memory_space<hbm>>
    %dma_start3A_25 = tpu.memref_slice %arg9[%dma_start3A_14] : memref<4x!tpu.dma_semaphore, #tpu.memory_space<semaphore_mem>> -> memref<1x!tpu.dma_semaphore, #tpu.memory_space<semaphore_mem>>
    %dma_start3A_26 = tpu.memref_squeeze %dma_start3A_25 : memref<1x!tpu.dma_semaphore, #tpu.memory_space<semaphore_mem>> -> memref<!tpu.dma_semaphore, #tpu.memory_space<semaphore_mem>>
    tpu.enqueue_indirect_dma source(%dma_start3A_24 : memref<325104x128xf32, #tpu.memory_space<hbm>>) target(%dma_start3A_18 : memref<128x128xf32, #tpu.memory_space<vmem>>) offsets(%dma_start3A_21 : memref<128xi32, #tpu.memory_space<vmem>>) semaphore(%dma_start3A_26 : memref<!tpu.dma_semaphore, #tpu.memory_space<semaphore_mem>>)
    %dma_start3A_27 = arith.constant 1 : i32
    %dma_start3A_28 = arith.constant 1 : i32
    %dma_start3A_29 = arith.constant 1 : i32
    %dma_start3A_30 = arith.constant 0 : i32
    %dma_start3A_31 = arith.constant 0 : i32
    %dma_start3A_32 = tpu.memref_slice %arg7[%dma_start3A_28, %dma_start3A_30, %dma_start3A_31] : memref<4x128x128xf32, #tpu.memory_space<vmem>> -> memref<1x128x128xf32, #tpu.memory_space<vmem>>
    %dma_start3A_33 = tpu.memref_squeeze %dma_start3A_32 : memref<1x128x128xf32, #tpu.memory_space<vmem>> -> memref<128x128xf32, #tpu.memory_space<vmem>>
    %dma_start3A_34 = arith.constant 0 : i32
    %dma_start3A_35 = tpu.memref_slice %arg6[%dma_start3A_27, %dma_start3A_34] : memref<104x128xi32, #tpu.memory_space<vmem>> -> memref<1x128xi32, #tpu.memory_space<vmem>>
    %dma_start3A_36 = tpu.memref_squeeze %dma_start3A_35 : memref<1x128xi32, #tpu.memory_space<vmem>> -> memref<128xi32, #tpu.memory_space<vmem>>
    %dma_start3A_37 = arith.constant 0 : i32
    %dma_start3A_38 = arith.constant 0 : i32
    %dma_start3A_39 = tpu.memref_slice %arg2[%dma_start3A_37, %dma_start3A_38] : memref<325104x128xf32, #tpu.memory_space<hbm>> -> memref<325104x128xf32, #tpu.memory_space<hbm>>
    %dma_start3A_40 = tpu.memref_slice %arg9[%dma_start3A_29] : memref<4x!tpu.dma_semaphore, #tpu.memory_space<semaphore_mem>> -> memref<1x!tpu.dma_semaphore, #tpu.memory_space<semaphore_mem>>
    %dma_start3A_41 = tpu.memref_squeeze %dma_start3A_40 : memref<1x!tpu.dma_semaphore, #tpu.memory_space<semaphore_mem>> -> memref<!tpu.dma_semaphore, #tpu.memory_space<semaphore_mem>>
    tpu.enqueue_indirect_dma source(%dma_start3A_39 : memref<325104x128xf32, #tpu.memory_space<hbm>>) target(%dma_start3A_33 : memref<128x128xf32, #tpu.memory_space<vmem>>) offsets(%dma_start3A_36 : memref<128xi32, #tpu.memory_space<vmem>>) semaphore(%dma_start3A_41 : memref<!tpu.dma_semaphore, #tpu.memory_space<semaphore_mem>>)
    %dma_start3A_42 = arith.constant 2 : i32
    %dma_start3A_43 = arith.constant 2 : i32
    %dma_start3A_44 = arith.constant 2 : i32
    %dma_start3A_45 = arith.constant 0 : i32
    %dma_start3A_46 = arith.constant 0 : i32
    %dma_start3A_47 = tpu.memref_slice %arg7[%dma_start3A_43, %dma_start3A_45, %dma_start3A_46] : memref<4x128x128xf32, #tpu.memory_space<vmem>> -> memref<1x128x128xf32, #tpu.memory_space<vmem>>
    %dma_start3A_48 = tpu.memref_squeeze %dma_start3A_47 : memref<1x128x128xf32, #tpu.memory_space<vmem>> -> memref<128x128xf32, #tpu.memory_space<vmem>>
    %dma_start3A_49 = arith.constant 0 : i32
    %dma_start3A_50 = tpu.memref_slice %arg6[%dma_start3A_42, %dma_start3A_49] : memref<104x128xi32, #tpu.memory_space<vmem>> -> memref<1x128xi32, #tpu.memory_space<vmem>>
    %dma_start3A_51 = tpu.memref_squeeze %dma_start3A_50 : memref<1x128xi32, #tpu.memory_space<vmem>> -> memref<128xi32, #tpu.memory_space<vmem>>
    %dma_start3A_52 = arith.constant 0 : i32
    %dma_start3A_53 = arith.constant 0 : i32
    %dma_start3A_54 = tpu.memref_slice %arg2[%dma_start3A_52, %dma_start3A_53] : memref<325104x128xf32, #tpu.memory_space<hbm>> -> memref<325104x128xf32, #tpu.memory_space<hbm>>
    %dma_start3A_55 = tpu.memref_slice %arg9[%dma_start3A_44] : memref<4x!tpu.dma_semaphore, #tpu.memory_space<semaphore_mem>> -> memref<1x!tpu.dma_semaphore, #tpu.memory_space<semaphore_mem>>
    %dma_start3A_56 = tpu.memref_squeeze %dma_start3A_55 : memref<1x!tpu.dma_semaphore, #tpu.memory_space<semaphore_mem>> -> memref<!tpu.dma_semaphore, #tpu.memory_space<semaphore_mem>>
    tpu.enqueue_indirect_dma source(%dma_start3A_54 : memref<325104x128xf32, #tpu.memory_space<hbm>>) target(%dma_start3A_48 : memref<128x128xf32, #tpu.memory_space<vmem>>) offsets(%dma_start3A_51 : memref<128xi32, #tpu.memory_space<vmem>>) semaphore(%dma_start3A_56 : memref<!tpu.dma_semaphore, #tpu.memory_space<semaphore_mem>>)
    %scan3A_57 = arith.constant 0 : i32
    %scan3A_58 = arith.constant 0 : i32
    %scan3A_59 = arith.constant 104 : i32
    %scan3A_60 = arith.addi %scan3A_58, %scan3A_59 : i32
    %scan3A_61 = arith.constant 1 : i32
    scf.for %scan3A_63 = %scan3A_58 to %scan3A_60 step %scan3A_61  : i32 {
      %rem3A = arith.constant 4 : i32
      %rem3A_64 = arith.remsi %scan3A_63, %rem3A : i32
      %add3A_65 = arith.constant 3 : i32
      %add3A_66 = arith.addi %scan3A_63, %add3A_65 : i32
      %lt3A = arith.constant 104 : i32
      %lt3A_67 = arith.cmpi slt, %add3A_66, %lt3A : i32
      %convert_element_type3A = arith.extui %lt3A_67 : i1 to i32
      %cond3A = arith.constant 0 : i32
      %cond3A_68 = arith.cmpi ne, %convert_element_type3A, %cond3A : i32
      scf.if %cond3A_68 {
        %add3A_1403 = arith.constant 3 : i32
        %add3A_1404 = arith.addi %scan3A_63, %add3A_1403 : i32
        %add3A_1405 = arith.constant 3 : i32
        %add3A_1406 = arith.addi %scan3A_63, %add3A_1405 : i32
        %rem3A_1407 = arith.constant 4 : i32
        %rem3A_1408 = arith.remsi %add3A_1406, %rem3A_1407 : i32
        %dma_start3A_1409 = arith.constant 0 : i32
        %dma_start3A_1410 = arith.constant 0 : i32
        %dma_start3A_1411 = tpu.memref_slice %arg7[%rem3A_1408, %dma_start3A_1409, %dma_start3A_1410] : memref<4x128x128xf32, #tpu.memory_space<vmem>> -> memref<1x128x128xf32, #tpu.memory_space<vmem>>
        %dma_start3A_1412 = tpu.memref_squeeze %dma_start3A_1411 : memref<1x128x128xf32, #tpu.memory_space<vmem>> -> memref<128x128xf32, #tpu.memory_space<vmem>>
        %dma_start3A_1413 = arith.constant 0 : i32
        %dma_start3A_1414 = tpu.memref_slice %arg6[%add3A_1404, %dma_start3A_1413] : memref<104x128xi32, #tpu.memory_space<vmem>> -> memref<1x128xi32, #tpu.memory_space<vmem>>
        %dma_start3A_1415 = tpu.memref_squeeze %dma_start3A_1414 : memref<1x128xi32, #tpu.memory_space<vmem>> -> memref<128xi32, #tpu.memory_space<vmem>>
        %dma_start3A_1416 = arith.constant 0 : i32
        %dma_start3A_1417 = arith.constant 0 : i32
        %dma_start3A_1418 = tpu.memref_slice %arg2[%dma_start3A_1416, %dma_start3A_1417] : memref<325104x128xf32, #tpu.memory_space<hbm>> -> memref<325104x128xf32, #tpu.memory_space<hbm>>
        %dma_start3A_1419 = tpu.memref_slice %arg9[%rem3A_1408] : memref<4x!tpu.dma_semaphore, #tpu.memory_space<semaphore_mem>> -> memref<1x!tpu.dma_semaphore, #tpu.memory_space<semaphore_mem>>
        %dma_start3A_1420 = tpu.memref_squeeze %dma_start3A_1419 : memref<1x!tpu.dma_semaphore, #tpu.memory_space<semaphore_mem>> -> memref<!tpu.dma_semaphore, #tpu.memory_space<semaphore_mem>>
        tpu.enqueue_indirect_dma source(%dma_start3A_1418 : memref<325104x128xf32, #tpu.memory_space<hbm>>) target(%dma_start3A_1412 : memref<128x128xf32, #tpu.memory_space<vmem>>) offsets(%dma_start3A_1415 : memref<128xi32, #tpu.memory_space<vmem>>) semaphore(%dma_start3A_1420 : memref<!tpu.dma_semaphore, #tpu.memory_space<semaphore_mem>>)
      } else {
      }
      %dma_wait3A = arith.constant 0 : i32
      %dma_wait3A_69 = arith.constant 0 : i32
      %dma_wait3A_70 = tpu.memref_slice %arg7[%rem3A_64, %dma_wait3A, %dma_wait3A_69] : memref<4x128x128xf32, #tpu.memory_space<vmem>> -> memref<1x128x128xf32, #tpu.memory_space<vmem>>
      %dma_wait3A_71 = tpu.memref_squeeze %dma_wait3A_70 : memref<1x128x128xf32, #tpu.memory_space<vmem>> -> memref<128x128xf32, #tpu.memory_space<vmem>>
      %dma_wait3A_72 = arith.constant 0 : i32
      %dma_wait3A_73 = tpu.memref_slice %arg6[%scan3A_63, %dma_wait3A_72] : memref<104x128xi32, #tpu.memory_space<vmem>> -> memref<1x128xi32, #tpu.memory_space<vmem>>
      %dma_wait3A_74 = tpu.memref_squeeze %dma_wait3A_73 : memref<1x128xi32, #tpu.memory_space<vmem>> -> memref<128xi32, #tpu.memory_space<vmem>>
      %dma_wait3A_75 = arith.constant 0 : i32
      %dma_wait3A_76 = arith.constant 0 : i32
      %dma_wait3A_77 = tpu.memref_slice %arg2[%dma_wait3A_75, %dma_wait3A_76] : memref<325104x128xf32, #tpu.memory_space<hbm>> -> memref<325104x128xf32, #tpu.memory_space<hbm>>
      %dma_wait3A_78 = tpu.memref_slice %arg9[%rem3A_64] : memref<4x!tpu.dma_semaphore, #tpu.memory_space<semaphore_mem>> -> memref<1x!tpu.dma_semaphore, #tpu.memory_space<semaphore_mem>>
      %dma_wait3A_79 = tpu.memref_squeeze %dma_wait3A_78 : memref<1x!tpu.dma_semaphore, #tpu.memory_space<semaphore_mem>> -> memref<!tpu.dma_semaphore, #tpu.memory_space<semaphore_mem>>
      tpu.wait_indirect_dma semaphore(%dma_wait3A_79 : memref<!tpu.dma_semaphore, #tpu.memory_space<semaphore_mem>>) src(%dma_wait3A_77 : memref<325104x128xf32, #tpu.memory_space<hbm>>) dst(%dma_wait3A_71 : memref<128x128xf32, #tpu.memory_space<vmem>>)
      %rem3A_80 = arith.constant 13 : i32
      %rem3A_81 = arith.remsi %scan3A_63, %rem3A_80 : i32
      %mul3A_82 = arith.constant 128 : i32
      %mul3A_83 = arith.muli %rem3A_81, %mul3A_82 : i32
      %broadcast_in_dim3A_84 = arith.constant 0 : i32
      %broadcast_in_dim3A_85 = vector.broadcast %broadcast_in_dim3A_84 : i32 to vector<16xi32>
      %broadcast_in_dim3A_86 = vector.broadcast %rem3A_64 : i32 to vector<16xi32>
      %add3A_87 = arith.constant 0 : i32
      %add3A_88 = arith.addi %mul3A_83, %add3A_87 : i32
      %add3A_89 = vector.broadcast %add3A_88 : i32 to vector<16xi32>
      %add3A_90 = arith.addi %add3A_89, %iota3A : vector<16xi32>
      %get3A = arith.index_cast %scan3A_63 : i32 to index
      %get3A_91 = arith.constant 0 : index
      %get3A_92 = tpu.vector_load %arg5[%get3A, %get3A_91] {strides = array<i32>} : memref<104x128xi32, #tpu.memory_space<vmem>>, vector<16xi32>,
      %and3A = arith.constant 7 : i32
      %and3A_93 = vector.broadcast %and3A : i32 to vector<16xi32>
      %and3A_94 = arith.andi %get3A_92, %and3A_93 : vector<16xi32>
      %shift_left3A = arith.constant 4 : i32
      %shift_left3A_95 = vector.broadcast %shift_left3A : i32 to vector<16xi32>
      %shift_left3A_96 = arith.shli %and3A_94, %shift_left3A_95 : vector<16xi32>
      %jit3A = arith.constant 26 : i32
      %div3A = vector.broadcast %jit3A : i32 to vector<16xi32>
      %div3A_97 = arith.divsi %add3A_90, %div3A : vector<16xi32>
      %sign3A = arith.constant 0 : i32
      %sign3A_98 = vector.broadcast %sign3A : i32 to vector<16xi32>
      %sign3A_99 = arith.cmpi sgt, %add3A_90, %sign3A_98 : vector<16xi32>
      %sign3A_100 = arith.extui %sign3A_99 : vector<16xi1> to vector<16xi32>
      %sign3A_101 = arith.constant 0 : i32
      %sign3A_102 = vector.broadcast %sign3A_101 : i32 to vector<16xi32>
      %sign3A_103 = arith.cmpi slt, %add3A_90, %sign3A_102 : vector<16xi32>
      %sign3A_104 = arith.extui %sign3A_103 : vector<16xi1> to vector<16xi32>
      %sign3A_105 = arith.subi %sign3A_100, %sign3A_104 : vector<16xi32>
      %sign3A_106 = arith.constant 0 : i32
      %sign3A_107 = arith.cmpi sgt, %jit3A, %sign3A_106 : i32
      %sign3A_108 = arith.extui %sign3A_107 : i1 to i32
      %sign3A_109 = arith.constant 0 : i32
      %sign3A_110 = arith.cmpi slt, %jit3A, %sign3A_109 : i32
      %sign3A_111 = arith.extui %sign3A_110 : i1 to i32
      %sign3A_112 = arith.subi %sign3A_108, %sign3A_111 : i32
      %ne3A = vector.broadcast %sign3A_112 : i32 to vector<16xi32>
      %ne3A_113 = arith.cmpi ne, %sign3A_105, %ne3A : vector<16xi32>
      %rem3A_114 = vector.broadcast %jit3A : i32 to vector<16xi32>
      %rem3A_115 = arith.remsi %add3A_90, %rem3A_114 : vector<16xi32>
      %ne3A_116 = arith.constant 0 : i32
      %ne3A_117 = vector.broadcast %ne3A_116 : i32 to vector<16xi32>
      %ne3A_118 = arith.cmpi ne, %rem3A_115, %ne3A_117 : vector<16xi32>
      %and3A_119 = arith.andi %ne3A_113, %ne3A_118 : vector<16xi1>
      %sub3A = arith.constant 1 : i32
      %sub3A_120 = vector.broadcast %sub3A : i32 to vector<16xi32>
      %sub3A_121 = arith.subi %div3A_97, %sub3A_120 : vector<16xi32>
      %select_n3A = arith.select %and3A_119, %sub3A_121, %div3A_97 : vector<16xi1>, vector<16xi32>
      %rem3A_122 = arith.constant 26 : i32
      %rem3A_123 = vector.broadcast %rem3A_122 : i32 to vector<16xi32>
      %rem3A_124 = arith.remsi %add3A_90, %rem3A_123 : vector<16xi32>
      %shift_left3A_125 = arith.constant 4 : i32
      %shift_left3A_126 = vector.broadcast %shift_left3A_125 : i32 to vector<16xi32>
      %shift_left3A_127 = arith.shli %rem3A_124, %shift_left3A_126 : vector<16xi32>
      %broadcast_in_dim3A_128 = arith.constant 0 : i32
      %broadcast_in_dim3A_129 = vector.broadcast %broadcast_in_dim3A_128 : i32 to vector<16xi32>
      %add3A_130 = arith.addi %broadcast_in_dim3A_129, %iota3A : vector<16xi32>
      %add3A_131 = arith.constant 0 : i32
      %add3A_132 = vector.broadcast %add3A_131 : i32 to vector<16xi32>
      %add3A_133 = arith.addi %shift_left3A_96, %add3A_132 : vector<16xi32>
      %gather3A = tpu.vector_load_idx %arg7[%broadcast_in_dim3A_86, %add3A_130, %add3A_133] : memref<4x128x128xf32, #tpu.memory_space<vmem>>[vector<16xi32>, vector<16xi32>, vector<16xi32>], vector<16xf32>,
      %add3A_134 = arith.constant 1 : i32
      %add3A_135 = vector.broadcast %add3A_134 : i32 to vector<16xi32>
      %add3A_136 = arith.addi %shift_left3A_96, %add3A_135 : vector<16xi32>
      %gather3A_137 = tpu.vector_load_idx %arg7[%broadcast_in_dim3A_86, %add3A_130, %add3A_136] : memref<4x128x128xf32, #tpu.memory_space<vmem>>[vector<16xi32>, vector<16xi32>, vector<16xi32>], vector<16xf32>,
      %add3A_138 = arith.constant 2 : i32
      %add3A_139 = vector.broadcast %add3A_138 : i32 to vector<16xi32>
      %add3A_140 = arith.addi %shift_left3A_96, %add3A_139 : vector<16xi32>
      %gather3A_141 = tpu.vector_load_idx %arg7[%broadcast_in_dim3A_86, %add3A_130, %add3A_140] : memref<4x128x128xf32, #tpu.memory_space<vmem>>[vector<16xi32>, vector<16xi32>, vector<16xi32>], vector<16xf32>,
      %add3A_142 = arith.constant 3 : i32
      %add3A_143 = vector.broadcast %add3A_142 : i32 to vector<16xi32>
      %add3A_144 = arith.addi %shift_left3A_96, %add3A_143 : vector<16xi32>
      %gather3A_145 = tpu.vector_load_idx %arg7[%broadcast_in_dim3A_86, %add3A_130, %add3A_144] : memref<4x128x128xf32, #tpu.memory_space<vmem>>[vector<16xi32>, vector<16xi32>, vector<16xi32>], vector<16xf32>,
      %add3A_146 = arith.constant 4 : i32
      %add3A_147 = vector.broadcast %add3A_146 : i32 to vector<16xi32>
      %add3A_148 = arith.addi %shift_left3A_96, %add3A_147 : vector<16xi32>
      %gather3A_149 = tpu.vector_load_idx %arg7[%broadcast_in_dim3A_86, %add3A_130, %add3A_148] : memref<4x128x128xf32, #tpu.memory_space<vmem>>[vector<16xi32>, vector<16xi32>, vector<16xi32>], vector<16xf32>,
      %add3A_150 = arith.constant 5 : i32
      %add3A_151 = vector.broadcast %add3A_150 : i32 to vector<16xi32>
      %add3A_152 = arith.addi %shift_left3A_96, %add3A_151 : vector<16xi32>
      %gather3A_153 = tpu.vector_load_idx %arg7[%broadcast_in_dim3A_86, %add3A_130, %add3A_152] : memref<4x128x128xf32, #tpu.memory_space<vmem>>[vector<16xi32>, vector<16xi32>, vector<16xi32>], vector<16xf32>,
      %add3A_154 = arith.constant 6 : i32
      %add3A_155 = vector.broadcast %add3A_154 : i32 to vector<16xi32>
      %add3A_156 = arith.addi %shift_left3A_96, %add3A_155 : vector<16xi32>
      %gather3A_157 = tpu.vector_load_idx %arg7[%broadcast_in_dim3A_86, %add3A_130, %add3A_156] : memref<4x128x128xf32, #tpu.memory_space<vmem>>[vector<16xi32>, vector<16xi32>, vector<16xi32>], vector<16xf32>,
      %add3A_158 = arith.constant 7 : i32
      %add3A_159 = vector.broadcast %add3A_158 : i32 to vector<16xi32>
      %add3A_160 = arith.addi %shift_left3A_96, %add3A_159 : vector<16xi32>
      %gather3A_161 = tpu.vector_load_idx %arg7[%broadcast_in_dim3A_86, %add3A_130, %add3A_160] : memref<4x128x128xf32, #tpu.memory_space<vmem>>[vector<16xi32>, vector<16xi32>, vector<16xi32>], vector<16xf32>,
      %add3A_162 = arith.constant 8 : i32
      %add3A_163 = vector.broadcast %add3A_162 : i32 to vector<16xi32>
      %add3A_164 = arith.addi %shift_left3A_96, %add3A_163 : vector<16xi32>
      %gather3A_165 = tpu.vector_load_idx %arg7[%broadcast_in_dim3A_86, %add3A_130, %add3A_164] : memref<4x128x128xf32, #tpu.memory_space<vmem>>[vector<16xi32>, vector<16xi32>, vector<16xi32>], vector<16xf32>,
      %add3A_166 = arith.constant 9 : i32
      %add3A_167 = vector.broadcast %add3A_166 : i32 to vector<16xi32>
      %add3A_168 = arith.addi %shift_left3A_96, %add3A_167 : vector<16xi32>
      %gather3A_169 = tpu.vector_load_idx %arg7[%broadcast_in_dim3A_86, %add3A_130, %add3A_168] : memref<4x128x128xf32, #tpu.memory_space<vmem>>[vector<16xi32>, vector<16xi32>, vector<16xi32>], vector<16xf32>,
      %add3A_170 = arith.constant 10 : i32
      %add3A_171 = vector.broadcast %add3A_170 : i32 to vector<16xi32>
      %add3A_172 = arith.addi %shift_left3A_96, %add3A_171 : vector<16xi32>
      %gather3A_173 = tpu.vector_load_idx %arg7[%broadcast_in_dim3A_86, %add3A_130, %add3A_172] : memref<4x128x128xf32, #tpu.memory_space<vmem>>[vector<16xi32>, vector<16xi32>, vector<16xi32>], vector<16xf32>,
      %add3A_174 = arith.constant 11 : i32
      %add3A_175 = vector.broadcast %add3A_174 : i32 to vector<16xi32>
      %add3A_176 = arith.addi %shift_left3A_96, %add3A_175 : vector<16xi32>
      %gather3A_177 = tpu.vector_load_idx %arg7[%broadcast_in_dim3A_86, %add3A_130, %add3A_176] : memref<4x128x128xf32, #tpu.memory_space<vmem>>[vector<16xi32>, vector<16xi32>, vector<16xi32>], vector<16xf32>,
      %add3A_178 = arith.constant 12 : i32
      %add3A_179 = vector.broadcast %add3A_178 : i32 to vector<16xi32>
      %add3A_180 = arith.addi %shift_left3A_96, %add3A_179 : vector<16xi32>
      %gather3A_181 = tpu.vector_load_idx %arg7[%broadcast_in_dim3A_86, %add3A_130, %add3A_180] : memref<4x128x128xf32, #tpu.memory_space<vmem>>[vector<16xi32>, vector<16xi32>, vector<16xi32>], vector<16xf32>,
      %add3A_182 = arith.constant 13 : i32
      %add3A_183 = vector.broadcast %add3A_182 : i32 to vector<16xi32>
      %add3A_184 = arith.addi %shift_left3A_96, %add3A_183 : vector<16xi32>
      %gather3A_185 = tpu.vector_load_idx %arg7[%broadcast_in_dim3A_86, %add3A_130, %add3A_184] : memref<4x128x128xf32, #tpu.memory_space<vmem>>[vector<16xi32>, vector<16xi32>, vector<16xi32>], vector<16xf32>,
      %add3A_186 = arith.constant 14 : i32
      %add3A_187 = vector.broadcast %add3A_186 : i32 to vector<16xi32>
      %add3A_188 = arith.addi %shift_left3A_96, %add3A_187 : vector<16xi32>
      %gather3A_189 = tpu.vector_load_idx %arg7[%broadcast_in_dim3A_86, %add3A_130, %add3A_188] : memref<4x128x128xf32, #tpu.memory_space<vmem>>[vector<16xi32>, vector<16xi32>, vector<16xi32>], vector<16xf32>,
      %add3A_190 = arith.constant 15 : i32
      %add3A_191 = vector.broadcast %add3A_190 : i32 to vector<16xi32>
      %add3A_192 = arith.addi %shift_left3A_96, %add3A_191 : vector<16xi32>
      %gather3A_193 = tpu.vector_load_idx %arg7[%broadcast_in_dim3A_86, %add3A_130, %add3A_192] : memref<4x128x128xf32, #tpu.memory_space<vmem>>[vector<16xi32>, vector<16xi32>, vector<16xi32>], vector<16xf32>,
      %add3A_194 = arith.constant 0 : i32
      %add3A_195 = vector.broadcast %add3A_194 : i32 to vector<16xi32>
      %add3A_196 = arith.addi %shift_left3A_127, %add3A_195 : vector<16xi32>
      tpu.vector_store_idx %arg8[%select_n3A, %add3A_196], %gather3A : memref<64x512xf32, #tpu.memory_space<vmem>>[vector<16xi32>, vector<16xi32>], vector<16xf32>,
      %add3A_197 = arith.constant 1 : i32
      %add3A_198 = vector.broadcast %add3A_197 : i32 to vector<16xi32>
      %add3A_199 = arith.addi %shift_left3A_127, %add3A_198 : vector<16xi32>
      tpu.vector_store_idx %arg8[%select_n3A, %add3A_199], %gather3A_137 : memref<64x512xf32, #tpu.memory_space<vmem>>[vector<16xi32>, vector<16xi32>], vector<16xf32>,
      %add3A_200 = arith.constant 2 : i32
      %add3A_201 = vector.broadcast %add3A_200 : i32 to vector<16xi32>
      %add3A_202 = arith.addi %shift_left3A_127, %add3A_201 : vector<16xi32>
      tpu.vector_store_idx %arg8[%select_n3A, %add3A_202], %gather3A_141 : memref<64x512xf32, #tpu.memory_space<vmem>>[vector<16xi32>, vector<16xi32>], vector<16xf32>,
      %add3A_203 = arith.constant 3 : i32
      %add3A_204 = vector.broadcast %add3A_203 : i32 to vector<16xi32>
      %add3A_205 = arith.addi %shift_left3A_127, %add3A_204 : vector<16xi32>
      tpu.vector_store_idx %arg8[%select_n3A, %add3A_205], %gather3A_145 : memref<64x512xf32, #tpu.memory_space<vmem>>[vector<16xi32>, vector<16xi32>], vector<16xf32>,
      %add3A_206 = arith.constant 4 : i32
      %add3A_207 = vector.broadcast %add3A_206 : i32 to vector<16xi32>
      %add3A_208 = arith.addi %shift_left3A_127, %add3A_207 : vector<16xi32>
      tpu.vector_store_idx %arg8[%select_n3A, %add3A_208], %gather3A_149 : memref<64x512xf32, #tpu.memory_space<vmem>>[vector<16xi32>, vector<16xi32>], vector<16xf32>,
      %add3A_209 = arith.constant 5 : i32
      %add3A_210 = vector.broadcast %add3A_209 : i32 to vector<16xi32>
      %add3A_211 = arith.addi %shift_left3A_127, %add3A_210 : vector<16xi32>
      tpu.vector_store_idx %arg8[%select_n3A, %add3A_211], %gather3A_153 : memref<64x512xf32, #tpu.memory_space<vmem>>[vector<16xi32>, vector<16xi32>], vector<16xf32>,
      %add3A_212 = arith.constant 6 : i32
      %add3A_213 = vector.broadcast %add3A_212 : i32 to vector<16xi32>
      %add3A_214 = arith.addi %shift_left3A_127, %add3A_213 : vector<16xi32>
      tpu.vector_store_idx %arg8[%select_n3A, %add3A_214], %gather3A_157 : memref<64x512xf32, #tpu.memory_space<vmem>>[vector<16xi32>, vector<16xi32>], vector<16xf32>,
      %add3A_215 = arith.constant 7 : i32
      %add3A_216 = vector.broadcast %add3A_215 : i32 to vector<16xi32>
      %add3A_217 = arith.addi %shift_left3A_127, %add3A_216 : vector<16xi32>
      tpu.vector_store_idx %arg8[%select_n3A, %add3A_217], %gather3A_161 : memref<64x512xf32, #tpu.memory_space<vmem>>[vector<16xi32>, vector<16xi32>], vector<16xf32>,
      %add3A_218 = arith.constant 8 : i32
      %add3A_219 = vector.broadcast %add3A_218 : i32 to vector<16xi32>
      %add3A_220 = arith.addi %shift_left3A_127, %add3A_219 : vector<16xi32>
      tpu.vector_store_idx %arg8[%select_n3A, %add3A_220], %gather3A_165 : memref<64x512xf32, #tpu.memory_space<vmem>>[vector<16xi32>, vector<16xi32>], vector<16xf32>,
      %add3A_221 = arith.constant 9 : i32
      %add3A_222 = vector.broadcast %add3A_221 : i32 to vector<16xi32>
      %add3A_223 = arith.addi %shift_left3A_127, %add3A_222 : vector<16xi32>
      tpu.vector_store_idx %arg8[%select_n3A, %add3A_223], %gather3A_169 : memref<64x512xf32, #tpu.memory_space<vmem>>[vector<16xi32>, vector<16xi32>], vector<16xf32>,
      %add3A_224 = arith.constant 10 : i32
      %add3A_225 = vector.broadcast %add3A_224 : i32 to vector<16xi32>
      %add3A_226 = arith.addi %shift_left3A_127, %add3A_225 : vector<16xi32>
      tpu.vector_store_idx %arg8[%select_n3A, %add3A_226], %gather3A_173 : memref<64x512xf32, #tpu.memory_space<vmem>>[vector<16xi32>, vector<16xi32>], vector<16xf32>,
      %add3A_227 = arith.constant 11 : i32
      %add3A_228 = vector.broadcast %add3A_227 : i32 to vector<16xi32>
      %add3A_229 = arith.addi %shift_left3A_127, %add3A_228 : vector<16xi32>
      tpu.vector_store_idx %arg8[%select_n3A, %add3A_229], %gather3A_177 : memref<64x512xf32, #tpu.memory_space<vmem>>[vector<16xi32>, vector<16xi32>], vector<16xf32>,
      %add3A_230 = arith.constant 12 : i32
      %add3A_231 = vector.broadcast %add3A_230 : i32 to vector<16xi32>
      %add3A_232 = arith.addi %shift_left3A_127, %add3A_231 : vector<16xi32>
      tpu.vector_store_idx %arg8[%select_n3A, %add3A_232], %gather3A_181 : memref<64x512xf32, #tpu.memory_space<vmem>>[vector<16xi32>, vector<16xi32>], vector<16xf32>,
      %add3A_233 = arith.constant 13 : i32
      %add3A_234 = vector.broadcast %add3A_233 : i32 to vector<16xi32>
      %add3A_235 = arith.addi %shift_left3A_127, %add3A_234 : vector<16xi32>
      tpu.vector_store_idx %arg8[%select_n3A, %add3A_235], %gather3A_185 : memref<64x512xf32, #tpu.memory_space<vmem>>[vector<16xi32>, vector<16xi32>], vector<16xf32>,
      %add3A_236 = arith.constant 14 : i32
      %add3A_237 = vector.broadcast %add3A_236 : i32 to vector<16xi32>
      %add3A_238 = arith.addi %shift_left3A_127, %add3A_237 : vector<16xi32>
      tpu.vector_store_idx %arg8[%select_n3A, %add3A_238], %gather3A_189 : memref<64x512xf32, #tpu.memory_space<vmem>>[vector<16xi32>, vector<16xi32>], vector<16xf32>,
      %add3A_239 = arith.constant 15 : i32
      %add3A_240 = vector.broadcast %add3A_239 : i32 to vector<16xi32>
      %add3A_241 = arith.addi %shift_left3A_127, %add3A_240 : vector<16xi32>
      tpu.vector_store_idx %arg8[%select_n3A, %add3A_241], %gather3A_193 : memref<64x512xf32, #tpu.memory_space<vmem>>[vector<16xi32>, vector<16xi32>], vector<16xf32>,
      %add3A_242 = arith.constant 16 : i32
      %add3A_243 = arith.addi %mul3A_83, %add3A_242 : i32
      %add3A_244 = vector.broadcast %add3A_243 : i32 to vector<16xi32>
      %add3A_245 = arith.addi %add3A_244, %iota3A : vector<16xi32>
      %get3A_246 = arith.index_cast %scan3A_63 : i32 to index
      %get3A_247 = arith.constant 16 : index
      %get3A_248 = tpu.vector_load %arg5[%get3A_246, %get3A_247] {strides = array<i32>} : memref<104x128xi32, #tpu.memory_space<vmem>>, vector<16xi32>,
      %and3A_249 = arith.constant 7 : i32
      %and3A_250 = vector.broadcast %and3A_249 : i32 to vector<16xi32>
      %and3A_251 = arith.andi %get3A_248, %and3A_250 : vector<16xi32>
      %shift_left3A_252 = arith.constant 4 : i32
      %shift_left3A_253 = vector.broadcast %shift_left3A_252 : i32 to vector<16xi32>
      %shift_left3A_254 = arith.shli %and3A_251, %shift_left3A_253 : vector<16xi32>
      %jit3A_255 = arith.constant 26 : i32
      %div3A_256 = vector.broadcast %jit3A_255 : i32 to vector<16xi32>
      %div3A_257 = arith.divsi %add3A_245, %div3A_256 : vector<16xi32>
      %sign3A_258 = arith.constant 0 : i32
      %sign3A_259 = vector.broadcast %sign3A_258 : i32 to vector<16xi32>
      %sign3A_260 = arith.cmpi sgt, %add3A_245, %sign3A_259 : vector<16xi32>
      %sign3A_261 = arith.extui %sign3A_260 : vector<16xi1> to vector<16xi32>
      %sign3A_262 = arith.constant 0 : i32
      %sign3A_263 = vector.broadcast %sign3A_262 : i32 to vector<16xi32>
      %sign3A_264 = arith.cmpi slt, %add3A_245, %sign3A_263 : vector<16xi32>
      %sign3A_265 = arith.extui %sign3A_264 : vector<16xi1> to vector<16xi32>
      %sign3A_266 = arith.subi %sign3A_261, %sign3A_265 : vector<16xi32>
      %sign3A_267 = arith.constant 0 : i32
      %sign3A_268 = arith.cmpi sgt, %jit3A_255, %sign3A_267 : i32
      %sign3A_269 = arith.extui %sign3A_268 : i1 to i32
      %sign3A_270 = arith.constant 0 : i32
      %sign3A_271 = arith.cmpi slt, %jit3A_255, %sign3A_270 : i32
      %sign3A_272 = arith.extui %sign3A_271 : i1 to i32
      %sign3A_273 = arith.subi %sign3A_269, %sign3A_272 : i32
      %ne3A_274 = vector.broadcast %sign3A_273 : i32 to vector<16xi32>
      %ne3A_275 = arith.cmpi ne, %sign3A_266, %ne3A_274 : vector<16xi32>
      %rem3A_276 = vector.broadcast %jit3A_255 : i32 to vector<16xi32>
      %rem3A_277 = arith.remsi %add3A_245, %rem3A_276 : vector<16xi32>
      %ne3A_278 = arith.constant 0 : i32
      %ne3A_279 = vector.broadcast %ne3A_278 : i32 to vector<16xi32>
      %ne3A_280 = arith.cmpi ne, %rem3A_277, %ne3A_279 : vector<16xi32>
      %and3A_281 = arith.andi %ne3A_275, %ne3A_280 : vector<16xi1>
      %sub3A_282 = arith.constant 1 : i32
      %sub3A_283 = vector.broadcast %sub3A_282 : i32 to vector<16xi32>
      %sub3A_284 = arith.subi %div3A_257, %sub3A_283 : vector<16xi32>
      %select_n3A_285 = arith.select %and3A_281, %sub3A_284, %div3A_257 : vector<16xi1>, vector<16xi32>
      %rem3A_286 = arith.constant 26 : i32
      %rem3A_287 = vector.broadcast %rem3A_286 : i32 to vector<16xi32>
      %rem3A_288 = arith.remsi %add3A_245, %rem3A_287 : vector<16xi32>
      %shift_left3A_289 = arith.constant 4 : i32
      %shift_left3A_290 = vector.broadcast %shift_left3A_289 : i32 to vector<16xi32>
      %shift_left3A_291 = arith.shli %rem3A_288, %shift_left3A_290 : vector<16xi32>
      %broadcast_in_dim3A_292 = arith.constant 16 : i32
      %broadcast_in_dim3A_293 = vector.broadcast %broadcast_in_dim3A_292 : i32 to vector<16xi32>
      %add3A_294 = arith.addi %broadcast_in_dim3A_293, %iota3A : vector<16xi32>
      %add3A_295 = arith.constant 0 : i32
      %add3A_296 = vector.broadcast %add3A_295 : i32 to vector<16xi32>
      %add3A_297 = arith.addi %shift_left3A_254, %add3A_296 : vector<16xi32>
      %gather3A_298 = tpu.vector_load_idx %arg7[%broadcast_in_dim3A_86, %add3A_294, %add3A_297] : memref<4x128x128xf32, #tpu.memory_space<vmem>>[vector<16xi32>, vector<16xi32>, vector<16xi32>], vector<16xf32>,
      %add3A_299 = arith.constant 1 : i32
      %add3A_300 = vector.broadcast %add3A_299 : i32 to vector<16xi32>
      %add3A_301 = arith.addi %shift_left3A_254, %add3A_300 : vector<16xi32>
      %gather3A_302 = tpu.vector_load_idx %arg7[%broadcast_in_dim3A_86, %add3A_294, %add3A_301] : memref<4x128x128xf32, #tpu.memory_space<vmem>>[vector<16xi32>, vector<16xi32>, vector<16xi32>], vector<16xf32>,
      %add3A_303 = arith.constant 2 : i32
      %add3A_304 = vector.broadcast %add3A_303 : i32 to vector<16xi32>
      %add3A_305 = arith.addi %shift_left3A_254, %add3A_304 : vector<16xi32>
      %gather3A_306 = tpu.vector_load_idx %arg7[%broadcast_in_dim3A_86, %add3A_294, %add3A_305] : memref<4x128x128xf32, #tpu.memory_space<vmem>>[vector<16xi32>, vector<16xi32>, vector<16xi32>], vector<16xf32>,
      %add3A_307 = arith.constant 3 : i32
      %add3A_308 = vector.broadcast %add3A_307 : i32 to vector<16xi32>
      %add3A_309 = arith.addi %shift_left3A_254, %add3A_308 : vector<16xi32>
      %gather3A_310 = tpu.vector_load_idx %arg7[%broadcast_in_dim3A_86, %add3A_294, %add3A_309] : memref<4x128x128xf32, #tpu.memory_space<vmem>>[vector<16xi32>, vector<16xi32>, vector<16xi32>], vector<16xf32>,
      %add3A_311 = arith.constant 4 : i32
      %add3A_312 = vector.broadcast %add3A_311 : i32 to vector<16xi32>
      %add3A_313 = arith.addi %shift_left3A_254, %add3A_312 : vector<16xi32>
      %gather3A_314 = tpu.vector_load_idx %arg7[%broadcast_in_dim3A_86, %add3A_294, %add3A_313] : memref<4x128x128xf32, #tpu.memory_space<vmem>>[vector<16xi32>, vector<16xi32>, vector<16xi32>], vector<16xf32>,
      %add3A_315 = arith.constant 5 : i32
      %add3A_316 = vector.broadcast %add3A_315 : i32 to vector<16xi32>
      %add3A_317 = arith.addi %shift_left3A_254, %add3A_316 : vector<16xi32>
      %gather3A_318 = tpu.vector_load_idx %arg7[%broadcast_in_dim3A_86, %add3A_294, %add3A_317] : memref<4x128x128xf32, #tpu.memory_space<vmem>>[vector<16xi32>, vector<16xi32>, vector<16xi32>], vector<16xf32>,
      %add3A_319 = arith.constant 6 : i32
      %add3A_320 = vector.broadcast %add3A_319 : i32 to vector<16xi32>
      %add3A_321 = arith.addi %shift_left3A_254, %add3A_320 : vector<16xi32>
      %gather3A_322 = tpu.vector_load_idx %arg7[%broadcast_in_dim3A_86, %add3A_294, %add3A_321] : memref<4x128x128xf32, #tpu.memory_space<vmem>>[vector<16xi32>, vector<16xi32>, vector<16xi32>], vector<16xf32>,
      %add3A_323 = arith.constant 7 : i32
      %add3A_324 = vector.broadcast %add3A_323 : i32 to vector<16xi32>
      %add3A_325 = arith.addi %shift_left3A_254, %add3A_324 : vector<16xi32>
      %gather3A_326 = tpu.vector_load_idx %arg7[%broadcast_in_dim3A_86, %add3A_294, %add3A_325] : memref<4x128x128xf32, #tpu.memory_space<vmem>>[vector<16xi32>, vector<16xi32>, vector<16xi32>], vector<16xf32>,
      %add3A_327 = arith.constant 8 : i32
      %add3A_328 = vector.broadcast %add3A_327 : i32 to vector<16xi32>
      %add3A_329 = arith.addi %shift_left3A_254, %add3A_328 : vector<16xi32>
      %gather3A_330 = tpu.vector_load_idx %arg7[%broadcast_in_dim3A_86, %add3A_294, %add3A_329] : memref<4x128x128xf32, #tpu.memory_space<vmem>>[vector<16xi32>, vector<16xi32>, vector<16xi32>], vector<16xf32>,
      %add3A_331 = arith.constant 9 : i32
      %add3A_332 = vector.broadcast %add3A_331 : i32 to vector<16xi32>
      %add3A_333 = arith.addi %shift_left3A_254, %add3A_332 : vector<16xi32>
      %gather3A_334 = tpu.vector_load_idx %arg7[%broadcast_in_dim3A_86, %add3A_294, %add3A_333] : memref<4x128x128xf32, #tpu.memory_space<vmem>>[vector<16xi32>, vector<16xi32>, vector<16xi32>], vector<16xf32>,
      %add3A_335 = arith.constant 10 : i32
      %add3A_336 = vector.broadcast %add3A_335 : i32 to vector<16xi32>
      %add3A_337 = arith.addi %shift_left3A_254, %add3A_336 : vector<16xi32>
      %gather3A_338 = tpu.vector_load_idx %arg7[%broadcast_in_dim3A_86, %add3A_294, %add3A_337] : memref<4x128x128xf32, #tpu.memory_space<vmem>>[vector<16xi32>, vector<16xi32>, vector<16xi32>], vector<16xf32>,
      %add3A_339 = arith.constant 11 : i32
      %add3A_340 = vector.broadcast %add3A_339 : i32 to vector<16xi32>
      %add3A_341 = arith.addi %shift_left3A_254, %add3A_340 : vector<16xi32>
      %gather3A_342 = tpu.vector_load_idx %arg7[%broadcast_in_dim3A_86, %add3A_294, %add3A_341] : memref<4x128x128xf32, #tpu.memory_space<vmem>>[vector<16xi32>, vector<16xi32>, vector<16xi32>], vector<16xf32>,
      %add3A_343 = arith.constant 12 : i32
      %add3A_344 = vector.broadcast %add3A_343 : i32 to vector<16xi32>
      %add3A_345 = arith.addi %shift_left3A_254, %add3A_344 : vector<16xi32>
      %gather3A_346 = tpu.vector_load_idx %arg7[%broadcast_in_dim3A_86, %add3A_294, %add3A_345] : memref<4x128x128xf32, #tpu.memory_space<vmem>>[vector<16xi32>, vector<16xi32>, vector<16xi32>], vector<16xf32>,
      %add3A_347 = arith.constant 13 : i32
      %add3A_348 = vector.broadcast %add3A_347 : i32 to vector<16xi32>
      %add3A_349 = arith.addi %shift_left3A_254, %add3A_348 : vector<16xi32>
      %gather3A_350 = tpu.vector_load_idx %arg7[%broadcast_in_dim3A_86, %add3A_294, %add3A_349] : memref<4x128x128xf32, #tpu.memory_space<vmem>>[vector<16xi32>, vector<16xi32>, vector<16xi32>], vector<16xf32>,
      %add3A_351 = arith.constant 14 : i32
      %add3A_352 = vector.broadcast %add3A_351 : i32 to vector<16xi32>
      %add3A_353 = arith.addi %shift_left3A_254, %add3A_352 : vector<16xi32>
      %gather3A_354 = tpu.vector_load_idx %arg7[%broadcast_in_dim3A_86, %add3A_294, %add3A_353] : memref<4x128x128xf32, #tpu.memory_space<vmem>>[vector<16xi32>, vector<16xi32>, vector<16xi32>], vector<16xf32>,
      %add3A_355 = arith.constant 15 : i32
      %add3A_356 = vector.broadcast %add3A_355 : i32 to vector<16xi32>
      %add3A_357 = arith.addi %shift_left3A_254, %add3A_356 : vector<16xi32>
      %gather3A_358 = tpu.vector_load_idx %arg7[%broadcast_in_dim3A_86, %add3A_294, %add3A_357] : memref<4x128x128xf32, #tpu.memory_space<vmem>>[vector<16xi32>, vector<16xi32>, vector<16xi32>], vector<16xf32>,
      %add3A_359 = arith.constant 0 : i32
      %add3A_360 = vector.broadcast %add3A_359 : i32 to vector<16xi32>
      %add3A_361 = arith.addi %shift_left3A_291, %add3A_360 : vector<16xi32>
      tpu.vector_store_idx %arg8[%select_n3A_285, %add3A_361], %gather3A_298 : memref<64x512xf32, #tpu.memory_space<vmem>>[vector<16xi32>, vector<16xi32>], vector<16xf32>,
      %add3A_362 = arith.constant 1 : i32
      %add3A_363 = vector.broadcast %add3A_362 : i32 to vector<16xi32>
      %add3A_364 = arith.addi %shift_left3A_291, %add3A_363 : vector<16xi32>
      tpu.vector_store_idx %arg8[%select_n3A_285, %add3A_364], %gather3A_302 : memref<64x512xf32, #tpu.memory_space<vmem>>[vector<16xi32>, vector<16xi32>], vector<16xf32>,
      %add3A_365 = arith.constant 2 : i32
      %add3A_366 = vector.broadcast %add3A_365 : i32 to vector<16xi32>
      %add3A_367 = arith.addi %shift_left3A_291, %add3A_366 : vector<16xi32>
      tpu.vector_store_idx %arg8[%select_n3A_285, %add3A_367], %gather3A_306 : memref<64x512xf32, #tpu.memory_space<vmem>>[vector<16xi32>, vector<16xi32>], vector<16xf32>,
      %add3A_368 = arith.constant 3 : i32
      %add3A_369 = vector.broadcast %add3A_368 : i32 to vector<16xi32>
      %add3A_370 = arith.addi %shift_left3A_291, %add3A_369 : vector<16xi32>
      tpu.vector_store_idx %arg8[%select_n3A_285, %add3A_370], %gather3A_310 : memref<64x512xf32, #tpu.memory_space<vmem>>[vector<16xi32>, vector<16xi32>], vector<16xf32>,
      %add3A_371 = arith.constant 4 : i32
      %add3A_372 = vector.broadcast %add3A_371 : i32 to vector<16xi32>
      %add3A_373 = arith.addi %shift_left3A_291, %add3A_372 : vector<16xi32>
      tpu.vector_store_idx %arg8[%select_n3A_285, %add3A_373], %gather3A_314 : memref<64x512xf32, #tpu.memory_space<vmem>>[vector<16xi32>, vector<16xi32>], vector<16xf32>,
      %add3A_374 = arith.constant 5 : i32
      %add3A_375 = vector.broadcast %add3A_374 : i32 to vector<16xi32>
      %add3A_376 = arith.addi %shift_left3A_291, %add3A_375 : vector<16xi32>
      tpu.vector_store_idx %arg8[%select_n3A_285, %add3A_376], %gather3A_318 : memref<64x512xf32, #tpu.memory_space<vmem>>[vector<16xi32>, vector<16xi32>], vector<16xf32>,
      %add3A_377 = arith.constant 6 : i32
      %add3A_378 = vector.broadcast %add3A_377 : i32 to vector<16xi32>
      %add3A_379 = arith.addi %shift_left3A_291, %add3A_378 : vector<16xi32>
      tpu.vector_store_idx %arg8[%select_n3A_285, %add3A_379], %gather3A_322 : memref<64x512xf32, #tpu.memory_space<vmem>>[vector<16xi32>, vector<16xi32>], vector<16xf32>,
      %add3A_380 = arith.constant 7 : i32
      %add3A_381 = vector.broadcast %add3A_380 : i32 to vector<16xi32>
      %add3A_382 = arith.addi %shift_left3A_291, %add3A_381 : vector<16xi32>
      tpu.vector_store_idx %arg8[%select_n3A_285, %add3A_382], %gather3A_326 : memref<64x512xf32, #tpu.memory_space<vmem>>[vector<16xi32>, vector<16xi32>], vector<16xf32>,
      %add3A_383 = arith.constant 8 : i32
      %add3A_384 = vector.broadcast %add3A_383 : i32 to vector<16xi32>
      %add3A_385 = arith.addi %shift_left3A_291, %add3A_384 : vector<16xi32>
      tpu.vector_store_idx %arg8[%select_n3A_285, %add3A_385], %gather3A_330 : memref<64x512xf32, #tpu.memory_space<vmem>>[vector<16xi32>, vector<16xi32>], vector<16xf32>,
      %add3A_386 = arith.constant 9 : i32
      %add3A_387 = vector.broadcast %add3A_386 : i32 to vector<16xi32>
      %add3A_388 = arith.addi %shift_left3A_291, %add3A_387 : vector<16xi32>
      tpu.vector_store_idx %arg8[%select_n3A_285, %add3A_388], %gather3A_334 : memref<64x512xf32, #tpu.memory_space<vmem>>[vector<16xi32>, vector<16xi32>], vector<16xf32>,
      %add3A_389 = arith.constant 10 : i32
      %add3A_390 = vector.broadcast %add3A_389 : i32 to vector<16xi32>
      %add3A_391 = arith.addi %shift_left3A_291, %add3A_390 : vector<16xi32>
      tpu.vector_store_idx %arg8[%select_n3A_285, %add3A_391], %gather3A_338 : memref<64x512xf32, #tpu.memory_space<vmem>>[vector<16xi32>, vector<16xi32>], vector<16xf32>,
      %add3A_392 = arith.constant 11 : i32
      %add3A_393 = vector.broadcast %add3A_392 : i32 to vector<16xi32>
      %add3A_394 = arith.addi %shift_left3A_291, %add3A_393 : vector<16xi32>
      tpu.vector_store_idx %arg8[%select_n3A_285, %add3A_394], %gather3A_342 : memref<64x512xf32, #tpu.memory_space<vmem>>[vector<16xi32>, vector<16xi32>], vector<16xf32>,
      %add3A_395 = arith.constant 12 : i32
      %add3A_396 = vector.broadcast %add3A_395 : i32 to vector<16xi32>
      %add3A_397 = arith.addi %shift_left3A_291, %add3A_396 : vector<16xi32>
      tpu.vector_store_idx %arg8[%select_n3A_285, %add3A_397], %gather3A_346 : memref<64x512xf32, #tpu.memory_space<vmem>>[vector<16xi32>, vector<16xi32>], vector<16xf32>,
      %add3A_398 = arith.constant 13 : i32
      %add3A_399 = vector.broadcast %add3A_398 : i32 to vector<16xi32>
      %add3A_400 = arith.addi %shift_left3A_291, %add3A_399 : vector<16xi32>
      tpu.vector_store_idx %arg8[%select_n3A_285, %add3A_400], %gather3A_350 : memref<64x512xf32, #tpu.memory_space<vmem>>[vector<16xi32>, vector<16xi32>], vector<16xf32>,
      %add3A_401 = arith.constant 14 : i32
      %add3A_402 = vector.broadcast %add3A_401 : i32 to vector<16xi32>
      %add3A_403 = arith.addi %shift_left3A_291, %add3A_402 : vector<16xi32>
      tpu.vector_store_idx %arg8[%select_n3A_285, %add3A_403], %gather3A_354 : memref<64x512xf32, #tpu.memory_space<vmem>>[vector<16xi32>, vector<16xi32>], vector<16xf32>,
      %add3A_404 = arith.constant 15 : i32
      %add3A_405 = vector.broadcast %add3A_404 : i32 to vector<16xi32>
      %add3A_406 = arith.addi %shift_left3A_291, %add3A_405 : vector<16xi32>
      tpu.vector_store_idx %arg8[%select_n3A_285, %add3A_406], %gather3A_358 : memref<64x512xf32, #tpu.memory_space<vmem>>[vector<16xi32>, vector<16xi32>], vector<16xf32>,
      %add3A_407 = arith.constant 32 : i32
      %add3A_408 = arith.addi %mul3A_83, %add3A_407 : i32
      %add3A_409 = vector.broadcast %add3A_408 : i32 to vector<16xi32>
      %add3A_410 = arith.addi %add3A_409, %iota3A : vector<16xi32>
      %get3A_411 = arith.index_cast %scan3A_63 : i32 to index
      %get3A_412 = arith.constant 32 : index
      %get3A_413 = tpu.vector_load %arg5[%get3A_411, %get3A_412] {strides = array<i32>} : memref<104x128xi32, #tpu.memory_space<vmem>>, vector<16xi32>,
      %and3A_414 = arith.constant 7 : i32
      %and3A_415 = vector.broadcast %and3A_414 : i32 to vector<16xi32>
      %and3A_416 = arith.andi %get3A_413, %and3A_415 : vector<16xi32>
      %shift_left3A_417 = arith.constant 4 : i32
      %shift_left3A_418 = vector.broadcast %shift_left3A_417 : i32 to vector<16xi32>
      %shift_left3A_419 = arith.shli %and3A_416, %shift_left3A_418 : vector<16xi32>
      %jit3A_420 = arith.constant 26 : i32
      %div3A_421 = vector.broadcast %jit3A_420 : i32 to vector<16xi32>
      %div3A_422 = arith.divsi %add3A_410, %div3A_421 : vector<16xi32>
      %sign3A_423 = arith.constant 0 : i32
      %sign3A_424 = vector.broadcast %sign3A_423 : i32 to vector<16xi32>
      %sign3A_425 = arith.cmpi sgt, %add3A_410, %sign3A_424 : vector<16xi32>
      %sign3A_426 = arith.extui %sign3A_425 : vector<16xi1> to vector<16xi32>
      %sign3A_427 = arith.constant 0 : i32
      %sign3A_428 = vector.broadcast %sign3A_427 : i32 to vector<16xi32>
      %sign3A_429 = arith.cmpi slt, %add3A_410, %sign3A_428 : vector<16xi32>
      %sign3A_430 = arith.extui %sign3A_429 : vector<16xi1> to vector<16xi32>
      %sign3A_431 = arith.subi %sign3A_426, %sign3A_430 : vector<16xi32>
      %sign3A_432 = arith.constant 0 : i32
      %sign3A_433 = arith.cmpi sgt, %jit3A_420, %sign3A_432 : i32
      %sign3A_434 = arith.extui %sign3A_433 : i1 to i32
      %sign3A_435 = arith.constant 0 : i32
      %sign3A_436 = arith.cmpi slt, %jit3A_420, %sign3A_435 : i32
      %sign3A_437 = arith.extui %sign3A_436 : i1 to i32
      %sign3A_438 = arith.subi %sign3A_434, %sign3A_437 : i32
      %ne3A_439 = vector.broadcast %sign3A_438 : i32 to vector<16xi32>
      %ne3A_440 = arith.cmpi ne, %sign3A_431, %ne3A_439 : vector<16xi32>
      %rem3A_441 = vector.broadcast %jit3A_420 : i32 to vector<16xi32>
      %rem3A_442 = arith.remsi %add3A_410, %rem3A_441 : vector<16xi32>
      %ne3A_443 = arith.constant 0 : i32
      %ne3A_444 = vector.broadcast %ne3A_443 : i32 to vector<16xi32>
      %ne3A_445 = arith.cmpi ne, %rem3A_442, %ne3A_444 : vector<16xi32>
      %and3A_446 = arith.andi %ne3A_440, %ne3A_445 : vector<16xi1>
      %sub3A_447 = arith.constant 1 : i32
      %sub3A_448 = vector.broadcast %sub3A_447 : i32 to vector<16xi32>
      %sub3A_449 = arith.subi %div3A_422, %sub3A_448 : vector<16xi32>
      %select_n3A_450 = arith.select %and3A_446, %sub3A_449, %div3A_422 : vector<16xi1>, vector<16xi32>
      %rem3A_451 = arith.constant 26 : i32
      %rem3A_452 = vector.broadcast %rem3A_451 : i32 to vector<16xi32>
      %rem3A_453 = arith.remsi %add3A_410, %rem3A_452 : vector<16xi32>
      %shift_left3A_454 = arith.constant 4 : i32
      %shift_left3A_455 = vector.broadcast %shift_left3A_454 : i32 to vector<16xi32>
      %shift_left3A_456 = arith.shli %rem3A_453, %shift_left3A_455 : vector<16xi32>
      %broadcast_in_dim3A_457 = arith.constant 32 : i32
      %broadcast_in_dim3A_458 = vector.broadcast %broadcast_in_dim3A_457 : i32 to vector<16xi32>
      %add3A_459 = arith.addi %broadcast_in_dim3A_458, %iota3A : vector<16xi32>
      %add3A_460 = arith.constant 0 : i32
      %add3A_461 = vector.broadcast %add3A_460 : i32 to vector<16xi32>
      %add3A_462 = arith.addi %shift_left3A_419, %add3A_461 : vector<16xi32>
      %gather3A_463 = tpu.vector_load_idx %arg7[%broadcast_in_dim3A_86, %add3A_459, %add3A_462] : memref<4x128x128xf32, #tpu.memory_space<vmem>>[vector<16xi32>, vector<16xi32>, vector<16xi32>], vector<16xf32>,
      %add3A_464 = arith.constant 1 : i32
      %add3A_465 = vector.broadcast %add3A_464 : i32 to vector<16xi32>
      %add3A_466 = arith.addi %shift_left3A_419, %add3A_465 : vector<16xi32>
      %gather3A_467 = tpu.vector_load_idx %arg7[%broadcast_in_dim3A_86, %add3A_459, %add3A_466] : memref<4x128x128xf32, #tpu.memory_space<vmem>>[vector<16xi32>, vector<16xi32>, vector<16xi32>], vector<16xf32>,
      %add3A_468 = arith.constant 2 : i32
      %add3A_469 = vector.broadcast %add3A_468 : i32 to vector<16xi32>
      %add3A_470 = arith.addi %shift_left3A_419, %add3A_469 : vector<16xi32>
      %gather3A_471 = tpu.vector_load_idx %arg7[%broadcast_in_dim3A_86, %add3A_459, %add3A_470] : memref<4x128x128xf32, #tpu.memory_space<vmem>>[vector<16xi32>, vector<16xi32>, vector<16xi32>], vector<16xf32>,
      %add3A_472 = arith.constant 3 : i32
      %add3A_473 = vector.broadcast %add3A_472 : i32 to vector<16xi32>
      %add3A_474 = arith.addi %shift_left3A_419, %add3A_473 : vector<16xi32>
      %gather3A_475 = tpu.vector_load_idx %arg7[%broadcast_in_dim3A_86, %add3A_459, %add3A_474] : memref<4x128x128xf32, #tpu.memory_space<vmem>>[vector<16xi32>, vector<16xi32>, vector<16xi32>], vector<16xf32>,
      %add3A_476 = arith.constant 4 : i32
      %add3A_477 = vector.broadcast %add3A_476 : i32 to vector<16xi32>
      %add3A_478 = arith.addi %shift_left3A_419, %add3A_477 : vector<16xi32>
      %gather3A_479 = tpu.vector_load_idx %arg7[%broadcast_in_dim3A_86, %add3A_459, %add3A_478] : memref<4x128x128xf32, #tpu.memory_space<vmem>>[vector<16xi32>, vector<16xi32>, vector<16xi32>], vector<16xf32>,
      %add3A_480 = arith.constant 5 : i32
      %add3A_481 = vector.broadcast %add3A_480 : i32 to vector<16xi32>
      %add3A_482 = arith.addi %shift_left3A_419, %add3A_481 : vector<16xi32>
      %gather3A_483 = tpu.vector_load_idx %arg7[%broadcast_in_dim3A_86, %add3A_459, %add3A_482] : memref<4x128x128xf32, #tpu.memory_space<vmem>>[vector<16xi32>, vector<16xi32>, vector<16xi32>], vector<16xf32>,
      %add3A_484 = arith.constant 6 : i32
      %add3A_485 = vector.broadcast %add3A_484 : i32 to vector<16xi32>
      %add3A_486 = arith.addi %shift_left3A_419, %add3A_485 : vector<16xi32>
      %gather3A_487 = tpu.vector_load_idx %arg7[%broadcast_in_dim3A_86, %add3A_459, %add3A_486] : memref<4x128x128xf32, #tpu.memory_space<vmem>>[vector<16xi32>, vector<16xi32>, vector<16xi32>], vector<16xf32>,
      %add3A_488 = arith.constant 7 : i32
      %add3A_489 = vector.broadcast %add3A_488 : i32 to vector<16xi32>
      %add3A_490 = arith.addi %shift_left3A_419, %add3A_489 : vector<16xi32>
      %gather3A_491 = tpu.vector_load_idx %arg7[%broadcast_in_dim3A_86, %add3A_459, %add3A_490] : memref<4x128x128xf32, #tpu.memory_space<vmem>>[vector<16xi32>, vector<16xi32>, vector<16xi32>], vector<16xf32>,
      %add3A_492 = arith.constant 8 : i32
      %add3A_493 = vector.broadcast %add3A_492 : i32 to vector<16xi32>
      %add3A_494 = arith.addi %shift_left3A_419, %add3A_493 : vector<16xi32>
      %gather3A_495 = tpu.vector_load_idx %arg7[%broadcast_in_dim3A_86, %add3A_459, %add3A_494] : memref<4x128x128xf32, #tpu.memory_space<vmem>>[vector<16xi32>, vector<16xi32>, vector<16xi32>], vector<16xf32>,
      %add3A_496 = arith.constant 9 : i32
      %add3A_497 = vector.broadcast %add3A_496 : i32 to vector<16xi32>
      %add3A_498 = arith.addi %shift_left3A_419, %add3A_497 : vector<16xi32>
      %gather3A_499 = tpu.vector_load_idx %arg7[%broadcast_in_dim3A_86, %add3A_459, %add3A_498] : memref<4x128x128xf32, #tpu.memory_space<vmem>>[vector<16xi32>, vector<16xi32>, vector<16xi32>], vector<16xf32>,
      %add3A_500 = arith.constant 10 : i32
      %add3A_501 = vector.broadcast %add3A_500 : i32 to vector<16xi32>
      %add3A_502 = arith.addi %shift_left3A_419, %add3A_501 : vector<16xi32>
      %gather3A_503 = tpu.vector_load_idx %arg7[%broadcast_in_dim3A_86, %add3A_459, %add3A_502] : memref<4x128x128xf32, #tpu.memory_space<vmem>>[vector<16xi32>, vector<16xi32>, vector<16xi32>], vector<16xf32>,
      %add3A_504 = arith.constant 11 : i32
      %add3A_505 = vector.broadcast %add3A_504 : i32 to vector<16xi32>
      %add3A_506 = arith.addi %shift_left3A_419, %add3A_505 : vector<16xi32>
      %gather3A_507 = tpu.vector_load_idx %arg7[%broadcast_in_dim3A_86, %add3A_459, %add3A_506] : memref<4x128x128xf32, #tpu.memory_space<vmem>>[vector<16xi32>, vector<16xi32>, vector<16xi32>], vector<16xf32>,
      %add3A_508 = arith.constant 12 : i32
      %add3A_509 = vector.broadcast %add3A_508 : i32 to vector<16xi32>
      %add3A_510 = arith.addi %shift_left3A_419, %add3A_509 : vector<16xi32>
      %gather3A_511 = tpu.vector_load_idx %arg7[%broadcast_in_dim3A_86, %add3A_459, %add3A_510] : memref<4x128x128xf32, #tpu.memory_space<vmem>>[vector<16xi32>, vector<16xi32>, vector<16xi32>], vector<16xf32>,
      %add3A_512 = arith.constant 13 : i32
      %add3A_513 = vector.broadcast %add3A_512 : i32 to vector<16xi32>
      %add3A_514 = arith.addi %shift_left3A_419, %add3A_513 : vector<16xi32>
      %gather3A_515 = tpu.vector_load_idx %arg7[%broadcast_in_dim3A_86, %add3A_459, %add3A_514] : memref<4x128x128xf32, #tpu.memory_space<vmem>>[vector<16xi32>, vector<16xi32>, vector<16xi32>], vector<16xf32>,
      %add3A_516 = arith.constant 14 : i32
      %add3A_517 = vector.broadcast %add3A_516 : i32 to vector<16xi32>
      %add3A_518 = arith.addi %shift_left3A_419, %add3A_517 : vector<16xi32>
      %gather3A_519 = tpu.vector_load_idx %arg7[%broadcast_in_dim3A_86, %add3A_459, %add3A_518] : memref<4x128x128xf32, #tpu.memory_space<vmem>>[vector<16xi32>, vector<16xi32>, vector<16xi32>], vector<16xf32>,
      %add3A_520 = arith.constant 15 : i32
      %add3A_521 = vector.broadcast %add3A_520 : i32 to vector<16xi32>
      %add3A_522 = arith.addi %shift_left3A_419, %add3A_521 : vector<16xi32>
      %gather3A_523 = tpu.vector_load_idx %arg7[%broadcast_in_dim3A_86, %add3A_459, %add3A_522] : memref<4x128x128xf32, #tpu.memory_space<vmem>>[vector<16xi32>, vector<16xi32>, vector<16xi32>], vector<16xf32>,
      %add3A_524 = arith.constant 0 : i32
      %add3A_525 = vector.broadcast %add3A_524 : i32 to vector<16xi32>
      %add3A_526 = arith.addi %shift_left3A_456, %add3A_525 : vector<16xi32>
      tpu.vector_store_idx %arg8[%select_n3A_450, %add3A_526], %gather3A_463 : memref<64x512xf32, #tpu.memory_space<vmem>>[vector<16xi32>, vector<16xi32>], vector<16xf32>,
      %add3A_527 = arith.constant 1 : i32
      %add3A_528 = vector.broadcast %add3A_527 : i32 to vector<16xi32>
      %add3A_529 = arith.addi %shift_left3A_456, %add3A_528 : vector<16xi32>
      tpu.vector_store_idx %arg8[%select_n3A_450, %add3A_529], %gather3A_467 : memref<64x512xf32, #tpu.memory_space<vmem>>[vector<16xi32>, vector<16xi32>], vector<16xf32>,
      %add3A_530 = arith.constant 2 : i32
      %add3A_531 = vector.broadcast %add3A_530 : i32 to vector<16xi32>
      %add3A_532 = arith.addi %shift_left3A_456, %add3A_531 : vector<16xi32>
      tpu.vector_store_idx %arg8[%select_n3A_450, %add3A_532], %gather3A_471 : memref<64x512xf32, #tpu.memory_space<vmem>>[vector<16xi32>, vector<16xi32>], vector<16xf32>,
      %add3A_533 = arith.constant 3 : i32
      %add3A_534 = vector.broadcast %add3A_533 : i32 to vector<16xi32>
      %add3A_535 = arith.addi %shift_left3A_456, %add3A_534 : vector<16xi32>
      tpu.vector_store_idx %arg8[%select_n3A_450, %add3A_535], %gather3A_475 : memref<64x512xf32, #tpu.memory_space<vmem>>[vector<16xi32>, vector<16xi32>], vector<16xf32>,
      %add3A_536 = arith.constant 4 : i32
      %add3A_537 = vector.broadcast %add3A_536 : i32 to vector<16xi32>
      %add3A_538 = arith.addi %shift_left3A_456, %add3A_537 : vector<16xi32>
      tpu.vector_store_idx %arg8[%select_n3A_450, %add3A_538], %gather3A_479 : memref<64x512xf32, #tpu.memory_space<vmem>>[vector<16xi32>, vector<16xi32>], vector<16xf32>,
      %add3A_539 = arith.constant 5 : i32
      %add3A_540 = vector.broadcast %add3A_539 : i32 to vector<16xi32>
      %add3A_541 = arith.addi %shift_left3A_456, %add3A_540 : vector<16xi32>
      tpu.vector_store_idx %arg8[%select_n3A_450, %add3A_541], %gather3A_483 : memref<64x512xf32, #tpu.memory_space<vmem>>[vector<16xi32>, vector<16xi32>], vector<16xf32>,
      %add3A_542 = arith.constant 6 : i32
      %add3A_543 = vector.broadcast %add3A_542 : i32 to vector<16xi32>
      %add3A_544 = arith.addi %shift_left3A_456, %add3A_543 : vector<16xi32>
      tpu.vector_store_idx %arg8[%select_n3A_450, %add3A_544], %gather3A_487 : memref<64x512xf32, #tpu.memory_space<vmem>>[vector<16xi32>, vector<16xi32>], vector<16xf32>,
      %add3A_545 = arith.constant 7 : i32
      %add3A_546 = vector.broadcast %add3A_545 : i32 to vector<16xi32>
      %add3A_547 = arith.addi %shift_left3A_456, %add3A_546 : vector<16xi32>
      tpu.vector_store_idx %arg8[%select_n3A_450, %add3A_547], %gather3A_491 : memref<64x512xf32, #tpu.memory_space<vmem>>[vector<16xi32>, vector<16xi32>], vector<16xf32>,
      %add3A_548 = arith.constant 8 : i32
      %add3A_549 = vector.broadcast %add3A_548 : i32 to vector<16xi32>
      %add3A_550 = arith.addi %shift_left3A_456, %add3A_549 : vector<16xi32>
      tpu.vector_store_idx %arg8[%select_n3A_450, %add3A_550], %gather3A_495 : memref<64x512xf32, #tpu.memory_space<vmem>>[vector<16xi32>, vector<16xi32>], vector<16xf32>,
      %add3A_551 = arith.constant 9 : i32
      %add3A_552 = vector.broadcast %add3A_551 : i32 to vector<16xi32>
      %add3A_553 = arith.addi %shift_left3A_456, %add3A_552 : vector<16xi32>
      tpu.vector_store_idx %arg8[%select_n3A_450, %add3A_553], %gather3A_499 : memref<64x512xf32, #tpu.memory_space<vmem>>[vector<16xi32>, vector<16xi32>], vector<16xf32>,
      %add3A_554 = arith.constant 10 : i32
      %add3A_555 = vector.broadcast %add3A_554 : i32 to vector<16xi32>
      %add3A_556 = arith.addi %shift_left3A_456, %add3A_555 : vector<16xi32>
      tpu.vector_store_idx %arg8[%select_n3A_450, %add3A_556], %gather3A_503 : memref<64x512xf32, #tpu.memory_space<vmem>>[vector<16xi32>, vector<16xi32>], vector<16xf32>,
      %add3A_557 = arith.constant 11 : i32
      %add3A_558 = vector.broadcast %add3A_557 : i32 to vector<16xi32>
      %add3A_559 = arith.addi %shift_left3A_456, %add3A_558 : vector<16xi32>
      tpu.vector_store_idx %arg8[%select_n3A_450, %add3A_559], %gather3A_507 : memref<64x512xf32, #tpu.memory_space<vmem>>[vector<16xi32>, vector<16xi32>], vector<16xf32>,
      %add3A_560 = arith.constant 12 : i32
      %add3A_561 = vector.broadcast %add3A_560 : i32 to vector<16xi32>
      %add3A_562 = arith.addi %shift_left3A_456, %add3A_561 : vector<16xi32>
      tpu.vector_store_idx %arg8[%select_n3A_450, %add3A_562], %gather3A_511 : memref<64x512xf32, #tpu.memory_space<vmem>>[vector<16xi32>, vector<16xi32>], vector<16xf32>,
      %add3A_563 = arith.constant 13 : i32
      %add3A_564 = vector.broadcast %add3A_563 : i32 to vector<16xi32>
      %add3A_565 = arith.addi %shift_left3A_456, %add3A_564 : vector<16xi32>
      tpu.vector_store_idx %arg8[%select_n3A_450, %add3A_565], %gather3A_515 : memref<64x512xf32, #tpu.memory_space<vmem>>[vector<16xi32>, vector<16xi32>], vector<16xf32>,
      %add3A_566 = arith.constant 14 : i32
      %add3A_567 = vector.broadcast %add3A_566 : i32 to vector<16xi32>
      %add3A_568 = arith.addi %shift_left3A_456, %add3A_567 : vector<16xi32>
      tpu.vector_store_idx %arg8[%select_n3A_450, %add3A_568], %gather3A_519 : memref<64x512xf32, #tpu.memory_space<vmem>>[vector<16xi32>, vector<16xi32>], vector<16xf32>,
      %add3A_569 = arith.constant 15 : i32
      %add3A_570 = vector.broadcast %add3A_569 : i32 to vector<16xi32>
      %add3A_571 = arith.addi %shift_left3A_456, %add3A_570 : vector<16xi32>
      tpu.vector_store_idx %arg8[%select_n3A_450, %add3A_571], %gather3A_523 : memref<64x512xf32, #tpu.memory_space<vmem>>[vector<16xi32>, vector<16xi32>], vector<16xf32>,
      %add3A_572 = arith.constant 48 : i32
      %add3A_573 = arith.addi %mul3A_83, %add3A_572 : i32
      %add3A_574 = vector.broadcast %add3A_573 : i32 to vector<16xi32>
      %add3A_575 = arith.addi %add3A_574, %iota3A : vector<16xi32>
      %get3A_576 = arith.index_cast %scan3A_63 : i32 to index
      %get3A_577 = arith.constant 48 : index
      %get3A_578 = tpu.vector_load %arg5[%get3A_576, %get3A_577] {strides = array<i32>} : memref<104x128xi32, #tpu.memory_space<vmem>>, vector<16xi32>,
      %and3A_579 = arith.constant 7 : i32
      %and3A_580 = vector.broadcast %and3A_579 : i32 to vector<16xi32>
      %and3A_581 = arith.andi %get3A_578, %and3A_580 : vector<16xi32>
      %shift_left3A_582 = arith.constant 4 : i32
      %shift_left3A_583 = vector.broadcast %shift_left3A_582 : i32 to vector<16xi32>
      %shift_left3A_584 = arith.shli %and3A_581, %shift_left3A_583 : vector<16xi32>
      %jit3A_585 = arith.constant 26 : i32
      %div3A_586 = vector.broadcast %jit3A_585 : i32 to vector<16xi32>
      %div3A_587 = arith.divsi %add3A_575, %div3A_586 : vector<16xi32>
      %sign3A_588 = arith.constant 0 : i32
      %sign3A_589 = vector.broadcast %sign3A_588 : i32 to vector<16xi32>
      %sign3A_590 = arith.cmpi sgt, %add3A_575, %sign3A_589 : vector<16xi32>
      %sign3A_591 = arith.extui %sign3A_590 : vector<16xi1> to vector<16xi32>
      %sign3A_592 = arith.constant 0 : i32
      %sign3A_593 = vector.broadcast %sign3A_592 : i32 to vector<16xi32>
      %sign3A_594 = arith.cmpi slt, %add3A_575, %sign3A_593 : vector<16xi32>
      %sign3A_595 = arith.extui %sign3A_594 : vector<16xi1> to vector<16xi32>
      %sign3A_596 = arith.subi %sign3A_591, %sign3A_595 : vector<16xi32>
      %sign3A_597 = arith.constant 0 : i32
      %sign3A_598 = arith.cmpi sgt, %jit3A_585, %sign3A_597 : i32
      %sign3A_599 = arith.extui %sign3A_598 : i1 to i32
      %sign3A_600 = arith.constant 0 : i32
      %sign3A_601 = arith.cmpi slt, %jit3A_585, %sign3A_600 : i32
      %sign3A_602 = arith.extui %sign3A_601 : i1 to i32
      %sign3A_603 = arith.subi %sign3A_599, %sign3A_602 : i32
      %ne3A_604 = vector.broadcast %sign3A_603 : i32 to vector<16xi32>
      %ne3A_605 = arith.cmpi ne, %sign3A_596, %ne3A_604 : vector<16xi32>
      %rem3A_606 = vector.broadcast %jit3A_585 : i32 to vector<16xi32>
      %rem3A_607 = arith.remsi %add3A_575, %rem3A_606 : vector<16xi32>
      %ne3A_608 = arith.constant 0 : i32
      %ne3A_609 = vector.broadcast %ne3A_608 : i32 to vector<16xi32>
      %ne3A_610 = arith.cmpi ne, %rem3A_607, %ne3A_609 : vector<16xi32>
      %and3A_611 = arith.andi %ne3A_605, %ne3A_610 : vector<16xi1>
      %sub3A_612 = arith.constant 1 : i32
      %sub3A_613 = vector.broadcast %sub3A_612 : i32 to vector<16xi32>
      %sub3A_614 = arith.subi %div3A_587, %sub3A_613 : vector<16xi32>
      %select_n3A_615 = arith.select %and3A_611, %sub3A_614, %div3A_587 : vector<16xi1>, vector<16xi32>
      %rem3A_616 = arith.constant 26 : i32
      %rem3A_617 = vector.broadcast %rem3A_616 : i32 to vector<16xi32>
      %rem3A_618 = arith.remsi %add3A_575, %rem3A_617 : vector<16xi32>
      %shift_left3A_619 = arith.constant 4 : i32
      %shift_left3A_620 = vector.broadcast %shift_left3A_619 : i32 to vector<16xi32>
      %shift_left3A_621 = arith.shli %rem3A_618, %shift_left3A_620 : vector<16xi32>
      %broadcast_in_dim3A_622 = arith.constant 48 : i32
      %broadcast_in_dim3A_623 = vector.broadcast %broadcast_in_dim3A_622 : i32 to vector<16xi32>
      %add3A_624 = arith.addi %broadcast_in_dim3A_623, %iota3A : vector<16xi32>
      %add3A_625 = arith.constant 0 : i32
      %add3A_626 = vector.broadcast %add3A_625 : i32 to vector<16xi32>
      %add3A_627 = arith.addi %shift_left3A_584, %add3A_626 : vector<16xi32>
      %gather3A_628 = tpu.vector_load_idx %arg7[%broadcast_in_dim3A_86, %add3A_624, %add3A_627] : memref<4x128x128xf32, #tpu.memory_space<vmem>>[vector<16xi32>, vector<16xi32>, vector<16xi32>], vector<16xf32>,
      %add3A_629 = arith.constant 1 : i32
      %add3A_630 = vector.broadcast %add3A_629 : i32 to vector<16xi32>
      %add3A_631 = arith.addi %shift_left3A_584, %add3A_630 : vector<16xi32>
      %gather3A_632 = tpu.vector_load_idx %arg7[%broadcast_in_dim3A_86, %add3A_624, %add3A_631] : memref<4x128x128xf32, #tpu.memory_space<vmem>>[vector<16xi32>, vector<16xi32>, vector<16xi32>], vector<16xf32>,
      %add3A_633 = arith.constant 2 : i32
      %add3A_634 = vector.broadcast %add3A_633 : i32 to vector<16xi32>
      %add3A_635 = arith.addi %shift_left3A_584, %add3A_634 : vector<16xi32>
      %gather3A_636 = tpu.vector_load_idx %arg7[%broadcast_in_dim3A_86, %add3A_624, %add3A_635] : memref<4x128x128xf32, #tpu.memory_space<vmem>>[vector<16xi32>, vector<16xi32>, vector<16xi32>], vector<16xf32>,
      %add3A_637 = arith.constant 3 : i32
      %add3A_638 = vector.broadcast %add3A_637 : i32 to vector<16xi32>
      %add3A_639 = arith.addi %shift_left3A_584, %add3A_638 : vector<16xi32>
      %gather3A_640 = tpu.vector_load_idx %arg7[%broadcast_in_dim3A_86, %add3A_624, %add3A_639] : memref<4x128x128xf32, #tpu.memory_space<vmem>>[vector<16xi32>, vector<16xi32>, vector<16xi32>], vector<16xf32>,
      %add3A_641 = arith.constant 4 : i32
      %add3A_642 = vector.broadcast %add3A_641 : i32 to vector<16xi32>
      %add3A_643 = arith.addi %shift_left3A_584, %add3A_642 : vector<16xi32>
      %gather3A_644 = tpu.vector_load_idx %arg7[%broadcast_in_dim3A_86, %add3A_624, %add3A_643] : memref<4x128x128xf32, #tpu.memory_space<vmem>>[vector<16xi32>, vector<16xi32>, vector<16xi32>], vector<16xf32>,
      %add3A_645 = arith.constant 5 : i32
      %add3A_646 = vector.broadcast %add3A_645 : i32 to vector<16xi32>
      %add3A_647 = arith.addi %shift_left3A_584, %add3A_646 : vector<16xi32>
      %gather3A_648 = tpu.vector_load_idx %arg7[%broadcast_in_dim3A_86, %add3A_624, %add3A_647] : memref<4x128x128xf32, #tpu.memory_space<vmem>>[vector<16xi32>, vector<16xi32>, vector<16xi32>], vector<16xf32>,
      %add3A_649 = arith.constant 6 : i32
      %add3A_650 = vector.broadcast %add3A_649 : i32 to vector<16xi32>
      %add3A_651 = arith.addi %shift_left3A_584, %add3A_650 : vector<16xi32>
      %gather3A_652 = tpu.vector_load_idx %arg7[%broadcast_in_dim3A_86, %add3A_624, %add3A_651] : memref<4x128x128xf32, #tpu.memory_space<vmem>>[vector<16xi32>, vector<16xi32>, vector<16xi32>], vector<16xf32>,
      %add3A_653 = arith.constant 7 : i32
      %add3A_654 = vector.broadcast %add3A_653 : i32 to vector<16xi32>
      %add3A_655 = arith.addi %shift_left3A_584, %add3A_654 : vector<16xi32>
      %gather3A_656 = tpu.vector_load_idx %arg7[%broadcast_in_dim3A_86, %add3A_624, %add3A_655] : memref<4x128x128xf32, #tpu.memory_space<vmem>>[vector<16xi32>, vector<16xi32>, vector<16xi32>], vector<16xf32>,
      %add3A_657 = arith.constant 8 : i32
      %add3A_658 = vector.broadcast %add3A_657 : i32 to vector<16xi32>
      %add3A_659 = arith.addi %shift_left3A_584, %add3A_658 : vector<16xi32>
      %gather3A_660 = tpu.vector_load_idx %arg7[%broadcast_in_dim3A_86, %add3A_624, %add3A_659] : memref<4x128x128xf32, #tpu.memory_space<vmem>>[vector<16xi32>, vector<16xi32>, vector<16xi32>], vector<16xf32>,
      %add3A_661 = arith.constant 9 : i32
      %add3A_662 = vector.broadcast %add3A_661 : i32 to vector<16xi32>
      %add3A_663 = arith.addi %shift_left3A_584, %add3A_662 : vector<16xi32>
      %gather3A_664 = tpu.vector_load_idx %arg7[%broadcast_in_dim3A_86, %add3A_624, %add3A_663] : memref<4x128x128xf32, #tpu.memory_space<vmem>>[vector<16xi32>, vector<16xi32>, vector<16xi32>], vector<16xf32>,
      %add3A_665 = arith.constant 10 : i32
      %add3A_666 = vector.broadcast %add3A_665 : i32 to vector<16xi32>
      %add3A_667 = arith.addi %shift_left3A_584, %add3A_666 : vector<16xi32>
      %gather3A_668 = tpu.vector_load_idx %arg7[%broadcast_in_dim3A_86, %add3A_624, %add3A_667] : memref<4x128x128xf32, #tpu.memory_space<vmem>>[vector<16xi32>, vector<16xi32>, vector<16xi32>], vector<16xf32>,
      %add3A_669 = arith.constant 11 : i32
      %add3A_670 = vector.broadcast %add3A_669 : i32 to vector<16xi32>
      %add3A_671 = arith.addi %shift_left3A_584, %add3A_670 : vector<16xi32>
      %gather3A_672 = tpu.vector_load_idx %arg7[%broadcast_in_dim3A_86, %add3A_624, %add3A_671] : memref<4x128x128xf32, #tpu.memory_space<vmem>>[vector<16xi32>, vector<16xi32>, vector<16xi32>], vector<16xf32>,
      %add3A_673 = arith.constant 12 : i32
      %add3A_674 = vector.broadcast %add3A_673 : i32 to vector<16xi32>
      %add3A_675 = arith.addi %shift_left3A_584, %add3A_674 : vector<16xi32>
      %gather3A_676 = tpu.vector_load_idx %arg7[%broadcast_in_dim3A_86, %add3A_624, %add3A_675] : memref<4x128x128xf32, #tpu.memory_space<vmem>>[vector<16xi32>, vector<16xi32>, vector<16xi32>], vector<16xf32>,
      %add3A_677 = arith.constant 13 : i32
      %add3A_678 = vector.broadcast %add3A_677 : i32 to vector<16xi32>
      %add3A_679 = arith.addi %shift_left3A_584, %add3A_678 : vector<16xi32>
      %gather3A_680 = tpu.vector_load_idx %arg7[%broadcast_in_dim3A_86, %add3A_624, %add3A_679] : memref<4x128x128xf32, #tpu.memory_space<vmem>>[vector<16xi32>, vector<16xi32>, vector<16xi32>], vector<16xf32>,
      %add3A_681 = arith.constant 14 : i32
      %add3A_682 = vector.broadcast %add3A_681 : i32 to vector<16xi32>
      %add3A_683 = arith.addi %shift_left3A_584, %add3A_682 : vector<16xi32>
      %gather3A_684 = tpu.vector_load_idx %arg7[%broadcast_in_dim3A_86, %add3A_624, %add3A_683] : memref<4x128x128xf32, #tpu.memory_space<vmem>>[vector<16xi32>, vector<16xi32>, vector<16xi32>], vector<16xf32>,
      %add3A_685 = arith.constant 15 : i32
      %add3A_686 = vector.broadcast %add3A_685 : i32 to vector<16xi32>
      %add3A_687 = arith.addi %shift_left3A_584, %add3A_686 : vector<16xi32>
      %gather3A_688 = tpu.vector_load_idx %arg7[%broadcast_in_dim3A_86, %add3A_624, %add3A_687] : memref<4x128x128xf32, #tpu.memory_space<vmem>>[vector<16xi32>, vector<16xi32>, vector<16xi32>], vector<16xf32>,
      %add3A_689 = arith.constant 0 : i32
      %add3A_690 = vector.broadcast %add3A_689 : i32 to vector<16xi32>
      %add3A_691 = arith.addi %shift_left3A_621, %add3A_690 : vector<16xi32>
      tpu.vector_store_idx %arg8[%select_n3A_615, %add3A_691], %gather3A_628 : memref<64x512xf32, #tpu.memory_space<vmem>>[vector<16xi32>, vector<16xi32>], vector<16xf32>,
      %add3A_692 = arith.constant 1 : i32
      %add3A_693 = vector.broadcast %add3A_692 : i32 to vector<16xi32>
      %add3A_694 = arith.addi %shift_left3A_621, %add3A_693 : vector<16xi32>
      tpu.vector_store_idx %arg8[%select_n3A_615, %add3A_694], %gather3A_632 : memref<64x512xf32, #tpu.memory_space<vmem>>[vector<16xi32>, vector<16xi32>], vector<16xf32>,
      %add3A_695 = arith.constant 2 : i32
      %add3A_696 = vector.broadcast %add3A_695 : i32 to vector<16xi32>
      %add3A_697 = arith.addi %shift_left3A_621, %add3A_696 : vector<16xi32>
      tpu.vector_store_idx %arg8[%select_n3A_615, %add3A_697], %gather3A_636 : memref<64x512xf32, #tpu.memory_space<vmem>>[vector<16xi32>, vector<16xi32>], vector<16xf32>,
      %add3A_698 = arith.constant 3 : i32
      %add3A_699 = vector.broadcast %add3A_698 : i32 to vector<16xi32>
      %add3A_700 = arith.addi %shift_left3A_621, %add3A_699 : vector<16xi32>
      tpu.vector_store_idx %arg8[%select_n3A_615, %add3A_700], %gather3A_640 : memref<64x512xf32, #tpu.memory_space<vmem>>[vector<16xi32>, vector<16xi32>], vector<16xf32>,
      %add3A_701 = arith.constant 4 : i32
      %add3A_702 = vector.broadcast %add3A_701 : i32 to vector<16xi32>
      %add3A_703 = arith.addi %shift_left3A_621, %add3A_702 : vector<16xi32>
      tpu.vector_store_idx %arg8[%select_n3A_615, %add3A_703], %gather3A_644 : memref<64x512xf32, #tpu.memory_space<vmem>>[vector<16xi32>, vector<16xi32>], vector<16xf32>,
      %add3A_704 = arith.constant 5 : i32
      %add3A_705 = vector.broadcast %add3A_704 : i32 to vector<16xi32>
      %add3A_706 = arith.addi %shift_left3A_621, %add3A_705 : vector<16xi32>
      tpu.vector_store_idx %arg8[%select_n3A_615, %add3A_706], %gather3A_648 : memref<64x512xf32, #tpu.memory_space<vmem>>[vector<16xi32>, vector<16xi32>], vector<16xf32>,
      %add3A_707 = arith.constant 6 : i32
      %add3A_708 = vector.broadcast %add3A_707 : i32 to vector<16xi32>
      %add3A_709 = arith.addi %shift_left3A_621, %add3A_708 : vector<16xi32>
      tpu.vector_store_idx %arg8[%select_n3A_615, %add3A_709], %gather3A_652 : memref<64x512xf32, #tpu.memory_space<vmem>>[vector<16xi32>, vector<16xi32>], vector<16xf32>,
      %add3A_710 = arith.constant 7 : i32
      %add3A_711 = vector.broadcast %add3A_710 : i32 to vector<16xi32>
      %add3A_712 = arith.addi %shift_left3A_621, %add3A_711 : vector<16xi32>
      tpu.vector_store_idx %arg8[%select_n3A_615, %add3A_712], %gather3A_656 : memref<64x512xf32, #tpu.memory_space<vmem>>[vector<16xi32>, vector<16xi32>], vector<16xf32>,
      %add3A_713 = arith.constant 8 : i32
      %add3A_714 = vector.broadcast %add3A_713 : i32 to vector<16xi32>
      %add3A_715 = arith.addi %shift_left3A_621, %add3A_714 : vector<16xi32>
      tpu.vector_store_idx %arg8[%select_n3A_615, %add3A_715], %gather3A_660 : memref<64x512xf32, #tpu.memory_space<vmem>>[vector<16xi32>, vector<16xi32>], vector<16xf32>,
      %add3A_716 = arith.constant 9 : i32
      %add3A_717 = vector.broadcast %add3A_716 : i32 to vector<16xi32>
      %add3A_718 = arith.addi %shift_left3A_621, %add3A_717 : vector<16xi32>
      tpu.vector_store_idx %arg8[%select_n3A_615, %add3A_718], %gather3A_664 : memref<64x512xf32, #tpu.memory_space<vmem>>[vector<16xi32>, vector<16xi32>], vector<16xf32>,
      %add3A_719 = arith.constant 10 : i32
      %add3A_720 = vector.broadcast %add3A_719 : i32 to vector<16xi32>
      %add3A_721 = arith.addi %shift_left3A_621, %add3A_720 : vector<16xi32>
      tpu.vector_store_idx %arg8[%select_n3A_615, %add3A_721], %gather3A_668 : memref<64x512xf32, #tpu.memory_space<vmem>>[vector<16xi32>, vector<16xi32>], vector<16xf32>,
      %add3A_722 = arith.constant 11 : i32
      %add3A_723 = vector.broadcast %add3A_722 : i32 to vector<16xi32>
      %add3A_724 = arith.addi %shift_left3A_621, %add3A_723 : vector<16xi32>
      tpu.vector_store_idx %arg8[%select_n3A_615, %add3A_724], %gather3A_672 : memref<64x512xf32, #tpu.memory_space<vmem>>[vector<16xi32>, vector<16xi32>], vector<16xf32>,
      %add3A_725 = arith.constant 12 : i32
      %add3A_726 = vector.broadcast %add3A_725 : i32 to vector<16xi32>
      %add3A_727 = arith.addi %shift_left3A_621, %add3A_726 : vector<16xi32>
      tpu.vector_store_idx %arg8[%select_n3A_615, %add3A_727], %gather3A_676 : memref<64x512xf32, #tpu.memory_space<vmem>>[vector<16xi32>, vector<16xi32>], vector<16xf32>,
      %add3A_728 = arith.constant 13 : i32
      %add3A_729 = vector.broadcast %add3A_728 : i32 to vector<16xi32>
      %add3A_730 = arith.addi %shift_left3A_621, %add3A_729 : vector<16xi32>
      tpu.vector_store_idx %arg8[%select_n3A_615, %add3A_730], %gather3A_680 : memref<64x512xf32, #tpu.memory_space<vmem>>[vector<16xi32>, vector<16xi32>], vector<16xf32>,
      %add3A_731 = arith.constant 14 : i32
      %add3A_732 = vector.broadcast %add3A_731 : i32 to vector<16xi32>
      %add3A_733 = arith.addi %shift_left3A_621, %add3A_732 : vector<16xi32>
      tpu.vector_store_idx %arg8[%select_n3A_615, %add3A_733], %gather3A_684 : memref<64x512xf32, #tpu.memory_space<vmem>>[vector<16xi32>, vector<16xi32>], vector<16xf32>,
      %add3A_734 = arith.constant 15 : i32
      %add3A_735 = vector.broadcast %add3A_734 : i32 to vector<16xi32>
      %add3A_736 = arith.addi %shift_left3A_621, %add3A_735 : vector<16xi32>
      tpu.vector_store_idx %arg8[%select_n3A_615, %add3A_736], %gather3A_688 : memref<64x512xf32, #tpu.memory_space<vmem>>[vector<16xi32>, vector<16xi32>], vector<16xf32>,
      %add3A_737 = arith.constant 64 : i32
      %add3A_738 = arith.addi %mul3A_83, %add3A_737 : i32
      %add3A_739 = vector.broadcast %add3A_738 : i32 to vector<16xi32>
      %add3A_740 = arith.addi %add3A_739, %iota3A : vector<16xi32>
      %get3A_741 = arith.index_cast %scan3A_63 : i32 to index
      %get3A_742 = arith.constant 64 : index
      %get3A_743 = tpu.vector_load %arg5[%get3A_741, %get3A_742] {strides = array<i32>} : memref<104x128xi32, #tpu.memory_space<vmem>>, vector<16xi32>,
      %and3A_744 = arith.constant 7 : i32
      %and3A_745 = vector.broadcast %and3A_744 : i32 to vector<16xi32>
      %and3A_746 = arith.andi %get3A_743, %and3A_745 : vector<16xi32>
      %shift_left3A_747 = arith.constant 4 : i32
      %shift_left3A_748 = vector.broadcast %shift_left3A_747 : i32 to vector<16xi32>
      %shift_left3A_749 = arith.shli %and3A_746, %shift_left3A_748 : vector<16xi32>
      %jit3A_750 = arith.constant 26 : i32
      %div3A_751 = vector.broadcast %jit3A_750 : i32 to vector<16xi32>
      %div3A_752 = arith.divsi %add3A_740, %div3A_751 : vector<16xi32>
      %sign3A_753 = arith.constant 0 : i32
      %sign3A_754 = vector.broadcast %sign3A_753 : i32 to vector<16xi32>
      %sign3A_755 = arith.cmpi sgt, %add3A_740, %sign3A_754 : vector<16xi32>
      %sign3A_756 = arith.extui %sign3A_755 : vector<16xi1> to vector<16xi32>
      %sign3A_757 = arith.constant 0 : i32
      %sign3A_758 = vector.broadcast %sign3A_757 : i32 to vector<16xi32>
      %sign3A_759 = arith.cmpi slt, %add3A_740, %sign3A_758 : vector<16xi32>
      %sign3A_760 = arith.extui %sign3A_759 : vector<16xi1> to vector<16xi32>
      %sign3A_761 = arith.subi %sign3A_756, %sign3A_760 : vector<16xi32>
      %sign3A_762 = arith.constant 0 : i32
      %sign3A_763 = arith.cmpi sgt, %jit3A_750, %sign3A_762 : i32
      %sign3A_764 = arith.extui %sign3A_763 : i1 to i32
      %sign3A_765 = arith.constant 0 : i32
      %sign3A_766 = arith.cmpi slt, %jit3A_750, %sign3A_765 : i32
      %sign3A_767 = arith.extui %sign3A_766 : i1 to i32
      %sign3A_768 = arith.subi %sign3A_764, %sign3A_767 : i32
      %ne3A_769 = vector.broadcast %sign3A_768 : i32 to vector<16xi32>
      %ne3A_770 = arith.cmpi ne, %sign3A_761, %ne3A_769 : vector<16xi32>
      %rem3A_771 = vector.broadcast %jit3A_750 : i32 to vector<16xi32>
      %rem3A_772 = arith.remsi %add3A_740, %rem3A_771 : vector<16xi32>
      %ne3A_773 = arith.constant 0 : i32
      %ne3A_774 = vector.broadcast %ne3A_773 : i32 to vector<16xi32>
      %ne3A_775 = arith.cmpi ne, %rem3A_772, %ne3A_774 : vector<16xi32>
      %and3A_776 = arith.andi %ne3A_770, %ne3A_775 : vector<16xi1>
      %sub3A_777 = arith.constant 1 : i32
      %sub3A_778 = vector.broadcast %sub3A_777 : i32 to vector<16xi32>
      %sub3A_779 = arith.subi %div3A_752, %sub3A_778 : vector<16xi32>
      %select_n3A_780 = arith.select %and3A_776, %sub3A_779, %div3A_752 : vector<16xi1>, vector<16xi32>
      %rem3A_781 = arith.constant 26 : i32
      %rem3A_782 = vector.broadcast %rem3A_781 : i32 to vector<16xi32>
      %rem3A_783 = arith.remsi %add3A_740, %rem3A_782 : vector<16xi32>
      %shift_left3A_784 = arith.constant 4 : i32
      %shift_left3A_785 = vector.broadcast %shift_left3A_784 : i32 to vector<16xi32>
      %shift_left3A_786 = arith.shli %rem3A_783, %shift_left3A_785 : vector<16xi32>
      %broadcast_in_dim3A_787 = arith.constant 64 : i32
      %broadcast_in_dim3A_788 = vector.broadcast %broadcast_in_dim3A_787 : i32 to vector<16xi32>
      %add3A_789 = arith.addi %broadcast_in_dim3A_788, %iota3A : vector<16xi32>
      %add3A_790 = arith.constant 0 : i32
      %add3A_791 = vector.broadcast %add3A_790 : i32 to vector<16xi32>
      %add3A_792 = arith.addi %shift_left3A_749, %add3A_791 : vector<16xi32>
      %gather3A_793 = tpu.vector_load_idx %arg7[%broadcast_in_dim3A_86, %add3A_789, %add3A_792] : memref<4x128x128xf32, #tpu.memory_space<vmem>>[vector<16xi32>, vector<16xi32>, vector<16xi32>], vector<16xf32>,
      %add3A_794 = arith.constant 1 : i32
      %add3A_795 = vector.broadcast %add3A_794 : i32 to vector<16xi32>
      %add3A_796 = arith.addi %shift_left3A_749, %add3A_795 : vector<16xi32>
      %gather3A_797 = tpu.vector_load_idx %arg7[%broadcast_in_dim3A_86, %add3A_789, %add3A_796] : memref<4x128x128xf32, #tpu.memory_space<vmem>>[vector<16xi32>, vector<16xi32>, vector<16xi32>], vector<16xf32>,
      %add3A_798 = arith.constant 2 : i32
      %add3A_799 = vector.broadcast %add3A_798 : i32 to vector<16xi32>
      %add3A_800 = arith.addi %shift_left3A_749, %add3A_799 : vector<16xi32>
      %gather3A_801 = tpu.vector_load_idx %arg7[%broadcast_in_dim3A_86, %add3A_789, %add3A_800] : memref<4x128x128xf32, #tpu.memory_space<vmem>>[vector<16xi32>, vector<16xi32>, vector<16xi32>], vector<16xf32>,
      %add3A_802 = arith.constant 3 : i32
      %add3A_803 = vector.broadcast %add3A_802 : i32 to vector<16xi32>
      %add3A_804 = arith.addi %shift_left3A_749, %add3A_803 : vector<16xi32>
      %gather3A_805 = tpu.vector_load_idx %arg7[%broadcast_in_dim3A_86, %add3A_789, %add3A_804] : memref<4x128x128xf32, #tpu.memory_space<vmem>>[vector<16xi32>, vector<16xi32>, vector<16xi32>], vector<16xf32>,
      %add3A_806 = arith.constant 4 : i32
      %add3A_807 = vector.broadcast %add3A_806 : i32 to vector<16xi32>
      %add3A_808 = arith.addi %shift_left3A_749, %add3A_807 : vector<16xi32>
      %gather3A_809 = tpu.vector_load_idx %arg7[%broadcast_in_dim3A_86, %add3A_789, %add3A_808] : memref<4x128x128xf32, #tpu.memory_space<vmem>>[vector<16xi32>, vector<16xi32>, vector<16xi32>], vector<16xf32>,
      %add3A_810 = arith.constant 5 : i32
      %add3A_811 = vector.broadcast %add3A_810 : i32 to vector<16xi32>
      %add3A_812 = arith.addi %shift_left3A_749, %add3A_811 : vector<16xi32>
      %gather3A_813 = tpu.vector_load_idx %arg7[%broadcast_in_dim3A_86, %add3A_789, %add3A_812] : memref<4x128x128xf32, #tpu.memory_space<vmem>>[vector<16xi32>, vector<16xi32>, vector<16xi32>], vector<16xf32>,
      %add3A_814 = arith.constant 6 : i32
      %add3A_815 = vector.broadcast %add3A_814 : i32 to vector<16xi32>
      %add3A_816 = arith.addi %shift_left3A_749, %add3A_815 : vector<16xi32>
      %gather3A_817 = tpu.vector_load_idx %arg7[%broadcast_in_dim3A_86, %add3A_789, %add3A_816] : memref<4x128x128xf32, #tpu.memory_space<vmem>>[vector<16xi32>, vector<16xi32>, vector<16xi32>], vector<16xf32>,
      %add3A_818 = arith.constant 7 : i32
      %add3A_819 = vector.broadcast %add3A_818 : i32 to vector<16xi32>
      %add3A_820 = arith.addi %shift_left3A_749, %add3A_819 : vector<16xi32>
      %gather3A_821 = tpu.vector_load_idx %arg7[%broadcast_in_dim3A_86, %add3A_789, %add3A_820] : memref<4x128x128xf32, #tpu.memory_space<vmem>>[vector<16xi32>, vector<16xi32>, vector<16xi32>], vector<16xf32>,
      %add3A_822 = arith.constant 8 : i32
      %add3A_823 = vector.broadcast %add3A_822 : i32 to vector<16xi32>
      %add3A_824 = arith.addi %shift_left3A_749, %add3A_823 : vector<16xi32>
      %gather3A_825 = tpu.vector_load_idx %arg7[%broadcast_in_dim3A_86, %add3A_789, %add3A_824] : memref<4x128x128xf32, #tpu.memory_space<vmem>>[vector<16xi32>, vector<16xi32>, vector<16xi32>], vector<16xf32>,
      %add3A_826 = arith.constant 9 : i32
      %add3A_827 = vector.broadcast %add3A_826 : i32 to vector<16xi32>
      %add3A_828 = arith.addi %shift_left3A_749, %add3A_827 : vector<16xi32>
      %gather3A_829 = tpu.vector_load_idx %arg7[%broadcast_in_dim3A_86, %add3A_789, %add3A_828] : memref<4x128x128xf32, #tpu.memory_space<vmem>>[vector<16xi32>, vector<16xi32>, vector<16xi32>], vector<16xf32>,
      %add3A_830 = arith.constant 10 : i32
      %add3A_831 = vector.broadcast %add3A_830 : i32 to vector<16xi32>
      %add3A_832 = arith.addi %shift_left3A_749, %add3A_831 : vector<16xi32>
      %gather3A_833 = tpu.vector_load_idx %arg7[%broadcast_in_dim3A_86, %add3A_789, %add3A_832] : memref<4x128x128xf32, #tpu.memory_space<vmem>>[vector<16xi32>, vector<16xi32>, vector<16xi32>], vector<16xf32>,
      %add3A_834 = arith.constant 11 : i32
      %add3A_835 = vector.broadcast %add3A_834 : i32 to vector<16xi32>
      %add3A_836 = arith.addi %shift_left3A_749, %add3A_835 : vector<16xi32>
      %gather3A_837 = tpu.vector_load_idx %arg7[%broadcast_in_dim3A_86, %add3A_789, %add3A_836] : memref<4x128x128xf32, #tpu.memory_space<vmem>>[vector<16xi32>, vector<16xi32>, vector<16xi32>], vector<16xf32>,
      %add3A_838 = arith.constant 12 : i32
      %add3A_839 = vector.broadcast %add3A_838 : i32 to vector<16xi32>
      %add3A_840 = arith.addi %shift_left3A_749, %add3A_839 : vector<16xi32>
      %gather3A_841 = tpu.vector_load_idx %arg7[%broadcast_in_dim3A_86, %add3A_789, %add3A_840] : memref<4x128x128xf32, #tpu.memory_space<vmem>>[vector<16xi32>, vector<16xi32>, vector<16xi32>], vector<16xf32>,
      %add3A_842 = arith.constant 13 : i32
      %add3A_843 = vector.broadcast %add3A_842 : i32 to vector<16xi32>
      %add3A_844 = arith.addi %shift_left3A_749, %add3A_843 : vector<16xi32>
      %gather3A_845 = tpu.vector_load_idx %arg7[%broadcast_in_dim3A_86, %add3A_789, %add3A_844] : memref<4x128x128xf32, #tpu.memory_space<vmem>>[vector<16xi32>, vector<16xi32>, vector<16xi32>], vector<16xf32>,
      %add3A_846 = arith.constant 14 : i32
      %add3A_847 = vector.broadcast %add3A_846 : i32 to vector<16xi32>
      %add3A_848 = arith.addi %shift_left3A_749, %add3A_847 : vector<16xi32>
      %gather3A_849 = tpu.vector_load_idx %arg7[%broadcast_in_dim3A_86, %add3A_789, %add3A_848] : memref<4x128x128xf32, #tpu.memory_space<vmem>>[vector<16xi32>, vector<16xi32>, vector<16xi32>], vector<16xf32>,
      %add3A_850 = arith.constant 15 : i32
      %add3A_851 = vector.broadcast %add3A_850 : i32 to vector<16xi32>
      %add3A_852 = arith.addi %shift_left3A_749, %add3A_851 : vector<16xi32>
      %gather3A_853 = tpu.vector_load_idx %arg7[%broadcast_in_dim3A_86, %add3A_789, %add3A_852] : memref<4x128x128xf32, #tpu.memory_space<vmem>>[vector<16xi32>, vector<16xi32>, vector<16xi32>], vector<16xf32>,
      %add3A_854 = arith.constant 0 : i32
      %add3A_855 = vector.broadcast %add3A_854 : i32 to vector<16xi32>
      %add3A_856 = arith.addi %shift_left3A_786, %add3A_855 : vector<16xi32>
      tpu.vector_store_idx %arg8[%select_n3A_780, %add3A_856], %gather3A_793 : memref<64x512xf32, #tpu.memory_space<vmem>>[vector<16xi32>, vector<16xi32>], vector<16xf32>,
      %add3A_857 = arith.constant 1 : i32
      %add3A_858 = vector.broadcast %add3A_857 : i32 to vector<16xi32>
      %add3A_859 = arith.addi %shift_left3A_786, %add3A_858 : vector<16xi32>
      tpu.vector_store_idx %arg8[%select_n3A_780, %add3A_859], %gather3A_797 : memref<64x512xf32, #tpu.memory_space<vmem>>[vector<16xi32>, vector<16xi32>], vector<16xf32>,
      %add3A_860 = arith.constant 2 : i32
      %add3A_861 = vector.broadcast %add3A_860 : i32 to vector<16xi32>
      %add3A_862 = arith.addi %shift_left3A_786, %add3A_861 : vector<16xi32>
      tpu.vector_store_idx %arg8[%select_n3A_780, %add3A_862], %gather3A_801 : memref<64x512xf32, #tpu.memory_space<vmem>>[vector<16xi32>, vector<16xi32>], vector<16xf32>,
      %add3A_863 = arith.constant 3 : i32
      %add3A_864 = vector.broadcast %add3A_863 : i32 to vector<16xi32>
      %add3A_865 = arith.addi %shift_left3A_786, %add3A_864 : vector<16xi32>
      tpu.vector_store_idx %arg8[%select_n3A_780, %add3A_865], %gather3A_805 : memref<64x512xf32, #tpu.memory_space<vmem>>[vector<16xi32>, vector<16xi32>], vector<16xf32>,
      %add3A_866 = arith.constant 4 : i32
      %add3A_867 = vector.broadcast %add3A_866 : i32 to vector<16xi32>
      %add3A_868 = arith.addi %shift_left3A_786, %add3A_867 : vector<16xi32>
      tpu.vector_store_idx %arg8[%select_n3A_780, %add3A_868], %gather3A_809 : memref<64x512xf32, #tpu.memory_space<vmem>>[vector<16xi32>, vector<16xi32>], vector<16xf32>,
      %add3A_869 = arith.constant 5 : i32
      %add3A_870 = vector.broadcast %add3A_869 : i32 to vector<16xi32>
      %add3A_871 = arith.addi %shift_left3A_786, %add3A_870 : vector<16xi32>
      tpu.vector_store_idx %arg8[%select_n3A_780, %add3A_871], %gather3A_813 : memref<64x512xf32, #tpu.memory_space<vmem>>[vector<16xi32>, vector<16xi32>], vector<16xf32>,
      %add3A_872 = arith.constant 6 : i32
      %add3A_873 = vector.broadcast %add3A_872 : i32 to vector<16xi32>
      %add3A_874 = arith.addi %shift_left3A_786, %add3A_873 : vector<16xi32>
      tpu.vector_store_idx %arg8[%select_n3A_780, %add3A_874], %gather3A_817 : memref<64x512xf32, #tpu.memory_space<vmem>>[vector<16xi32>, vector<16xi32>], vector<16xf32>,
      %add3A_875 = arith.constant 7 : i32
      %add3A_876 = vector.broadcast %add3A_875 : i32 to vector<16xi32>
      %add3A_877 = arith.addi %shift_left3A_786, %add3A_876 : vector<16xi32>
      tpu.vector_store_idx %arg8[%select_n3A_780, %add3A_877], %gather3A_821 : memref<64x512xf32, #tpu.memory_space<vmem>>[vector<16xi32>, vector<16xi32>], vector<16xf32>,
      %add3A_878 = arith.constant 8 : i32
      %add3A_879 = vector.broadcast %add3A_878 : i32 to vector<16xi32>
      %add3A_880 = arith.addi %shift_left3A_786, %add3A_879 : vector<16xi32>
      tpu.vector_store_idx %arg8[%select_n3A_780, %add3A_880], %gather3A_825 : memref<64x512xf32, #tpu.memory_space<vmem>>[vector<16xi32>, vector<16xi32>], vector<16xf32>,
      %add3A_881 = arith.constant 9 : i32
      %add3A_882 = vector.broadcast %add3A_881 : i32 to vector<16xi32>
      %add3A_883 = arith.addi %shift_left3A_786, %add3A_882 : vector<16xi32>
      tpu.vector_store_idx %arg8[%select_n3A_780, %add3A_883], %gather3A_829 : memref<64x512xf32, #tpu.memory_space<vmem>>[vector<16xi32>, vector<16xi32>], vector<16xf32>,
      %add3A_884 = arith.constant 10 : i32
      %add3A_885 = vector.broadcast %add3A_884 : i32 to vector<16xi32>
      %add3A_886 = arith.addi %shift_left3A_786, %add3A_885 : vector<16xi32>
      tpu.vector_store_idx %arg8[%select_n3A_780, %add3A_886], %gather3A_833 : memref<64x512xf32, #tpu.memory_space<vmem>>[vector<16xi32>, vector<16xi32>], vector<16xf32>,
      %add3A_887 = arith.constant 11 : i32
      %add3A_888 = vector.broadcast %add3A_887 : i32 to vector<16xi32>
      %add3A_889 = arith.addi %shift_left3A_786, %add3A_888 : vector<16xi32>
      tpu.vector_store_idx %arg8[%select_n3A_780, %add3A_889], %gather3A_837 : memref<64x512xf32, #tpu.memory_space<vmem>>[vector<16xi32>, vector<16xi32>], vector<16xf32>,
      %add3A_890 = arith.constant 12 : i32
      %add3A_891 = vector.broadcast %add3A_890 : i32 to vector<16xi32>
      %add3A_892 = arith.addi %shift_left3A_786, %add3A_891 : vector<16xi32>
      tpu.vector_store_idx %arg8[%select_n3A_780, %add3A_892], %gather3A_841 : memref<64x512xf32, #tpu.memory_space<vmem>>[vector<16xi32>, vector<16xi32>], vector<16xf32>,
      %add3A_893 = arith.constant 13 : i32
      %add3A_894 = vector.broadcast %add3A_893 : i32 to vector<16xi32>
      %add3A_895 = arith.addi %shift_left3A_786, %add3A_894 : vector<16xi32>
      tpu.vector_store_idx %arg8[%select_n3A_780, %add3A_895], %gather3A_845 : memref<64x512xf32, #tpu.memory_space<vmem>>[vector<16xi32>, vector<16xi32>], vector<16xf32>,
      %add3A_896 = arith.constant 14 : i32
      %add3A_897 = vector.broadcast %add3A_896 : i32 to vector<16xi32>
      %add3A_898 = arith.addi %shift_left3A_786, %add3A_897 : vector<16xi32>
      tpu.vector_store_idx %arg8[%select_n3A_780, %add3A_898], %gather3A_849 : memref<64x512xf32, #tpu.memory_space<vmem>>[vector<16xi32>, vector<16xi32>], vector<16xf32>,
      %add3A_899 = arith.constant 15 : i32
      %add3A_900 = vector.broadcast %add3A_899 : i32 to vector<16xi32>
      %add3A_901 = arith.addi %shift_left3A_786, %add3A_900 : vector<16xi32>
      tpu.vector_store_idx %arg8[%select_n3A_780, %add3A_901], %gather3A_853 : memref<64x512xf32, #tpu.memory_space<vmem>>[vector<16xi32>, vector<16xi32>], vector<16xf32>,
      %add3A_902 = arith.constant 80 : i32
      %add3A_903 = arith.addi %mul3A_83, %add3A_902 : i32
      %add3A_904 = vector.broadcast %add3A_903 : i32 to vector<16xi32>
      %add3A_905 = arith.addi %add3A_904, %iota3A : vector<16xi32>
      %get3A_906 = arith.index_cast %scan3A_63 : i32 to index
      %get3A_907 = arith.constant 80 : index
      %get3A_908 = tpu.vector_load %arg5[%get3A_906, %get3A_907] {strides = array<i32>} : memref<104x128xi32, #tpu.memory_space<vmem>>, vector<16xi32>,
      %and3A_909 = arith.constant 7 : i32
      %and3A_910 = vector.broadcast %and3A_909 : i32 to vector<16xi32>
      %and3A_911 = arith.andi %get3A_908, %and3A_910 : vector<16xi32>
      %shift_left3A_912 = arith.constant 4 : i32
      %shift_left3A_913 = vector.broadcast %shift_left3A_912 : i32 to vector<16xi32>
      %shift_left3A_914 = arith.shli %and3A_911, %shift_left3A_913 : vector<16xi32>
      %jit3A_915 = arith.constant 26 : i32
      %div3A_916 = vector.broadcast %jit3A_915 : i32 to vector<16xi32>
      %div3A_917 = arith.divsi %add3A_905, %div3A_916 : vector<16xi32>
      %sign3A_918 = arith.constant 0 : i32
      %sign3A_919 = vector.broadcast %sign3A_918 : i32 to vector<16xi32>
      %sign3A_920 = arith.cmpi sgt, %add3A_905, %sign3A_919 : vector<16xi32>
      %sign3A_921 = arith.extui %sign3A_920 : vector<16xi1> to vector<16xi32>
      %sign3A_922 = arith.constant 0 : i32
      %sign3A_923 = vector.broadcast %sign3A_922 : i32 to vector<16xi32>
      %sign3A_924 = arith.cmpi slt, %add3A_905, %sign3A_923 : vector<16xi32>
      %sign3A_925 = arith.extui %sign3A_924 : vector<16xi1> to vector<16xi32>
      %sign3A_926 = arith.subi %sign3A_921, %sign3A_925 : vector<16xi32>
      %sign3A_927 = arith.constant 0 : i32
      %sign3A_928 = arith.cmpi sgt, %jit3A_915, %sign3A_927 : i32
      %sign3A_929 = arith.extui %sign3A_928 : i1 to i32
      %sign3A_930 = arith.constant 0 : i32
      %sign3A_931 = arith.cmpi slt, %jit3A_915, %sign3A_930 : i32
      %sign3A_932 = arith.extui %sign3A_931 : i1 to i32
      %sign3A_933 = arith.subi %sign3A_929, %sign3A_932 : i32
      %ne3A_934 = vector.broadcast %sign3A_933 : i32 to vector<16xi32>
      %ne3A_935 = arith.cmpi ne, %sign3A_926, %ne3A_934 : vector<16xi32>
      %rem3A_936 = vector.broadcast %jit3A_915 : i32 to vector<16xi32>
      %rem3A_937 = arith.remsi %add3A_905, %rem3A_936 : vector<16xi32>
      %ne3A_938 = arith.constant 0 : i32
      %ne3A_939 = vector.broadcast %ne3A_938 : i32 to vector<16xi32>
      %ne3A_940 = arith.cmpi ne, %rem3A_937, %ne3A_939 : vector<16xi32>
      %and3A_941 = arith.andi %ne3A_935, %ne3A_940 : vector<16xi1>
      %sub3A_942 = arith.constant 1 : i32
      %sub3A_943 = vector.broadcast %sub3A_942 : i32 to vector<16xi32>
      %sub3A_944 = arith.subi %div3A_917, %sub3A_943 : vector<16xi32>
      %select_n3A_945 = arith.select %and3A_941, %sub3A_944, %div3A_917 : vector<16xi1>, vector<16xi32>
      %rem3A_946 = arith.constant 26 : i32
      %rem3A_947 = vector.broadcast %rem3A_946 : i32 to vector<16xi32>
      %rem3A_948 = arith.remsi %add3A_905, %rem3A_947 : vector<16xi32>
      %shift_left3A_949 = arith.constant 4 : i32
      %shift_left3A_950 = vector.broadcast %shift_left3A_949 : i32 to vector<16xi32>
      %shift_left3A_951 = arith.shli %rem3A_948, %shift_left3A_950 : vector<16xi32>
      %broadcast_in_dim3A_952 = arith.constant 80 : i32
      %broadcast_in_dim3A_953 = vector.broadcast %broadcast_in_dim3A_952 : i32 to vector<16xi32>
      %add3A_954 = arith.addi %broadcast_in_dim3A_953, %iota3A : vector<16xi32>
      %add3A_955 = arith.constant 0 : i32
      %add3A_956 = vector.broadcast %add3A_955 : i32 to vector<16xi32>
      %add3A_957 = arith.addi %shift_left3A_914, %add3A_956 : vector<16xi32>
      %gather3A_958 = tpu.vector_load_idx %arg7[%broadcast_in_dim3A_86, %add3A_954, %add3A_957] : memref<4x128x128xf32, #tpu.memory_space<vmem>>[vector<16xi32>, vector<16xi32>, vector<16xi32>], vector<16xf32>,
      %add3A_959 = arith.constant 1 : i32
      %add3A_960 = vector.broadcast %add3A_959 : i32 to vector<16xi32>
      %add3A_961 = arith.addi %shift_left3A_914, %add3A_960 : vector<16xi32>
      %gather3A_962 = tpu.vector_load_idx %arg7[%broadcast_in_dim3A_86, %add3A_954, %add3A_961] : memref<4x128x128xf32, #tpu.memory_space<vmem>>[vector<16xi32>, vector<16xi32>, vector<16xi32>], vector<16xf32>,
      %add3A_963 = arith.constant 2 : i32
      %add3A_964 = vector.broadcast %add3A_963 : i32 to vector<16xi32>
      %add3A_965 = arith.addi %shift_left3A_914, %add3A_964 : vector<16xi32>
      %gather3A_966 = tpu.vector_load_idx %arg7[%broadcast_in_dim3A_86, %add3A_954, %add3A_965] : memref<4x128x128xf32, #tpu.memory_space<vmem>>[vector<16xi32>, vector<16xi32>, vector<16xi32>], vector<16xf32>,
      %add3A_967 = arith.constant 3 : i32
      %add3A_968 = vector.broadcast %add3A_967 : i32 to vector<16xi32>
      %add3A_969 = arith.addi %shift_left3A_914, %add3A_968 : vector<16xi32>
      %gather3A_970 = tpu.vector_load_idx %arg7[%broadcast_in_dim3A_86, %add3A_954, %add3A_969] : memref<4x128x128xf32, #tpu.memory_space<vmem>>[vector<16xi32>, vector<16xi32>, vector<16xi32>], vector<16xf32>,
      %add3A_971 = arith.constant 4 : i32
      %add3A_972 = vector.broadcast %add3A_971 : i32 to vector<16xi32>
      %add3A_973 = arith.addi %shift_left3A_914, %add3A_972 : vector<16xi32>
      %gather3A_974 = tpu.vector_load_idx %arg7[%broadcast_in_dim3A_86, %add3A_954, %add3A_973] : memref<4x128x128xf32, #tpu.memory_space<vmem>>[vector<16xi32>, vector<16xi32>, vector<16xi32>], vector<16xf32>,
      %add3A_975 = arith.constant 5 : i32
      %add3A_976 = vector.broadcast %add3A_975 : i32 to vector<16xi32>
      %add3A_977 = arith.addi %shift_left3A_914, %add3A_976 : vector<16xi32>
      %gather3A_978 = tpu.vector_load_idx %arg7[%broadcast_in_dim3A_86, %add3A_954, %add3A_977] : memref<4x128x128xf32, #tpu.memory_space<vmem>>[vector<16xi32>, vector<16xi32>, vector<16xi32>], vector<16xf32>,
      %add3A_979 = arith.constant 6 : i32
      %add3A_980 = vector.broadcast %add3A_979 : i32 to vector<16xi32>
      %add3A_981 = arith.addi %shift_left3A_914, %add3A_980 : vector<16xi32>
      %gather3A_982 = tpu.vector_load_idx %arg7[%broadcast_in_dim3A_86, %add3A_954, %add3A_981] : memref<4x128x128xf32, #tpu.memory_space<vmem>>[vector<16xi32>, vector<16xi32>, vector<16xi32>], vector<16xf32>,
      %add3A_983 = arith.constant 7 : i32
      %add3A_984 = vector.broadcast %add3A_983 : i32 to vector<16xi32>
      %add3A_985 = arith.addi %shift_left3A_914, %add3A_984 : vector<16xi32>
      %gather3A_986 = tpu.vector_load_idx %arg7[%broadcast_in_dim3A_86, %add3A_954, %add3A_985] : memref<4x128x128xf32, #tpu.memory_space<vmem>>[vector<16xi32>, vector<16xi32>, vector<16xi32>], vector<16xf32>,
      %add3A_987 = arith.constant 8 : i32
      %add3A_988 = vector.broadcast %add3A_987 : i32 to vector<16xi32>
      %add3A_989 = arith.addi %shift_left3A_914, %add3A_988 : vector<16xi32>
      %gather3A_990 = tpu.vector_load_idx %arg7[%broadcast_in_dim3A_86, %add3A_954, %add3A_989] : memref<4x128x128xf32, #tpu.memory_space<vmem>>[vector<16xi32>, vector<16xi32>, vector<16xi32>], vector<16xf32>,
      %add3A_991 = arith.constant 9 : i32
      %add3A_992 = vector.broadcast %add3A_991 : i32 to vector<16xi32>
      %add3A_993 = arith.addi %shift_left3A_914, %add3A_992 : vector<16xi32>
      %gather3A_994 = tpu.vector_load_idx %arg7[%broadcast_in_dim3A_86, %add3A_954, %add3A_993] : memref<4x128x128xf32, #tpu.memory_space<vmem>>[vector<16xi32>, vector<16xi32>, vector<16xi32>], vector<16xf32>,
      %add3A_995 = arith.constant 10 : i32
      %add3A_996 = vector.broadcast %add3A_995 : i32 to vector<16xi32>
      %add3A_997 = arith.addi %shift_left3A_914, %add3A_996 : vector<16xi32>
      %gather3A_998 = tpu.vector_load_idx %arg7[%broadcast_in_dim3A_86, %add3A_954, %add3A_997] : memref<4x128x128xf32, #tpu.memory_space<vmem>>[vector<16xi32>, vector<16xi32>, vector<16xi32>], vector<16xf32>,
      %add3A_999 = arith.constant 11 : i32
      %add3A_1000 = vector.broadcast %add3A_999 : i32 to vector<16xi32>
      %add3A_1001 = arith.addi %shift_left3A_914, %add3A_1000 : vector<16xi32>
      %gather3A_1002 = tpu.vector_load_idx %arg7[%broadcast_in_dim3A_86, %add3A_954, %add3A_1001] : memref<4x128x128xf32, #tpu.memory_space<vmem>>[vector<16xi32>, vector<16xi32>, vector<16xi32>], vector<16xf32>,
      %add3A_1003 = arith.constant 12 : i32
      %add3A_1004 = vector.broadcast %add3A_1003 : i32 to vector<16xi32>
      %add3A_1005 = arith.addi %shift_left3A_914, %add3A_1004 : vector<16xi32>
      %gather3A_1006 = tpu.vector_load_idx %arg7[%broadcast_in_dim3A_86, %add3A_954, %add3A_1005] : memref<4x128x128xf32, #tpu.memory_space<vmem>>[vector<16xi32>, vector<16xi32>, vector<16xi32>], vector<16xf32>,
      %add3A_1007 = arith.constant 13 : i32
      %add3A_1008 = vector.broadcast %add3A_1007 : i32 to vector<16xi32>
      %add3A_1009 = arith.addi %shift_left3A_914, %add3A_1008 : vector<16xi32>
      %gather3A_1010 = tpu.vector_load_idx %arg7[%broadcast_in_dim3A_86, %add3A_954, %add3A_1009] : memref<4x128x128xf32, #tpu.memory_space<vmem>>[vector<16xi32>, vector<16xi32>, vector<16xi32>], vector<16xf32>,
      %add3A_1011 = arith.constant 14 : i32
      %add3A_1012 = vector.broadcast %add3A_1011 : i32 to vector<16xi32>
      %add3A_1013 = arith.addi %shift_left3A_914, %add3A_1012 : vector<16xi32>
      %gather3A_1014 = tpu.vector_load_idx %arg7[%broadcast_in_dim3A_86, %add3A_954, %add3A_1013] : memref<4x128x128xf32, #tpu.memory_space<vmem>>[vector<16xi32>, vector<16xi32>, vector<16xi32>], vector<16xf32>,
      %add3A_1015 = arith.constant 15 : i32
      %add3A_1016 = vector.broadcast %add3A_1015 : i32 to vector<16xi32>
      %add3A_1017 = arith.addi %shift_left3A_914, %add3A_1016 : vector<16xi32>
      %gather3A_1018 = tpu.vector_load_idx %arg7[%broadcast_in_dim3A_86, %add3A_954, %add3A_1017] : memref<4x128x128xf32, #tpu.memory_space<vmem>>[vector<16xi32>, vector<16xi32>, vector<16xi32>], vector<16xf32>,
      %add3A_1019 = arith.constant 0 : i32
      %add3A_1020 = vector.broadcast %add3A_1019 : i32 to vector<16xi32>
      %add3A_1021 = arith.addi %shift_left3A_951, %add3A_1020 : vector<16xi32>
      tpu.vector_store_idx %arg8[%select_n3A_945, %add3A_1021], %gather3A_958 : memref<64x512xf32, #tpu.memory_space<vmem>>[vector<16xi32>, vector<16xi32>], vector<16xf32>,
      %add3A_1022 = arith.constant 1 : i32
      %add3A_1023 = vector.broadcast %add3A_1022 : i32 to vector<16xi32>
      %add3A_1024 = arith.addi %shift_left3A_951, %add3A_1023 : vector<16xi32>
      tpu.vector_store_idx %arg8[%select_n3A_945, %add3A_1024], %gather3A_962 : memref<64x512xf32, #tpu.memory_space<vmem>>[vector<16xi32>, vector<16xi32>], vector<16xf32>,
      %add3A_1025 = arith.constant 2 : i32
      %add3A_1026 = vector.broadcast %add3A_1025 : i32 to vector<16xi32>
      %add3A_1027 = arith.addi %shift_left3A_951, %add3A_1026 : vector<16xi32>
      tpu.vector_store_idx %arg8[%select_n3A_945, %add3A_1027], %gather3A_966 : memref<64x512xf32, #tpu.memory_space<vmem>>[vector<16xi32>, vector<16xi32>], vector<16xf32>,
      %add3A_1028 = arith.constant 3 : i32
      %add3A_1029 = vector.broadcast %add3A_1028 : i32 to vector<16xi32>
      %add3A_1030 = arith.addi %shift_left3A_951, %add3A_1029 : vector<16xi32>
      tpu.vector_store_idx %arg8[%select_n3A_945, %add3A_1030], %gather3A_970 : memref<64x512xf32, #tpu.memory_space<vmem>>[vector<16xi32>, vector<16xi32>], vector<16xf32>,
      %add3A_1031 = arith.constant 4 : i32
      %add3A_1032 = vector.broadcast %add3A_1031 : i32 to vector<16xi32>
      %add3A_1033 = arith.addi %shift_left3A_951, %add3A_1032 : vector<16xi32>
      tpu.vector_store_idx %arg8[%select_n3A_945, %add3A_1033], %gather3A_974 : memref<64x512xf32, #tpu.memory_space<vmem>>[vector<16xi32>, vector<16xi32>], vector<16xf32>,
      %add3A_1034 = arith.constant 5 : i32
      %add3A_1035 = vector.broadcast %add3A_1034 : i32 to vector<16xi32>
      %add3A_1036 = arith.addi %shift_left3A_951, %add3A_1035 : vector<16xi32>
      tpu.vector_store_idx %arg8[%select_n3A_945, %add3A_1036], %gather3A_978 : memref<64x512xf32, #tpu.memory_space<vmem>>[vector<16xi32>, vector<16xi32>], vector<16xf32>,
      %add3A_1037 = arith.constant 6 : i32
      %add3A_1038 = vector.broadcast %add3A_1037 : i32 to vector<16xi32>
      %add3A_1039 = arith.addi %shift_left3A_951, %add3A_1038 : vector<16xi32>
      tpu.vector_store_idx %arg8[%select_n3A_945, %add3A_1039], %gather3A_982 : memref<64x512xf32, #tpu.memory_space<vmem>>[vector<16xi32>, vector<16xi32>], vector<16xf32>,
      %add3A_1040 = arith.constant 7 : i32
      %add3A_1041 = vector.broadcast %add3A_1040 : i32 to vector<16xi32>
      %add3A_1042 = arith.addi %shift_left3A_951, %add3A_1041 : vector<16xi32>
      tpu.vector_store_idx %arg8[%select_n3A_945, %add3A_1042], %gather3A_986 : memref<64x512xf32, #tpu.memory_space<vmem>>[vector<16xi32>, vector<16xi32>], vector<16xf32>,
      %add3A_1043 = arith.constant 8 : i32
      %add3A_1044 = vector.broadcast %add3A_1043 : i32 to vector<16xi32>
      %add3A_1045 = arith.addi %shift_left3A_951, %add3A_1044 : vector<16xi32>
      tpu.vector_store_idx %arg8[%select_n3A_945, %add3A_1045], %gather3A_990 : memref<64x512xf32, #tpu.memory_space<vmem>>[vector<16xi32>, vector<16xi32>], vector<16xf32>,
      %add3A_1046 = arith.constant 9 : i32
      %add3A_1047 = vector.broadcast %add3A_1046 : i32 to vector<16xi32>
      %add3A_1048 = arith.addi %shift_left3A_951, %add3A_1047 : vector<16xi32>
      tpu.vector_store_idx %arg8[%select_n3A_945, %add3A_1048], %gather3A_994 : memref<64x512xf32, #tpu.memory_space<vmem>>[vector<16xi32>, vector<16xi32>], vector<16xf32>,
      %add3A_1049 = arith.constant 10 : i32
      %add3A_1050 = vector.broadcast %add3A_1049 : i32 to vector<16xi32>
      %add3A_1051 = arith.addi %shift_left3A_951, %add3A_1050 : vector<16xi32>
      tpu.vector_store_idx %arg8[%select_n3A_945, %add3A_1051], %gather3A_998 : memref<64x512xf32, #tpu.memory_space<vmem>>[vector<16xi32>, vector<16xi32>], vector<16xf32>,
      %add3A_1052 = arith.constant 11 : i32
      %add3A_1053 = vector.broadcast %add3A_1052 : i32 to vector<16xi32>
      %add3A_1054 = arith.addi %shift_left3A_951, %add3A_1053 : vector<16xi32>
      tpu.vector_store_idx %arg8[%select_n3A_945, %add3A_1054], %gather3A_1002 : memref<64x512xf32, #tpu.memory_space<vmem>>[vector<16xi32>, vector<16xi32>], vector<16xf32>,
      %add3A_1055 = arith.constant 12 : i32
      %add3A_1056 = vector.broadcast %add3A_1055 : i32 to vector<16xi32>
      %add3A_1057 = arith.addi %shift_left3A_951, %add3A_1056 : vector<16xi32>
      tpu.vector_store_idx %arg8[%select_n3A_945, %add3A_1057], %gather3A_1006 : memref<64x512xf32, #tpu.memory_space<vmem>>[vector<16xi32>, vector<16xi32>], vector<16xf32>,
      %add3A_1058 = arith.constant 13 : i32
      %add3A_1059 = vector.broadcast %add3A_1058 : i32 to vector<16xi32>
      %add3A_1060 = arith.addi %shift_left3A_951, %add3A_1059 : vector<16xi32>
      tpu.vector_store_idx %arg8[%select_n3A_945, %add3A_1060], %gather3A_1010 : memref<64x512xf32, #tpu.memory_space<vmem>>[vector<16xi32>, vector<16xi32>], vector<16xf32>,
      %add3A_1061 = arith.constant 14 : i32
      %add3A_1062 = vector.broadcast %add3A_1061 : i32 to vector<16xi32>
      %add3A_1063 = arith.addi %shift_left3A_951, %add3A_1062 : vector<16xi32>
      tpu.vector_store_idx %arg8[%select_n3A_945, %add3A_1063], %gather3A_1014 : memref<64x512xf32, #tpu.memory_space<vmem>>[vector<16xi32>, vector<16xi32>], vector<16xf32>,
      %add3A_1064 = arith.constant 15 : i32
      %add3A_1065 = vector.broadcast %add3A_1064 : i32 to vector<16xi32>
      %add3A_1066 = arith.addi %shift_left3A_951, %add3A_1065 : vector<16xi32>
      tpu.vector_store_idx %arg8[%select_n3A_945, %add3A_1066], %gather3A_1018 : memref<64x512xf32, #tpu.memory_space<vmem>>[vector<16xi32>, vector<16xi32>], vector<16xf32>,
      %add3A_1067 = arith.constant 96 : i32
      %add3A_1068 = arith.addi %mul3A_83, %add3A_1067 : i32
      %add3A_1069 = vector.broadcast %add3A_1068 : i32 to vector<16xi32>
      %add3A_1070 = arith.addi %add3A_1069, %iota3A : vector<16xi32>
      %get3A_1071 = arith.index_cast %scan3A_63 : i32 to index
      %get3A_1072 = arith.constant 96 : index
      %get3A_1073 = tpu.vector_load %arg5[%get3A_1071, %get3A_1072] {strides = array<i32>} : memref<104x128xi32, #tpu.memory_space<vmem>>, vector<16xi32>,
      %and3A_1074 = arith.constant 7 : i32
      %and3A_1075 = vector.broadcast %and3A_1074 : i32 to vector<16xi32>
      %and3A_1076 = arith.andi %get3A_1073, %and3A_1075 : vector<16xi32>
      %shift_left3A_1077 = arith.constant 4 : i32
      %shift_left3A_1078 = vector.broadcast %shift_left3A_1077 : i32 to vector<16xi32>
      %shift_left3A_1079 = arith.shli %and3A_1076, %shift_left3A_1078 : vector<16xi32>
      %jit3A_1080 = arith.constant 26 : i32
      %div3A_1081 = vector.broadcast %jit3A_1080 : i32 to vector<16xi32>
      %div3A_1082 = arith.divsi %add3A_1070, %div3A_1081 : vector<16xi32>
      %sign3A_1083 = arith.constant 0 : i32
      %sign3A_1084 = vector.broadcast %sign3A_1083 : i32 to vector<16xi32>
      %sign3A_1085 = arith.cmpi sgt, %add3A_1070, %sign3A_1084 : vector<16xi32>
      %sign3A_1086 = arith.extui %sign3A_1085 : vector<16xi1> to vector<16xi32>
      %sign3A_1087 = arith.constant 0 : i32
      %sign3A_1088 = vector.broadcast %sign3A_1087 : i32 to vector<16xi32>
      %sign3A_1089 = arith.cmpi slt, %add3A_1070, %sign3A_1088 : vector<16xi32>
      %sign3A_1090 = arith.extui %sign3A_1089 : vector<16xi1> to vector<16xi32>
      %sign3A_1091 = arith.subi %sign3A_1086, %sign3A_1090 : vector<16xi32>
      %sign3A_1092 = arith.constant 0 : i32
      %sign3A_1093 = arith.cmpi sgt, %jit3A_1080, %sign3A_1092 : i32
      %sign3A_1094 = arith.extui %sign3A_1093 : i1 to i32
      %sign3A_1095 = arith.constant 0 : i32
      %sign3A_1096 = arith.cmpi slt, %jit3A_1080, %sign3A_1095 : i32
      %sign3A_1097 = arith.extui %sign3A_1096 : i1 to i32
      %sign3A_1098 = arith.subi %sign3A_1094, %sign3A_1097 : i32
      %ne3A_1099 = vector.broadcast %sign3A_1098 : i32 to vector<16xi32>
      %ne3A_1100 = arith.cmpi ne, %sign3A_1091, %ne3A_1099 : vector<16xi32>
      %rem3A_1101 = vector.broadcast %jit3A_1080 : i32 to vector<16xi32>
      %rem3A_1102 = arith.remsi %add3A_1070, %rem3A_1101 : vector<16xi32>
      %ne3A_1103 = arith.constant 0 : i32
      %ne3A_1104 = vector.broadcast %ne3A_1103 : i32 to vector<16xi32>
      %ne3A_1105 = arith.cmpi ne, %rem3A_1102, %ne3A_1104 : vector<16xi32>
      %and3A_1106 = arith.andi %ne3A_1100, %ne3A_1105 : vector<16xi1>
      %sub3A_1107 = arith.constant 1 : i32
      %sub3A_1108 = vector.broadcast %sub3A_1107 : i32 to vector<16xi32>
      %sub3A_1109 = arith.subi %div3A_1082, %sub3A_1108 : vector<16xi32>
      %select_n3A_1110 = arith.select %and3A_1106, %sub3A_1109, %div3A_1082 : vector<16xi1>, vector<16xi32>
      %rem3A_1111 = arith.constant 26 : i32
      %rem3A_1112 = vector.broadcast %rem3A_1111 : i32 to vector<16xi32>
      %rem3A_1113 = arith.remsi %add3A_1070, %rem3A_1112 : vector<16xi32>
      %shift_left3A_1114 = arith.constant 4 : i32
      %shift_left3A_1115 = vector.broadcast %shift_left3A_1114 : i32 to vector<16xi32>
      %shift_left3A_1116 = arith.shli %rem3A_1113, %shift_left3A_1115 : vector<16xi32>
      %broadcast_in_dim3A_1117 = arith.constant 96 : i32
      %broadcast_in_dim3A_1118 = vector.broadcast %broadcast_in_dim3A_1117 : i32 to vector<16xi32>
      %add3A_1119 = arith.addi %broadcast_in_dim3A_1118, %iota3A : vector<16xi32>
      %add3A_1120 = arith.constant 0 : i32
      %add3A_1121 = vector.broadcast %add3A_1120 : i32 to vector<16xi32>
      %add3A_1122 = arith.addi %shift_left3A_1079, %add3A_1121 : vector<16xi32>
      %gather3A_1123 = tpu.vector_load_idx %arg7[%broadcast_in_dim3A_86, %add3A_1119, %add3A_1122] : memref<4x128x128xf32, #tpu.memory_space<vmem>>[vector<16xi32>, vector<16xi32>, vector<16xi32>], vector<16xf32>,
      %add3A_1124 = arith.constant 1 : i32
      %add3A_1125 = vector.broadcast %add3A_1124 : i32 to vector<16xi32>
      %add3A_1126 = arith.addi %shift_left3A_1079, %add3A_1125 : vector<16xi32>
      %gather3A_1127 = tpu.vector_load_idx %arg7[%broadcast_in_dim3A_86, %add3A_1119, %add3A_1126] : memref<4x128x128xf32, #tpu.memory_space<vmem>>[vector<16xi32>, vector<16xi32>, vector<16xi32>], vector<16xf32>,
      %add3A_1128 = arith.constant 2 : i32
      %add3A_1129 = vector.broadcast %add3A_1128 : i32 to vector<16xi32>
      %add3A_1130 = arith.addi %shift_left3A_1079, %add3A_1129 : vector<16xi32>
      %gather3A_1131 = tpu.vector_load_idx %arg7[%broadcast_in_dim3A_86, %add3A_1119, %add3A_1130] : memref<4x128x128xf32, #tpu.memory_space<vmem>>[vector<16xi32>, vector<16xi32>, vector<16xi32>], vector<16xf32>,
      %add3A_1132 = arith.constant 3 : i32
      %add3A_1133 = vector.broadcast %add3A_1132 : i32 to vector<16xi32>
      %add3A_1134 = arith.addi %shift_left3A_1079, %add3A_1133 : vector<16xi32>
      %gather3A_1135 = tpu.vector_load_idx %arg7[%broadcast_in_dim3A_86, %add3A_1119, %add3A_1134] : memref<4x128x128xf32, #tpu.memory_space<vmem>>[vector<16xi32>, vector<16xi32>, vector<16xi32>], vector<16xf32>,
      %add3A_1136 = arith.constant 4 : i32
      %add3A_1137 = vector.broadcast %add3A_1136 : i32 to vector<16xi32>
      %add3A_1138 = arith.addi %shift_left3A_1079, %add3A_1137 : vector<16xi32>
      %gather3A_1139 = tpu.vector_load_idx %arg7[%broadcast_in_dim3A_86, %add3A_1119, %add3A_1138] : memref<4x128x128xf32, #tpu.memory_space<vmem>>[vector<16xi32>, vector<16xi32>, vector<16xi32>], vector<16xf32>,
      %add3A_1140 = arith.constant 5 : i32
      %add3A_1141 = vector.broadcast %add3A_1140 : i32 to vector<16xi32>
      %add3A_1142 = arith.addi %shift_left3A_1079, %add3A_1141 : vector<16xi32>
      %gather3A_1143 = tpu.vector_load_idx %arg7[%broadcast_in_dim3A_86, %add3A_1119, %add3A_1142] : memref<4x128x128xf32, #tpu.memory_space<vmem>>[vector<16xi32>, vector<16xi32>, vector<16xi32>], vector<16xf32>,
      %add3A_1144 = arith.constant 6 : i32
      %add3A_1145 = vector.broadcast %add3A_1144 : i32 to vector<16xi32>
      %add3A_1146 = arith.addi %shift_left3A_1079, %add3A_1145 : vector<16xi32>
      %gather3A_1147 = tpu.vector_load_idx %arg7[%broadcast_in_dim3A_86, %add3A_1119, %add3A_1146] : memref<4x128x128xf32, #tpu.memory_space<vmem>>[vector<16xi32>, vector<16xi32>, vector<16xi32>], vector<16xf32>,
      %add3A_1148 = arith.constant 7 : i32
      %add3A_1149 = vector.broadcast %add3A_1148 : i32 to vector<16xi32>
      %add3A_1150 = arith.addi %shift_left3A_1079, %add3A_1149 : vector<16xi32>
      %gather3A_1151 = tpu.vector_load_idx %arg7[%broadcast_in_dim3A_86, %add3A_1119, %add3A_1150] : memref<4x128x128xf32, #tpu.memory_space<vmem>>[vector<16xi32>, vector<16xi32>, vector<16xi32>], vector<16xf32>,
      %add3A_1152 = arith.constant 8 : i32
      %add3A_1153 = vector.broadcast %add3A_1152 : i32 to vector<16xi32>
      %add3A_1154 = arith.addi %shift_left3A_1079, %add3A_1153 : vector<16xi32>
      %gather3A_1155 = tpu.vector_load_idx %arg7[%broadcast_in_dim3A_86, %add3A_1119, %add3A_1154] : memref<4x128x128xf32, #tpu.memory_space<vmem>>[vector<16xi32>, vector<16xi32>, vector<16xi32>], vector<16xf32>,
      %add3A_1156 = arith.constant 9 : i32
      %add3A_1157 = vector.broadcast %add3A_1156 : i32 to vector<16xi32>
      %add3A_1158 = arith.addi %shift_left3A_1079, %add3A_1157 : vector<16xi32>
      %gather3A_1159 = tpu.vector_load_idx %arg7[%broadcast_in_dim3A_86, %add3A_1119, %add3A_1158] : memref<4x128x128xf32, #tpu.memory_space<vmem>>[vector<16xi32>, vector<16xi32>, vector<16xi32>], vector<16xf32>,
      %add3A_1160 = arith.constant 10 : i32
      %add3A_1161 = vector.broadcast %add3A_1160 : i32 to vector<16xi32>
      %add3A_1162 = arith.addi %shift_left3A_1079, %add3A_1161 : vector<16xi32>
      %gather3A_1163 = tpu.vector_load_idx %arg7[%broadcast_in_dim3A_86, %add3A_1119, %add3A_1162] : memref<4x128x128xf32, #tpu.memory_space<vmem>>[vector<16xi32>, vector<16xi32>, vector<16xi32>], vector<16xf32>,
      %add3A_1164 = arith.constant 11 : i32
      %add3A_1165 = vector.broadcast %add3A_1164 : i32 to vector<16xi32>
      %add3A_1166 = arith.addi %shift_left3A_1079, %add3A_1165 : vector<16xi32>
      %gather3A_1167 = tpu.vector_load_idx %arg7[%broadcast_in_dim3A_86, %add3A_1119, %add3A_1166] : memref<4x128x128xf32, #tpu.memory_space<vmem>>[vector<16xi32>, vector<16xi32>, vector<16xi32>], vector<16xf32>,
      %add3A_1168 = arith.constant 12 : i32
      %add3A_1169 = vector.broadcast %add3A_1168 : i32 to vector<16xi32>
      %add3A_1170 = arith.addi %shift_left3A_1079, %add3A_1169 : vector<16xi32>
      %gather3A_1171 = tpu.vector_load_idx %arg7[%broadcast_in_dim3A_86, %add3A_1119, %add3A_1170] : memref<4x128x128xf32, #tpu.memory_space<vmem>>[vector<16xi32>, vector<16xi32>, vector<16xi32>], vector<16xf32>,
      %add3A_1172 = arith.constant 13 : i32
      %add3A_1173 = vector.broadcast %add3A_1172 : i32 to vector<16xi32>
      %add3A_1174 = arith.addi %shift_left3A_1079, %add3A_1173 : vector<16xi32>
      %gather3A_1175 = tpu.vector_load_idx %arg7[%broadcast_in_dim3A_86, %add3A_1119, %add3A_1174] : memref<4x128x128xf32, #tpu.memory_space<vmem>>[vector<16xi32>, vector<16xi32>, vector<16xi32>], vector<16xf32>,
      %add3A_1176 = arith.constant 14 : i32
      %add3A_1177 = vector.broadcast %add3A_1176 : i32 to vector<16xi32>
      %add3A_1178 = arith.addi %shift_left3A_1079, %add3A_1177 : vector<16xi32>
      %gather3A_1179 = tpu.vector_load_idx %arg7[%broadcast_in_dim3A_86, %add3A_1119, %add3A_1178] : memref<4x128x128xf32, #tpu.memory_space<vmem>>[vector<16xi32>, vector<16xi32>, vector<16xi32>], vector<16xf32>,
      %add3A_1180 = arith.constant 15 : i32
      %add3A_1181 = vector.broadcast %add3A_1180 : i32 to vector<16xi32>
      %add3A_1182 = arith.addi %shift_left3A_1079, %add3A_1181 : vector<16xi32>
      %gather3A_1183 = tpu.vector_load_idx %arg7[%broadcast_in_dim3A_86, %add3A_1119, %add3A_1182] : memref<4x128x128xf32, #tpu.memory_space<vmem>>[vector<16xi32>, vector<16xi32>, vector<16xi32>], vector<16xf32>,
      %add3A_1184 = arith.constant 0 : i32
      %add3A_1185 = vector.broadcast %add3A_1184 : i32 to vector<16xi32>
      %add3A_1186 = arith.addi %shift_left3A_1116, %add3A_1185 : vector<16xi32>
      tpu.vector_store_idx %arg8[%select_n3A_1110, %add3A_1186], %gather3A_1123 : memref<64x512xf32, #tpu.memory_space<vmem>>[vector<16xi32>, vector<16xi32>], vector<16xf32>,
      %add3A_1187 = arith.constant 1 : i32
      %add3A_1188 = vector.broadcast %add3A_1187 : i32 to vector<16xi32>
      %add3A_1189 = arith.addi %shift_left3A_1116, %add3A_1188 : vector<16xi32>
      tpu.vector_store_idx %arg8[%select_n3A_1110, %add3A_1189], %gather3A_1127 : memref<64x512xf32, #tpu.memory_space<vmem>>[vector<16xi32>, vector<16xi32>], vector<16xf32>,
      %add3A_1190 = arith.constant 2 : i32
      %add3A_1191 = vector.broadcast %add3A_1190 : i32 to vector<16xi32>
      %add3A_1192 = arith.addi %shift_left3A_1116, %add3A_1191 : vector<16xi32>
      tpu.vector_store_idx %arg8[%select_n3A_1110, %add3A_1192], %gather3A_1131 : memref<64x512xf32, #tpu.memory_space<vmem>>[vector<16xi32>, vector<16xi32>], vector<16xf32>,
      %add3A_1193 = arith.constant 3 : i32
      %add3A_1194 = vector.broadcast %add3A_1193 : i32 to vector<16xi32>
      %add3A_1195 = arith.addi %shift_left3A_1116, %add3A_1194 : vector<16xi32>
      tpu.vector_store_idx %arg8[%select_n3A_1110, %add3A_1195], %gather3A_1135 : memref<64x512xf32, #tpu.memory_space<vmem>>[vector<16xi32>, vector<16xi32>], vector<16xf32>,
      %add3A_1196 = arith.constant 4 : i32
      %add3A_1197 = vector.broadcast %add3A_1196 : i32 to vector<16xi32>
      %add3A_1198 = arith.addi %shift_left3A_1116, %add3A_1197 : vector<16xi32>
      tpu.vector_store_idx %arg8[%select_n3A_1110, %add3A_1198], %gather3A_1139 : memref<64x512xf32, #tpu.memory_space<vmem>>[vector<16xi32>, vector<16xi32>], vector<16xf32>,
      %add3A_1199 = arith.constant 5 : i32
      %add3A_1200 = vector.broadcast %add3A_1199 : i32 to vector<16xi32>
      %add3A_1201 = arith.addi %shift_left3A_1116, %add3A_1200 : vector<16xi32>
      tpu.vector_store_idx %arg8[%select_n3A_1110, %add3A_1201], %gather3A_1143 : memref<64x512xf32, #tpu.memory_space<vmem>>[vector<16xi32>, vector<16xi32>], vector<16xf32>,
      %add3A_1202 = arith.constant 6 : i32
      %add3A_1203 = vector.broadcast %add3A_1202 : i32 to vector<16xi32>
      %add3A_1204 = arith.addi %shift_left3A_1116, %add3A_1203 : vector<16xi32>
      tpu.vector_store_idx %arg8[%select_n3A_1110, %add3A_1204], %gather3A_1147 : memref<64x512xf32, #tpu.memory_space<vmem>>[vector<16xi32>, vector<16xi32>], vector<16xf32>,
      %add3A_1205 = arith.constant 7 : i32
      %add3A_1206 = vector.broadcast %add3A_1205 : i32 to vector<16xi32>
      %add3A_1207 = arith.addi %shift_left3A_1116, %add3A_1206 : vector<16xi32>
      tpu.vector_store_idx %arg8[%select_n3A_1110, %add3A_1207], %gather3A_1151 : memref<64x512xf32, #tpu.memory_space<vmem>>[vector<16xi32>, vector<16xi32>], vector<16xf32>,
      %add3A_1208 = arith.constant 8 : i32
      %add3A_1209 = vector.broadcast %add3A_1208 : i32 to vector<16xi32>
      %add3A_1210 = arith.addi %shift_left3A_1116, %add3A_1209 : vector<16xi32>
      tpu.vector_store_idx %arg8[%select_n3A_1110, %add3A_1210], %gather3A_1155 : memref<64x512xf32, #tpu.memory_space<vmem>>[vector<16xi32>, vector<16xi32>], vector<16xf32>,
      %add3A_1211 = arith.constant 9 : i32
      %add3A_1212 = vector.broadcast %add3A_1211 : i32 to vector<16xi32>
      %add3A_1213 = arith.addi %shift_left3A_1116, %add3A_1212 : vector<16xi32>
      tpu.vector_store_idx %arg8[%select_n3A_1110, %add3A_1213], %gather3A_1159 : memref<64x512xf32, #tpu.memory_space<vmem>>[vector<16xi32>, vector<16xi32>], vector<16xf32>,
      %add3A_1214 = arith.constant 10 : i32
      %add3A_1215 = vector.broadcast %add3A_1214 : i32 to vector<16xi32>
      %add3A_1216 = arith.addi %shift_left3A_1116, %add3A_1215 : vector<16xi32>
      tpu.vector_store_idx %arg8[%select_n3A_1110, %add3A_1216], %gather3A_1163 : memref<64x512xf32, #tpu.memory_space<vmem>>[vector<16xi32>, vector<16xi32>], vector<16xf32>,
      %add3A_1217 = arith.constant 11 : i32
      %add3A_1218 = vector.broadcast %add3A_1217 : i32 to vector<16xi32>
      %add3A_1219 = arith.addi %shift_left3A_1116, %add3A_1218 : vector<16xi32>
      tpu.vector_store_idx %arg8[%select_n3A_1110, %add3A_1219], %gather3A_1167 : memref<64x512xf32, #tpu.memory_space<vmem>>[vector<16xi32>, vector<16xi32>], vector<16xf32>,
      %add3A_1220 = arith.constant 12 : i32
      %add3A_1221 = vector.broadcast %add3A_1220 : i32 to vector<16xi32>
      %add3A_1222 = arith.addi %shift_left3A_1116, %add3A_1221 : vector<16xi32>
      tpu.vector_store_idx %arg8[%select_n3A_1110, %add3A_1222], %gather3A_1171 : memref<64x512xf32, #tpu.memory_space<vmem>>[vector<16xi32>, vector<16xi32>], vector<16xf32>,
      %add3A_1223 = arith.constant 13 : i32
      %add3A_1224 = vector.broadcast %add3A_1223 : i32 to vector<16xi32>
      %add3A_1225 = arith.addi %shift_left3A_1116, %add3A_1224 : vector<16xi32>
      tpu.vector_store_idx %arg8[%select_n3A_1110, %add3A_1225], %gather3A_1175 : memref<64x512xf32, #tpu.memory_space<vmem>>[vector<16xi32>, vector<16xi32>], vector<16xf32>,
      %add3A_1226 = arith.constant 14 : i32
      %add3A_1227 = vector.broadcast %add3A_1226 : i32 to vector<16xi32>
      %add3A_1228 = arith.addi %shift_left3A_1116, %add3A_1227 : vector<16xi32>
      tpu.vector_store_idx %arg8[%select_n3A_1110, %add3A_1228], %gather3A_1179 : memref<64x512xf32, #tpu.memory_space<vmem>>[vector<16xi32>, vector<16xi32>], vector<16xf32>,
      %add3A_1229 = arith.constant 15 : i32
      %add3A_1230 = vector.broadcast %add3A_1229 : i32 to vector<16xi32>
      %add3A_1231 = arith.addi %shift_left3A_1116, %add3A_1230 : vector<16xi32>
      tpu.vector_store_idx %arg8[%select_n3A_1110, %add3A_1231], %gather3A_1183 : memref<64x512xf32, #tpu.memory_space<vmem>>[vector<16xi32>, vector<16xi32>], vector<16xf32>,
      %add3A_1232 = arith.constant 112 : i32
      %add3A_1233 = arith.addi %mul3A_83, %add3A_1232 : i32
      %add3A_1234 = vector.broadcast %add3A_1233 : i32 to vector<16xi32>
      %add3A_1235 = arith.addi %add3A_1234, %iota3A : vector<16xi32>
      %get3A_1236 = arith.index_cast %scan3A_63 : i32 to index
      %get3A_1237 = arith.constant 112 : index
      %get3A_1238 = tpu.vector_load %arg5[%get3A_1236, %get3A_1237] {strides = array<i32>} : memref<104x128xi32, #tpu.memory_space<vmem>>, vector<16xi32>,
      %and3A_1239 = arith.constant 7 : i32
      %and3A_1240 = vector.broadcast %and3A_1239 : i32 to vector<16xi32>
      %and3A_1241 = arith.andi %get3A_1238, %and3A_1240 : vector<16xi32>
      %shift_left3A_1242 = arith.constant 4 : i32
      %shift_left3A_1243 = vector.broadcast %shift_left3A_1242 : i32 to vector<16xi32>
      %shift_left3A_1244 = arith.shli %and3A_1241, %shift_left3A_1243 : vector<16xi32>
      %jit3A_1245 = arith.constant 26 : i32
      %div3A_1246 = vector.broadcast %jit3A_1245 : i32 to vector<16xi32>
      %div3A_1247 = arith.divsi %add3A_1235, %div3A_1246 : vector<16xi32>
      %sign3A_1248 = arith.constant 0 : i32
      %sign3A_1249 = vector.broadcast %sign3A_1248 : i32 to vector<16xi32>
      %sign3A_1250 = arith.cmpi sgt, %add3A_1235, %sign3A_1249 : vector<16xi32>
      %sign3A_1251 = arith.extui %sign3A_1250 : vector<16xi1> to vector<16xi32>
      %sign3A_1252 = arith.constant 0 : i32
      %sign3A_1253 = vector.broadcast %sign3A_1252 : i32 to vector<16xi32>
      %sign3A_1254 = arith.cmpi slt, %add3A_1235, %sign3A_1253 : vector<16xi32>
      %sign3A_1255 = arith.extui %sign3A_1254 : vector<16xi1> to vector<16xi32>
      %sign3A_1256 = arith.subi %sign3A_1251, %sign3A_1255 : vector<16xi32>
      %sign3A_1257 = arith.constant 0 : i32
      %sign3A_1258 = arith.cmpi sgt, %jit3A_1245, %sign3A_1257 : i32
      %sign3A_1259 = arith.extui %sign3A_1258 : i1 to i32
      %sign3A_1260 = arith.constant 0 : i32
      %sign3A_1261 = arith.cmpi slt, %jit3A_1245, %sign3A_1260 : i32
      %sign3A_1262 = arith.extui %sign3A_1261 : i1 to i32
      %sign3A_1263 = arith.subi %sign3A_1259, %sign3A_1262 : i32
      %ne3A_1264 = vector.broadcast %sign3A_1263 : i32 to vector<16xi32>
      %ne3A_1265 = arith.cmpi ne, %sign3A_1256, %ne3A_1264 : vector<16xi32>
      %rem3A_1266 = vector.broadcast %jit3A_1245 : i32 to vector<16xi32>
      %rem3A_1267 = arith.remsi %add3A_1235, %rem3A_1266 : vector<16xi32>
      %ne3A_1268 = arith.constant 0 : i32
      %ne3A_1269 = vector.broadcast %ne3A_1268 : i32 to vector<16xi32>
      %ne3A_1270 = arith.cmpi ne, %rem3A_1267, %ne3A_1269 : vector<16xi32>
      %and3A_1271 = arith.andi %ne3A_1265, %ne3A_1270 : vector<16xi1>
      %sub3A_1272 = arith.constant 1 : i32
      %sub3A_1273 = vector.broadcast %sub3A_1272 : i32 to vector<16xi32>
      %sub3A_1274 = arith.subi %div3A_1247, %sub3A_1273 : vector<16xi32>
      %select_n3A_1275 = arith.select %and3A_1271, %sub3A_1274, %div3A_1247 : vector<16xi1>, vector<16xi32>
      %rem3A_1276 = arith.constant 26 : i32
      %rem3A_1277 = vector.broadcast %rem3A_1276 : i32 to vector<16xi32>
      %rem3A_1278 = arith.remsi %add3A_1235, %rem3A_1277 : vector<16xi32>
      %shift_left3A_1279 = arith.constant 4 : i32
      %shift_left3A_1280 = vector.broadcast %shift_left3A_1279 : i32 to vector<16xi32>
      %shift_left3A_1281 = arith.shli %rem3A_1278, %shift_left3A_1280 : vector<16xi32>
      %broadcast_in_dim3A_1282 = arith.constant 112 : i32
      %broadcast_in_dim3A_1283 = vector.broadcast %broadcast_in_dim3A_1282 : i32 to vector<16xi32>
      %add3A_1284 = arith.addi %broadcast_in_dim3A_1283, %iota3A : vector<16xi32>
      %add3A_1285 = arith.constant 0 : i32
      %add3A_1286 = vector.broadcast %add3A_1285 : i32 to vector<16xi32>
      %add3A_1287 = arith.addi %shift_left3A_1244, %add3A_1286 : vector<16xi32>
      %gather3A_1288 = tpu.vector_load_idx %arg7[%broadcast_in_dim3A_86, %add3A_1284, %add3A_1287] : memref<4x128x128xf32, #tpu.memory_space<vmem>>[vector<16xi32>, vector<16xi32>, vector<16xi32>], vector<16xf32>,
      %add3A_1289 = arith.constant 1 : i32
      %add3A_1290 = vector.broadcast %add3A_1289 : i32 to vector<16xi32>
      %add3A_1291 = arith.addi %shift_left3A_1244, %add3A_1290 : vector<16xi32>
      %gather3A_1292 = tpu.vector_load_idx %arg7[%broadcast_in_dim3A_86, %add3A_1284, %add3A_1291] : memref<4x128x128xf32, #tpu.memory_space<vmem>>[vector<16xi32>, vector<16xi32>, vector<16xi32>], vector<16xf32>,
      %add3A_1293 = arith.constant 2 : i32
      %add3A_1294 = vector.broadcast %add3A_1293 : i32 to vector<16xi32>
      %add3A_1295 = arith.addi %shift_left3A_1244, %add3A_1294 : vector<16xi32>
      %gather3A_1296 = tpu.vector_load_idx %arg7[%broadcast_in_dim3A_86, %add3A_1284, %add3A_1295] : memref<4x128x128xf32, #tpu.memory_space<vmem>>[vector<16xi32>, vector<16xi32>, vector<16xi32>], vector<16xf32>,
      %add3A_1297 = arith.constant 3 : i32
      %add3A_1298 = vector.broadcast %add3A_1297 : i32 to vector<16xi32>
      %add3A_1299 = arith.addi %shift_left3A_1244, %add3A_1298 : vector<16xi32>
      %gather3A_1300 = tpu.vector_load_idx %arg7[%broadcast_in_dim3A_86, %add3A_1284, %add3A_1299] : memref<4x128x128xf32, #tpu.memory_space<vmem>>[vector<16xi32>, vector<16xi32>, vector<16xi32>], vector<16xf32>,
      %add3A_1301 = arith.constant 4 : i32
      %add3A_1302 = vector.broadcast %add3A_1301 : i32 to vector<16xi32>
      %add3A_1303 = arith.addi %shift_left3A_1244, %add3A_1302 : vector<16xi32>
      %gather3A_1304 = tpu.vector_load_idx %arg7[%broadcast_in_dim3A_86, %add3A_1284, %add3A_1303] : memref<4x128x128xf32, #tpu.memory_space<vmem>>[vector<16xi32>, vector<16xi32>, vector<16xi32>], vector<16xf32>,
      %add3A_1305 = arith.constant 5 : i32
      %add3A_1306 = vector.broadcast %add3A_1305 : i32 to vector<16xi32>
      %add3A_1307 = arith.addi %shift_left3A_1244, %add3A_1306 : vector<16xi32>
      %gather3A_1308 = tpu.vector_load_idx %arg7[%broadcast_in_dim3A_86, %add3A_1284, %add3A_1307] : memref<4x128x128xf32, #tpu.memory_space<vmem>>[vector<16xi32>, vector<16xi32>, vector<16xi32>], vector<16xf32>,
      %add3A_1309 = arith.constant 6 : i32
      %add3A_1310 = vector.broadcast %add3A_1309 : i32 to vector<16xi32>
      %add3A_1311 = arith.addi %shift_left3A_1244, %add3A_1310 : vector<16xi32>
      %gather3A_1312 = tpu.vector_load_idx %arg7[%broadcast_in_dim3A_86, %add3A_1284, %add3A_1311] : memref<4x128x128xf32, #tpu.memory_space<vmem>>[vector<16xi32>, vector<16xi32>, vector<16xi32>], vector<16xf32>,
      %add3A_1313 = arith.constant 7 : i32
      %add3A_1314 = vector.broadcast %add3A_1313 : i32 to vector<16xi32>
      %add3A_1315 = arith.addi %shift_left3A_1244, %add3A_1314 : vector<16xi32>
      %gather3A_1316 = tpu.vector_load_idx %arg7[%broadcast_in_dim3A_86, %add3A_1284, %add3A_1315] : memref<4x128x128xf32, #tpu.memory_space<vmem>>[vector<16xi32>, vector<16xi32>, vector<16xi32>], vector<16xf32>,
      %add3A_1317 = arith.constant 8 : i32
      %add3A_1318 = vector.broadcast %add3A_1317 : i32 to vector<16xi32>
      %add3A_1319 = arith.addi %shift_left3A_1244, %add3A_1318 : vector<16xi32>
      %gather3A_1320 = tpu.vector_load_idx %arg7[%broadcast_in_dim3A_86, %add3A_1284, %add3A_1319] : memref<4x128x128xf32, #tpu.memory_space<vmem>>[vector<16xi32>, vector<16xi32>, vector<16xi32>], vector<16xf32>,
      %add3A_1321 = arith.constant 9 : i32
      %add3A_1322 = vector.broadcast %add3A_1321 : i32 to vector<16xi32>
      %add3A_1323 = arith.addi %shift_left3A_1244, %add3A_1322 : vector<16xi32>
      %gather3A_1324 = tpu.vector_load_idx %arg7[%broadcast_in_dim3A_86, %add3A_1284, %add3A_1323] : memref<4x128x128xf32, #tpu.memory_space<vmem>>[vector<16xi32>, vector<16xi32>, vector<16xi32>], vector<16xf32>,
      %add3A_1325 = arith.constant 10 : i32
      %add3A_1326 = vector.broadcast %add3A_1325 : i32 to vector<16xi32>
      %add3A_1327 = arith.addi %shift_left3A_1244, %add3A_1326 : vector<16xi32>
      %gather3A_1328 = tpu.vector_load_idx %arg7[%broadcast_in_dim3A_86, %add3A_1284, %add3A_1327] : memref<4x128x128xf32, #tpu.memory_space<vmem>>[vector<16xi32>, vector<16xi32>, vector<16xi32>], vector<16xf32>,
      %add3A_1329 = arith.constant 11 : i32
      %add3A_1330 = vector.broadcast %add3A_1329 : i32 to vector<16xi32>
      %add3A_1331 = arith.addi %shift_left3A_1244, %add3A_1330 : vector<16xi32>
      %gather3A_1332 = tpu.vector_load_idx %arg7[%broadcast_in_dim3A_86, %add3A_1284, %add3A_1331] : memref<4x128x128xf32, #tpu.memory_space<vmem>>[vector<16xi32>, vector<16xi32>, vector<16xi32>], vector<16xf32>,
      %add3A_1333 = arith.constant 12 : i32
      %add3A_1334 = vector.broadcast %add3A_1333 : i32 to vector<16xi32>
      %add3A_1335 = arith.addi %shift_left3A_1244, %add3A_1334 : vector<16xi32>
      %gather3A_1336 = tpu.vector_load_idx %arg7[%broadcast_in_dim3A_86, %add3A_1284, %add3A_1335] : memref<4x128x128xf32, #tpu.memory_space<vmem>>[vector<16xi32>, vector<16xi32>, vector<16xi32>], vector<16xf32>,
      %add3A_1337 = arith.constant 13 : i32
      %add3A_1338 = vector.broadcast %add3A_1337 : i32 to vector<16xi32>
      %add3A_1339 = arith.addi %shift_left3A_1244, %add3A_1338 : vector<16xi32>
      %gather3A_1340 = tpu.vector_load_idx %arg7[%broadcast_in_dim3A_86, %add3A_1284, %add3A_1339] : memref<4x128x128xf32, #tpu.memory_space<vmem>>[vector<16xi32>, vector<16xi32>, vector<16xi32>], vector<16xf32>,
      %add3A_1341 = arith.constant 14 : i32
      %add3A_1342 = vector.broadcast %add3A_1341 : i32 to vector<16xi32>
      %add3A_1343 = arith.addi %shift_left3A_1244, %add3A_1342 : vector<16xi32>
      %gather3A_1344 = tpu.vector_load_idx %arg7[%broadcast_in_dim3A_86, %add3A_1284, %add3A_1343] : memref<4x128x128xf32, #tpu.memory_space<vmem>>[vector<16xi32>, vector<16xi32>, vector<16xi32>], vector<16xf32>,
      %add3A_1345 = arith.constant 15 : i32
      %add3A_1346 = vector.broadcast %add3A_1345 : i32 to vector<16xi32>
      %add3A_1347 = arith.addi %shift_left3A_1244, %add3A_1346 : vector<16xi32>
      %gather3A_1348 = tpu.vector_load_idx %arg7[%broadcast_in_dim3A_86, %add3A_1284, %add3A_1347] : memref<4x128x128xf32, #tpu.memory_space<vmem>>[vector<16xi32>, vector<16xi32>, vector<16xi32>], vector<16xf32>,
      %add3A_1349 = arith.constant 0 : i32
      %add3A_1350 = vector.broadcast %add3A_1349 : i32 to vector<16xi32>
      %add3A_1351 = arith.addi %shift_left3A_1281, %add3A_1350 : vector<16xi32>
      tpu.vector_store_idx %arg8[%select_n3A_1275, %add3A_1351], %gather3A_1288 : memref<64x512xf32, #tpu.memory_space<vmem>>[vector<16xi32>, vector<16xi32>], vector<16xf32>,
      %add3A_1352 = arith.constant 1 : i32
      %add3A_1353 = vector.broadcast %add3A_1352 : i32 to vector<16xi32>
      %add3A_1354 = arith.addi %shift_left3A_1281, %add3A_1353 : vector<16xi32>
      tpu.vector_store_idx %arg8[%select_n3A_1275, %add3A_1354], %gather3A_1292 : memref<64x512xf32, #tpu.memory_space<vmem>>[vector<16xi32>, vector<16xi32>], vector<16xf32>,
      %add3A_1355 = arith.constant 2 : i32
      %add3A_1356 = vector.broadcast %add3A_1355 : i32 to vector<16xi32>
      %add3A_1357 = arith.addi %shift_left3A_1281, %add3A_1356 : vector<16xi32>
      tpu.vector_store_idx %arg8[%select_n3A_1275, %add3A_1357], %gather3A_1296 : memref<64x512xf32, #tpu.memory_space<vmem>>[vector<16xi32>, vector<16xi32>], vector<16xf32>,
      %add3A_1358 = arith.constant 3 : i32
      %add3A_1359 = vector.broadcast %add3A_1358 : i32 to vector<16xi32>
      %add3A_1360 = arith.addi %shift_left3A_1281, %add3A_1359 : vector<16xi32>
      tpu.vector_store_idx %arg8[%select_n3A_1275, %add3A_1360], %gather3A_1300 : memref<64x512xf32, #tpu.memory_space<vmem>>[vector<16xi32>, vector<16xi32>], vector<16xf32>,
      %add3A_1361 = arith.constant 4 : i32
      %add3A_1362 = vector.broadcast %add3A_1361 : i32 to vector<16xi32>
      %add3A_1363 = arith.addi %shift_left3A_1281, %add3A_1362 : vector<16xi32>
      tpu.vector_store_idx %arg8[%select_n3A_1275, %add3A_1363], %gather3A_1304 : memref<64x512xf32, #tpu.memory_space<vmem>>[vector<16xi32>, vector<16xi32>], vector<16xf32>,
      %add3A_1364 = arith.constant 5 : i32
      %add3A_1365 = vector.broadcast %add3A_1364 : i32 to vector<16xi32>
      %add3A_1366 = arith.addi %shift_left3A_1281, %add3A_1365 : vector<16xi32>
      tpu.vector_store_idx %arg8[%select_n3A_1275, %add3A_1366], %gather3A_1308 : memref<64x512xf32, #tpu.memory_space<vmem>>[vector<16xi32>, vector<16xi32>], vector<16xf32>,
      %add3A_1367 = arith.constant 6 : i32
      %add3A_1368 = vector.broadcast %add3A_1367 : i32 to vector<16xi32>
      %add3A_1369 = arith.addi %shift_left3A_1281, %add3A_1368 : vector<16xi32>
      tpu.vector_store_idx %arg8[%select_n3A_1275, %add3A_1369], %gather3A_1312 : memref<64x512xf32, #tpu.memory_space<vmem>>[vector<16xi32>, vector<16xi32>], vector<16xf32>,
      %add3A_1370 = arith.constant 7 : i32
      %add3A_1371 = vector.broadcast %add3A_1370 : i32 to vector<16xi32>
      %add3A_1372 = arith.addi %shift_left3A_1281, %add3A_1371 : vector<16xi32>
      tpu.vector_store_idx %arg8[%select_n3A_1275, %add3A_1372], %gather3A_1316 : memref<64x512xf32, #tpu.memory_space<vmem>>[vector<16xi32>, vector<16xi32>], vector<16xf32>,
      %add3A_1373 = arith.constant 8 : i32
      %add3A_1374 = vector.broadcast %add3A_1373 : i32 to vector<16xi32>
      %add3A_1375 = arith.addi %shift_left3A_1281, %add3A_1374 : vector<16xi32>
      tpu.vector_store_idx %arg8[%select_n3A_1275, %add3A_1375], %gather3A_1320 : memref<64x512xf32, #tpu.memory_space<vmem>>[vector<16xi32>, vector<16xi32>], vector<16xf32>,
      %add3A_1376 = arith.constant 9 : i32
      %add3A_1377 = vector.broadcast %add3A_1376 : i32 to vector<16xi32>
      %add3A_1378 = arith.addi %shift_left3A_1281, %add3A_1377 : vector<16xi32>
      tpu.vector_store_idx %arg8[%select_n3A_1275, %add3A_1378], %gather3A_1324 : memref<64x512xf32, #tpu.memory_space<vmem>>[vector<16xi32>, vector<16xi32>], vector<16xf32>,
      %add3A_1379 = arith.constant 10 : i32
      %add3A_1380 = vector.broadcast %add3A_1379 : i32 to vector<16xi32>
      %add3A_1381 = arith.addi %shift_left3A_1281, %add3A_1380 : vector<16xi32>
      tpu.vector_store_idx %arg8[%select_n3A_1275, %add3A_1381], %gather3A_1328 : memref<64x512xf32, #tpu.memory_space<vmem>>[vector<16xi32>, vector<16xi32>], vector<16xf32>,
      %add3A_1382 = arith.constant 11 : i32
      %add3A_1383 = vector.broadcast %add3A_1382 : i32 to vector<16xi32>
      %add3A_1384 = arith.addi %shift_left3A_1281, %add3A_1383 : vector<16xi32>
      tpu.vector_store_idx %arg8[%select_n3A_1275, %add3A_1384], %gather3A_1332 : memref<64x512xf32, #tpu.memory_space<vmem>>[vector<16xi32>, vector<16xi32>], vector<16xf32>,
      %add3A_1385 = arith.constant 12 : i32
      %add3A_1386 = vector.broadcast %add3A_1385 : i32 to vector<16xi32>
      %add3A_1387 = arith.addi %shift_left3A_1281, %add3A_1386 : vector<16xi32>
      tpu.vector_store_idx %arg8[%select_n3A_1275, %add3A_1387], %gather3A_1336 : memref<64x512xf32, #tpu.memory_space<vmem>>[vector<16xi32>, vector<16xi32>], vector<16xf32>,
      %add3A_1388 = arith.constant 13 : i32
      %add3A_1389 = vector.broadcast %add3A_1388 : i32 to vector<16xi32>
      %add3A_1390 = arith.addi %shift_left3A_1281, %add3A_1389 : vector<16xi32>
      tpu.vector_store_idx %arg8[%select_n3A_1275, %add3A_1390], %gather3A_1340 : memref<64x512xf32, #tpu.memory_space<vmem>>[vector<16xi32>, vector<16xi32>], vector<16xf32>,
      %add3A_1391 = arith.constant 14 : i32
      %add3A_1392 = vector.broadcast %add3A_1391 : i32 to vector<16xi32>
      %add3A_1393 = arith.addi %shift_left3A_1281, %add3A_1392 : vector<16xi32>
      tpu.vector_store_idx %arg8[%select_n3A_1275, %add3A_1393], %gather3A_1344 : memref<64x512xf32, #tpu.memory_space<vmem>>[vector<16xi32>, vector<16xi32>], vector<16xf32>,
      %add3A_1394 = arith.constant 15 : i32
      %add3A_1395 = vector.broadcast %add3A_1394 : i32 to vector<16xi32>
      %add3A_1396 = arith.addi %shift_left3A_1281, %add3A_1395 : vector<16xi32>
      tpu.vector_store_idx %arg8[%select_n3A_1275, %add3A_1396], %gather3A_1348 : memref<64x512xf32, #tpu.memory_space<vmem>>[vector<16xi32>, vector<16xi32>], vector<16xf32>,
      %rem3A_1397 = arith.constant 13 : i32
      %rem3A_1398 = arith.remsi %scan3A_63, %rem3A_1397 : i32
      %eq3A = arith.constant 12 : i32
      %eq3A_1399 = arith.cmpi eq, %rem3A_1398, %eq3A : i32
      %convert_element_type3A_1400 = arith.extui %eq3A_1399 : i1 to i32
      %cond3A_1401 = arith.constant 0 : i32
      %cond3A_1402 = arith.cmpi ne, %convert_element_type3A_1400, %cond3A_1401 : i32
      scf.if %cond3A_1402 {
        %jit3A_1403 = arith.constant 13 : i32
        %div3A_1404 = arith.divsi %scan3A_63, %jit3A_1403 : i32
        %sign3A_1405 = arith.constant 0 : i32
        %sign3A_1406 = arith.cmpi sgt, %scan3A_63, %sign3A_1405 : i32
        %sign3A_1407 = arith.extui %sign3A_1406 : i1 to i32
        %sign3A_1408 = arith.constant 0 : i32
        %sign3A_1409 = arith.cmpi slt, %scan3A_63, %sign3A_1408 : i32
        %sign3A_1410 = arith.extui %sign3A_1409 : i1 to i32
        %sign3A_1411 = arith.subi %sign3A_1407, %sign3A_1410 : i32
        %sign3A_1412 = arith.constant 0 : i32
        %sign3A_1413 = arith.cmpi sgt, %jit3A_1403, %sign3A_1412 : i32
        %sign3A_1414 = arith.extui %sign3A_1413 : i1 to i32
        %sign3A_1415 = arith.constant 0 : i32
        %sign3A_1416 = arith.cmpi slt, %jit3A_1403, %sign3A_1415 : i32
        %sign3A_1417 = arith.extui %sign3A_1416 : i1 to i32
        %sign3A_1418 = arith.subi %sign3A_1414, %sign3A_1417 : i32
        %ne3A_1419 = arith.cmpi ne, %sign3A_1411, %sign3A_1418 : i32
        %rem3A_1420 = arith.remsi %scan3A_63, %jit3A_1403 : i32
        %ne3A_1421 = arith.constant 0 : i32
        %ne3A_1422 = arith.cmpi ne, %rem3A_1420, %ne3A_1421 : i32
        %and3A_1423 = arith.andi %ne3A_1419, %ne3A_1422 : i1
        %sub3A_1424 = arith.constant 1 : i32
        %sub3A_1425 = arith.subi %div3A_1404, %sub3A_1424 : i32
        %select_n3A_1426 = arith.select %and3A_1423, %sub3A_1425, %div3A_1404 : i32
        %mul3A_1427 = arith.constant 512 : i32
        %mul3A_1428 = arith.muli %add3A, %mul3A_1427 : i32
        %mul3A_1429 = arith.constant 64 : i32
        %mul3A_1430 = arith.muli %select_n3A_1426, %mul3A_1429 : i32
        %add3A_1431 = arith.addi %mul3A_1428, %mul3A_1430 : i32
        "tpu.region"() ({
          %run_scoped3A = tpu.sem_alloc : memref<!tpu.dma_semaphore, #tpu.memory_space<semaphore_mem>>
          %dma_start3A_1432 = arith.constant 0 : i32
          %dma_start3A_1433 = tpu.memref_slice %arg4[%add3A_1431, %dma_start3A_1432] : memref<16384x512xf32, #tpu.memory_space<hbm>> -> memref<64x512xf32, #tpu.memory_space<hbm>>
          %dma_start3A_1434 = arith.constant 0 : i32
          %dma_start3A_1435 = tpu.memref_slice %arg4[%add3A_1431, %dma_start3A_1434] : memref<16384x512xf32, #tpu.memory_space<hbm>> -> memref<64x512xf32, #tpu.memory_space<hbm>>
          tpu.enqueue_dma source(%arg8 : memref<64x512xf32, #tpu.memory_space<vmem>>) target(%dma_start3A_1435 : memref<64x512xf32, #tpu.memory_space<hbm>>) target_semaphore(%run_scoped3A : memref<!tpu.dma_semaphore, #tpu.memory_space<semaphore_mem>>)
          %dma_wait3A_1436 = arith.constant 0 : i32
          %dma_wait3A_1437 = tpu.memref_slice %arg4[%add3A_1431, %dma_wait3A_1436] : memref<16384x512xf32, #tpu.memory_space<hbm>> -> memref<64x512xf32, #tpu.memory_space<hbm>>
          %dma_wait3A_1438 = arith.constant 0 : i32
          %dma_wait3A_1439 = tpu.memref_slice %arg4[%add3A_1431, %dma_wait3A_1438] : memref<16384x512xf32, #tpu.memory_space<hbm>> -> memref<64x512xf32, #tpu.memory_space<hbm>>
          tpu.wait_dma2 semaphore(%run_scoped3A : memref<!tpu.dma_semaphore, #tpu.memory_space<semaphore_mem>>) src(%arg8 : memref<64x512xf32, #tpu.memory_space<vmem>>) dst(%dma_wait3A_1439 : memref<64x512xf32, #tpu.memory_space<hbm>>)
          tpu.yield
        }) : () -> ()
      } else {
      }
    }
    %scan3A_62 = arith.constant 104 : i32
    return
  }
}

#map = affine_map<(d0, d1) -> (0, 0)>
#map1 = affine_map<(d0, d1) -> (0, 0, 0)>
module attributes {stable_mosaic.version = 14 : i64} {
  func.func @_sc_format(%arg0: i32, %arg1: i32, %arg2: memref<416x100000xf32, #tpu.memory_space<hbm>>, %arg3: memref<26x8x128xf32, #tpu.memory_space<hbm>>, %arg4: memref<325104x128xf32, #tpu.memory_space<hbm>>, %arg5: memref<4x16x512xf32, #tpu.memory_space<vmem>>, %arg6: memref<4x8704xf32, #tpu.memory_space<vmem>>, %arg7: memref<4x64x128xf32, #tpu.memory_space<vmem>>, %arg8: memref<16x128xf32, #tpu.memory_space<vmem>>, %arg9: memref<4x!tpu.dma_semaphore, #tpu.memory_space<semaphore_mem>>, %arg10: memref<4x!tpu.dma_semaphore, #tpu.memory_space<semaphore_mem>>, %arg11: memref<!tpu.dma_semaphore, #tpu.memory_space<semaphore_mem>>) attributes {dimension_semantics = [#tpu.dimension_semantics<core_parallel>, #tpu.dimension_semantics<subcore_parallel>], iteration_bounds = array<i64: 2, 16>, scalar_prefetch = 0 : i64, scratch_operands = 7 : i64, tpu.core_type = #tpu.core_type<sc_vector_subcore>, window_params = [{transform_indices = #map}, {transform_indices = #map1}, {transform_indices = #map}]} {
    %mul3A = arith.constant 2 : i32
    %mul3A_0 = arith.muli %arg1, %mul3A : i32
    %add3A = arith.addi %mul3A_0, %arg0 : i32
    %iota3A = tpu.iota {dimensions = array<i32: 0>} : vector<16xi32>
    %sub3A = arith.constant 5070 : i32
    %sub3A_1 = arith.subi %sub3A, %add3A : i32
    %add3A_2 = arith.constant 32 : i32
    %add3A_3 = arith.addi %sub3A_1, %add3A_2 : i32
    %sub3A_4 = arith.constant 1 : i32
    %sub3A_5 = arith.subi %add3A_3, %sub3A_4 : i32
    %jit3A = arith.constant 32 : i32
    %div3A = arith.divsi %sub3A_5, %jit3A : i32
    %sign3A = arith.constant 0 : i32
    %sign3A_6 = arith.cmpi sgt, %sub3A_5, %sign3A : i32
    %sign3A_7 = arith.extui %sign3A_6 : i1 to i32
    %sign3A_8 = arith.constant 0 : i32
    %sign3A_9 = arith.cmpi slt, %sub3A_5, %sign3A_8 : i32
    %sign3A_10 = arith.extui %sign3A_9 : i1 to i32
    %sign3A_11 = arith.subi %sign3A_7, %sign3A_10 : i32
    %sign3A_12 = arith.constant 0 : i32
    %sign3A_13 = arith.cmpi sgt, %jit3A, %sign3A_12 : i32
    %sign3A_14 = arith.extui %sign3A_13 : i1 to i32
    %sign3A_15 = arith.constant 0 : i32
    %sign3A_16 = arith.cmpi slt, %jit3A, %sign3A_15 : i32
    %sign3A_17 = arith.extui %sign3A_16 : i1 to i32
    %sign3A_18 = arith.subi %sign3A_14, %sign3A_17 : i32
    %ne3A = arith.cmpi ne, %sign3A_11, %sign3A_18 : i32
    %rem3A = arith.remsi %sub3A_5, %jit3A : i32
    %ne3A_19 = arith.constant 0 : i32
    %ne3A_20 = arith.cmpi ne, %rem3A, %ne3A_19 : i32
    %and3A = arith.andi %ne3A, %ne3A_20 : i1
    %sub3A_21 = arith.constant 1 : i32
    %sub3A_22 = arith.subi %div3A, %sub3A_21 : i32
    %select_n3A = arith.select %and3A, %sub3A_22, %div3A : i32
    %rem3A_23 = arith.constant 0 : i32
    %rem3A_24 = arith.constant 4 : i32
    %rem3A_25 = arith.remsi %rem3A_23, %rem3A_24 : i32
    %add3A_26 = arith.constant 0 : i32
    %add3A_27 = arith.addi %add3A, %add3A_26 : i32
    %jit3A_28 = arith.constant 195 : i32
    %div3A_29 = arith.divsi %add3A_27, %jit3A_28 : i32
    %sign3A_30 = arith.constant 0 : i32
    %sign3A_31 = arith.cmpi sgt, %add3A_27, %sign3A_30 : i32
    %sign3A_32 = arith.extui %sign3A_31 : i1 to i32
    %sign3A_33 = arith.constant 0 : i32
    %sign3A_34 = arith.cmpi slt, %add3A_27, %sign3A_33 : i32
    %sign3A_35 = arith.extui %sign3A_34 : i1 to i32
    %sign3A_36 = arith.subi %sign3A_32, %sign3A_35 : i32
    %sign3A_37 = arith.constant 0 : i32
    %sign3A_38 = arith.cmpi sgt, %jit3A_28, %sign3A_37 : i32
    %sign3A_39 = arith.extui %sign3A_38 : i1 to i32
    %sign3A_40 = arith.constant 0 : i32
    %sign3A_41 = arith.cmpi slt, %jit3A_28, %sign3A_40 : i32
    %sign3A_42 = arith.extui %sign3A_41 : i1 to i32
    %sign3A_43 = arith.subi %sign3A_39, %sign3A_42 : i32
    %ne3A_44 = arith.cmpi ne, %sign3A_36, %sign3A_43 : i32
    %rem3A_45 = arith.remsi %add3A_27, %jit3A_28 : i32
    %ne3A_46 = arith.constant 0 : i32
    %ne3A_47 = arith.cmpi ne, %rem3A_45, %ne3A_46 : i32
    %and3A_48 = arith.andi %ne3A_44, %ne3A_47 : i1
    %sub3A_49 = arith.constant 1 : i32
    %sub3A_50 = arith.subi %div3A_29, %sub3A_49 : i32
    %select_n3A_51 = arith.select %and3A_48, %sub3A_50, %div3A_29 : i32
    %rem3A_52 = arith.constant 195 : i32
    %rem3A_53 = arith.remsi %add3A_27, %rem3A_52 : i32
    %mul3A_54 = arith.constant 16 : i32
    %mul3A_55 = arith.muli %select_n3A_51, %mul3A_54 : i32
    %multiple_of3A = tpu.assume_multiple %mul3A_55, 16 : i32
    %mul3A_56 = arith.constant 512 : i32
    %mul3A_57 = arith.muli %rem3A_53, %mul3A_56 : i32
    %multiple_of3A_58 = tpu.assume_multiple %mul3A_57, 512 : i32
    %dma_start3A = arith.constant 0 : i32
    %dma_start3A_59 = arith.constant 0 : i32
    %dma_start3A_60 = tpu.memref_slice %arg5[%rem3A_25, %dma_start3A, %dma_start3A_59] : memref<4x16x512xf32, #tpu.memory_space<vmem>> -> memref<1x16x512xf32, #tpu.memory_space<vmem>>
    %dma_start3A_61 = tpu.memref_squeeze %dma_start3A_60 : memref<1x16x512xf32, #tpu.memory_space<vmem>> -> memref<16x512xf32, #tpu.memory_space<vmem>>
    %dma_start3A_62 = tpu.memref_slice %arg2[%multiple_of3A, %multiple_of3A_58] : memref<416x100000xf32, #tpu.memory_space<hbm>> -> memref<16x512xf32, #tpu.memory_space<hbm>>
    %dma_start3A_63 = tpu.memref_slice %arg9[%rem3A_25] : memref<4x!tpu.dma_semaphore, #tpu.memory_space<semaphore_mem>> -> memref<1x!tpu.dma_semaphore, #tpu.memory_space<semaphore_mem>>
    %dma_start3A_64 = tpu.memref_squeeze %dma_start3A_63 : memref<1x!tpu.dma_semaphore, #tpu.memory_space<semaphore_mem>> -> memref<!tpu.dma_semaphore, #tpu.memory_space<semaphore_mem>>
    %dma_start3A_65 = arith.constant 0 : i32
    %dma_start3A_66 = arith.constant 0 : i32
    %dma_start3A_67 = tpu.memref_slice %arg5[%rem3A_25, %dma_start3A_65, %dma_start3A_66] : memref<4x16x512xf32, #tpu.memory_space<vmem>> -> memref<1x16x512xf32, #tpu.memory_space<vmem>>
    %dma_start3A_68 = tpu.memref_squeeze %dma_start3A_67 : memref<1x16x512xf32, #tpu.memory_space<vmem>> -> memref<16x512xf32, #tpu.memory_space<vmem>>
    %dma_start3A_69 = tpu.memref_slice %arg2[%multiple_of3A, %multiple_of3A_58] : memref<416x100000xf32, #tpu.memory_space<hbm>> -> memref<16x512xf32, #tpu.memory_space<hbm>>
    tpu.enqueue_dma source(%dma_start3A_69 : memref<16x512xf32, #tpu.memory_space<hbm>>) target(%dma_start3A_68 : memref<16x512xf32, #tpu.memory_space<vmem>>) target_semaphore(%dma_start3A_64 : memref<!tpu.dma_semaphore, #tpu.memory_space<semaphore_mem>>)
    %rem3A_70 = arith.constant 1 : i32
    %rem3A_71 = arith.constant 4 : i32
    %rem3A_72 = arith.remsi %rem3A_70, %rem3A_71 : i32
    %add3A_73 = arith.constant 32 : i32
    %add3A_74 = arith.addi %add3A, %add3A_73 : i32
    %jit3A_75 = arith.constant 195 : i32
    %div3A_76 = arith.divsi %add3A_74, %jit3A_75 : i32
    %sign3A_77 = arith.constant 0 : i32
    %sign3A_78 = arith.cmpi sgt, %add3A_74, %sign3A_77 : i32
    %sign3A_79 = arith.extui %sign3A_78 : i1 to i32
    %sign3A_80 = arith.constant 0 : i32
    %sign3A_81 = arith.cmpi slt, %add3A_74, %sign3A_80 : i32
    %sign3A_82 = arith.extui %sign3A_81 : i1 to i32
    %sign3A_83 = arith.subi %sign3A_79, %sign3A_82 : i32
    %sign3A_84 = arith.constant 0 : i32
    %sign3A_85 = arith.cmpi sgt, %jit3A_75, %sign3A_84 : i32
    %sign3A_86 = arith.extui %sign3A_85 : i1 to i32
    %sign3A_87 = arith.constant 0 : i32
    %sign3A_88 = arith.cmpi slt, %jit3A_75, %sign3A_87 : i32
    %sign3A_89 = arith.extui %sign3A_88 : i1 to i32
    %sign3A_90 = arith.subi %sign3A_86, %sign3A_89 : i32
    %ne3A_91 = arith.cmpi ne, %sign3A_83, %sign3A_90 : i32
    %rem3A_92 = arith.remsi %add3A_74, %jit3A_75 : i32
    %ne3A_93 = arith.constant 0 : i32
    %ne3A_94 = arith.cmpi ne, %rem3A_92, %ne3A_93 : i32
    %and3A_95 = arith.andi %ne3A_91, %ne3A_94 : i1
    %sub3A_96 = arith.constant 1 : i32
    %sub3A_97 = arith.subi %div3A_76, %sub3A_96 : i32
    %select_n3A_98 = arith.select %and3A_95, %sub3A_97, %div3A_76 : i32
    %rem3A_99 = arith.constant 195 : i32
    %rem3A_100 = arith.remsi %add3A_74, %rem3A_99 : i32
    %mul3A_101 = arith.constant 16 : i32
    %mul3A_102 = arith.muli %select_n3A_98, %mul3A_101 : i32
    %multiple_of3A_103 = tpu.assume_multiple %mul3A_102, 16 : i32
    %mul3A_104 = arith.constant 512 : i32
    %mul3A_105 = arith.muli %rem3A_100, %mul3A_104 : i32
    %multiple_of3A_106 = tpu.assume_multiple %mul3A_105, 512 : i32
    %dma_start3A_107 = arith.constant 0 : i32
    %dma_start3A_108 = arith.constant 0 : i32
    %dma_start3A_109 = tpu.memref_slice %arg5[%rem3A_72, %dma_start3A_107, %dma_start3A_108] : memref<4x16x512xf32, #tpu.memory_space<vmem>> -> memref<1x16x512xf32, #tpu.memory_space<vmem>>
    %dma_start3A_110 = tpu.memref_squeeze %dma_start3A_109 : memref<1x16x512xf32, #tpu.memory_space<vmem>> -> memref<16x512xf32, #tpu.memory_space<vmem>>
    %dma_start3A_111 = tpu.memref_slice %arg2[%multiple_of3A_103, %multiple_of3A_106] : memref<416x100000xf32, #tpu.memory_space<hbm>> -> memref<16x512xf32, #tpu.memory_space<hbm>>
    %dma_start3A_112 = tpu.memref_slice %arg9[%rem3A_72] : memref<4x!tpu.dma_semaphore, #tpu.memory_space<semaphore_mem>> -> memref<1x!tpu.dma_semaphore, #tpu.memory_space<semaphore_mem>>
    %dma_start3A_113 = tpu.memref_squeeze %dma_start3A_112 : memref<1x!tpu.dma_semaphore, #tpu.memory_space<semaphore_mem>> -> memref<!tpu.dma_semaphore, #tpu.memory_space<semaphore_mem>>
    %dma_start3A_114 = arith.constant 0 : i32
    %dma_start3A_115 = arith.constant 0 : i32
    %dma_start3A_116 = tpu.memref_slice %arg5[%rem3A_72, %dma_start3A_114, %dma_start3A_115] : memref<4x16x512xf32, #tpu.memory_space<vmem>> -> memref<1x16x512xf32, #tpu.memory_space<vmem>>
    %dma_start3A_117 = tpu.memref_squeeze %dma_start3A_116 : memref<1x16x512xf32, #tpu.memory_space<vmem>> -> memref<16x512xf32, #tpu.memory_space<vmem>>
    %dma_start3A_118 = tpu.memref_slice %arg2[%multiple_of3A_103, %multiple_of3A_106] : memref<416x100000xf32, #tpu.memory_space<hbm>> -> memref<16x512xf32, #tpu.memory_space<hbm>>
    tpu.enqueue_dma source(%dma_start3A_118 : memref<16x512xf32, #tpu.memory_space<hbm>>) target(%dma_start3A_117 : memref<16x512xf32, #tpu.memory_space<vmem>>) target_semaphore(%dma_start3A_113 : memref<!tpu.dma_semaphore, #tpu.memory_space<semaphore_mem>>)
    %rem3A_119 = arith.constant 2 : i32
    %rem3A_120 = arith.constant 4 : i32
    %rem3A_121 = arith.remsi %rem3A_119, %rem3A_120 : i32
    %add3A_122 = arith.constant 64 : i32
    %add3A_123 = arith.addi %add3A, %add3A_122 : i32
    %jit3A_124 = arith.constant 195 : i32
    %div3A_125 = arith.divsi %add3A_123, %jit3A_124 : i32
    %sign3A_126 = arith.constant 0 : i32
    %sign3A_127 = arith.cmpi sgt, %add3A_123, %sign3A_126 : i32
    %sign3A_128 = arith.extui %sign3A_127 : i1 to i32
    %sign3A_129 = arith.constant 0 : i32
    %sign3A_130 = arith.cmpi slt, %add3A_123, %sign3A_129 : i32
    %sign3A_131 = arith.extui %sign3A_130 : i1 to i32
    %sign3A_132 = arith.subi %sign3A_128, %sign3A_131 : i32
    %sign3A_133 = arith.constant 0 : i32
    %sign3A_134 = arith.cmpi sgt, %jit3A_124, %sign3A_133 : i32
    %sign3A_135 = arith.extui %sign3A_134 : i1 to i32
    %sign3A_136 = arith.constant 0 : i32
    %sign3A_137 = arith.cmpi slt, %jit3A_124, %sign3A_136 : i32
    %sign3A_138 = arith.extui %sign3A_137 : i1 to i32
    %sign3A_139 = arith.subi %sign3A_135, %sign3A_138 : i32
    %ne3A_140 = arith.cmpi ne, %sign3A_132, %sign3A_139 : i32
    %rem3A_141 = arith.remsi %add3A_123, %jit3A_124 : i32
    %ne3A_142 = arith.constant 0 : i32
    %ne3A_143 = arith.cmpi ne, %rem3A_141, %ne3A_142 : i32
    %and3A_144 = arith.andi %ne3A_140, %ne3A_143 : i1
    %sub3A_145 = arith.constant 1 : i32
    %sub3A_146 = arith.subi %div3A_125, %sub3A_145 : i32
    %select_n3A_147 = arith.select %and3A_144, %sub3A_146, %div3A_125 : i32
    %rem3A_148 = arith.constant 195 : i32
    %rem3A_149 = arith.remsi %add3A_123, %rem3A_148 : i32
    %mul3A_150 = arith.constant 16 : i32
    %mul3A_151 = arith.muli %select_n3A_147, %mul3A_150 : i32
    %multiple_of3A_152 = tpu.assume_multiple %mul3A_151, 16 : i32
    %mul3A_153 = arith.constant 512 : i32
    %mul3A_154 = arith.muli %rem3A_149, %mul3A_153 : i32
    %multiple_of3A_155 = tpu.assume_multiple %mul3A_154, 512 : i32
    %dma_start3A_156 = arith.constant 0 : i32
    %dma_start3A_157 = arith.constant 0 : i32
    %dma_start3A_158 = tpu.memref_slice %arg5[%rem3A_121, %dma_start3A_156, %dma_start3A_157] : memref<4x16x512xf32, #tpu.memory_space<vmem>> -> memref<1x16x512xf32, #tpu.memory_space<vmem>>
    %dma_start3A_159 = tpu.memref_squeeze %dma_start3A_158 : memref<1x16x512xf32, #tpu.memory_space<vmem>> -> memref<16x512xf32, #tpu.memory_space<vmem>>
    %dma_start3A_160 = tpu.memref_slice %arg2[%multiple_of3A_152, %multiple_of3A_155] : memref<416x100000xf32, #tpu.memory_space<hbm>> -> memref<16x512xf32, #tpu.memory_space<hbm>>
    %dma_start3A_161 = tpu.memref_slice %arg9[%rem3A_121] : memref<4x!tpu.dma_semaphore, #tpu.memory_space<semaphore_mem>> -> memref<1x!tpu.dma_semaphore, #tpu.memory_space<semaphore_mem>>
    %dma_start3A_162 = tpu.memref_squeeze %dma_start3A_161 : memref<1x!tpu.dma_semaphore, #tpu.memory_space<semaphore_mem>> -> memref<!tpu.dma_semaphore, #tpu.memory_space<semaphore_mem>>
    %dma_start3A_163 = arith.constant 0 : i32
    %dma_start3A_164 = arith.constant 0 : i32
    %dma_start3A_165 = tpu.memref_slice %arg5[%rem3A_121, %dma_start3A_163, %dma_start3A_164] : memref<4x16x512xf32, #tpu.memory_space<vmem>> -> memref<1x16x512xf32, #tpu.memory_space<vmem>>
    %dma_start3A_166 = tpu.memref_squeeze %dma_start3A_165 : memref<1x16x512xf32, #tpu.memory_space<vmem>> -> memref<16x512xf32, #tpu.memory_space<vmem>>
    %dma_start3A_167 = tpu.memref_slice %arg2[%multiple_of3A_152, %multiple_of3A_155] : memref<416x100000xf32, #tpu.memory_space<hbm>> -> memref<16x512xf32, #tpu.memory_space<hbm>>
    tpu.enqueue_dma source(%dma_start3A_167 : memref<16x512xf32, #tpu.memory_space<hbm>>) target(%dma_start3A_166 : memref<16x512xf32, #tpu.memory_space<vmem>>) target_semaphore(%dma_start3A_162 : memref<!tpu.dma_semaphore, #tpu.memory_space<semaphore_mem>>)
    %while3A = arith.constant 0 : i32
    %while3A_168 = arith.constant 0 : i32
    %while3A_169 = arith.subi %select_n3A, %while3A_168 : i32
    %while3A_170 = arith.addi %while3A_168, %while3A_169 : i32
    %while3A_171 = arith.constant 1 : i32
    %while3A_172 = arith.divsi %while3A_169, %while3A_171 : i32
    %while3A_173 = arith.muli %while3A_172, %while3A_171 : i32
    %while3A_174 = arith.addi %while3A_168, %while3A_173 : i32
    %while3A_175 = arith.constant 1 : i32
    scf.for %while3A_191 = %while3A_168 to %while3A_174 step %while3A_175  : i32 {
      %rem3A_192 = arith.constant 4 : i32
      %rem3A_193 = arith.remsi %while3A_191, %rem3A_192 : i32
      %mul3A_194 = arith.constant 32 : i32
      %mul3A_195 = arith.muli %while3A_191, %mul3A_194 : i32
      %add3A_196 = arith.addi %add3A, %mul3A_195 : i32
      %add3A_197 = arith.constant 4 : i32
      %add3A_198 = arith.addi %while3A_191, %add3A_197 : i32
      %sub3A_199 = arith.constant 1 : i32
      %sub3A_200 = arith.subi %add3A_198, %sub3A_199 : i32
      %lt3A_201 = arith.cmpi slt, %sub3A_200, %select_n3A : i32
      %convert_element_type3A_202 = arith.extui %lt3A_201 : i1 to i32
      %cond3A_203 = arith.constant 0 : i32
      %cond3A_204 = arith.cmpi ne, %convert_element_type3A_202, %cond3A_203 : i32
      scf.if %cond3A_204 {
        %add3A_312 = arith.constant 4 : i32
        %add3A_313 = arith.addi %while3A_191, %add3A_312 : i32
        %sub3A_314 = arith.constant 1 : i32
        %sub3A_315 = arith.subi %add3A_313, %sub3A_314 : i32
        %rem3A_316 = arith.constant 4 : i32
        %rem3A_317 = arith.remsi %sub3A_315, %rem3A_316 : i32
        %mul3A_318 = arith.constant 32 : i32
        %mul3A_319 = arith.muli %sub3A_315, %mul3A_318 : i32
        %add3A_320 = arith.addi %add3A, %mul3A_319 : i32
        %jit3A_321 = arith.constant 195 : i32
        %div3A_322 = arith.divsi %add3A_320, %jit3A_321 : i32
        %sign3A_323 = arith.constant 0 : i32
        %sign3A_324 = arith.cmpi sgt, %add3A_320, %sign3A_323 : i32
        %sign3A_325 = arith.extui %sign3A_324 : i1 to i32
        %sign3A_326 = arith.constant 0 : i32
        %sign3A_327 = arith.cmpi slt, %add3A_320, %sign3A_326 : i32
        %sign3A_328 = arith.extui %sign3A_327 : i1 to i32
        %sign3A_329 = arith.subi %sign3A_325, %sign3A_328 : i32
        %sign3A_330 = arith.constant 0 : i32
        %sign3A_331 = arith.cmpi sgt, %jit3A_321, %sign3A_330 : i32
        %sign3A_332 = arith.extui %sign3A_331 : i1 to i32
        %sign3A_333 = arith.constant 0 : i32
        %sign3A_334 = arith.cmpi slt, %jit3A_321, %sign3A_333 : i32
        %sign3A_335 = arith.extui %sign3A_334 : i1 to i32
        %sign3A_336 = arith.subi %sign3A_332, %sign3A_335 : i32
        %ne3A_337 = arith.cmpi ne, %sign3A_329, %sign3A_336 : i32
        %rem3A_338 = arith.remsi %add3A_320, %jit3A_321 : i32
        %ne3A_339 = arith.constant 0 : i32
        %ne3A_340 = arith.cmpi ne, %rem3A_338, %ne3A_339 : i32
        %and3A_341 = arith.andi %ne3A_337, %ne3A_340 : i1
        %sub3A_342 = arith.constant 1 : i32
        %sub3A_343 = arith.subi %div3A_322, %sub3A_342 : i32
        %select_n3A_344 = arith.select %and3A_341, %sub3A_343, %div3A_322 : i32
        %rem3A_345 = arith.constant 195 : i32
        %rem3A_346 = arith.remsi %add3A_320, %rem3A_345 : i32
        %mul3A_347 = arith.constant 16 : i32
        %mul3A_348 = arith.muli %select_n3A_344, %mul3A_347 : i32
        %multiple_of3A_349 = tpu.assume_multiple %mul3A_348, 16 : i32
        %mul3A_350 = arith.constant 512 : i32
        %mul3A_351 = arith.muli %rem3A_346, %mul3A_350 : i32
        %multiple_of3A_352 = tpu.assume_multiple %mul3A_351, 512 : i32
        %dma_start3A_353 = arith.constant 0 : i32
        %dma_start3A_354 = arith.constant 0 : i32
        %dma_start3A_355 = tpu.memref_slice %arg5[%rem3A_317, %dma_start3A_353, %dma_start3A_354] : memref<4x16x512xf32, #tpu.memory_space<vmem>> -> memref<1x16x512xf32, #tpu.memory_space<vmem>>
        %dma_start3A_356 = tpu.memref_squeeze %dma_start3A_355 : memref<1x16x512xf32, #tpu.memory_space<vmem>> -> memref<16x512xf32, #tpu.memory_space<vmem>>
        %dma_start3A_357 = tpu.memref_slice %arg2[%multiple_of3A_349, %multiple_of3A_352] : memref<416x100000xf32, #tpu.memory_space<hbm>> -> memref<16x512xf32, #tpu.memory_space<hbm>>
        %dma_start3A_358 = tpu.memref_slice %arg9[%rem3A_317] : memref<4x!tpu.dma_semaphore, #tpu.memory_space<semaphore_mem>> -> memref<1x!tpu.dma_semaphore, #tpu.memory_space<semaphore_mem>>
        %dma_start3A_359 = tpu.memref_squeeze %dma_start3A_358 : memref<1x!tpu.dma_semaphore, #tpu.memory_space<semaphore_mem>> -> memref<!tpu.dma_semaphore, #tpu.memory_space<semaphore_mem>>
        %dma_start3A_360 = arith.constant 0 : i32
        %dma_start3A_361 = arith.constant 0 : i32
        %dma_start3A_362 = tpu.memref_slice %arg5[%rem3A_317, %dma_start3A_360, %dma_start3A_361] : memref<4x16x512xf32, #tpu.memory_space<vmem>> -> memref<1x16x512xf32, #tpu.memory_space<vmem>>
        %dma_start3A_363 = tpu.memref_squeeze %dma_start3A_362 : memref<1x16x512xf32, #tpu.memory_space<vmem>> -> memref<16x512xf32, #tpu.memory_space<vmem>>
        %dma_start3A_364 = tpu.memref_slice %arg2[%multiple_of3A_349, %multiple_of3A_352] : memref<416x100000xf32, #tpu.memory_space<hbm>> -> memref<16x512xf32, #tpu.memory_space<hbm>>
        tpu.enqueue_dma source(%dma_start3A_364 : memref<16x512xf32, #tpu.memory_space<hbm>>) target(%dma_start3A_363 : memref<16x512xf32, #tpu.memory_space<vmem>>) target_semaphore(%dma_start3A_359 : memref<!tpu.dma_semaphore, #tpu.memory_space<semaphore_mem>>)
      } else {
      }
      %jit3A_205 = arith.constant 195 : i32
      %div3A_206 = arith.divsi %add3A_196, %jit3A_205 : i32
      %sign3A_207 = arith.constant 0 : i32
      %sign3A_208 = arith.cmpi sgt, %add3A_196, %sign3A_207 : i32
      %sign3A_209 = arith.extui %sign3A_208 : i1 to i32
      %sign3A_210 = arith.constant 0 : i32
      %sign3A_211 = arith.cmpi slt, %add3A_196, %sign3A_210 : i32
      %sign3A_212 = arith.extui %sign3A_211 : i1 to i32
      %sign3A_213 = arith.subi %sign3A_209, %sign3A_212 : i32
      %sign3A_214 = arith.constant 0 : i32
      %sign3A_215 = arith.cmpi sgt, %jit3A_205, %sign3A_214 : i32
      %sign3A_216 = arith.extui %sign3A_215 : i1 to i32
      %sign3A_217 = arith.constant 0 : i32
      %sign3A_218 = arith.cmpi slt, %jit3A_205, %sign3A_217 : i32
      %sign3A_219 = arith.extui %sign3A_218 : i1 to i32
      %sign3A_220 = arith.subi %sign3A_216, %sign3A_219 : i32
      %ne3A_221 = arith.cmpi ne, %sign3A_213, %sign3A_220 : i32
      %rem3A_222 = arith.remsi %add3A_196, %jit3A_205 : i32
      %ne3A_223 = arith.constant 0 : i32
      %ne3A_224 = arith.cmpi ne, %rem3A_222, %ne3A_223 : i32
      %and3A_225 = arith.andi %ne3A_221, %ne3A_224 : i1
      %sub3A_226 = arith.constant 1 : i32
      %sub3A_227 = arith.subi %div3A_206, %sub3A_226 : i32
      %select_n3A_228 = arith.select %and3A_225, %sub3A_227, %div3A_206 : i32
      %rem3A_229 = arith.constant 195 : i32
      %rem3A_230 = arith.remsi %add3A_196, %rem3A_229 : i32
      %mul3A_231 = arith.constant 16 : i32
      %mul3A_232 = arith.muli %select_n3A_228, %mul3A_231 : i32
      %multiple_of3A_233 = tpu.assume_multiple %mul3A_232, 16 : i32
      %mul3A_234 = arith.constant 512 : i32
      %mul3A_235 = arith.muli %rem3A_230, %mul3A_234 : i32
      %multiple_of3A_236 = tpu.assume_multiple %mul3A_235, 512 : i32
      %dma_wait3A = arith.constant 0 : i32
      %dma_wait3A_237 = arith.constant 0 : i32
      %dma_wait3A_238 = tpu.memref_slice %arg5[%rem3A_193, %dma_wait3A, %dma_wait3A_237] : memref<4x16x512xf32, #tpu.memory_space<vmem>> -> memref<1x16x512xf32, #tpu.memory_space<vmem>>
      %dma_wait3A_239 = tpu.memref_squeeze %dma_wait3A_238 : memref<1x16x512xf32, #tpu.memory_space<vmem>> -> memref<16x512xf32, #tpu.memory_space<vmem>>
      %dma_wait3A_240 = tpu.memref_slice %arg2[%multiple_of3A_233, %multiple_of3A_236] : memref<416x100000xf32, #tpu.memory_space<hbm>> -> memref<16x512xf32, #tpu.memory_space<hbm>>
      %dma_wait3A_241 = tpu.memref_slice %arg9[%rem3A_193] : memref<4x!tpu.dma_semaphore, #tpu.memory_space<semaphore_mem>> -> memref<1x!tpu.dma_semaphore, #tpu.memory_space<semaphore_mem>>
      %dma_wait3A_242 = tpu.memref_squeeze %dma_wait3A_241 : memref<1x!tpu.dma_semaphore, #tpu.memory_space<semaphore_mem>> -> memref<!tpu.dma_semaphore, #tpu.memory_space<semaphore_mem>>
      %dma_wait3A_243 = arith.constant 0 : i32
      %dma_wait3A_244 = arith.constant 0 : i32
      %dma_wait3A_245 = tpu.memref_slice %arg5[%rem3A_193, %dma_wait3A_243, %dma_wait3A_244] : memref<4x16x512xf32, #tpu.memory_space<vmem>> -> memref<1x16x512xf32, #tpu.memory_space<vmem>>
      %dma_wait3A_246 = tpu.memref_squeeze %dma_wait3A_245 : memref<1x16x512xf32, #tpu.memory_space<vmem>> -> memref<16x512xf32, #tpu.memory_space<vmem>>
      %dma_wait3A_247 = tpu.memref_slice %arg2[%multiple_of3A_233, %multiple_of3A_236] : memref<416x100000xf32, #tpu.memory_space<hbm>> -> memref<16x512xf32, #tpu.memory_space<hbm>>
      tpu.wait_dma2 semaphore(%dma_wait3A_242 : memref<!tpu.dma_semaphore, #tpu.memory_space<semaphore_mem>>) src(%dma_wait3A_247 : memref<16x512xf32, #tpu.memory_space<hbm>>) dst(%dma_wait3A_246 : memref<16x512xf32, #tpu.memory_space<vmem>>)
      %ge3A = arith.constant 4 : i32
      %ge3A_248 = arith.cmpi sge, %while3A_191, %ge3A : i32
      %convert_element_type3A_249 = arith.extui %ge3A_248 : i1 to i32
      %cond3A_250 = arith.constant 0 : i32
      %cond3A_251 = arith.cmpi ne, %convert_element_type3A_249, %cond3A_250 : i32
      scf.if %cond3A_251 {
        %sub3A_312 = arith.constant 4 : i32
        %sub3A_313 = arith.subi %while3A_191, %sub3A_312 : i32
        %mul3A_314 = arith.constant 32 : i32
        %mul3A_315 = arith.muli %sub3A_313, %mul3A_314 : i32
        %add3A_316 = arith.addi %add3A, %mul3A_315 : i32
        %jit3A_317 = arith.constant 195 : i32
        %div3A_318 = arith.divsi %add3A_316, %jit3A_317 : i32
        %sign3A_319 = arith.constant 0 : i32
        %sign3A_320 = arith.cmpi sgt, %add3A_316, %sign3A_319 : i32
        %sign3A_321 = arith.extui %sign3A_320 : i1 to i32
        %sign3A_322 = arith.constant 0 : i32
        %sign3A_323 = arith.cmpi slt, %add3A_316, %sign3A_322 : i32
        %sign3A_324 = arith.extui %sign3A_323 : i1 to i32
        %sign3A_325 = arith.subi %sign3A_321, %sign3A_324 : i32
        %sign3A_326 = arith.constant 0 : i32
        %sign3A_327 = arith.cmpi sgt, %jit3A_317, %sign3A_326 : i32
        %sign3A_328 = arith.extui %sign3A_327 : i1 to i32
        %sign3A_329 = arith.constant 0 : i32
        %sign3A_330 = arith.cmpi slt, %jit3A_317, %sign3A_329 : i32
        %sign3A_331 = arith.extui %sign3A_330 : i1 to i32
        %sign3A_332 = arith.subi %sign3A_328, %sign3A_331 : i32
        %ne3A_333 = arith.cmpi ne, %sign3A_325, %sign3A_332 : i32
        %rem3A_334 = arith.remsi %add3A_316, %jit3A_317 : i32
        %ne3A_335 = arith.constant 0 : i32
        %ne3A_336 = arith.cmpi ne, %rem3A_334, %ne3A_335 : i32
        %and3A_337 = arith.andi %ne3A_333, %ne3A_336 : i1
        %sub3A_338 = arith.constant 1 : i32
        %sub3A_339 = arith.subi %div3A_318, %sub3A_338 : i32
        %select_n3A_340 = arith.select %and3A_337, %sub3A_339, %div3A_318 : i32
        %rem3A_341 = arith.constant 195 : i32
        %rem3A_342 = arith.remsi %add3A_316, %rem3A_341 : i32
        %mul3A_343 = arith.constant 12504 : i32
        %mul3A_344 = arith.muli %select_n3A_340, %mul3A_343 : i32
        %mul3A_345 = arith.constant 64 : i32
        %mul3A_346 = arith.muli %rem3A_342, %mul3A_345 : i32
        %add3A_347 = arith.addi %mul3A_344, %mul3A_346 : i32
        %multiple_of3A_348 = tpu.assume_multiple %add3A_347, 8 : i32
        %dma_wait3A_349 = arith.constant 0 : i32
        %dma_wait3A_350 = arith.constant 0 : i32
        %dma_wait3A_351 = tpu.memref_slice %arg7[%rem3A_193, %dma_wait3A_349, %dma_wait3A_350] : memref<4x64x128xf32, #tpu.memory_space<vmem>> -> memref<1x64x128xf32, #tpu.memory_space<vmem>>
        %dma_wait3A_352 = tpu.memref_squeeze %dma_wait3A_351 : memref<1x64x128xf32, #tpu.memory_space<vmem>> -> memref<64x128xf32, #tpu.memory_space<vmem>>
        %dma_wait3A_353 = arith.constant 0 : i32
        %dma_wait3A_354 = tpu.memref_slice %arg4[%multiple_of3A_348, %dma_wait3A_353] : memref<325104x128xf32, #tpu.memory_space<hbm>> -> memref<64x128xf32, #tpu.memory_space<hbm>>
        %dma_wait3A_355 = tpu.memref_slice %arg10[%rem3A_193] : memref<4x!tpu.dma_semaphore, #tpu.memory_space<semaphore_mem>> -> memref<1x!tpu.dma_semaphore, #tpu.memory_space<semaphore_mem>>
        %dma_wait3A_356 = tpu.memref_squeeze %dma_wait3A_355 : memref<1x!tpu.dma_semaphore, #tpu.memory_space<semaphore_mem>> -> memref<!tpu.dma_semaphore, #tpu.memory_space<semaphore_mem>>
        %dma_wait3A_357 = arith.constant 0 : i32
        %dma_wait3A_358 = tpu.memref_slice %arg4[%multiple_of3A_348, %dma_wait3A_357] : memref<325104x128xf32, #tpu.memory_space<hbm>> -> memref<64x128xf32, #tpu.memory_space<hbm>>
        %dma_wait3A_359 = arith.constant 0 : i32
        %dma_wait3A_360 = arith.constant 0 : i32
        %dma_wait3A_361 = tpu.memref_slice %arg7[%rem3A_193, %dma_wait3A_359, %dma_wait3A_360] : memref<4x64x128xf32, #tpu.memory_space<vmem>> -> memref<1x64x128xf32, #tpu.memory_space<vmem>>
        %dma_wait3A_362 = tpu.memref_squeeze %dma_wait3A_361 : memref<1x64x128xf32, #tpu.memory_space<vmem>> -> memref<64x128xf32, #tpu.memory_space<vmem>>
        tpu.wait_dma2 semaphore(%dma_wait3A_356 : memref<!tpu.dma_semaphore, #tpu.memory_space<semaphore_mem>>) src(%dma_wait3A_362 : memref<64x128xf32, #tpu.memory_space<vmem>>) dst(%dma_wait3A_358 : memref<64x128xf32, #tpu.memory_space<hbm>>)
      } else {
      }
      %broadcast_in_dim3A = vector.broadcast %rem3A_193 : i32 to vector<16xi32>
      %mul3A_252 = arith.constant 17 : i32
      %mul3A_253 = vector.broadcast %mul3A_252 : i32 to vector<16xi32>
      %mul3A_254 = arith.muli %iota3A, %mul3A_253 : vector<16xi32>
      %scan3A = arith.constant 0 : i32
      %scan3A_255 = arith.constant 0 : i32
      %scan3A_256 = arith.constant 32 : i32
      %scan3A_257 = arith.addi %scan3A_255, %scan3A_256 : i32
      %scan3A_258 = arith.constant 1 : i32
      scf.for %scan3A_312 = %scan3A_255 to %scan3A_257 step %scan3A_258  : i32 {
        %mul3A_313 = arith.constant 272 : i32
        %mul3A_314 = arith.muli %scan3A_312, %mul3A_313 : i32
        %add3A_315 = vector.broadcast %mul3A_314 : i32 to vector<16xi32>
        %add3A_316 = arith.addi %mul3A_254, %add3A_315 : vector<16xi32>
        %mul3A_317 = arith.constant 16 : i32
        %mul3A_318 = arith.muli %scan3A_312, %mul3A_317 : i32
        %get3A = arith.constant 0 : i32
        %get3A_319 = arith.index_cast %rem3A_193 : i32 to index
        %get3A_320 = arith.index_cast %get3A : i32 to index
        %get3A_321 = arith.index_cast %mul3A_318 : i32 to index
        %get3A_322 = tpu.vector_load %arg5[%get3A_319, %get3A_320, %get3A_321] {strides = array<i32>} : memref<4x16x512xf32, #tpu.memory_space<vmem>>, vector<16xf32>,
        %mul3A_323 = arith.constant 16 : i32
        %mul3A_324 = arith.muli %scan3A_312, %mul3A_323 : i32
        %get3A_325 = arith.constant 1 : i32
        %get3A_326 = arith.index_cast %rem3A_193 : i32 to index
        %get3A_327 = arith.index_cast %get3A_325 : i32 to index
        %get3A_328 = arith.index_cast %mul3A_324 : i32 to index
        %get3A_329 = tpu.vector_load %arg5[%get3A_326, %get3A_327, %get3A_328] {strides = array<i32>} : memref<4x16x512xf32, #tpu.memory_space<vmem>>, vector<16xf32>,
        %mul3A_330 = arith.constant 16 : i32
        %mul3A_331 = arith.muli %scan3A_312, %mul3A_330 : i32
        %get3A_332 = arith.constant 2 : i32
        %get3A_333 = arith.index_cast %rem3A_193 : i32 to index
        %get3A_334 = arith.index_cast %get3A_332 : i32 to index
        %get3A_335 = arith.index_cast %mul3A_331 : i32 to index
        %get3A_336 = tpu.vector_load %arg5[%get3A_333, %get3A_334, %get3A_335] {strides = array<i32>} : memref<4x16x512xf32, #tpu.memory_space<vmem>>, vector<16xf32>,
        %mul3A_337 = arith.constant 16 : i32
        %mul3A_338 = arith.muli %scan3A_312, %mul3A_337 : i32
        %get3A_339 = arith.constant 3 : i32
        %get3A_340 = arith.index_cast %rem3A_193 : i32 to index
        %get3A_341 = arith.index_cast %get3A_339 : i32 to index
        %get3A_342 = arith.index_cast %mul3A_338 : i32 to index
        %get3A_343 = tpu.vector_load %arg5[%get3A_340, %get3A_341, %get3A_342] {strides = array<i32>} : memref<4x16x512xf32, #tpu.memory_space<vmem>>, vector<16xf32>,
        %mul3A_344 = arith.constant 16 : i32
        %mul3A_345 = arith.muli %scan3A_312, %mul3A_344 : i32
        %get3A_346 = arith.constant 4 : i32
        %get3A_347 = arith.index_cast %rem3A_193 : i32 to index
        %get3A_348 = arith.index_cast %get3A_346 : i32 to index
        %get3A_349 = arith.index_cast %mul3A_345 : i32 to index
        %get3A_350 = tpu.vector_load %arg5[%get3A_347, %get3A_348, %get3A_349] {strides = array<i32>} : memref<4x16x512xf32, #tpu.memory_space<vmem>>, vector<16xf32>,
        %mul3A_351 = arith.constant 16 : i32
        %mul3A_352 = arith.muli %scan3A_312, %mul3A_351 : i32
        %get3A_353 = arith.constant 5 : i32
        %get3A_354 = arith.index_cast %rem3A_193 : i32 to index
        %get3A_355 = arith.index_cast %get3A_353 : i32 to index
        %get3A_356 = arith.index_cast %mul3A_352 : i32 to index
        %get3A_357 = tpu.vector_load %arg5[%get3A_354, %get3A_355, %get3A_356] {strides = array<i32>} : memref<4x16x512xf32, #tpu.memory_space<vmem>>, vector<16xf32>,
        %mul3A_358 = arith.constant 16 : i32
        %mul3A_359 = arith.muli %scan3A_312, %mul3A_358 : i32
        %get3A_360 = arith.constant 6 : i32
        %get3A_361 = arith.index_cast %rem3A_193 : i32 to index
        %get3A_362 = arith.index_cast %get3A_360 : i32 to index
        %get3A_363 = arith.index_cast %mul3A_359 : i32 to index
        %get3A_364 = tpu.vector_load %arg5[%get3A_361, %get3A_362, %get3A_363] {strides = array<i32>} : memref<4x16x512xf32, #tpu.memory_space<vmem>>, vector<16xf32>,
        %mul3A_365 = arith.constant 16 : i32
        %mul3A_366 = arith.muli %scan3A_312, %mul3A_365 : i32
        %get3A_367 = arith.constant 7 : i32
        %get3A_368 = arith.index_cast %rem3A_193 : i32 to index
        %get3A_369 = arith.index_cast %get3A_367 : i32 to index
        %get3A_370 = arith.index_cast %mul3A_366 : i32 to index
        %get3A_371 = tpu.vector_load %arg5[%get3A_368, %get3A_369, %get3A_370] {strides = array<i32>} : memref<4x16x512xf32, #tpu.memory_space<vmem>>, vector<16xf32>,
        %mul3A_372 = arith.constant 16 : i32
        %mul3A_373 = arith.muli %scan3A_312, %mul3A_372 : i32
        %get3A_374 = arith.constant 8 : i32
        %get3A_375 = arith.index_cast %rem3A_193 : i32 to index
        %get3A_376 = arith.index_cast %get3A_374 : i32 to index
        %get3A_377 = arith.index_cast %mul3A_373 : i32 to index
        %get3A_378 = tpu.vector_load %arg5[%get3A_375, %get3A_376, %get3A_377] {strides = array<i32>} : memref<4x16x512xf32, #tpu.memory_space<vmem>>, vector<16xf32>,
        %mul3A_379 = arith.constant 16 : i32
        %mul3A_380 = arith.muli %scan3A_312, %mul3A_379 : i32
        %get3A_381 = arith.constant 9 : i32
        %get3A_382 = arith.index_cast %rem3A_193 : i32 to index
        %get3A_383 = arith.index_cast %get3A_381 : i32 to index
        %get3A_384 = arith.index_cast %mul3A_380 : i32 to index
        %get3A_385 = tpu.vector_load %arg5[%get3A_382, %get3A_383, %get3A_384] {strides = array<i32>} : memref<4x16x512xf32, #tpu.memory_space<vmem>>, vector<16xf32>,
        %mul3A_386 = arith.constant 16 : i32
        %mul3A_387 = arith.muli %scan3A_312, %mul3A_386 : i32
        %get3A_388 = arith.constant 10 : i32
        %get3A_389 = arith.index_cast %rem3A_193 : i32 to index
        %get3A_390 = arith.index_cast %get3A_388 : i32 to index
        %get3A_391 = arith.index_cast %mul3A_387 : i32 to index
        %get3A_392 = tpu.vector_load %arg5[%get3A_389, %get3A_390, %get3A_391] {strides = array<i32>} : memref<4x16x512xf32, #tpu.memory_space<vmem>>, vector<16xf32>,
        %mul3A_393 = arith.constant 16 : i32
        %mul3A_394 = arith.muli %scan3A_312, %mul3A_393 : i32
        %get3A_395 = arith.constant 11 : i32
        %get3A_396 = arith.index_cast %rem3A_193 : i32 to index
        %get3A_397 = arith.index_cast %get3A_395 : i32 to index
        %get3A_398 = arith.index_cast %mul3A_394 : i32 to index
        %get3A_399 = tpu.vector_load %arg5[%get3A_396, %get3A_397, %get3A_398] {strides = array<i32>} : memref<4x16x512xf32, #tpu.memory_space<vmem>>, vector<16xf32>,
        %mul3A_400 = arith.constant 16 : i32
        %mul3A_401 = arith.muli %scan3A_312, %mul3A_400 : i32
        %get3A_402 = arith.constant 12 : i32
        %get3A_403 = arith.index_cast %rem3A_193 : i32 to index
        %get3A_404 = arith.index_cast %get3A_402 : i32 to index
        %get3A_405 = arith.index_cast %mul3A_401 : i32 to index
        %get3A_406 = tpu.vector_load %arg5[%get3A_403, %get3A_404, %get3A_405] {strides = array<i32>} : memref<4x16x512xf32, #tpu.memory_space<vmem>>, vector<16xf32>,
        %mul3A_407 = arith.constant 16 : i32
        %mul3A_408 = arith.muli %scan3A_312, %mul3A_407 : i32
        %get3A_409 = arith.constant 13 : i32
        %get3A_410 = arith.index_cast %rem3A_193 : i32 to index
        %get3A_411 = arith.index_cast %get3A_409 : i32 to index
        %get3A_412 = arith.index_cast %mul3A_408 : i32 to index
        %get3A_413 = tpu.vector_load %arg5[%get3A_410, %get3A_411, %get3A_412] {strides = array<i32>} : memref<4x16x512xf32, #tpu.memory_space<vmem>>, vector<16xf32>,
        %mul3A_414 = arith.constant 16 : i32
        %mul3A_415 = arith.muli %scan3A_312, %mul3A_414 : i32
        %get3A_416 = arith.constant 14 : i32
        %get3A_417 = arith.index_cast %rem3A_193 : i32 to index
        %get3A_418 = arith.index_cast %get3A_416 : i32 to index
        %get3A_419 = arith.index_cast %mul3A_415 : i32 to index
        %get3A_420 = tpu.vector_load %arg5[%get3A_417, %get3A_418, %get3A_419] {strides = array<i32>} : memref<4x16x512xf32, #tpu.memory_space<vmem>>, vector<16xf32>,
        %mul3A_421 = arith.constant 16 : i32
        %mul3A_422 = arith.muli %scan3A_312, %mul3A_421 : i32
        %get3A_423 = arith.constant 15 : i32
        %get3A_424 = arith.index_cast %rem3A_193 : i32 to index
        %get3A_425 = arith.index_cast %get3A_423 : i32 to index
        %get3A_426 = arith.index_cast %mul3A_422 : i32 to index
        %get3A_427 = tpu.vector_load %arg5[%get3A_424, %get3A_425, %get3A_426] {strides = array<i32>} : memref<4x16x512xf32, #tpu.memory_space<vmem>>, vector<16xf32>,
        %add3A_428 = arith.constant 0 : i32
        %add3A_429 = vector.broadcast %add3A_428 : i32 to vector<16xi32>
        %add3A_430 = arith.addi %add3A_316, %add3A_429 : vector<16xi32>
        tpu.vector_store_idx %arg6[%broadcast_in_dim3A, %add3A_430], %get3A_322 : memref<4x8704xf32, #tpu.memory_space<vmem>>[vector<16xi32>, vector<16xi32>], vector<16xf32>,
        %add3A_431 = arith.constant 1 : i32
        %add3A_432 = vector.broadcast %add3A_431 : i32 to vector<16xi32>
        %add3A_433 = arith.addi %add3A_316, %add3A_432 : vector<16xi32>
        tpu.vector_store_idx %arg6[%broadcast_in_dim3A, %add3A_433], %get3A_329 : memref<4x8704xf32, #tpu.memory_space<vmem>>[vector<16xi32>, vector<16xi32>], vector<16xf32>,
        %add3A_434 = arith.constant 2 : i32
        %add3A_435 = vector.broadcast %add3A_434 : i32 to vector<16xi32>
        %add3A_436 = arith.addi %add3A_316, %add3A_435 : vector<16xi32>
        tpu.vector_store_idx %arg6[%broadcast_in_dim3A, %add3A_436], %get3A_336 : memref<4x8704xf32, #tpu.memory_space<vmem>>[vector<16xi32>, vector<16xi32>], vector<16xf32>,
        %add3A_437 = arith.constant 3 : i32
        %add3A_438 = vector.broadcast %add3A_437 : i32 to vector<16xi32>
        %add3A_439 = arith.addi %add3A_316, %add3A_438 : vector<16xi32>
        tpu.vector_store_idx %arg6[%broadcast_in_dim3A, %add3A_439], %get3A_343 : memref<4x8704xf32, #tpu.memory_space<vmem>>[vector<16xi32>, vector<16xi32>], vector<16xf32>,
        %add3A_440 = arith.constant 4 : i32
        %add3A_441 = vector.broadcast %add3A_440 : i32 to vector<16xi32>
        %add3A_442 = arith.addi %add3A_316, %add3A_441 : vector<16xi32>
        tpu.vector_store_idx %arg6[%broadcast_in_dim3A, %add3A_442], %get3A_350 : memref<4x8704xf32, #tpu.memory_space<vmem>>[vector<16xi32>, vector<16xi32>], vector<16xf32>,
        %add3A_443 = arith.constant 5 : i32
        %add3A_444 = vector.broadcast %add3A_443 : i32 to vector<16xi32>
        %add3A_445 = arith.addi %add3A_316, %add3A_444 : vector<16xi32>
        tpu.vector_store_idx %arg6[%broadcast_in_dim3A, %add3A_445], %get3A_357 : memref<4x8704xf32, #tpu.memory_space<vmem>>[vector<16xi32>, vector<16xi32>], vector<16xf32>,
        %add3A_446 = arith.constant 6 : i32
        %add3A_447 = vector.broadcast %add3A_446 : i32 to vector<16xi32>
        %add3A_448 = arith.addi %add3A_316, %add3A_447 : vector<16xi32>
        tpu.vector_store_idx %arg6[%broadcast_in_dim3A, %add3A_448], %get3A_364 : memref<4x8704xf32, #tpu.memory_space<vmem>>[vector<16xi32>, vector<16xi32>], vector<16xf32>,
        %add3A_449 = arith.constant 7 : i32
        %add3A_450 = vector.broadcast %add3A_449 : i32 to vector<16xi32>
        %add3A_451 = arith.addi %add3A_316, %add3A_450 : vector<16xi32>
        tpu.vector_store_idx %arg6[%broadcast_in_dim3A, %add3A_451], %get3A_371 : memref<4x8704xf32, #tpu.memory_space<vmem>>[vector<16xi32>, vector<16xi32>], vector<16xf32>,
        %add3A_452 = arith.constant 8 : i32
        %add3A_453 = vector.broadcast %add3A_452 : i32 to vector<16xi32>
        %add3A_454 = arith.addi %add3A_316, %add3A_453 : vector<16xi32>
        tpu.vector_store_idx %arg6[%broadcast_in_dim3A, %add3A_454], %get3A_378 : memref<4x8704xf32, #tpu.memory_space<vmem>>[vector<16xi32>, vector<16xi32>], vector<16xf32>,
        %add3A_455 = arith.constant 9 : i32
        %add3A_456 = vector.broadcast %add3A_455 : i32 to vector<16xi32>
        %add3A_457 = arith.addi %add3A_316, %add3A_456 : vector<16xi32>
        tpu.vector_store_idx %arg6[%broadcast_in_dim3A, %add3A_457], %get3A_385 : memref<4x8704xf32, #tpu.memory_space<vmem>>[vector<16xi32>, vector<16xi32>], vector<16xf32>,
        %add3A_458 = arith.constant 10 : i32
        %add3A_459 = vector.broadcast %add3A_458 : i32 to vector<16xi32>
        %add3A_460 = arith.addi %add3A_316, %add3A_459 : vector<16xi32>
        tpu.vector_store_idx %arg6[%broadcast_in_dim3A, %add3A_460], %get3A_392 : memref<4x8704xf32, #tpu.memory_space<vmem>>[vector<16xi32>, vector<16xi32>], vector<16xf32>,
        %add3A_461 = arith.constant 11 : i32
        %add3A_462 = vector.broadcast %add3A_461 : i32 to vector<16xi32>
        %add3A_463 = arith.addi %add3A_316, %add3A_462 : vector<16xi32>
        tpu.vector_store_idx %arg6[%broadcast_in_dim3A, %add3A_463], %get3A_399 : memref<4x8704xf32, #tpu.memory_space<vmem>>[vector<16xi32>, vector<16xi32>], vector<16xf32>,
        %add3A_464 = arith.constant 12 : i32
        %add3A_465 = vector.broadcast %add3A_464 : i32 to vector<16xi32>
        %add3A_466 = arith.addi %add3A_316, %add3A_465 : vector<16xi32>
        tpu.vector_store_idx %arg6[%broadcast_in_dim3A, %add3A_466], %get3A_406 : memref<4x8704xf32, #tpu.memory_space<vmem>>[vector<16xi32>, vector<16xi32>], vector<16xf32>,
        %add3A_467 = arith.constant 13 : i32
        %add3A_468 = vector.broadcast %add3A_467 : i32 to vector<16xi32>
        %add3A_469 = arith.addi %add3A_316, %add3A_468 : vector<16xi32>
        tpu.vector_store_idx %arg6[%broadcast_in_dim3A, %add3A_469], %get3A_413 : memref<4x8704xf32, #tpu.memory_space<vmem>>[vector<16xi32>, vector<16xi32>], vector<16xf32>,
        %add3A_470 = arith.constant 14 : i32
        %add3A_471 = vector.broadcast %add3A_470 : i32 to vector<16xi32>
        %add3A_472 = arith.addi %add3A_316, %add3A_471 : vector<16xi32>
        tpu.vector_store_idx %arg6[%broadcast_in_dim3A, %add3A_472], %get3A_420 : memref<4x8704xf32, #tpu.memory_space<vmem>>[vector<16xi32>, vector<16xi32>], vector<16xf32>,
        %add3A_473 = arith.constant 15 : i32
        %add3A_474 = vector.broadcast %add3A_473 : i32 to vector<16xi32>
        %add3A_475 = arith.addi %add3A_316, %add3A_474 : vector<16xi32>
        tpu.vector_store_idx %arg6[%broadcast_in_dim3A, %add3A_475], %get3A_427 : memref<4x8704xf32, #tpu.memory_space<vmem>>[vector<16xi32>, vector<16xi32>], vector<16xf32>,
      }
      %scan3A_259 = arith.constant 32 : i32
      %scan3A_260 = arith.constant 0 : i32
      %scan3A_261 = arith.constant 0 : i32
      %scan3A_262 = arith.constant 64 : i32
      %scan3A_263 = arith.addi %scan3A_261, %scan3A_262 : i32
      %scan3A_264 = arith.constant 1 : i32
      scf.for %scan3A_312 = %scan3A_261 to %scan3A_263 step %scan3A_264  : i32 {
        %mul3A_313 = arith.constant 8 : i32
        %mul3A_314 = arith.muli %scan3A_312, %mul3A_313 : i32
        %add3A_315 = arith.constant 0 : i32
        %add3A_316 = arith.addi %mul3A_314, %add3A_315 : i32
        %mul3A_317 = arith.constant 17 : i32
        %mul3A_318 = arith.muli %add3A_316, %mul3A_317 : i32
        %add3A_319 = vector.broadcast %mul3A_318 : i32 to vector<16xi32>
        %add3A_320 = arith.addi %iota3A, %add3A_319 : vector<16xi32>
        %gather3A = tpu.vector_load_idx %arg6[%broadcast_in_dim3A, %add3A_320] : memref<4x8704xf32, #tpu.memory_space<vmem>>[vector<16xi32>, vector<16xi32>], vector<16xf32>,
        %mul3A_321 = arith.constant 8 : i32
        %mul3A_322 = arith.muli %scan3A_312, %mul3A_321 : i32
        %add3A_323 = arith.constant 1 : i32
        %add3A_324 = arith.addi %mul3A_322, %add3A_323 : i32
        %mul3A_325 = arith.constant 17 : i32
        %mul3A_326 = arith.muli %add3A_324, %mul3A_325 : i32
        %add3A_327 = vector.broadcast %mul3A_326 : i32 to vector<16xi32>
        %add3A_328 = arith.addi %iota3A, %add3A_327 : vector<16xi32>
        %gather3A_329 = tpu.vector_load_idx %arg6[%broadcast_in_dim3A, %add3A_328] : memref<4x8704xf32, #tpu.memory_space<vmem>>[vector<16xi32>, vector<16xi32>], vector<16xf32>,
        %mul3A_330 = arith.constant 8 : i32
        %mul3A_331 = arith.muli %scan3A_312, %mul3A_330 : i32
        %add3A_332 = arith.constant 2 : i32
        %add3A_333 = arith.addi %mul3A_331, %add3A_332 : i32
        %mul3A_334 = arith.constant 17 : i32
        %mul3A_335 = arith.muli %add3A_333, %mul3A_334 : i32
        %add3A_336 = vector.broadcast %mul3A_335 : i32 to vector<16xi32>
        %add3A_337 = arith.addi %iota3A, %add3A_336 : vector<16xi32>
        %gather3A_338 = tpu.vector_load_idx %arg6[%broadcast_in_dim3A, %add3A_337] : memref<4x8704xf32, #tpu.memory_space<vmem>>[vector<16xi32>, vector<16xi32>], vector<16xf32>,
        %mul3A_339 = arith.constant 8 : i32
        %mul3A_340 = arith.muli %scan3A_312, %mul3A_339 : i32
        %add3A_341 = arith.constant 3 : i32
        %add3A_342 = arith.addi %mul3A_340, %add3A_341 : i32
        %mul3A_343 = arith.constant 17 : i32
        %mul3A_344 = arith.muli %add3A_342, %mul3A_343 : i32
        %add3A_345 = vector.broadcast %mul3A_344 : i32 to vector<16xi32>
        %add3A_346 = arith.addi %iota3A, %add3A_345 : vector<16xi32>
        %gather3A_347 = tpu.vector_load_idx %arg6[%broadcast_in_dim3A, %add3A_346] : memref<4x8704xf32, #tpu.memory_space<vmem>>[vector<16xi32>, vector<16xi32>], vector<16xf32>,
        %mul3A_348 = arith.constant 8 : i32
        %mul3A_349 = arith.muli %scan3A_312, %mul3A_348 : i32
        %add3A_350 = arith.constant 4 : i32
        %add3A_351 = arith.addi %mul3A_349, %add3A_350 : i32
        %mul3A_352 = arith.constant 17 : i32
        %mul3A_353 = arith.muli %add3A_351, %mul3A_352 : i32
        %add3A_354 = vector.broadcast %mul3A_353 : i32 to vector<16xi32>
        %add3A_355 = arith.addi %iota3A, %add3A_354 : vector<16xi32>
        %gather3A_356 = tpu.vector_load_idx %arg6[%broadcast_in_dim3A, %add3A_355] : memref<4x8704xf32, #tpu.memory_space<vmem>>[vector<16xi32>, vector<16xi32>], vector<16xf32>,
        %mul3A_357 = arith.constant 8 : i32
        %mul3A_358 = arith.muli %scan3A_312, %mul3A_357 : i32
        %add3A_359 = arith.constant 5 : i32
        %add3A_360 = arith.addi %mul3A_358, %add3A_359 : i32
        %mul3A_361 = arith.constant 17 : i32
        %mul3A_362 = arith.muli %add3A_360, %mul3A_361 : i32
        %add3A_363 = vector.broadcast %mul3A_362 : i32 to vector<16xi32>
        %add3A_364 = arith.addi %iota3A, %add3A_363 : vector<16xi32>
        %gather3A_365 = tpu.vector_load_idx %arg6[%broadcast_in_dim3A, %add3A_364] : memref<4x8704xf32, #tpu.memory_space<vmem>>[vector<16xi32>, vector<16xi32>], vector<16xf32>,
        %mul3A_366 = arith.constant 8 : i32
        %mul3A_367 = arith.muli %scan3A_312, %mul3A_366 : i32
        %add3A_368 = arith.constant 6 : i32
        %add3A_369 = arith.addi %mul3A_367, %add3A_368 : i32
        %mul3A_370 = arith.constant 17 : i32
        %mul3A_371 = arith.muli %add3A_369, %mul3A_370 : i32
        %add3A_372 = vector.broadcast %mul3A_371 : i32 to vector<16xi32>
        %add3A_373 = arith.addi %iota3A, %add3A_372 : vector<16xi32>
        %gather3A_374 = tpu.vector_load_idx %arg6[%broadcast_in_dim3A, %add3A_373] : memref<4x8704xf32, #tpu.memory_space<vmem>>[vector<16xi32>, vector<16xi32>], vector<16xf32>,
        %mul3A_375 = arith.constant 8 : i32
        %mul3A_376 = arith.muli %scan3A_312, %mul3A_375 : i32
        %add3A_377 = arith.constant 7 : i32
        %add3A_378 = arith.addi %mul3A_376, %add3A_377 : i32
        %mul3A_379 = arith.constant 17 : i32
        %mul3A_380 = arith.muli %add3A_378, %mul3A_379 : i32
        %add3A_381 = vector.broadcast %mul3A_380 : i32 to vector<16xi32>
        %add3A_382 = arith.addi %iota3A, %add3A_381 : vector<16xi32>
        %gather3A_383 = tpu.vector_load_idx %arg6[%broadcast_in_dim3A, %add3A_382] : memref<4x8704xf32, #tpu.memory_space<vmem>>[vector<16xi32>, vector<16xi32>], vector<16xf32>,
        %swap3A = arith.index_cast %rem3A_193 : i32 to index
        %swap3A_384 = arith.index_cast %scan3A_312 : i32 to index
        %swap3A_385 = arith.constant 0 : index
        %swap3A_386 = tpu.vector_load %arg7[%swap3A, %swap3A_384, %swap3A_385] {strides = array<i32>} : memref<4x64x128xf32, #tpu.memory_space<vmem>>, vector<16xf32>,
        tpu.vector_store %arg7[%swap3A, %swap3A_384, %swap3A_385], %gather3A {strides = array<i32>} : memref<4x64x128xf32, #tpu.memory_space<vmem>>, vector<16xf32>,
        %swap3A_387 = arith.index_cast %rem3A_193 : i32 to index
        %swap3A_388 = arith.index_cast %scan3A_312 : i32 to index
        %swap3A_389 = arith.constant 16 : index
        %swap3A_390 = tpu.vector_load %arg7[%swap3A_387, %swap3A_388, %swap3A_389] {strides = array<i32>} : memref<4x64x128xf32, #tpu.memory_space<vmem>>, vector<16xf32>,
        tpu.vector_store %arg7[%swap3A_387, %swap3A_388, %swap3A_389], %gather3A_329 {strides = array<i32>} : memref<4x64x128xf32, #tpu.memory_space<vmem>>, vector<16xf32>,
        %swap3A_391 = arith.index_cast %rem3A_193 : i32 to index
        %swap3A_392 = arith.index_cast %scan3A_312 : i32 to index
        %swap3A_393 = arith.constant 32 : index
        %swap3A_394 = tpu.vector_load %arg7[%swap3A_391, %swap3A_392, %swap3A_393] {strides = array<i32>} : memref<4x64x128xf32, #tpu.memory_space<vmem>>, vector<16xf32>,
        tpu.vector_store %arg7[%swap3A_391, %swap3A_392, %swap3A_393], %gather3A_338 {strides = array<i32>} : memref<4x64x128xf32, #tpu.memory_space<vmem>>, vector<16xf32>,
        %swap3A_395 = arith.index_cast %rem3A_193 : i32 to index
        %swap3A_396 = arith.index_cast %scan3A_312 : i32 to index
        %swap3A_397 = arith.constant 48 : index
        %swap3A_398 = tpu.vector_load %arg7[%swap3A_395, %swap3A_396, %swap3A_397] {strides = array<i32>} : memref<4x64x128xf32, #tpu.memory_space<vmem>>, vector<16xf32>,
        tpu.vector_store %arg7[%swap3A_395, %swap3A_396, %swap3A_397], %gather3A_347 {strides = array<i32>} : memref<4x64x128xf32, #tpu.memory_space<vmem>>, vector<16xf32>,
        %swap3A_399 = arith.index_cast %rem3A_193 : i32 to index
        %swap3A_400 = arith.index_cast %scan3A_312 : i32 to index
        %swap3A_401 = arith.constant 64 : index
        %swap3A_402 = tpu.vector_load %arg7[%swap3A_399, %swap3A_400, %swap3A_401] {strides = array<i32>} : memref<4x64x128xf32, #tpu.memory_space<vmem>>, vector<16xf32>,
        tpu.vector_store %arg7[%swap3A_399, %swap3A_400, %swap3A_401], %gather3A_356 {strides = array<i32>} : memref<4x64x128xf32, #tpu.memory_space<vmem>>, vector<16xf32>,
        %swap3A_403 = arith.index_cast %rem3A_193 : i32 to index
        %swap3A_404 = arith.index_cast %scan3A_312 : i32 to index
        %swap3A_405 = arith.constant 80 : index
        %swap3A_406 = tpu.vector_load %arg7[%swap3A_403, %swap3A_404, %swap3A_405] {strides = array<i32>} : memref<4x64x128xf32, #tpu.memory_space<vmem>>, vector<16xf32>,
        tpu.vector_store %arg7[%swap3A_403, %swap3A_404, %swap3A_405], %gather3A_365 {strides = array<i32>} : memref<4x64x128xf32, #tpu.memory_space<vmem>>, vector<16xf32>,
        %swap3A_407 = arith.index_cast %rem3A_193 : i32 to index
        %swap3A_408 = arith.index_cast %scan3A_312 : i32 to index
        %swap3A_409 = arith.constant 96 : index
        %swap3A_410 = tpu.vector_load %arg7[%swap3A_407, %swap3A_408, %swap3A_409] {strides = array<i32>} : memref<4x64x128xf32, #tpu.memory_space<vmem>>, vector<16xf32>,
        tpu.vector_store %arg7[%swap3A_407, %swap3A_408, %swap3A_409], %gather3A_374 {strides = array<i32>} : memref<4x64x128xf32, #tpu.memory_space<vmem>>, vector<16xf32>,
        %swap3A_411 = arith.index_cast %rem3A_193 : i32 to index
        %swap3A_412 = arith.index_cast %scan3A_312 : i32 to index
        %swap3A_413 = arith.constant 112 : index
        %swap3A_414 = tpu.vector_load %arg7[%swap3A_411, %swap3A_412, %swap3A_413] {strides = array<i32>} : memref<4x64x128xf32, #tpu.memory_space<vmem>>, vector<16xf32>,
        tpu.vector_store %arg7[%swap3A_411, %swap3A_412, %swap3A_413], %gather3A_383 {strides = array<i32>} : memref<4x64x128xf32, #tpu.memory_space<vmem>>, vector<16xf32>,
      }
      %scan3A_265 = arith.constant 64 : i32
      %jit3A_266 = arith.constant 195 : i32
      %div3A_267 = arith.divsi %add3A_196, %jit3A_266 : i32
      %sign3A_268 = arith.constant 0 : i32
      %sign3A_269 = arith.cmpi sgt, %add3A_196, %sign3A_268 : i32
      %sign3A_270 = arith.extui %sign3A_269 : i1 to i32
      %sign3A_271 = arith.constant 0 : i32
      %sign3A_272 = arith.cmpi slt, %add3A_196, %sign3A_271 : i32
      %sign3A_273 = arith.extui %sign3A_272 : i1 to i32
      %sign3A_274 = arith.subi %sign3A_270, %sign3A_273 : i32
      %sign3A_275 = arith.constant 0 : i32
      %sign3A_276 = arith.cmpi sgt, %jit3A_266, %sign3A_275 : i32
      %sign3A_277 = arith.extui %sign3A_276 : i1 to i32
      %sign3A_278 = arith.constant 0 : i32
      %sign3A_279 = arith.cmpi slt, %jit3A_266, %sign3A_278 : i32
      %sign3A_280 = arith.extui %sign3A_279 : i1 to i32
      %sign3A_281 = arith.subi %sign3A_277, %sign3A_280 : i32
      %ne3A_282 = arith.cmpi ne, %sign3A_274, %sign3A_281 : i32
      %rem3A_283 = arith.remsi %add3A_196, %jit3A_266 : i32
      %ne3A_284 = arith.constant 0 : i32
      %ne3A_285 = arith.cmpi ne, %rem3A_283, %ne3A_284 : i32
      %and3A_286 = arith.andi %ne3A_282, %ne3A_285 : i1
      %sub3A_287 = arith.constant 1 : i32
      %sub3A_288 = arith.subi %div3A_267, %sub3A_287 : i32
      %select_n3A_289 = arith.select %and3A_286, %sub3A_288, %div3A_267 : i32
      %rem3A_290 = arith.constant 195 : i32
      %rem3A_291 = arith.remsi %add3A_196, %rem3A_290 : i32
      %mul3A_292 = arith.constant 12504 : i32
      %mul3A_293 = arith.muli %select_n3A_289, %mul3A_292 : i32
      %mul3A_294 = arith.constant 64 : i32
      %mul3A_295 = arith.muli %rem3A_291, %mul3A_294 : i32
      %add3A_296 = arith.addi %mul3A_293, %mul3A_295 : i32
      %multiple_of3A_297 = tpu.assume_multiple %add3A_296, 8 : i32
      %dma_start3A_298 = arith.constant 0 : i32
      %dma_start3A_299 = arith.constant 0 : i32
      %dma_start3A_300 = tpu.memref_slice %arg7[%rem3A_193, %dma_start3A_298, %dma_start3A_299] : memref<4x64x128xf32, #tpu.memory_space<vmem>> -> memref<1x64x128xf32, #tpu.memory_space<vmem>>
      %dma_start3A_301 = tpu.memref_squeeze %dma_start3A_300 : memref<1x64x128xf32, #tpu.memory_space<vmem>> -> memref<64x128xf32, #tpu.memory_space<vmem>>
      %dma_start3A_302 = arith.constant 0 : i32
      %dma_start3A_303 = tpu.memref_slice %arg4[%multiple_of3A_297, %dma_start3A_302] : memref<325104x128xf32, #tpu.memory_space<hbm>> -> memref<64x128xf32, #tpu.memory_space<hbm>>
      %dma_start3A_304 = tpu.memref_slice %arg10[%rem3A_193] : memref<4x!tpu.dma_semaphore, #tpu.memory_space<semaphore_mem>> -> memref<1x!tpu.dma_semaphore, #tpu.memory_space<semaphore_mem>>
      %dma_start3A_305 = tpu.memref_squeeze %dma_start3A_304 : memref<1x!tpu.dma_semaphore, #tpu.memory_space<semaphore_mem>> -> memref<!tpu.dma_semaphore, #tpu.memory_space<semaphore_mem>>
      %dma_start3A_306 = arith.constant 0 : i32
      %dma_start3A_307 = tpu.memref_slice %arg4[%multiple_of3A_297, %dma_start3A_306] : memref<325104x128xf32, #tpu.memory_space<hbm>> -> memref<64x128xf32, #tpu.memory_space<hbm>>
      %dma_start3A_308 = arith.constant 0 : i32
      %dma_start3A_309 = arith.constant 0 : i32
      %dma_start3A_310 = tpu.memref_slice %arg7[%rem3A_193, %dma_start3A_308, %dma_start3A_309] : memref<4x64x128xf32, #tpu.memory_space<vmem>> -> memref<1x64x128xf32, #tpu.memory_space<vmem>>
      %dma_start3A_311 = tpu.memref_squeeze %dma_start3A_310 : memref<1x64x128xf32, #tpu.memory_space<vmem>> -> memref<64x128xf32, #tpu.memory_space<vmem>>
      tpu.enqueue_dma source(%dma_start3A_311 : memref<64x128xf32, #tpu.memory_space<vmem>>) target(%dma_start3A_307 : memref<64x128xf32, #tpu.memory_space<hbm>>) target_semaphore(%dma_start3A_305 : memref<!tpu.dma_semaphore, #tpu.memory_space<semaphore_mem>>)
    }
    %while3A_176 = arith.constant 1 : i32
    scf.for %while3A_191 = %while3A_174 to %while3A_170 step %while3A_176  : i32 {
      %rem3A_192 = arith.constant 4 : i32
      %rem3A_193 = arith.remsi %while3A_191, %rem3A_192 : i32
      %mul3A_194 = arith.constant 32 : i32
      %mul3A_195 = arith.muli %while3A_191, %mul3A_194 : i32
      %add3A_196 = arith.addi %add3A, %mul3A_195 : i32
      %add3A_197 = arith.constant 4 : i32
      %add3A_198 = arith.addi %while3A_191, %add3A_197 : i32
      %sub3A_199 = arith.constant 1 : i32
      %sub3A_200 = arith.subi %add3A_198, %sub3A_199 : i32
      %lt3A_201 = arith.cmpi slt, %sub3A_200, %select_n3A : i32
      %convert_element_type3A_202 = arith.extui %lt3A_201 : i1 to i32
      %cond3A_203 = arith.constant 0 : i32
      %cond3A_204 = arith.cmpi ne, %convert_element_type3A_202, %cond3A_203 : i32
      scf.if %cond3A_204 {
        %add3A_312 = arith.constant 4 : i32
        %add3A_313 = arith.addi %while3A_191, %add3A_312 : i32
        %sub3A_314 = arith.constant 1 : i32
        %sub3A_315 = arith.subi %add3A_313, %sub3A_314 : i32
        %rem3A_316 = arith.constant 4 : i32
        %rem3A_317 = arith.remsi %sub3A_315, %rem3A_316 : i32
        %mul3A_318 = arith.constant 32 : i32
        %mul3A_319 = arith.muli %sub3A_315, %mul3A_318 : i32
        %add3A_320 = arith.addi %add3A, %mul3A_319 : i32
        %jit3A_321 = arith.constant 195 : i32
        %div3A_322 = arith.divsi %add3A_320, %jit3A_321 : i32
        %sign3A_323 = arith.constant 0 : i32
        %sign3A_324 = arith.cmpi sgt, %add3A_320, %sign3A_323 : i32
        %sign3A_325 = arith.extui %sign3A_324 : i1 to i32
        %sign3A_326 = arith.constant 0 : i32
        %sign3A_327 = arith.cmpi slt, %add3A_320, %sign3A_326 : i32
        %sign3A_328 = arith.extui %sign3A_327 : i1 to i32
        %sign3A_329 = arith.subi %sign3A_325, %sign3A_328 : i32
        %sign3A_330 = arith.constant 0 : i32
        %sign3A_331 = arith.cmpi sgt, %jit3A_321, %sign3A_330 : i32
        %sign3A_332 = arith.extui %sign3A_331 : i1 to i32
        %sign3A_333 = arith.constant 0 : i32
        %sign3A_334 = arith.cmpi slt, %jit3A_321, %sign3A_333 : i32
        %sign3A_335 = arith.extui %sign3A_334 : i1 to i32
        %sign3A_336 = arith.subi %sign3A_332, %sign3A_335 : i32
        %ne3A_337 = arith.cmpi ne, %sign3A_329, %sign3A_336 : i32
        %rem3A_338 = arith.remsi %add3A_320, %jit3A_321 : i32
        %ne3A_339 = arith.constant 0 : i32
        %ne3A_340 = arith.cmpi ne, %rem3A_338, %ne3A_339 : i32
        %and3A_341 = arith.andi %ne3A_337, %ne3A_340 : i1
        %sub3A_342 = arith.constant 1 : i32
        %sub3A_343 = arith.subi %div3A_322, %sub3A_342 : i32
        %select_n3A_344 = arith.select %and3A_341, %sub3A_343, %div3A_322 : i32
        %rem3A_345 = arith.constant 195 : i32
        %rem3A_346 = arith.remsi %add3A_320, %rem3A_345 : i32
        %mul3A_347 = arith.constant 16 : i32
        %mul3A_348 = arith.muli %select_n3A_344, %mul3A_347 : i32
        %multiple_of3A_349 = tpu.assume_multiple %mul3A_348, 16 : i32
        %mul3A_350 = arith.constant 512 : i32
        %mul3A_351 = arith.muli %rem3A_346, %mul3A_350 : i32
        %multiple_of3A_352 = tpu.assume_multiple %mul3A_351, 512 : i32
        %dma_start3A_353 = arith.constant 0 : i32
        %dma_start3A_354 = arith.constant 0 : i32
        %dma_start3A_355 = tpu.memref_slice %arg5[%rem3A_317, %dma_start3A_353, %dma_start3A_354] : memref<4x16x512xf32, #tpu.memory_space<vmem>> -> memref<1x16x512xf32, #tpu.memory_space<vmem>>
        %dma_start3A_356 = tpu.memref_squeeze %dma_start3A_355 : memref<1x16x512xf32, #tpu.memory_space<vmem>> -> memref<16x512xf32, #tpu.memory_space<vmem>>
        %dma_start3A_357 = tpu.memref_slice %arg2[%multiple_of3A_349, %multiple_of3A_352] : memref<416x100000xf32, #tpu.memory_space<hbm>> -> memref<16x512xf32, #tpu.memory_space<hbm>>
        %dma_start3A_358 = tpu.memref_slice %arg9[%rem3A_317] : memref<4x!tpu.dma_semaphore, #tpu.memory_space<semaphore_mem>> -> memref<1x!tpu.dma_semaphore, #tpu.memory_space<semaphore_mem>>
        %dma_start3A_359 = tpu.memref_squeeze %dma_start3A_358 : memref<1x!tpu.dma_semaphore, #tpu.memory_space<semaphore_mem>> -> memref<!tpu.dma_semaphore, #tpu.memory_space<semaphore_mem>>
        %dma_start3A_360 = arith.constant 0 : i32
        %dma_start3A_361 = arith.constant 0 : i32
        %dma_start3A_362 = tpu.memref_slice %arg5[%rem3A_317, %dma_start3A_360, %dma_start3A_361] : memref<4x16x512xf32, #tpu.memory_space<vmem>> -> memref<1x16x512xf32, #tpu.memory_space<vmem>>
        %dma_start3A_363 = tpu.memref_squeeze %dma_start3A_362 : memref<1x16x512xf32, #tpu.memory_space<vmem>> -> memref<16x512xf32, #tpu.memory_space<vmem>>
        %dma_start3A_364 = tpu.memref_slice %arg2[%multiple_of3A_349, %multiple_of3A_352] : memref<416x100000xf32, #tpu.memory_space<hbm>> -> memref<16x512xf32, #tpu.memory_space<hbm>>
        tpu.enqueue_dma source(%dma_start3A_364 : memref<16x512xf32, #tpu.memory_space<hbm>>) target(%dma_start3A_363 : memref<16x512xf32, #tpu.memory_space<vmem>>) target_semaphore(%dma_start3A_359 : memref<!tpu.dma_semaphore, #tpu.memory_space<semaphore_mem>>)
      } else {
      }
      %jit3A_205 = arith.constant 195 : i32
      %div3A_206 = arith.divsi %add3A_196, %jit3A_205 : i32
      %sign3A_207 = arith.constant 0 : i32
      %sign3A_208 = arith.cmpi sgt, %add3A_196, %sign3A_207 : i32
      %sign3A_209 = arith.extui %sign3A_208 : i1 to i32
      %sign3A_210 = arith.constant 0 : i32
      %sign3A_211 = arith.cmpi slt, %add3A_196, %sign3A_210 : i32
      %sign3A_212 = arith.extui %sign3A_211 : i1 to i32
      %sign3A_213 = arith.subi %sign3A_209, %sign3A_212 : i32
      %sign3A_214 = arith.constant 0 : i32
      %sign3A_215 = arith.cmpi sgt, %jit3A_205, %sign3A_214 : i32
      %sign3A_216 = arith.extui %sign3A_215 : i1 to i32
      %sign3A_217 = arith.constant 0 : i32
      %sign3A_218 = arith.cmpi slt, %jit3A_205, %sign3A_217 : i32
      %sign3A_219 = arith.extui %sign3A_218 : i1 to i32
      %sign3A_220 = arith.subi %sign3A_216, %sign3A_219 : i32
      %ne3A_221 = arith.cmpi ne, %sign3A_213, %sign3A_220 : i32
      %rem3A_222 = arith.remsi %add3A_196, %jit3A_205 : i32
      %ne3A_223 = arith.constant 0 : i32
      %ne3A_224 = arith.cmpi ne, %rem3A_222, %ne3A_223 : i32
      %and3A_225 = arith.andi %ne3A_221, %ne3A_224 : i1
      %sub3A_226 = arith.constant 1 : i32
      %sub3A_227 = arith.subi %div3A_206, %sub3A_226 : i32
      %select_n3A_228 = arith.select %and3A_225, %sub3A_227, %div3A_206 : i32
      %rem3A_229 = arith.constant 195 : i32
      %rem3A_230 = arith.remsi %add3A_196, %rem3A_229 : i32
      %mul3A_231 = arith.constant 16 : i32
      %mul3A_232 = arith.muli %select_n3A_228, %mul3A_231 : i32
      %multiple_of3A_233 = tpu.assume_multiple %mul3A_232, 16 : i32
      %mul3A_234 = arith.constant 512 : i32
      %mul3A_235 = arith.muli %rem3A_230, %mul3A_234 : i32
      %multiple_of3A_236 = tpu.assume_multiple %mul3A_235, 512 : i32
      %dma_wait3A = arith.constant 0 : i32
      %dma_wait3A_237 = arith.constant 0 : i32
      %dma_wait3A_238 = tpu.memref_slice %arg5[%rem3A_193, %dma_wait3A, %dma_wait3A_237] : memref<4x16x512xf32, #tpu.memory_space<vmem>> -> memref<1x16x512xf32, #tpu.memory_space<vmem>>
      %dma_wait3A_239 = tpu.memref_squeeze %dma_wait3A_238 : memref<1x16x512xf32, #tpu.memory_space<vmem>> -> memref<16x512xf32, #tpu.memory_space<vmem>>
      %dma_wait3A_240 = tpu.memref_slice %arg2[%multiple_of3A_233, %multiple_of3A_236] : memref<416x100000xf32, #tpu.memory_space<hbm>> -> memref<16x512xf32, #tpu.memory_space<hbm>>
      %dma_wait3A_241 = tpu.memref_slice %arg9[%rem3A_193] : memref<4x!tpu.dma_semaphore, #tpu.memory_space<semaphore_mem>> -> memref<1x!tpu.dma_semaphore, #tpu.memory_space<semaphore_mem>>
      %dma_wait3A_242 = tpu.memref_squeeze %dma_wait3A_241 : memref<1x!tpu.dma_semaphore, #tpu.memory_space<semaphore_mem>> -> memref<!tpu.dma_semaphore, #tpu.memory_space<semaphore_mem>>
      %dma_wait3A_243 = arith.constant 0 : i32
      %dma_wait3A_244 = arith.constant 0 : i32
      %dma_wait3A_245 = tpu.memref_slice %arg5[%rem3A_193, %dma_wait3A_243, %dma_wait3A_244] : memref<4x16x512xf32, #tpu.memory_space<vmem>> -> memref<1x16x512xf32, #tpu.memory_space<vmem>>
      %dma_wait3A_246 = tpu.memref_squeeze %dma_wait3A_245 : memref<1x16x512xf32, #tpu.memory_space<vmem>> -> memref<16x512xf32, #tpu.memory_space<vmem>>
      %dma_wait3A_247 = tpu.memref_slice %arg2[%multiple_of3A_233, %multiple_of3A_236] : memref<416x100000xf32, #tpu.memory_space<hbm>> -> memref<16x512xf32, #tpu.memory_space<hbm>>
      tpu.wait_dma2 semaphore(%dma_wait3A_242 : memref<!tpu.dma_semaphore, #tpu.memory_space<semaphore_mem>>) src(%dma_wait3A_247 : memref<16x512xf32, #tpu.memory_space<hbm>>) dst(%dma_wait3A_246 : memref<16x512xf32, #tpu.memory_space<vmem>>)
      %ge3A = arith.constant 4 : i32
      %ge3A_248 = arith.cmpi sge, %while3A_191, %ge3A : i32
      %convert_element_type3A_249 = arith.extui %ge3A_248 : i1 to i32
      %cond3A_250 = arith.constant 0 : i32
      %cond3A_251 = arith.cmpi ne, %convert_element_type3A_249, %cond3A_250 : i32
      scf.if %cond3A_251 {
        %sub3A_312 = arith.constant 4 : i32
        %sub3A_313 = arith.subi %while3A_191, %sub3A_312 : i32
        %mul3A_314 = arith.constant 32 : i32
        %mul3A_315 = arith.muli %sub3A_313, %mul3A_314 : i32
        %add3A_316 = arith.addi %add3A, %mul3A_315 : i32
        %jit3A_317 = arith.constant 195 : i32
        %div3A_318 = arith.divsi %add3A_316, %jit3A_317 : i32
        %sign3A_319 = arith.constant 0 : i32
        %sign3A_320 = arith.cmpi sgt, %add3A_316, %sign3A_319 : i32
        %sign3A_321 = arith.extui %sign3A_320 : i1 to i32
        %sign3A_322 = arith.constant 0 : i32
        %sign3A_323 = arith.cmpi slt, %add3A_316, %sign3A_322 : i32
        %sign3A_324 = arith.extui %sign3A_323 : i1 to i32
        %sign3A_325 = arith.subi %sign3A_321, %sign3A_324 : i32
        %sign3A_326 = arith.constant 0 : i32
        %sign3A_327 = arith.cmpi sgt, %jit3A_317, %sign3A_326 : i32
        %sign3A_328 = arith.extui %sign3A_327 : i1 to i32
        %sign3A_329 = arith.constant 0 : i32
        %sign3A_330 = arith.cmpi slt, %jit3A_317, %sign3A_329 : i32
        %sign3A_331 = arith.extui %sign3A_330 : i1 to i32
        %sign3A_332 = arith.subi %sign3A_328, %sign3A_331 : i32
        %ne3A_333 = arith.cmpi ne, %sign3A_325, %sign3A_332 : i32
        %rem3A_334 = arith.remsi %add3A_316, %jit3A_317 : i32
        %ne3A_335 = arith.constant 0 : i32
        %ne3A_336 = arith.cmpi ne, %rem3A_334, %ne3A_335 : i32
        %and3A_337 = arith.andi %ne3A_333, %ne3A_336 : i1
        %sub3A_338 = arith.constant 1 : i32
        %sub3A_339 = arith.subi %div3A_318, %sub3A_338 : i32
        %select_n3A_340 = arith.select %and3A_337, %sub3A_339, %div3A_318 : i32
        %rem3A_341 = arith.constant 195 : i32
        %rem3A_342 = arith.remsi %add3A_316, %rem3A_341 : i32
        %mul3A_343 = arith.constant 12504 : i32
        %mul3A_344 = arith.muli %select_n3A_340, %mul3A_343 : i32
        %mul3A_345 = arith.constant 64 : i32
        %mul3A_346 = arith.muli %rem3A_342, %mul3A_345 : i32
        %add3A_347 = arith.addi %mul3A_344, %mul3A_346 : i32
        %multiple_of3A_348 = tpu.assume_multiple %add3A_347, 8 : i32
        %dma_wait3A_349 = arith.constant 0 : i32
        %dma_wait3A_350 = arith.constant 0 : i32
        %dma_wait3A_351 = tpu.memref_slice %arg7[%rem3A_193, %dma_wait3A_349, %dma_wait3A_350] : memref<4x64x128xf32, #tpu.memory_space<vmem>> -> memref<1x64x128xf32, #tpu.memory_space<vmem>>
        %dma_wait3A_352 = tpu.memref_squeeze %dma_wait3A_351 : memref<1x64x128xf32, #tpu.memory_space<vmem>> -> memref<64x128xf32, #tpu.memory_space<vmem>>
        %dma_wait3A_353 = arith.constant 0 : i32
        %dma_wait3A_354 = tpu.memref_slice %arg4[%multiple_of3A_348, %dma_wait3A_353] : memref<325104x128xf32, #tpu.memory_space<hbm>> -> memref<64x128xf32, #tpu.memory_space<hbm>>
        %dma_wait3A_355 = tpu.memref_slice %arg10[%rem3A_193] : memref<4x!tpu.dma_semaphore, #tpu.memory_space<semaphore_mem>> -> memref<1x!tpu.dma_semaphore, #tpu.memory_space<semaphore_mem>>
        %dma_wait3A_356 = tpu.memref_squeeze %dma_wait3A_355 : memref<1x!tpu.dma_semaphore, #tpu.memory_space<semaphore_mem>> -> memref<!tpu.dma_semaphore, #tpu.memory_space<semaphore_mem>>
        %dma_wait3A_357 = arith.constant 0 : i32
        %dma_wait3A_358 = tpu.memref_slice %arg4[%multiple_of3A_348, %dma_wait3A_357] : memref<325104x128xf32, #tpu.memory_space<hbm>> -> memref<64x128xf32, #tpu.memory_space<hbm>>
        %dma_wait3A_359 = arith.constant 0 : i32
        %dma_wait3A_360 = arith.constant 0 : i32
        %dma_wait3A_361 = tpu.memref_slice %arg7[%rem3A_193, %dma_wait3A_359, %dma_wait3A_360] : memref<4x64x128xf32, #tpu.memory_space<vmem>> -> memref<1x64x128xf32, #tpu.memory_space<vmem>>
        %dma_wait3A_362 = tpu.memref_squeeze %dma_wait3A_361 : memref<1x64x128xf32, #tpu.memory_space<vmem>> -> memref<64x128xf32, #tpu.memory_space<vmem>>
        tpu.wait_dma2 semaphore(%dma_wait3A_356 : memref<!tpu.dma_semaphore, #tpu.memory_space<semaphore_mem>>) src(%dma_wait3A_362 : memref<64x128xf32, #tpu.memory_space<vmem>>) dst(%dma_wait3A_358 : memref<64x128xf32, #tpu.memory_space<hbm>>)
      } else {
      }
      %broadcast_in_dim3A = vector.broadcast %rem3A_193 : i32 to vector<16xi32>
      %mul3A_252 = arith.constant 17 : i32
      %mul3A_253 = vector.broadcast %mul3A_252 : i32 to vector<16xi32>
      %mul3A_254 = arith.muli %iota3A, %mul3A_253 : vector<16xi32>
      %scan3A = arith.constant 0 : i32
      %scan3A_255 = arith.constant 0 : i32
      %scan3A_256 = arith.constant 32 : i32
      %scan3A_257 = arith.addi %scan3A_255, %scan3A_256 : i32
      %scan3A_258 = arith.constant 1 : i32
      scf.for %scan3A_312 = %scan3A_255 to %scan3A_257 step %scan3A_258  : i32 {
        %mul3A_313 = arith.constant 272 : i32
        %mul3A_314 = arith.muli %scan3A_312, %mul3A_313 : i32
        %add3A_315 = vector.broadcast %mul3A_314 : i32 to vector<16xi32>
        %add3A_316 = arith.addi %mul3A_254, %add3A_315 : vector<16xi32>
        %mul3A_317 = arith.constant 16 : i32
        %mul3A_318 = arith.muli %scan3A_312, %mul3A_317 : i32
        %get3A = arith.constant 0 : i32
        %get3A_319 = arith.index_cast %rem3A_193 : i32 to index
        %get3A_320 = arith.index_cast %get3A : i32 to index
        %get3A_321 = arith.index_cast %mul3A_318 : i32 to index
        %get3A_322 = tpu.vector_load %arg5[%get3A_319, %get3A_320, %get3A_321] {strides = array<i32>} : memref<4x16x512xf32, #tpu.memory_space<vmem>>, vector<16xf32>,
        %mul3A_323 = arith.constant 16 : i32
        %mul3A_324 = arith.muli %scan3A_312, %mul3A_323 : i32
        %get3A_325 = arith.constant 1 : i32
        %get3A_326 = arith.index_cast %rem3A_193 : i32 to index
        %get3A_327 = arith.index_cast %get3A_325 : i32 to index
        %get3A_328 = arith.index_cast %mul3A_324 : i32 to index
        %get3A_329 = tpu.vector_load %arg5[%get3A_326, %get3A_327, %get3A_328] {strides = array<i32>} : memref<4x16x512xf32, #tpu.memory_space<vmem>>, vector<16xf32>,
        %mul3A_330 = arith.constant 16 : i32
        %mul3A_331 = arith.muli %scan3A_312, %mul3A_330 : i32
        %get3A_332 = arith.constant 2 : i32
        %get3A_333 = arith.index_cast %rem3A_193 : i32 to index
        %get3A_334 = arith.index_cast %get3A_332 : i32 to index
        %get3A_335 = arith.index_cast %mul3A_331 : i32 to index
        %get3A_336 = tpu.vector_load %arg5[%get3A_333, %get3A_334, %get3A_335] {strides = array<i32>} : memref<4x16x512xf32, #tpu.memory_space<vmem>>, vector<16xf32>,
        %mul3A_337 = arith.constant 16 : i32
        %mul3A_338 = arith.muli %scan3A_312, %mul3A_337 : i32
        %get3A_339 = arith.constant 3 : i32
        %get3A_340 = arith.index_cast %rem3A_193 : i32 to index
        %get3A_341 = arith.index_cast %get3A_339 : i32 to index
        %get3A_342 = arith.index_cast %mul3A_338 : i32 to index
        %get3A_343 = tpu.vector_load %arg5[%get3A_340, %get3A_341, %get3A_342] {strides = array<i32>} : memref<4x16x512xf32, #tpu.memory_space<vmem>>, vector<16xf32>,
        %mul3A_344 = arith.constant 16 : i32
        %mul3A_345 = arith.muli %scan3A_312, %mul3A_344 : i32
        %get3A_346 = arith.constant 4 : i32
        %get3A_347 = arith.index_cast %rem3A_193 : i32 to index
        %get3A_348 = arith.index_cast %get3A_346 : i32 to index
        %get3A_349 = arith.index_cast %mul3A_345 : i32 to index
        %get3A_350 = tpu.vector_load %arg5[%get3A_347, %get3A_348, %get3A_349] {strides = array<i32>} : memref<4x16x512xf32, #tpu.memory_space<vmem>>, vector<16xf32>,
        %mul3A_351 = arith.constant 16 : i32
        %mul3A_352 = arith.muli %scan3A_312, %mul3A_351 : i32
        %get3A_353 = arith.constant 5 : i32
        %get3A_354 = arith.index_cast %rem3A_193 : i32 to index
        %get3A_355 = arith.index_cast %get3A_353 : i32 to index
        %get3A_356 = arith.index_cast %mul3A_352 : i32 to index
        %get3A_357 = tpu.vector_load %arg5[%get3A_354, %get3A_355, %get3A_356] {strides = array<i32>} : memref<4x16x512xf32, #tpu.memory_space<vmem>>, vector<16xf32>,
        %mul3A_358 = arith.constant 16 : i32
        %mul3A_359 = arith.muli %scan3A_312, %mul3A_358 : i32
        %get3A_360 = arith.constant 6 : i32
        %get3A_361 = arith.index_cast %rem3A_193 : i32 to index
        %get3A_362 = arith.index_cast %get3A_360 : i32 to index
        %get3A_363 = arith.index_cast %mul3A_359 : i32 to index
        %get3A_364 = tpu.vector_load %arg5[%get3A_361, %get3A_362, %get3A_363] {strides = array<i32>} : memref<4x16x512xf32, #tpu.memory_space<vmem>>, vector<16xf32>,
        %mul3A_365 = arith.constant 16 : i32
        %mul3A_366 = arith.muli %scan3A_312, %mul3A_365 : i32
        %get3A_367 = arith.constant 7 : i32
        %get3A_368 = arith.index_cast %rem3A_193 : i32 to index
        %get3A_369 = arith.index_cast %get3A_367 : i32 to index
        %get3A_370 = arith.index_cast %mul3A_366 : i32 to index
        %get3A_371 = tpu.vector_load %arg5[%get3A_368, %get3A_369, %get3A_370] {strides = array<i32>} : memref<4x16x512xf32, #tpu.memory_space<vmem>>, vector<16xf32>,
        %mul3A_372 = arith.constant 16 : i32
        %mul3A_373 = arith.muli %scan3A_312, %mul3A_372 : i32
        %get3A_374 = arith.constant 8 : i32
        %get3A_375 = arith.index_cast %rem3A_193 : i32 to index
        %get3A_376 = arith.index_cast %get3A_374 : i32 to index
        %get3A_377 = arith.index_cast %mul3A_373 : i32 to index
        %get3A_378 = tpu.vector_load %arg5[%get3A_375, %get3A_376, %get3A_377] {strides = array<i32>} : memref<4x16x512xf32, #tpu.memory_space<vmem>>, vector<16xf32>,
        %mul3A_379 = arith.constant 16 : i32
        %mul3A_380 = arith.muli %scan3A_312, %mul3A_379 : i32
        %get3A_381 = arith.constant 9 : i32
        %get3A_382 = arith.index_cast %rem3A_193 : i32 to index
        %get3A_383 = arith.index_cast %get3A_381 : i32 to index
        %get3A_384 = arith.index_cast %mul3A_380 : i32 to index
        %get3A_385 = tpu.vector_load %arg5[%get3A_382, %get3A_383, %get3A_384] {strides = array<i32>} : memref<4x16x512xf32, #tpu.memory_space<vmem>>, vector<16xf32>,
        %mul3A_386 = arith.constant 16 : i32
        %mul3A_387 = arith.muli %scan3A_312, %mul3A_386 : i32
        %get3A_388 = arith.constant 10 : i32
        %get3A_389 = arith.index_cast %rem3A_193 : i32 to index
        %get3A_390 = arith.index_cast %get3A_388 : i32 to index
        %get3A_391 = arith.index_cast %mul3A_387 : i32 to index
        %get3A_392 = tpu.vector_load %arg5[%get3A_389, %get3A_390, %get3A_391] {strides = array<i32>} : memref<4x16x512xf32, #tpu.memory_space<vmem>>, vector<16xf32>,
        %mul3A_393 = arith.constant 16 : i32
        %mul3A_394 = arith.muli %scan3A_312, %mul3A_393 : i32
        %get3A_395 = arith.constant 11 : i32
        %get3A_396 = arith.index_cast %rem3A_193 : i32 to index
        %get3A_397 = arith.index_cast %get3A_395 : i32 to index
        %get3A_398 = arith.index_cast %mul3A_394 : i32 to index
        %get3A_399 = tpu.vector_load %arg5[%get3A_396, %get3A_397, %get3A_398] {strides = array<i32>} : memref<4x16x512xf32, #tpu.memory_space<vmem>>, vector<16xf32>,
        %mul3A_400 = arith.constant 16 : i32
        %mul3A_401 = arith.muli %scan3A_312, %mul3A_400 : i32
        %get3A_402 = arith.constant 12 : i32
        %get3A_403 = arith.index_cast %rem3A_193 : i32 to index
        %get3A_404 = arith.index_cast %get3A_402 : i32 to index
        %get3A_405 = arith.index_cast %mul3A_401 : i32 to index
        %get3A_406 = tpu.vector_load %arg5[%get3A_403, %get3A_404, %get3A_405] {strides = array<i32>} : memref<4x16x512xf32, #tpu.memory_space<vmem>>, vector<16xf32>,
        %mul3A_407 = arith.constant 16 : i32
        %mul3A_408 = arith.muli %scan3A_312, %mul3A_407 : i32
        %get3A_409 = arith.constant 13 : i32
        %get3A_410 = arith.index_cast %rem3A_193 : i32 to index
        %get3A_411 = arith.index_cast %get3A_409 : i32 to index
        %get3A_412 = arith.index_cast %mul3A_408 : i32 to index
        %get3A_413 = tpu.vector_load %arg5[%get3A_410, %get3A_411, %get3A_412] {strides = array<i32>} : memref<4x16x512xf32, #tpu.memory_space<vmem>>, vector<16xf32>,
        %mul3A_414 = arith.constant 16 : i32
        %mul3A_415 = arith.muli %scan3A_312, %mul3A_414 : i32
        %get3A_416 = arith.constant 14 : i32
        %get3A_417 = arith.index_cast %rem3A_193 : i32 to index
        %get3A_418 = arith.index_cast %get3A_416 : i32 to index
        %get3A_419 = arith.index_cast %mul3A_415 : i32 to index
        %get3A_420 = tpu.vector_load %arg5[%get3A_417, %get3A_418, %get3A_419] {strides = array<i32>} : memref<4x16x512xf32, #tpu.memory_space<vmem>>, vector<16xf32>,
        %mul3A_421 = arith.constant 16 : i32
        %mul3A_422 = arith.muli %scan3A_312, %mul3A_421 : i32
        %get3A_423 = arith.constant 15 : i32
        %get3A_424 = arith.index_cast %rem3A_193 : i32 to index
        %get3A_425 = arith.index_cast %get3A_423 : i32 to index
        %get3A_426 = arith.index_cast %mul3A_422 : i32 to index
        %get3A_427 = tpu.vector_load %arg5[%get3A_424, %get3A_425, %get3A_426] {strides = array<i32>} : memref<4x16x512xf32, #tpu.memory_space<vmem>>, vector<16xf32>,
        %add3A_428 = arith.constant 0 : i32
        %add3A_429 = vector.broadcast %add3A_428 : i32 to vector<16xi32>
        %add3A_430 = arith.addi %add3A_316, %add3A_429 : vector<16xi32>
        tpu.vector_store_idx %arg6[%broadcast_in_dim3A, %add3A_430], %get3A_322 : memref<4x8704xf32, #tpu.memory_space<vmem>>[vector<16xi32>, vector<16xi32>], vector<16xf32>,
        %add3A_431 = arith.constant 1 : i32
        %add3A_432 = vector.broadcast %add3A_431 : i32 to vector<16xi32>
        %add3A_433 = arith.addi %add3A_316, %add3A_432 : vector<16xi32>
        tpu.vector_store_idx %arg6[%broadcast_in_dim3A, %add3A_433], %get3A_329 : memref<4x8704xf32, #tpu.memory_space<vmem>>[vector<16xi32>, vector<16xi32>], vector<16xf32>,
        %add3A_434 = arith.constant 2 : i32
        %add3A_435 = vector.broadcast %add3A_434 : i32 to vector<16xi32>
        %add3A_436 = arith.addi %add3A_316, %add3A_435 : vector<16xi32>
        tpu.vector_store_idx %arg6[%broadcast_in_dim3A, %add3A_436], %get3A_336 : memref<4x8704xf32, #tpu.memory_space<vmem>>[vector<16xi32>, vector<16xi32>], vector<16xf32>,
        %add3A_437 = arith.constant 3 : i32
        %add3A_438 = vector.broadcast %add3A_437 : i32 to vector<16xi32>
        %add3A_439 = arith.addi %add3A_316, %add3A_438 : vector<16xi32>
        tpu.vector_store_idx %arg6[%broadcast_in_dim3A, %add3A_439], %get3A_343 : memref<4x8704xf32, #tpu.memory_space<vmem>>[vector<16xi32>, vector<16xi32>], vector<16xf32>,
        %add3A_440 = arith.constant 4 : i32
        %add3A_441 = vector.broadcast %add3A_440 : i32 to vector<16xi32>
        %add3A_442 = arith.addi %add3A_316, %add3A_441 : vector<16xi32>
        tpu.vector_store_idx %arg6[%broadcast_in_dim3A, %add3A_442], %get3A_350 : memref<4x8704xf32, #tpu.memory_space<vmem>>[vector<16xi32>, vector<16xi32>], vector<16xf32>,
        %add3A_443 = arith.constant 5 : i32
        %add3A_444 = vector.broadcast %add3A_443 : i32 to vector<16xi32>
        %add3A_445 = arith.addi %add3A_316, %add3A_444 : vector<16xi32>
        tpu.vector_store_idx %arg6[%broadcast_in_dim3A, %add3A_445], %get3A_357 : memref<4x8704xf32, #tpu.memory_space<vmem>>[vector<16xi32>, vector<16xi32>], vector<16xf32>,
        %add3A_446 = arith.constant 6 : i32
        %add3A_447 = vector.broadcast %add3A_446 : i32 to vector<16xi32>
        %add3A_448 = arith.addi %add3A_316, %add3A_447 : vector<16xi32>
        tpu.vector_store_idx %arg6[%broadcast_in_dim3A, %add3A_448], %get3A_364 : memref<4x8704xf32, #tpu.memory_space<vmem>>[vector<16xi32>, vector<16xi32>], vector<16xf32>,
        %add3A_449 = arith.constant 7 : i32
        %add3A_450 = vector.broadcast %add3A_449 : i32 to vector<16xi32>
        %add3A_451 = arith.addi %add3A_316, %add3A_450 : vector<16xi32>
        tpu.vector_store_idx %arg6[%broadcast_in_dim3A, %add3A_451], %get3A_371 : memref<4x8704xf32, #tpu.memory_space<vmem>>[vector<16xi32>, vector<16xi32>], vector<16xf32>,
        %add3A_452 = arith.constant 8 : i32
        %add3A_453 = vector.broadcast %add3A_452 : i32 to vector<16xi32>
        %add3A_454 = arith.addi %add3A_316, %add3A_453 : vector<16xi32>
        tpu.vector_store_idx %arg6[%broadcast_in_dim3A, %add3A_454], %get3A_378 : memref<4x8704xf32, #tpu.memory_space<vmem>>[vector<16xi32>, vector<16xi32>], vector<16xf32>,
        %add3A_455 = arith.constant 9 : i32
        %add3A_456 = vector.broadcast %add3A_455 : i32 to vector<16xi32>
        %add3A_457 = arith.addi %add3A_316, %add3A_456 : vector<16xi32>
        tpu.vector_store_idx %arg6[%broadcast_in_dim3A, %add3A_457], %get3A_385 : memref<4x8704xf32, #tpu.memory_space<vmem>>[vector<16xi32>, vector<16xi32>], vector<16xf32>,
        %add3A_458 = arith.constant 10 : i32
        %add3A_459 = vector.broadcast %add3A_458 : i32 to vector<16xi32>
        %add3A_460 = arith.addi %add3A_316, %add3A_459 : vector<16xi32>
        tpu.vector_store_idx %arg6[%broadcast_in_dim3A, %add3A_460], %get3A_392 : memref<4x8704xf32, #tpu.memory_space<vmem>>[vector<16xi32>, vector<16xi32>], vector<16xf32>,
        %add3A_461 = arith.constant 11 : i32
        %add3A_462 = vector.broadcast %add3A_461 : i32 to vector<16xi32>
        %add3A_463 = arith.addi %add3A_316, %add3A_462 : vector<16xi32>
        tpu.vector_store_idx %arg6[%broadcast_in_dim3A, %add3A_463], %get3A_399 : memref<4x8704xf32, #tpu.memory_space<vmem>>[vector<16xi32>, vector<16xi32>], vector<16xf32>,
        %add3A_464 = arith.constant 12 : i32
        %add3A_465 = vector.broadcast %add3A_464 : i32 to vector<16xi32>
        %add3A_466 = arith.addi %add3A_316, %add3A_465 : vector<16xi32>
        tpu.vector_store_idx %arg6[%broadcast_in_dim3A, %add3A_466], %get3A_406 : memref<4x8704xf32, #tpu.memory_space<vmem>>[vector<16xi32>, vector<16xi32>], vector<16xf32>,
        %add3A_467 = arith.constant 13 : i32
        %add3A_468 = vector.broadcast %add3A_467 : i32 to vector<16xi32>
        %add3A_469 = arith.addi %add3A_316, %add3A_468 : vector<16xi32>
        tpu.vector_store_idx %arg6[%broadcast_in_dim3A, %add3A_469], %get3A_413 : memref<4x8704xf32, #tpu.memory_space<vmem>>[vector<16xi32>, vector<16xi32>], vector<16xf32>,
        %add3A_470 = arith.constant 14 : i32
        %add3A_471 = vector.broadcast %add3A_470 : i32 to vector<16xi32>
        %add3A_472 = arith.addi %add3A_316, %add3A_471 : vector<16xi32>
        tpu.vector_store_idx %arg6[%broadcast_in_dim3A, %add3A_472], %get3A_420 : memref<4x8704xf32, #tpu.memory_space<vmem>>[vector<16xi32>, vector<16xi32>], vector<16xf32>,
        %add3A_473 = arith.constant 15 : i32
        %add3A_474 = vector.broadcast %add3A_473 : i32 to vector<16xi32>
        %add3A_475 = arith.addi %add3A_316, %add3A_474 : vector<16xi32>
        tpu.vector_store_idx %arg6[%broadcast_in_dim3A, %add3A_475], %get3A_427 : memref<4x8704xf32, #tpu.memory_space<vmem>>[vector<16xi32>, vector<16xi32>], vector<16xf32>,
      }
      %scan3A_259 = arith.constant 32 : i32
      %scan3A_260 = arith.constant 0 : i32
      %scan3A_261 = arith.constant 0 : i32
      %scan3A_262 = arith.constant 64 : i32
      %scan3A_263 = arith.addi %scan3A_261, %scan3A_262 : i32
      %scan3A_264 = arith.constant 1 : i32
      scf.for %scan3A_312 = %scan3A_261 to %scan3A_263 step %scan3A_264  : i32 {
        %mul3A_313 = arith.constant 8 : i32
        %mul3A_314 = arith.muli %scan3A_312, %mul3A_313 : i32
        %add3A_315 = arith.constant 0 : i32
        %add3A_316 = arith.addi %mul3A_314, %add3A_315 : i32
        %mul3A_317 = arith.constant 17 : i32
        %mul3A_318 = arith.muli %add3A_316, %mul3A_317 : i32
        %add3A_319 = vector.broadcast %mul3A_318 : i32 to vector<16xi32>
        %add3A_320 = arith.addi %iota3A, %add3A_319 : vector<16xi32>
        %gather3A = tpu.vector_load_idx %arg6[%broadcast_in_dim3A, %add3A_320] : memref<4x8704xf32, #tpu.memory_space<vmem>>[vector<16xi32>, vector<16xi32>], vector<16xf32>,
        %mul3A_321 = arith.constant 8 : i32
        %mul3A_322 = arith.muli %scan3A_312, %mul3A_321 : i32
        %add3A_323 = arith.constant 1 : i32
        %add3A_324 = arith.addi %mul3A_322, %add3A_323 : i32
        %mul3A_325 = arith.constant 17 : i32
        %mul3A_326 = arith.muli %add3A_324, %mul3A_325 : i32
        %add3A_327 = vector.broadcast %mul3A_326 : i32 to vector<16xi32>
        %add3A_328 = arith.addi %iota3A, %add3A_327 : vector<16xi32>
        %gather3A_329 = tpu.vector_load_idx %arg6[%broadcast_in_dim3A, %add3A_328] : memref<4x8704xf32, #tpu.memory_space<vmem>>[vector<16xi32>, vector<16xi32>], vector<16xf32>,
        %mul3A_330 = arith.constant 8 : i32
        %mul3A_331 = arith.muli %scan3A_312, %mul3A_330 : i32
        %add3A_332 = arith.constant 2 : i32
        %add3A_333 = arith.addi %mul3A_331, %add3A_332 : i32
        %mul3A_334 = arith.constant 17 : i32
        %mul3A_335 = arith.muli %add3A_333, %mul3A_334 : i32
        %add3A_336 = vector.broadcast %mul3A_335 : i32 to vector<16xi32>
        %add3A_337 = arith.addi %iota3A, %add3A_336 : vector<16xi32>
        %gather3A_338 = tpu.vector_load_idx %arg6[%broadcast_in_dim3A, %add3A_337] : memref<4x8704xf32, #tpu.memory_space<vmem>>[vector<16xi32>, vector<16xi32>], vector<16xf32>,
        %mul3A_339 = arith.constant 8 : i32
        %mul3A_340 = arith.muli %scan3A_312, %mul3A_339 : i32
        %add3A_341 = arith.constant 3 : i32
        %add3A_342 = arith.addi %mul3A_340, %add3A_341 : i32
        %mul3A_343 = arith.constant 17 : i32
        %mul3A_344 = arith.muli %add3A_342, %mul3A_343 : i32
        %add3A_345 = vector.broadcast %mul3A_344 : i32 to vector<16xi32>
        %add3A_346 = arith.addi %iota3A, %add3A_345 : vector<16xi32>
        %gather3A_347 = tpu.vector_load_idx %arg6[%broadcast_in_dim3A, %add3A_346] : memref<4x8704xf32, #tpu.memory_space<vmem>>[vector<16xi32>, vector<16xi32>], vector<16xf32>,
        %mul3A_348 = arith.constant 8 : i32
        %mul3A_349 = arith.muli %scan3A_312, %mul3A_348 : i32
        %add3A_350 = arith.constant 4 : i32
        %add3A_351 = arith.addi %mul3A_349, %add3A_350 : i32
        %mul3A_352 = arith.constant 17 : i32
        %mul3A_353 = arith.muli %add3A_351, %mul3A_352 : i32
        %add3A_354 = vector.broadcast %mul3A_353 : i32 to vector<16xi32>
        %add3A_355 = arith.addi %iota3A, %add3A_354 : vector<16xi32>
        %gather3A_356 = tpu.vector_load_idx %arg6[%broadcast_in_dim3A, %add3A_355] : memref<4x8704xf32, #tpu.memory_space<vmem>>[vector<16xi32>, vector<16xi32>], vector<16xf32>,
        %mul3A_357 = arith.constant 8 : i32
        %mul3A_358 = arith.muli %scan3A_312, %mul3A_357 : i32
        %add3A_359 = arith.constant 5 : i32
        %add3A_360 = arith.addi %mul3A_358, %add3A_359 : i32
        %mul3A_361 = arith.constant 17 : i32
        %mul3A_362 = arith.muli %add3A_360, %mul3A_361 : i32
        %add3A_363 = vector.broadcast %mul3A_362 : i32 to vector<16xi32>
        %add3A_364 = arith.addi %iota3A, %add3A_363 : vector<16xi32>
        %gather3A_365 = tpu.vector_load_idx %arg6[%broadcast_in_dim3A, %add3A_364] : memref<4x8704xf32, #tpu.memory_space<vmem>>[vector<16xi32>, vector<16xi32>], vector<16xf32>,
        %mul3A_366 = arith.constant 8 : i32
        %mul3A_367 = arith.muli %scan3A_312, %mul3A_366 : i32
        %add3A_368 = arith.constant 6 : i32
        %add3A_369 = arith.addi %mul3A_367, %add3A_368 : i32
        %mul3A_370 = arith.constant 17 : i32
        %mul3A_371 = arith.muli %add3A_369, %mul3A_370 : i32
        %add3A_372 = vector.broadcast %mul3A_371 : i32 to vector<16xi32>
        %add3A_373 = arith.addi %iota3A, %add3A_372 : vector<16xi32>
        %gather3A_374 = tpu.vector_load_idx %arg6[%broadcast_in_dim3A, %add3A_373] : memref<4x8704xf32, #tpu.memory_space<vmem>>[vector<16xi32>, vector<16xi32>], vector<16xf32>,
        %mul3A_375 = arith.constant 8 : i32
        %mul3A_376 = arith.muli %scan3A_312, %mul3A_375 : i32
        %add3A_377 = arith.constant 7 : i32
        %add3A_378 = arith.addi %mul3A_376, %add3A_377 : i32
        %mul3A_379 = arith.constant 17 : i32
        %mul3A_380 = arith.muli %add3A_378, %mul3A_379 : i32
        %add3A_381 = vector.broadcast %mul3A_380 : i32 to vector<16xi32>
        %add3A_382 = arith.addi %iota3A, %add3A_381 : vector<16xi32>
        %gather3A_383 = tpu.vector_load_idx %arg6[%broadcast_in_dim3A, %add3A_382] : memref<4x8704xf32, #tpu.memory_space<vmem>>[vector<16xi32>, vector<16xi32>], vector<16xf32>,
        %swap3A = arith.index_cast %rem3A_193 : i32 to index
        %swap3A_384 = arith.index_cast %scan3A_312 : i32 to index
        %swap3A_385 = arith.constant 0 : index
        %swap3A_386 = tpu.vector_load %arg7[%swap3A, %swap3A_384, %swap3A_385] {strides = array<i32>} : memref<4x64x128xf32, #tpu.memory_space<vmem>>, vector<16xf32>,
        tpu.vector_store %arg7[%swap3A, %swap3A_384, %swap3A_385], %gather3A {strides = array<i32>} : memref<4x64x128xf32, #tpu.memory_space<vmem>>, vector<16xf32>,
        %swap3A_387 = arith.index_cast %rem3A_193 : i32 to index
        %swap3A_388 = arith.index_cast %scan3A_312 : i32 to index
        %swap3A_389 = arith.constant 16 : index
        %swap3A_390 = tpu.vector_load %arg7[%swap3A_387, %swap3A_388, %swap3A_389] {strides = array<i32>} : memref<4x64x128xf32, #tpu.memory_space<vmem>>, vector<16xf32>,
        tpu.vector_store %arg7[%swap3A_387, %swap3A_388, %swap3A_389], %gather3A_329 {strides = array<i32>} : memref<4x64x128xf32, #tpu.memory_space<vmem>>, vector<16xf32>,
        %swap3A_391 = arith.index_cast %rem3A_193 : i32 to index
        %swap3A_392 = arith.index_cast %scan3A_312 : i32 to index
        %swap3A_393 = arith.constant 32 : index
        %swap3A_394 = tpu.vector_load %arg7[%swap3A_391, %swap3A_392, %swap3A_393] {strides = array<i32>} : memref<4x64x128xf32, #tpu.memory_space<vmem>>, vector<16xf32>,
        tpu.vector_store %arg7[%swap3A_391, %swap3A_392, %swap3A_393], %gather3A_338 {strides = array<i32>} : memref<4x64x128xf32, #tpu.memory_space<vmem>>, vector<16xf32>,
        %swap3A_395 = arith.index_cast %rem3A_193 : i32 to index
        %swap3A_396 = arith.index_cast %scan3A_312 : i32 to index
        %swap3A_397 = arith.constant 48 : index
        %swap3A_398 = tpu.vector_load %arg7[%swap3A_395, %swap3A_396, %swap3A_397] {strides = array<i32>} : memref<4x64x128xf32, #tpu.memory_space<vmem>>, vector<16xf32>,
        tpu.vector_store %arg7[%swap3A_395, %swap3A_396, %swap3A_397], %gather3A_347 {strides = array<i32>} : memref<4x64x128xf32, #tpu.memory_space<vmem>>, vector<16xf32>,
        %swap3A_399 = arith.index_cast %rem3A_193 : i32 to index
        %swap3A_400 = arith.index_cast %scan3A_312 : i32 to index
        %swap3A_401 = arith.constant 64 : index
        %swap3A_402 = tpu.vector_load %arg7[%swap3A_399, %swap3A_400, %swap3A_401] {strides = array<i32>} : memref<4x64x128xf32, #tpu.memory_space<vmem>>, vector<16xf32>,
        tpu.vector_store %arg7[%swap3A_399, %swap3A_400, %swap3A_401], %gather3A_356 {strides = array<i32>} : memref<4x64x128xf32, #tpu.memory_space<vmem>>, vector<16xf32>,
        %swap3A_403 = arith.index_cast %rem3A_193 : i32 to index
        %swap3A_404 = arith.index_cast %scan3A_312 : i32 to index
        %swap3A_405 = arith.constant 80 : index
        %swap3A_406 = tpu.vector_load %arg7[%swap3A_403, %swap3A_404, %swap3A_405] {strides = array<i32>} : memref<4x64x128xf32, #tpu.memory_space<vmem>>, vector<16xf32>,
        tpu.vector_store %arg7[%swap3A_403, %swap3A_404, %swap3A_405], %gather3A_365 {strides = array<i32>} : memref<4x64x128xf32, #tpu.memory_space<vmem>>, vector<16xf32>,
        %swap3A_407 = arith.index_cast %rem3A_193 : i32 to index
        %swap3A_408 = arith.index_cast %scan3A_312 : i32 to index
        %swap3A_409 = arith.constant 96 : index
        %swap3A_410 = tpu.vector_load %arg7[%swap3A_407, %swap3A_408, %swap3A_409] {strides = array<i32>} : memref<4x64x128xf32, #tpu.memory_space<vmem>>, vector<16xf32>,
        tpu.vector_store %arg7[%swap3A_407, %swap3A_408, %swap3A_409], %gather3A_374 {strides = array<i32>} : memref<4x64x128xf32, #tpu.memory_space<vmem>>, vector<16xf32>,
        %swap3A_411 = arith.index_cast %rem3A_193 : i32 to index
        %swap3A_412 = arith.index_cast %scan3A_312 : i32 to index
        %swap3A_413 = arith.constant 112 : index
        %swap3A_414 = tpu.vector_load %arg7[%swap3A_411, %swap3A_412, %swap3A_413] {strides = array<i32>} : memref<4x64x128xf32, #tpu.memory_space<vmem>>, vector<16xf32>,
        tpu.vector_store %arg7[%swap3A_411, %swap3A_412, %swap3A_413], %gather3A_383 {strides = array<i32>} : memref<4x64x128xf32, #tpu.memory_space<vmem>>, vector<16xf32>,
      }
      %scan3A_265 = arith.constant 64 : i32
      %jit3A_266 = arith.constant 195 : i32
      %div3A_267 = arith.divsi %add3A_196, %jit3A_266 : i32
      %sign3A_268 = arith.constant 0 : i32
      %sign3A_269 = arith.cmpi sgt, %add3A_196, %sign3A_268 : i32
      %sign3A_270 = arith.extui %sign3A_269 : i1 to i32
      %sign3A_271 = arith.constant 0 : i32
      %sign3A_272 = arith.cmpi slt, %add3A_196, %sign3A_271 : i32
      %sign3A_273 = arith.extui %sign3A_272 : i1 to i32
      %sign3A_274 = arith.subi %sign3A_270, %sign3A_273 : i32
      %sign3A_275 = arith.constant 0 : i32
      %sign3A_276 = arith.cmpi sgt, %jit3A_266, %sign3A_275 : i32
      %sign3A_277 = arith.extui %sign3A_276 : i1 to i32
      %sign3A_278 = arith.constant 0 : i32
      %sign3A_279 = arith.cmpi slt, %jit3A_266, %sign3A_278 : i32
      %sign3A_280 = arith.extui %sign3A_279 : i1 to i32
      %sign3A_281 = arith.subi %sign3A_277, %sign3A_280 : i32
      %ne3A_282 = arith.cmpi ne, %sign3A_274, %sign3A_281 : i32
      %rem3A_283 = arith.remsi %add3A_196, %jit3A_266 : i32
      %ne3A_284 = arith.constant 0 : i32
      %ne3A_285 = arith.cmpi ne, %rem3A_283, %ne3A_284 : i32
      %and3A_286 = arith.andi %ne3A_282, %ne3A_285 : i1
      %sub3A_287 = arith.constant 1 : i32
      %sub3A_288 = arith.subi %div3A_267, %sub3A_287 : i32
      %select_n3A_289 = arith.select %and3A_286, %sub3A_288, %div3A_267 : i32
      %rem3A_290 = arith.constant 195 : i32
      %rem3A_291 = arith.remsi %add3A_196, %rem3A_290 : i32
      %mul3A_292 = arith.constant 12504 : i32
      %mul3A_293 = arith.muli %select_n3A_289, %mul3A_292 : i32
      %mul3A_294 = arith.constant 64 : i32
      %mul3A_295 = arith.muli %rem3A_291, %mul3A_294 : i32
      %add3A_296 = arith.addi %mul3A_293, %mul3A_295 : i32
      %multiple_of3A_297 = tpu.assume_multiple %add3A_296, 8 : i32
      %dma_start3A_298 = arith.constant 0 : i32
      %dma_start3A_299 = arith.constant 0 : i32
      %dma_start3A_300 = tpu.memref_slice %arg7[%rem3A_193, %dma_start3A_298, %dma_start3A_299] : memref<4x64x128xf32, #tpu.memory_space<vmem>> -> memref<1x64x128xf32, #tpu.memory_space<vmem>>
      %dma_start3A_301 = tpu.memref_squeeze %dma_start3A_300 : memref<1x64x128xf32, #tpu.memory_space<vmem>> -> memref<64x128xf32, #tpu.memory_space<vmem>>
      %dma_start3A_302 = arith.constant 0 : i32
      %dma_start3A_303 = tpu.memref_slice %arg4[%multiple_of3A_297, %dma_start3A_302] : memref<325104x128xf32, #tpu.memory_space<hbm>> -> memref<64x128xf32, #tpu.memory_space<hbm>>
      %dma_start3A_304 = tpu.memref_slice %arg10[%rem3A_193] : memref<4x!tpu.dma_semaphore, #tpu.memory_space<semaphore_mem>> -> memref<1x!tpu.dma_semaphore, #tpu.memory_space<semaphore_mem>>
      %dma_start3A_305 = tpu.memref_squeeze %dma_start3A_304 : memref<1x!tpu.dma_semaphore, #tpu.memory_space<semaphore_mem>> -> memref<!tpu.dma_semaphore, #tpu.memory_space<semaphore_mem>>
      %dma_start3A_306 = arith.constant 0 : i32
      %dma_start3A_307 = tpu.memref_slice %arg4[%multiple_of3A_297, %dma_start3A_306] : memref<325104x128xf32, #tpu.memory_space<hbm>> -> memref<64x128xf32, #tpu.memory_space<hbm>>
      %dma_start3A_308 = arith.constant 0 : i32
      %dma_start3A_309 = arith.constant 0 : i32
      %dma_start3A_310 = tpu.memref_slice %arg7[%rem3A_193, %dma_start3A_308, %dma_start3A_309] : memref<4x64x128xf32, #tpu.memory_space<vmem>> -> memref<1x64x128xf32, #tpu.memory_space<vmem>>
      %dma_start3A_311 = tpu.memref_squeeze %dma_start3A_310 : memref<1x64x128xf32, #tpu.memory_space<vmem>> -> memref<64x128xf32, #tpu.memory_space<vmem>>
      tpu.enqueue_dma source(%dma_start3A_311 : memref<64x128xf32, #tpu.memory_space<vmem>>) target(%dma_start3A_307 : memref<64x128xf32, #tpu.memory_space<hbm>>) target_semaphore(%dma_start3A_305 : memref<!tpu.dma_semaphore, #tpu.memory_space<semaphore_mem>>)
    }
    %sub3A_177 = arith.constant 4 : i32
    %sub3A_178 = arith.subi %select_n3A, %sub3A_177 : i32
    %max3A = arith.constant 0 : i32
    %max3A_179 = arith.maxsi %sub3A_178, %max3A : i32
    %while3A_180 = arith.constant 0 : i32
    %while3A_181 = arith.subi %select_n3A, %max3A_179 : i32
    %while3A_182 = arith.addi %max3A_179, %while3A_181 : i32
    %while3A_183 = arith.constant 1 : i32
    %while3A_184 = arith.divsi %while3A_181, %while3A_183 : i32
    %while3A_185 = arith.muli %while3A_184, %while3A_183 : i32
    %while3A_186 = arith.addi %max3A_179, %while3A_185 : i32
    %while3A_187 = arith.constant 1 : i32
    scf.for %while3A_191 = %max3A_179 to %while3A_186 step %while3A_187  : i32 {
      %rem3A_192 = arith.constant 4 : i32
      %rem3A_193 = arith.remsi %while3A_191, %rem3A_192 : i32
      %mul3A_194 = arith.constant 32 : i32
      %mul3A_195 = arith.muli %while3A_191, %mul3A_194 : i32
      %add3A_196 = arith.addi %add3A, %mul3A_195 : i32
      %jit3A_197 = arith.constant 195 : i32
      %div3A_198 = arith.divsi %add3A_196, %jit3A_197 : i32
      %sign3A_199 = arith.constant 0 : i32
      %sign3A_200 = arith.cmpi sgt, %add3A_196, %sign3A_199 : i32
      %sign3A_201 = arith.extui %sign3A_200 : i1 to i32
      %sign3A_202 = arith.constant 0 : i32
      %sign3A_203 = arith.cmpi slt, %add3A_196, %sign3A_202 : i32
      %sign3A_204 = arith.extui %sign3A_203 : i1 to i32
      %sign3A_205 = arith.subi %sign3A_201, %sign3A_204 : i32
      %sign3A_206 = arith.constant 0 : i32
      %sign3A_207 = arith.cmpi sgt, %jit3A_197, %sign3A_206 : i32
      %sign3A_208 = arith.extui %sign3A_207 : i1 to i32
      %sign3A_209 = arith.constant 0 : i32
      %sign3A_210 = arith.cmpi slt, %jit3A_197, %sign3A_209 : i32
      %sign3A_211 = arith.extui %sign3A_210 : i1 to i32
      %sign3A_212 = arith.subi %sign3A_208, %sign3A_211 : i32
      %ne3A_213 = arith.cmpi ne, %sign3A_205, %sign3A_212 : i32
      %rem3A_214 = arith.remsi %add3A_196, %jit3A_197 : i32
      %ne3A_215 = arith.constant 0 : i32
      %ne3A_216 = arith.cmpi ne, %rem3A_214, %ne3A_215 : i32
      %and3A_217 = arith.andi %ne3A_213, %ne3A_216 : i1
      %sub3A_218 = arith.constant 1 : i32
      %sub3A_219 = arith.subi %div3A_198, %sub3A_218 : i32
      %select_n3A_220 = arith.select %and3A_217, %sub3A_219, %div3A_198 : i32
      %rem3A_221 = arith.constant 195 : i32
      %rem3A_222 = arith.remsi %add3A_196, %rem3A_221 : i32
      %mul3A_223 = arith.constant 12504 : i32
      %mul3A_224 = arith.muli %select_n3A_220, %mul3A_223 : i32
      %mul3A_225 = arith.constant 64 : i32
      %mul3A_226 = arith.muli %rem3A_222, %mul3A_225 : i32
      %add3A_227 = arith.addi %mul3A_224, %mul3A_226 : i32
      %multiple_of3A_228 = tpu.assume_multiple %add3A_227, 8 : i32
      %rem3A_229 = arith.constant 4 : i32
      %rem3A_230 = arith.remsi %while3A_191, %rem3A_229 : i32
      %dma_wait3A = arith.constant 0 : i32
      %dma_wait3A_231 = arith.constant 0 : i32
      %dma_wait3A_232 = tpu.memref_slice %arg7[%rem3A_193, %dma_wait3A, %dma_wait3A_231] : memref<4x64x128xf32, #tpu.memory_space<vmem>> -> memref<1x64x128xf32, #tpu.memory_space<vmem>>
      %dma_wait3A_233 = tpu.memref_squeeze %dma_wait3A_232 : memref<1x64x128xf32, #tpu.memory_space<vmem>> -> memref<64x128xf32, #tpu.memory_space<vmem>>
      %dma_wait3A_234 = arith.constant 0 : i32
      %dma_wait3A_235 = tpu.memref_slice %arg4[%multiple_of3A_228, %dma_wait3A_234] : memref<325104x128xf32, #tpu.memory_space<hbm>> -> memref<64x128xf32, #tpu.memory_space<hbm>>
      %dma_wait3A_236 = tpu.memref_slice %arg10[%rem3A_230] : memref<4x!tpu.dma_semaphore, #tpu.memory_space<semaphore_mem>> -> memref<1x!tpu.dma_semaphore, #tpu.memory_space<semaphore_mem>>
      %dma_wait3A_237 = tpu.memref_squeeze %dma_wait3A_236 : memref<1x!tpu.dma_semaphore, #tpu.memory_space<semaphore_mem>> -> memref<!tpu.dma_semaphore, #tpu.memory_space<semaphore_mem>>
      %dma_wait3A_238 = arith.constant 0 : i32
      %dma_wait3A_239 = tpu.memref_slice %arg4[%multiple_of3A_228, %dma_wait3A_238] : memref<325104x128xf32, #tpu.memory_space<hbm>> -> memref<64x128xf32, #tpu.memory_space<hbm>>
      %dma_wait3A_240 = arith.constant 0 : i32
      %dma_wait3A_241 = arith.constant 0 : i32
      %dma_wait3A_242 = tpu.memref_slice %arg7[%rem3A_193, %dma_wait3A_240, %dma_wait3A_241] : memref<4x64x128xf32, #tpu.memory_space<vmem>> -> memref<1x64x128xf32, #tpu.memory_space<vmem>>
      %dma_wait3A_243 = tpu.memref_squeeze %dma_wait3A_242 : memref<1x64x128xf32, #tpu.memory_space<vmem>> -> memref<64x128xf32, #tpu.memory_space<vmem>>
      tpu.wait_dma2 semaphore(%dma_wait3A_237 : memref<!tpu.dma_semaphore, #tpu.memory_space<semaphore_mem>>) src(%dma_wait3A_243 : memref<64x128xf32, #tpu.memory_space<vmem>>) dst(%dma_wait3A_239 : memref<64x128xf32, #tpu.memory_space<hbm>>)
    }
    %while3A_188 = arith.constant 1 : i32
    scf.for %while3A_191 = %while3A_186 to %while3A_182 step %while3A_188  : i32 {
      %rem3A_192 = arith.constant 4 : i32
      %rem3A_193 = arith.remsi %while3A_191, %rem3A_192 : i32
      %mul3A_194 = arith.constant 32 : i32
      %mul3A_195 = arith.muli %while3A_191, %mul3A_194 : i32
      %add3A_196 = arith.addi %add3A, %mul3A_195 : i32
      %jit3A_197 = arith.constant 195 : i32
      %div3A_198 = arith.divsi %add3A_196, %jit3A_197 : i32
      %sign3A_199 = arith.constant 0 : i32
      %sign3A_200 = arith.cmpi sgt, %add3A_196, %sign3A_199 : i32
      %sign3A_201 = arith.extui %sign3A_200 : i1 to i32
      %sign3A_202 = arith.constant 0 : i32
      %sign3A_203 = arith.cmpi slt, %add3A_196, %sign3A_202 : i32
      %sign3A_204 = arith.extui %sign3A_203 : i1 to i32
      %sign3A_205 = arith.subi %sign3A_201, %sign3A_204 : i32
      %sign3A_206 = arith.constant 0 : i32
      %sign3A_207 = arith.cmpi sgt, %jit3A_197, %sign3A_206 : i32
      %sign3A_208 = arith.extui %sign3A_207 : i1 to i32
      %sign3A_209 = arith.constant 0 : i32
      %sign3A_210 = arith.cmpi slt, %jit3A_197, %sign3A_209 : i32
      %sign3A_211 = arith.extui %sign3A_210 : i1 to i32
      %sign3A_212 = arith.subi %sign3A_208, %sign3A_211 : i32
      %ne3A_213 = arith.cmpi ne, %sign3A_205, %sign3A_212 : i32
      %rem3A_214 = arith.remsi %add3A_196, %jit3A_197 : i32
      %ne3A_215 = arith.constant 0 : i32
      %ne3A_216 = arith.cmpi ne, %rem3A_214, %ne3A_215 : i32
      %and3A_217 = arith.andi %ne3A_213, %ne3A_216 : i1
      %sub3A_218 = arith.constant 1 : i32
      %sub3A_219 = arith.subi %div3A_198, %sub3A_218 : i32
      %select_n3A_220 = arith.select %and3A_217, %sub3A_219, %div3A_198 : i32
      %rem3A_221 = arith.constant 195 : i32
      %rem3A_222 = arith.remsi %add3A_196, %rem3A_221 : i32
      %mul3A_223 = arith.constant 12504 : i32
      %mul3A_224 = arith.muli %select_n3A_220, %mul3A_223 : i32
      %mul3A_225 = arith.constant 64 : i32
      %mul3A_226 = arith.muli %rem3A_222, %mul3A_225 : i32
      %add3A_227 = arith.addi %mul3A_224, %mul3A_226 : i32
      %multiple_of3A_228 = tpu.assume_multiple %add3A_227, 8 : i32
      %rem3A_229 = arith.constant 4 : i32
      %rem3A_230 = arith.remsi %while3A_191, %rem3A_229 : i32
      %dma_wait3A = arith.constant 0 : i32
      %dma_wait3A_231 = arith.constant 0 : i32
      %dma_wait3A_232 = tpu.memref_slice %arg7[%rem3A_193, %dma_wait3A, %dma_wait3A_231] : memref<4x64x128xf32, #tpu.memory_space<vmem>> -> memref<1x64x128xf32, #tpu.memory_space<vmem>>
      %dma_wait3A_233 = tpu.memref_squeeze %dma_wait3A_232 : memref<1x64x128xf32, #tpu.memory_space<vmem>> -> memref<64x128xf32, #tpu.memory_space<vmem>>
      %dma_wait3A_234 = arith.constant 0 : i32
      %dma_wait3A_235 = tpu.memref_slice %arg4[%multiple_of3A_228, %dma_wait3A_234] : memref<325104x128xf32, #tpu.memory_space<hbm>> -> memref<64x128xf32, #tpu.memory_space<hbm>>
      %dma_wait3A_236 = tpu.memref_slice %arg10[%rem3A_230] : memref<4x!tpu.dma_semaphore, #tpu.memory_space<semaphore_mem>> -> memref<1x!tpu.dma_semaphore, #tpu.memory_space<semaphore_mem>>
      %dma_wait3A_237 = tpu.memref_squeeze %dma_wait3A_236 : memref<1x!tpu.dma_semaphore, #tpu.memory_space<semaphore_mem>> -> memref<!tpu.dma_semaphore, #tpu.memory_space<semaphore_mem>>
      %dma_wait3A_238 = arith.constant 0 : i32
      %dma_wait3A_239 = tpu.memref_slice %arg4[%multiple_of3A_228, %dma_wait3A_238] : memref<325104x128xf32, #tpu.memory_space<hbm>> -> memref<64x128xf32, #tpu.memory_space<hbm>>
      %dma_wait3A_240 = arith.constant 0 : i32
      %dma_wait3A_241 = arith.constant 0 : i32
      %dma_wait3A_242 = tpu.memref_slice %arg7[%rem3A_193, %dma_wait3A_240, %dma_wait3A_241] : memref<4x64x128xf32, #tpu.memory_space<vmem>> -> memref<1x64x128xf32, #tpu.memory_space<vmem>>
      %dma_wait3A_243 = tpu.memref_squeeze %dma_wait3A_242 : memref<1x64x128xf32, #tpu.memory_space<vmem>> -> memref<64x128xf32, #tpu.memory_space<vmem>>
      tpu.wait_dma2 semaphore(%dma_wait3A_237 : memref<!tpu.dma_semaphore, #tpu.memory_space<semaphore_mem>>) src(%dma_wait3A_243 : memref<64x128xf32, #tpu.memory_space<vmem>>) dst(%dma_wait3A_239 : memref<64x128xf32, #tpu.memory_space<hbm>>)
    }
    %lt3A = arith.constant 26 : i32
    %lt3A_189 = arith.cmpi slt, %add3A, %lt3A : i32
    %convert_element_type3A = arith.extui %lt3A_189 : i1 to i32
    %cond3A = arith.constant 0 : i32
    %cond3A_190 = arith.cmpi ne, %convert_element_type3A, %cond3A : i32
    scf.if %cond3A_190 {
      %mul3A_191 = arith.constant 16 : i32
      %mul3A_192 = arith.muli %add3A, %mul3A_191 : i32
      %multiple_of3A_193 = tpu.assume_multiple %mul3A_192, 16 : i32
      "tpu.region"() ({
        %run_scoped3A_209 = tpu.sem_alloc : memref<!tpu.dma_semaphore, #tpu.memory_space<semaphore_mem>>
        %dma_start3A_210 = arith.constant 99840 : i32
        %dma_start3A_211 = tpu.memref_slice %arg2[%multiple_of3A_193, %dma_start3A_210] : memref<416x100000xf32, #tpu.memory_space<hbm>> -> memref<16x128xf32, #tpu.memory_space<hbm>>
        %dma_start3A_212 = arith.constant 99840 : i32
        %dma_start3A_213 = tpu.memref_slice %arg2[%multiple_of3A_193, %dma_start3A_212] : memref<416x100000xf32, #tpu.memory_space<hbm>> -> memref<16x128xf32, #tpu.memory_space<hbm>>
        tpu.enqueue_dma source(%dma_start3A_213 : memref<16x128xf32, #tpu.memory_space<hbm>>) target(%arg8 : memref<16x128xf32, #tpu.memory_space<vmem>>) target_semaphore(%run_scoped3A_209 : memref<!tpu.dma_semaphore, #tpu.memory_space<semaphore_mem>>)
        %dma_wait3A = arith.constant 99840 : i32
        %dma_wait3A_214 = tpu.memref_slice %arg2[%multiple_of3A_193, %dma_wait3A] : memref<416x100000xf32, #tpu.memory_space<hbm>> -> memref<16x128xf32, #tpu.memory_space<hbm>>
        %dma_wait3A_215 = arith.constant 99840 : i32
        %dma_wait3A_216 = tpu.memref_slice %arg2[%multiple_of3A_193, %dma_wait3A_215] : memref<416x100000xf32, #tpu.memory_space<hbm>> -> memref<16x128xf32, #tpu.memory_space<hbm>>
        tpu.wait_dma2 semaphore(%run_scoped3A_209 : memref<!tpu.dma_semaphore, #tpu.memory_space<semaphore_mem>>) src(%dma_wait3A_216 : memref<16x128xf32, #tpu.memory_space<hbm>>) dst(%arg8 : memref<16x128xf32, #tpu.memory_space<vmem>>)
        tpu.yield
      }) : () -> ()
      %scan3A = arith.constant 0 : i32
      %scan3A_194 = arith.constant 0 : i32
      %scan3A_195 = arith.constant 16 : i32
      %scan3A_196 = arith.addi %scan3A_194, %scan3A_195 : i32
      %scan3A_197 = arith.constant 1 : i32
      scf.for %scan3A_209 = %scan3A_194 to %scan3A_196 step %scan3A_197  : i32 {
        %mul3A_210 = arith.constant 8 : i32
        %mul3A_211 = arith.muli %scan3A_209, %mul3A_210 : i32
        %broadcast_in_dim3A = vector.broadcast %mul3A_211 : i32 to vector<16xi32>
        %add3A_212 = arith.constant 0 : i32
        %add3A_213 = vector.broadcast %add3A_212 : i32 to vector<16xi32>
        %add3A_214 = arith.addi %broadcast_in_dim3A, %add3A_213 : vector<16xi32>
        %gather3A = tpu.vector_load_idx %arg8[%iota3A, %add3A_214] : memref<16x128xf32, #tpu.memory_space<vmem>>[vector<16xi32>, vector<16xi32>], vector<16xf32>,
        %add3A_215 = arith.constant 1 : i32
        %add3A_216 = vector.broadcast %add3A_215 : i32 to vector<16xi32>
        %add3A_217 = arith.addi %broadcast_in_dim3A, %add3A_216 : vector<16xi32>
        %gather3A_218 = tpu.vector_load_idx %arg8[%iota3A, %add3A_217] : memref<16x128xf32, #tpu.memory_space<vmem>>[vector<16xi32>, vector<16xi32>], vector<16xf32>,
        %add3A_219 = arith.constant 2 : i32
        %add3A_220 = vector.broadcast %add3A_219 : i32 to vector<16xi32>
        %add3A_221 = arith.addi %broadcast_in_dim3A, %add3A_220 : vector<16xi32>
        %gather3A_222 = tpu.vector_load_idx %arg8[%iota3A, %add3A_221] : memref<16x128xf32, #tpu.memory_space<vmem>>[vector<16xi32>, vector<16xi32>], vector<16xf32>,
        %add3A_223 = arith.constant 3 : i32
        %add3A_224 = vector.broadcast %add3A_223 : i32 to vector<16xi32>
        %add3A_225 = arith.addi %broadcast_in_dim3A, %add3A_224 : vector<16xi32>
        %gather3A_226 = tpu.vector_load_idx %arg8[%iota3A, %add3A_225] : memref<16x128xf32, #tpu.memory_space<vmem>>[vector<16xi32>, vector<16xi32>], vector<16xf32>,
        %add3A_227 = arith.constant 4 : i32
        %add3A_228 = vector.broadcast %add3A_227 : i32 to vector<16xi32>
        %add3A_229 = arith.addi %broadcast_in_dim3A, %add3A_228 : vector<16xi32>
        %gather3A_230 = tpu.vector_load_idx %arg8[%iota3A, %add3A_229] : memref<16x128xf32, #tpu.memory_space<vmem>>[vector<16xi32>, vector<16xi32>], vector<16xf32>,
        %add3A_231 = arith.constant 5 : i32
        %add3A_232 = vector.broadcast %add3A_231 : i32 to vector<16xi32>
        %add3A_233 = arith.addi %broadcast_in_dim3A, %add3A_232 : vector<16xi32>
        %gather3A_234 = tpu.vector_load_idx %arg8[%iota3A, %add3A_233] : memref<16x128xf32, #tpu.memory_space<vmem>>[vector<16xi32>, vector<16xi32>], vector<16xf32>,
        %add3A_235 = arith.constant 6 : i32
        %add3A_236 = vector.broadcast %add3A_235 : i32 to vector<16xi32>
        %add3A_237 = arith.addi %broadcast_in_dim3A, %add3A_236 : vector<16xi32>
        %gather3A_238 = tpu.vector_load_idx %arg8[%iota3A, %add3A_237] : memref<16x128xf32, #tpu.memory_space<vmem>>[vector<16xi32>, vector<16xi32>], vector<16xf32>,
        %add3A_239 = arith.constant 7 : i32
        %add3A_240 = vector.broadcast %add3A_239 : i32 to vector<16xi32>
        %add3A_241 = arith.addi %broadcast_in_dim3A, %add3A_240 : vector<16xi32>
        %gather3A_242 = tpu.vector_load_idx %arg8[%iota3A, %add3A_241] : memref<16x128xf32, #tpu.memory_space<vmem>>[vector<16xi32>, vector<16xi32>], vector<16xf32>,
        %swap3A = arith.constant 0 : i32
        %swap3A_243 = arith.index_cast %swap3A : i32 to index
        %swap3A_244 = arith.index_cast %scan3A_209 : i32 to index
        %swap3A_245 = arith.constant 0 : index
        %swap3A_246 = tpu.vector_load %arg7[%swap3A_243, %swap3A_244, %swap3A_245] {strides = array<i32>} : memref<4x64x128xf32, #tpu.memory_space<vmem>>, vector<16xf32>,
        tpu.vector_store %arg7[%swap3A_243, %swap3A_244, %swap3A_245], %gather3A {strides = array<i32>} : memref<4x64x128xf32, #tpu.memory_space<vmem>>, vector<16xf32>,
        %swap3A_247 = arith.constant 0 : i32
        %swap3A_248 = arith.index_cast %swap3A_247 : i32 to index
        %swap3A_249 = arith.index_cast %scan3A_209 : i32 to index
        %swap3A_250 = arith.constant 16 : index
        %swap3A_251 = tpu.vector_load %arg7[%swap3A_248, %swap3A_249, %swap3A_250] {strides = array<i32>} : memref<4x64x128xf32, #tpu.memory_space<vmem>>, vector<16xf32>,
        tpu.vector_store %arg7[%swap3A_248, %swap3A_249, %swap3A_250], %gather3A_218 {strides = array<i32>} : memref<4x64x128xf32, #tpu.memory_space<vmem>>, vector<16xf32>,
        %swap3A_252 = arith.constant 0 : i32
        %swap3A_253 = arith.index_cast %swap3A_252 : i32 to index
        %swap3A_254 = arith.index_cast %scan3A_209 : i32 to index
        %swap3A_255 = arith.constant 32 : index
        %swap3A_256 = tpu.vector_load %arg7[%swap3A_253, %swap3A_254, %swap3A_255] {strides = array<i32>} : memref<4x64x128xf32, #tpu.memory_space<vmem>>, vector<16xf32>,
        tpu.vector_store %arg7[%swap3A_253, %swap3A_254, %swap3A_255], %gather3A_222 {strides = array<i32>} : memref<4x64x128xf32, #tpu.memory_space<vmem>>, vector<16xf32>,
        %swap3A_257 = arith.constant 0 : i32
        %swap3A_258 = arith.index_cast %swap3A_257 : i32 to index
        %swap3A_259 = arith.index_cast %scan3A_209 : i32 to index
        %swap3A_260 = arith.constant 48 : index
        %swap3A_261 = tpu.vector_load %arg7[%swap3A_258, %swap3A_259, %swap3A_260] {strides = array<i32>} : memref<4x64x128xf32, #tpu.memory_space<vmem>>, vector<16xf32>,
        tpu.vector_store %arg7[%swap3A_258, %swap3A_259, %swap3A_260], %gather3A_226 {strides = array<i32>} : memref<4x64x128xf32, #tpu.memory_space<vmem>>, vector<16xf32>,
        %swap3A_262 = arith.constant 0 : i32
        %swap3A_263 = arith.index_cast %swap3A_262 : i32 to index
        %swap3A_264 = arith.index_cast %scan3A_209 : i32 to index
        %swap3A_265 = arith.constant 64 : index
        %swap3A_266 = tpu.vector_load %arg7[%swap3A_263, %swap3A_264, %swap3A_265] {strides = array<i32>} : memref<4x64x128xf32, #tpu.memory_space<vmem>>, vector<16xf32>,
        tpu.vector_store %arg7[%swap3A_263, %swap3A_264, %swap3A_265], %gather3A_230 {strides = array<i32>} : memref<4x64x128xf32, #tpu.memory_space<vmem>>, vector<16xf32>,
        %swap3A_267 = arith.constant 0 : i32
        %swap3A_268 = arith.index_cast %swap3A_267 : i32 to index
        %swap3A_269 = arith.index_cast %scan3A_209 : i32 to index
        %swap3A_270 = arith.constant 80 : index
        %swap3A_271 = tpu.vector_load %arg7[%swap3A_268, %swap3A_269, %swap3A_270] {strides = array<i32>} : memref<4x64x128xf32, #tpu.memory_space<vmem>>, vector<16xf32>,
        tpu.vector_store %arg7[%swap3A_268, %swap3A_269, %swap3A_270], %gather3A_234 {strides = array<i32>} : memref<4x64x128xf32, #tpu.memory_space<vmem>>, vector<16xf32>,
        %swap3A_272 = arith.constant 0 : i32
        %swap3A_273 = arith.index_cast %swap3A_272 : i32 to index
        %swap3A_274 = arith.index_cast %scan3A_209 : i32 to index
        %swap3A_275 = arith.constant 96 : index
        %swap3A_276 = tpu.vector_load %arg7[%swap3A_273, %swap3A_274, %swap3A_275] {strides = array<i32>} : memref<4x64x128xf32, #tpu.memory_space<vmem>>, vector<16xf32>,
        tpu.vector_store %arg7[%swap3A_273, %swap3A_274, %swap3A_275], %gather3A_238 {strides = array<i32>} : memref<4x64x128xf32, #tpu.memory_space<vmem>>, vector<16xf32>,
        %swap3A_277 = arith.constant 0 : i32
        %swap3A_278 = arith.index_cast %swap3A_277 : i32 to index
        %swap3A_279 = arith.index_cast %scan3A_209 : i32 to index
        %swap3A_280 = arith.constant 112 : index
        %swap3A_281 = tpu.vector_load %arg7[%swap3A_278, %swap3A_279, %swap3A_280] {strides = array<i32>} : memref<4x64x128xf32, #tpu.memory_space<vmem>>, vector<16xf32>,
        tpu.vector_store %arg7[%swap3A_278, %swap3A_279, %swap3A_280], %gather3A_242 {strides = array<i32>} : memref<4x64x128xf32, #tpu.memory_space<vmem>>, vector<16xf32>,
      }
      %scan3A_198 = arith.constant 16 : i32
      %mul3A_199 = arith.constant 12504 : i32
      %mul3A_200 = arith.muli %add3A, %mul3A_199 : i32
      %add3A_201 = arith.constant 12480 : i32
      %add3A_202 = arith.addi %mul3A_200, %add3A_201 : i32
      %multiple_of3A_203 = tpu.assume_multiple %add3A_202, 8 : i32
      %run_scoped3A = arith.constant 0 : i32
      "tpu.region"() ({
        %run_scoped3A_209 = tpu.sem_alloc : memref<!tpu.dma_semaphore, #tpu.memory_space<semaphore_mem>>
        %dma_start3A_210 = arith.constant 0 : i32
        %dma_start3A_211 = arith.constant 0 : i32
        %dma_start3A_212 = tpu.memref_slice %arg7[%run_scoped3A, %dma_start3A_210, %dma_start3A_211] : memref<4x64x128xf32, #tpu.memory_space<vmem>> -> memref<1x16x128xf32, #tpu.memory_space<vmem>>
        %dma_start3A_213 = tpu.memref_squeeze %dma_start3A_212 : memref<1x16x128xf32, #tpu.memory_space<vmem>> -> memref<16x128xf32, #tpu.memory_space<vmem>>
        %dma_start3A_214 = arith.constant 0 : i32
        %dma_start3A_215 = tpu.memref_slice %arg4[%multiple_of3A_203, %dma_start3A_214] : memref<325104x128xf32, #tpu.memory_space<hbm>> -> memref<16x128xf32, #tpu.memory_space<hbm>>
        %dma_start3A_216 = arith.constant 0 : i32
        %dma_start3A_217 = tpu.memref_slice %arg4[%multiple_of3A_203, %dma_start3A_216] : memref<325104x128xf32, #tpu.memory_space<hbm>> -> memref<16x128xf32, #tpu.memory_space<hbm>>
        %dma_start3A_218 = arith.constant 0 : i32
        %dma_start3A_219 = arith.constant 0 : i32
        %dma_start3A_220 = tpu.memref_slice %arg7[%run_scoped3A, %dma_start3A_218, %dma_start3A_219] : memref<4x64x128xf32, #tpu.memory_space<vmem>> -> memref<1x16x128xf32, #tpu.memory_space<vmem>>
        %dma_start3A_221 = tpu.memref_squeeze %dma_start3A_220 : memref<1x16x128xf32, #tpu.memory_space<vmem>> -> memref<16x128xf32, #tpu.memory_space<vmem>>
        tpu.enqueue_dma source(%dma_start3A_221 : memref<16x128xf32, #tpu.memory_space<vmem>>) target(%dma_start3A_217 : memref<16x128xf32, #tpu.memory_space<hbm>>) target_semaphore(%run_scoped3A_209 : memref<!tpu.dma_semaphore, #tpu.memory_space<semaphore_mem>>)
        %dma_wait3A = arith.constant 0 : i32
        %dma_wait3A_222 = arith.constant 0 : i32
        %dma_wait3A_223 = tpu.memref_slice %arg7[%run_scoped3A, %dma_wait3A, %dma_wait3A_222] : memref<4x64x128xf32, #tpu.memory_space<vmem>> -> memref<1x16x128xf32, #tpu.memory_space<vmem>>
        %dma_wait3A_224 = tpu.memref_squeeze %dma_wait3A_223 : memref<1x16x128xf32, #tpu.memory_space<vmem>> -> memref<16x128xf32, #tpu.memory_space<vmem>>
        %dma_wait3A_225 = arith.constant 0 : i32
        %dma_wait3A_226 = tpu.memref_slice %arg4[%multiple_of3A_203, %dma_wait3A_225] : memref<325104x128xf32, #tpu.memory_space<hbm>> -> memref<16x128xf32, #tpu.memory_space<hbm>>
        %dma_wait3A_227 = arith.constant 0 : i32
        %dma_wait3A_228 = tpu.memref_slice %arg4[%multiple_of3A_203, %dma_wait3A_227] : memref<325104x128xf32, #tpu.memory_space<hbm>> -> memref<16x128xf32, #tpu.memory_space<hbm>>
        %dma_wait3A_229 = arith.constant 0 : i32
        %dma_wait3A_230 = arith.constant 0 : i32
        %dma_wait3A_231 = tpu.memref_slice %arg7[%run_scoped3A, %dma_wait3A_229, %dma_wait3A_230] : memref<4x64x128xf32, #tpu.memory_space<vmem>> -> memref<1x16x128xf32, #tpu.memory_space<vmem>>
        %dma_wait3A_232 = tpu.memref_squeeze %dma_wait3A_231 : memref<1x16x128xf32, #tpu.memory_space<vmem>> -> memref<16x128xf32, #tpu.memory_space<vmem>>
        tpu.wait_dma2 semaphore(%run_scoped3A_209 : memref<!tpu.dma_semaphore, #tpu.memory_space<semaphore_mem>>) src(%dma_wait3A_232 : memref<16x128xf32, #tpu.memory_space<vmem>>) dst(%dma_wait3A_228 : memref<16x128xf32, #tpu.memory_space<hbm>>)
        tpu.yield
      }) : () -> ()
      "tpu.region"() ({
        %run_scoped3A_209 = tpu.sem_alloc : memref<!tpu.dma_semaphore, #tpu.memory_space<semaphore_mem>>
        %dma_start3A_210 = arith.constant 0 : i32
        %dma_start3A_211 = arith.constant 0 : i32
        %dma_start3A_212 = tpu.memref_slice %arg8[%dma_start3A_210, %dma_start3A_211] : memref<16x128xf32, #tpu.memory_space<vmem>> -> memref<8x128xf32, #tpu.memory_space<vmem>>
        %dma_start3A_213 = arith.constant 0 : i32
        %dma_start3A_214 = arith.constant 0 : i32
        %dma_start3A_215 = tpu.memref_slice %arg3[%add3A, %dma_start3A_213, %dma_start3A_214] : memref<26x8x128xf32, #tpu.memory_space<hbm>> -> memref<1x8x128xf32, #tpu.memory_space<hbm>>
        %dma_start3A_216 = tpu.memref_squeeze %dma_start3A_215 : memref<1x8x128xf32, #tpu.memory_space<hbm>> -> memref<8x128xf32, #tpu.memory_space<hbm>>
        %dma_start3A_217 = arith.constant 0 : i32
        %dma_start3A_218 = arith.constant 0 : i32
        %dma_start3A_219 = tpu.memref_slice %arg8[%dma_start3A_217, %dma_start3A_218] : memref<16x128xf32, #tpu.memory_space<vmem>> -> memref<8x128xf32, #tpu.memory_space<vmem>>
        %dma_start3A_220 = arith.constant 0 : i32
        %dma_start3A_221 = arith.constant 0 : i32
        %dma_start3A_222 = tpu.memref_slice %arg3[%add3A, %dma_start3A_220, %dma_start3A_221] : memref<26x8x128xf32, #tpu.memory_space<hbm>> -> memref<1x8x128xf32, #tpu.memory_space<hbm>>
        %dma_start3A_223 = tpu.memref_squeeze %dma_start3A_222 : memref<1x8x128xf32, #tpu.memory_space<hbm>> -> memref<8x128xf32, #tpu.memory_space<hbm>>
        tpu.enqueue_dma source(%dma_start3A_223 : memref<8x128xf32, #tpu.memory_space<hbm>>) target(%dma_start3A_219 : memref<8x128xf32, #tpu.memory_space<vmem>>) target_semaphore(%run_scoped3A_209 : memref<!tpu.dma_semaphore, #tpu.memory_space<semaphore_mem>>)
        %dma_wait3A = arith.constant 0 : i32
        %dma_wait3A_224 = arith.constant 0 : i32
        %dma_wait3A_225 = tpu.memref_slice %arg8[%dma_wait3A, %dma_wait3A_224] : memref<16x128xf32, #tpu.memory_space<vmem>> -> memref<8x128xf32, #tpu.memory_space<vmem>>
        %dma_wait3A_226 = arith.constant 0 : i32
        %dma_wait3A_227 = arith.constant 0 : i32
        %dma_wait3A_228 = tpu.memref_slice %arg3[%add3A, %dma_wait3A_226, %dma_wait3A_227] : memref<26x8x128xf32, #tpu.memory_space<hbm>> -> memref<1x8x128xf32, #tpu.memory_space<hbm>>
        %dma_wait3A_229 = tpu.memref_squeeze %dma_wait3A_228 : memref<1x8x128xf32, #tpu.memory_space<hbm>> -> memref<8x128xf32, #tpu.memory_space<hbm>>
        %dma_wait3A_230 = arith.constant 0 : i32
        %dma_wait3A_231 = arith.constant 0 : i32
        %dma_wait3A_232 = tpu.memref_slice %arg8[%dma_wait3A_230, %dma_wait3A_231] : memref<16x128xf32, #tpu.memory_space<vmem>> -> memref<8x128xf32, #tpu.memory_space<vmem>>
        %dma_wait3A_233 = arith.constant 0 : i32
        %dma_wait3A_234 = arith.constant 0 : i32
        %dma_wait3A_235 = tpu.memref_slice %arg3[%add3A, %dma_wait3A_233, %dma_wait3A_234] : memref<26x8x128xf32, #tpu.memory_space<hbm>> -> memref<1x8x128xf32, #tpu.memory_space<hbm>>
        %dma_wait3A_236 = tpu.memref_squeeze %dma_wait3A_235 : memref<1x8x128xf32, #tpu.memory_space<hbm>> -> memref<8x128xf32, #tpu.memory_space<hbm>>
        tpu.wait_dma2 semaphore(%run_scoped3A_209 : memref<!tpu.dma_semaphore, #tpu.memory_space<semaphore_mem>>) src(%dma_wait3A_236 : memref<8x128xf32, #tpu.memory_space<hbm>>) dst(%dma_wait3A_232 : memref<8x128xf32, #tpu.memory_space<vmem>>)
        tpu.yield
      }) : () -> ()
      %mul3A_204 = arith.constant 12504 : i32
      %mul3A_205 = arith.muli %add3A, %mul3A_204 : i32
      %add3A_206 = arith.constant 12496 : i32
      %add3A_207 = arith.addi %mul3A_205, %add3A_206 : i32
      %multiple_of3A_208 = tpu.assume_multiple %add3A_207, 8 : i32
      "tpu.region"() ({
        %run_scoped3A_209 = tpu.sem_alloc : memref<!tpu.dma_semaphore, #tpu.memory_space<semaphore_mem>>
        %dma_start3A_210 = arith.constant 0 : i32
        %dma_start3A_211 = arith.constant 0 : i32
        %dma_start3A_212 = tpu.memref_slice %arg8[%dma_start3A_210, %dma_start3A_211] : memref<16x128xf32, #tpu.memory_space<vmem>> -> memref<8x128xf32, #tpu.memory_space<vmem>>
        %dma_start3A_213 = arith.constant 0 : i32
        %dma_start3A_214 = tpu.memref_slice %arg4[%multiple_of3A_208, %dma_start3A_213] : memref<325104x128xf32, #tpu.memory_space<hbm>> -> memref<8x128xf32, #tpu.memory_space<hbm>>
        %dma_start3A_215 = arith.constant 0 : i32
        %dma_start3A_216 = tpu.memref_slice %arg4[%multiple_of3A_208, %dma_start3A_215] : memref<325104x128xf32, #tpu.memory_space<hbm>> -> memref<8x128xf32, #tpu.memory_space<hbm>>
        %dma_start3A_217 = arith.constant 0 : i32
        %dma_start3A_218 = arith.constant 0 : i32
        %dma_start3A_219 = tpu.memref_slice %arg8[%dma_start3A_217, %dma_start3A_218] : memref<16x128xf32, #tpu.memory_space<vmem>> -> memref<8x128xf32, #tpu.memory_space<vmem>>
        tpu.enqueue_dma source(%dma_start3A_219 : memref<8x128xf32, #tpu.memory_space<vmem>>) target(%dma_start3A_216 : memref<8x128xf32, #tpu.memory_space<hbm>>) target_semaphore(%run_scoped3A_209 : memref<!tpu.dma_semaphore, #tpu.memory_space<semaphore_mem>>)
        %dma_wait3A = arith.constant 0 : i32
        %dma_wait3A_220 = arith.constant 0 : i32
        %dma_wait3A_221 = tpu.memref_slice %arg8[%dma_wait3A, %dma_wait3A_220] : memref<16x128xf32, #tpu.memory_space<vmem>> -> memref<8x128xf32, #tpu.memory_space<vmem>>
        %dma_wait3A_222 = arith.constant 0 : i32
        %dma_wait3A_223 = tpu.memref_slice %arg4[%multiple_of3A_208, %dma_wait3A_222] : memref<325104x128xf32, #tpu.memory_space<hbm>> -> memref<8x128xf32, #tpu.memory_space<hbm>>
        %dma_wait3A_224 = arith.constant 0 : i32
        %dma_wait3A_225 = tpu.memref_slice %arg4[%multiple_of3A_208, %dma_wait3A_224] : memref<325104x128xf32, #tpu.memory_space<hbm>> -> memref<8x128xf32, #tpu.memory_space<hbm>>
        %dma_wait3A_226 = arith.constant 0 : i32
        %dma_wait3A_227 = arith.constant 0 : i32
        %dma_wait3A_228 = tpu.memref_slice %arg8[%dma_wait3A_226, %dma_wait3A_227] : memref<16x128xf32, #tpu.memory_space<vmem>> -> memref<8x128xf32, #tpu.memory_space<vmem>>
        tpu.wait_dma2 semaphore(%run_scoped3A_209 : memref<!tpu.dma_semaphore, #tpu.memory_space<semaphore_mem>>) src(%dma_wait3A_228 : memref<8x128xf32, #tpu.memory_space<vmem>>) dst(%dma_wait3A_225 : memref<8x128xf32, #tpu.memory_space<hbm>>)
        tpu.yield
      }) : () -> ()
    } else {
    }
    return
  }
}

module attributes {stable_mosaic.version = 14 : i64} {
  func.func @_b_body(%arg0: i32, %arg1: memref<1024x256xf32, #tpu.memory_space<vmem>>, %arg2: memref<1x256xf32, #tpu.memory_space<vmem>>, %arg3: memref<1x256xf32, #tpu.memory_space<vmem>>, %arg4: memref<256xf32, #tpu.memory_space<vmem>>, %arg5: memref<256xf32, #tpu.memory_space<vmem>>, %arg6: memref<256x128xf32, #tpu.memory_space<vmem>>, %arg7: memref<128xf32, #tpu.memory_space<vmem>>, %arg8: memref<1024x128xf32, #tpu.memory_space<vmem>>, %arg9: memref<1x128xf32, #tpu.memory_space<vmem>>, %arg10: memref<1x128xf32, #tpu.memory_space<vmem>>) attributes {dimension_semantics = [#tpu.dimension_semantics<arbitrary>], iteration_bounds = array<i64: 16>, scalar_prefetch = 0 : i64, scratch_operands = 0 : i64, tpu.core_type = #tpu.core_type<tc>, window_params = [{transform_indices = @transform_0, window_bounds = array<i64: 1024, 256>}, {pipeline_mode = #tpu.pipeline_mode<synchronous>, transform_indices = @transform_1, window_bounds = array<i64: 1, 256>}, {pipeline_mode = #tpu.pipeline_mode<synchronous>, transform_indices = @transform_2, window_bounds = array<i64: 1, 256>}, {pipeline_mode = #tpu.pipeline_mode<synchronous>, transform_indices = @transform_3, window_bounds = array<i64: 256>}, {pipeline_mode = #tpu.pipeline_mode<synchronous>, transform_indices = @transform_4, window_bounds = array<i64: 256>}, {pipeline_mode = #tpu.pipeline_mode<synchronous>, transform_indices = @transform_5, window_bounds = array<i64: 256, 128>}, {pipeline_mode = #tpu.pipeline_mode<synchronous>, transform_indices = @transform_6, window_bounds = array<i64: 128>}, {transform_indices = @transform_7, window_bounds = array<i64: 1024, 128>}, {pipeline_mode = #tpu.pipeline_mode<synchronous>, transform_indices = @transform_8, window_bounds = array<i64: 1, 128>}, {pipeline_mode = #tpu.pipeline_mode<synchronous>, transform_indices = @transform_9, window_bounds = array<i64: 1, 128>}]} {
    %get3A = arith.constant 0 : index
    %get3A_0 = arith.constant 0 : index
    %get3A_1 = vector.load %arg2[%get3A, %get3A_0] : memref<1x256xf32, #tpu.memory_space<vmem>>, vector<1x256xf32>
    %mul3A = arith.constant 6.10351563E-5 : f32
    %mul3A_2 = vector.broadcast %mul3A : f32 to vector<1x256xf32>
    %mul3A_3 = arith.mulf %get3A_1, %mul3A_2 : vector<1x256xf32>
    %get3A_4 = arith.constant 0 : index
    %get3A_5 = arith.constant 0 : index
    %get3A_6 = vector.load %arg3[%get3A_4, %get3A_5] : memref<1x256xf32, #tpu.memory_space<vmem>>, vector<1x256xf32>
    %mul3A_7 = arith.constant 6.10351563E-5 : f32
    %mul3A_8 = vector.broadcast %mul3A_7 : f32 to vector<1x256xf32>
    %mul3A_9 = arith.mulf %get3A_6, %mul3A_8 : vector<1x256xf32>
    %mul3A_10 = arith.mulf %mul3A_3, %mul3A_3 : vector<1x256xf32>
    %sub3A = arith.subf %mul3A_9, %mul3A_10 : vector<1x256xf32>
    %get3A_11 = arith.constant 0 : index
    %get3A_12 = vector.load %arg4[%get3A_11] : memref<256xf32, #tpu.memory_space<vmem>>, vector<256xf32>
    %get3A_13 = arith.constant 0 : index
    %get3A_14 = arith.constant 0 : index
    %get3A_15 = vector.load %arg1[%get3A_13, %get3A_14] : memref<1024x256xf32, #tpu.memory_space<vmem>>, vector<1024x256xf32>
    %sub3A_16 = vector.broadcast %mul3A_3 : vector<1x256xf32> to vector<1024x256xf32>
    %sub3A_17 = arith.subf %get3A_15, %sub3A_16 : vector<1024x256xf32>
    %broadcast_in_dim3A = vector.shape_cast %get3A_12 : vector<256xf32> to vector<1x256xf32>
    %mul3A_18 = vector.broadcast %broadcast_in_dim3A : vector<1x256xf32> to vector<1024x256xf32>
    %mul3A_19 = arith.mulf %mul3A_18, %sub3A_17 : vector<1024x256xf32>
    %add3A = arith.constant 9.99999974E-6 : f32
    %add3A_20 = vector.broadcast %add3A : f32 to vector<1x256xf32>
    %add3A_21 = arith.addf %sub3A, %add3A_20 : vector<1x256xf32>
    %rsqrt3A = math.rsqrt %add3A_21 : vector<1x256xf32>
    %mul3A_22 = vector.broadcast %rsqrt3A : vector<1x256xf32> to vector<1024x256xf32>
    %mul3A_23 = arith.mulf %mul3A_19, %mul3A_22 : vector<1024x256xf32>
    %get3A_24 = arith.constant 0 : index
    %get3A_25 = vector.load %arg5[%get3A_24] : memref<256xf32, #tpu.memory_space<vmem>>, vector<256xf32>
    %broadcast_in_dim3A_26 = vector.shape_cast %get3A_25 : vector<256xf32> to vector<1x256xf32>
    %add3A_27 = vector.broadcast %broadcast_in_dim3A_26 : vector<1x256xf32> to vector<1024x256xf32>
    %add3A_28 = arith.addf %mul3A_23, %add3A_27 : vector<1024x256xf32>
    %max3A = arith.constant 0.000000e+00 : f32
    %max3A_29 = vector.broadcast %max3A : f32 to vector<1024x256xf32>
    %max3A_30 = arith.maximumf %add3A_28, %max3A_29 : vector<1024x256xf32>
    %get3A_31 = arith.constant 0 : index
    %get3A_32 = arith.constant 0 : index
    %get3A_33 = vector.load %arg6[%get3A_31, %get3A_32] : memref<256x128xf32, #tpu.memory_space<vmem>>, vector<256x128xf32>
    %dot_general3A = arith.constant dense<0.000000e+00> : vector<1024x128xf32>
    %dot_general3A_34 = tpu.matmul %max3A_30, %get3A_33, %dot_general3A {dimension_numbers = #tpu.dot_dimension_numbers<[1], [0], [0], [1], [0, 0, 1, 1], [], []>, transpose_lhs_hint = false} : vector<1024x256xf32>, vector<256x128xf32>, vector<1024x128xf32> -> vector<1024x128xf32>
    %get3A_35 = arith.constant 0 : index
    %get3A_36 = vector.load %arg7[%get3A_35] : memref<128xf32, #tpu.memory_space<vmem>>, vector<128xf32>
    %broadcast_in_dim3A_37 = vector.shape_cast %get3A_36 : vector<128xf32> to vector<1x128xf32>
    %add3A_38 = vector.broadcast %broadcast_in_dim3A_37 : vector<1x128xf32> to vector<1024x128xf32>
    %add3A_39 = arith.addf %dot_general3A_34, %add3A_38 : vector<1024x128xf32>
    %swap3A = arith.constant 0 : index
    %swap3A_40 = arith.constant 0 : index
    %swap3A_41 = vector.load %arg8[%swap3A, %swap3A_40] : memref<1024x128xf32, #tpu.memory_space<vmem>>, vector<1024x128xf32>
    tpu.vector_store %arg8[%swap3A, %swap3A_40], %add3A_39 {strides = array<i32>} : memref<1024x128xf32, #tpu.memory_space<vmem>>, vector<1024x128xf32>,
    %reduce_sum3A = arith.constant dense<0.000000e+00> : vector<128xf32>
    %reduce_sum3A_42 = vector.multi_reduction <add>, %add3A_39, %reduce_sum3A [0] : vector<1024x128xf32> to vector<128xf32>
    %broadcast_in_dim3A_43 = vector.shape_cast %reduce_sum3A_42 : vector<128xf32> to vector<1x128xf32>
    %mul3A_44 = arith.mulf %add3A_39, %add3A_39 : vector<1024x128xf32>
    %reduce_sum3A_45 = arith.constant dense<0.000000e+00> : vector<128xf32>
    %reduce_sum3A_46 = vector.multi_reduction <add>, %mul3A_44, %reduce_sum3A_45 [0] : vector<1024x128xf32> to vector<128xf32>
    %broadcast_in_dim3A_47 = vector.shape_cast %reduce_sum3A_46 : vector<128xf32> to vector<1x128xf32>
    %eq3A = arith.constant 0 : i32
    %eq3A_48 = arith.cmpi eq, %arg0, %eq3A : i32
    %convert_element_type3A = arith.extui %eq3A_48 : i1 to i32
    %cond3A = arith.constant 0 : i32
    %cond3A_49 = arith.cmpi ne, %convert_element_type3A, %cond3A : i32
    scf.if %cond3A_49 {
      %swap3A_54 = arith.constant 0 : index
      %swap3A_55 = arith.constant 0 : index
      %swap3A_56 = vector.load %arg9[%swap3A_54, %swap3A_55] : memref<1x128xf32, #tpu.memory_space<vmem>>, vector<1x128xf32>
      tpu.vector_store %arg9[%swap3A_54, %swap3A_55], %broadcast_in_dim3A_43 {strides = array<i32>} : memref<1x128xf32, #tpu.memory_space<vmem>>, vector<1x128xf32>,
      %swap3A_57 = arith.constant 0 : index
      %swap3A_58 = arith.constant 0 : index
      %swap3A_59 = vector.load %arg10[%swap3A_57, %swap3A_58] : memref<1x128xf32, #tpu.memory_space<vmem>>, vector<1x128xf32>
      tpu.vector_store %arg10[%swap3A_57, %swap3A_58], %broadcast_in_dim3A_47 {strides = array<i32>} : memref<1x128xf32, #tpu.memory_space<vmem>>, vector<1x128xf32>,
    } else {
    }
    %gt3A = arith.constant 0 : i32
    %gt3A_50 = arith.cmpi sgt, %arg0, %gt3A : i32
    %convert_element_type3A_51 = arith.extui %gt3A_50 : i1 to i32
    %cond3A_52 = arith.constant 0 : i32
    %cond3A_53 = arith.cmpi ne, %convert_element_type3A_51, %cond3A_52 : i32
    scf.if %cond3A_53 {
      %get3A_54 = arith.constant 0 : index
      %get3A_55 = arith.constant 0 : index
      %get3A_56 = vector.load %arg9[%get3A_54, %get3A_55] : memref<1x128xf32, #tpu.memory_space<vmem>>, vector<1x128xf32>
      %add3A_57 = arith.addf %get3A_56, %broadcast_in_dim3A_43 : vector<1x128xf32>
      %swap3A_58 = arith.constant 0 : index
      %swap3A_59 = arith.constant 0 : index
      %swap3A_60 = vector.load %arg9[%swap3A_58, %swap3A_59] : memref<1x128xf32, #tpu.memory_space<vmem>>, vector<1x128xf32>
      tpu.vector_store %arg9[%swap3A_58, %swap3A_59], %add3A_57 {strides = array<i32>} : memref<1x128xf32, #tpu.memory_space<vmem>>, vector<1x128xf32>,
      %get3A_61 = arith.constant 0 : index
      %get3A_62 = arith.constant 0 : index
      %get3A_63 = vector.load %arg10[%get3A_61, %get3A_62] : memref<1x128xf32, #tpu.memory_space<vmem>>, vector<1x128xf32>
      %add3A_64 = arith.addf %get3A_63, %broadcast_in_dim3A_47 : vector<1x128xf32>
      %swap3A_65 = arith.constant 0 : index
      %swap3A_66 = arith.constant 0 : index
      %swap3A_67 = vector.load %arg10[%swap3A_65, %swap3A_66] : memref<1x128xf32, #tpu.memory_space<vmem>>, vector<1x128xf32>
      tpu.vector_store %arg10[%swap3A_65, %swap3A_66], %add3A_64 {strides = array<i32>} : memref<1x128xf32, #tpu.memory_space<vmem>>, vector<1x128xf32>,
    } else {
    }
    return
  }
  func.func @transform_0(%arg0: i32) -> (i32, i32) {
    %c0_i32 = arith.constant 0 : i32
    %c0_i32_0 = arith.constant 0 : i32
    return %arg0, %c0_i32 : i32, i32
  }
  func.func @transform_1(%arg0: i32) -> (i32, i32) {
    %c0_i32 = arith.constant 0 : i32
    %c0_i32_0 = arith.constant 0 : i32
    %c0_i32_1 = arith.constant 0 : i32
    return %c0_i32, %c0_i32_0 : i32, i32
  }
  func.func @transform_2(%arg0: i32) -> (i32, i32) {
    %c0_i32 = arith.constant 0 : i32
    %c0_i32_0 = arith.constant 0 : i32
    %c0_i32_1 = arith.constant 0 : i32
    return %c0_i32, %c0_i32_0 : i32, i32
  }
  func.func @transform_3(%arg0: i32) -> i32 {
    %c0_i32 = arith.constant 0 : i32
    %c0_i32_0 = arith.constant 0 : i32
    return %c0_i32 : i32
  }
  func.func @transform_4(%arg0: i32) -> i32 {
    %c0_i32 = arith.constant 0 : i32
    %c0_i32_0 = arith.constant 0 : i32
    return %c0_i32 : i32
  }
  func.func @transform_5(%arg0: i32) -> (i32, i32) {
    %c0_i32 = arith.constant 0 : i32
    %c0_i32_0 = arith.constant 0 : i32
    %c0_i32_1 = arith.constant 0 : i32
    return %c0_i32, %c0_i32_0 : i32, i32
  }
  func.func @transform_6(%arg0: i32) -> i32 {
    %c0_i32 = arith.constant 0 : i32
    %c0_i32_0 = arith.constant 0 : i32
    return %c0_i32 : i32
  }
  func.func @transform_7(%arg0: i32) -> (i32, i32) {
    %c0_i32 = arith.constant 0 : i32
    %c0_i32_0 = arith.constant 0 : i32
    return %arg0, %c0_i32 : i32, i32
  }
  func.func @transform_8(%arg0: i32) -> (i32, i32) {
    %c0_i32 = arith.constant 0 : i32
    %c0_i32_0 = arith.constant 0 : i32
    %c0_i32_1 = arith.constant 0 : i32
    return %c0_i32, %c0_i32_0 : i32, i32
  }
  func.func @transform_9(%arg0: i32) -> (i32, i32) {
    %c0_i32 = arith.constant 0 : i32
    %c0_i32_0 = arith.constant 0 : i32
    %c0_i32_1 = arith.constant 0 : i32
    return %c0_i32, %c0_i32_0 : i32, i32
  }
}

module attributes {stable_mosaic.version = 14 : i64} {
  func.func @_a_body(%arg0: i32, %arg1: memref<1024x13xf32, #tpu.memory_space<vmem>>, %arg2: memref<1024x512xf32, #tpu.memory_space<vmem>>, %arg3: memref<13x256xf32, #tpu.memory_space<vmem>>, %arg4: memref<512x256xf32, #tpu.memory_space<vmem>>, %arg5: memref<256xf32, #tpu.memory_space<vmem>>, %arg6: memref<1x13xf32, #tpu.memory_space<vmem>>, %arg7: memref<1x512xf32, #tpu.memory_space<vmem>>, %arg8: memref<1024x256xf32, #tpu.memory_space<vmem>>, %arg9: memref<1024xf32, #tpu.memory_space<vmem>>, %arg10: memref<1x256xf32, #tpu.memory_space<vmem>>, %arg11: memref<1x256xf32, #tpu.memory_space<vmem>>) attributes {dimension_semantics = [#tpu.dimension_semantics<arbitrary>], iteration_bounds = array<i64: 16>, scalar_prefetch = 0 : i64, scratch_operands = 0 : i64, tpu.core_type = #tpu.core_type<tc>, window_params = [{transform_indices = @transform_0, window_bounds = array<i64: 1024, 13>}, {transform_indices = @transform_1, window_bounds = array<i64: 1024, 512>}, {pipeline_mode = #tpu.pipeline_mode<synchronous>, transform_indices = @transform_2, window_bounds = array<i64: 13, 256>}, {pipeline_mode = #tpu.pipeline_mode<synchronous>, transform_indices = @transform_3, window_bounds = array<i64: 512, 256>}, {pipeline_mode = #tpu.pipeline_mode<synchronous>, transform_indices = @transform_4, window_bounds = array<i64: 256>}, {pipeline_mode = #tpu.pipeline_mode<synchronous>, transform_indices = @transform_5, window_bounds = array<i64: 1, 13>}, {pipeline_mode = #tpu.pipeline_mode<synchronous>, transform_indices = @transform_6, window_bounds = array<i64: 1, 512>}, {transform_indices = @transform_7, window_bounds = array<i64: 1024, 256>}, {transform_indices = @transform_8, window_bounds = array<i64: 1024>}, {pipeline_mode = #tpu.pipeline_mode<synchronous>, transform_indices = @transform_9, window_bounds = array<i64: 1, 256>}, {pipeline_mode = #tpu.pipeline_mode<synchronous>, transform_indices = @transform_10, window_bounds = array<i64: 1, 256>}]} {
    %get3A = arith.constant 0 : index
    %get3A_0 = arith.constant 0 : index
    %get3A_1 = vector.load %arg1[%get3A, %get3A_0] : memref<1024x13xf32, #tpu.memory_space<vmem>>, vector<1024x13xf32>
    %get3A_2 = arith.constant 0 : index
    %get3A_3 = arith.constant 0 : index
    %get3A_4 = vector.load %arg2[%get3A_2, %get3A_3] : memref<1024x512xf32, #tpu.memory_space<vmem>>, vector<1024x512xf32>
    %get3A_5 = arith.constant 0 : index
    %get3A_6 = arith.constant 0 : index
    %get3A_7 = vector.load %arg3[%get3A_5, %get3A_6] : memref<13x256xf32, #tpu.memory_space<vmem>>, vector<13x256xf32>
    %dot_general3A = arith.constant dense<0.000000e+00> : vector<1024x256xf32>
    %dot_general3A_8 = tpu.matmul %get3A_1, %get3A_7, %dot_general3A {dimension_numbers = #tpu.dot_dimension_numbers<[1], [0], [0], [1], [0, 0, 1, 1], [], []>, transpose_lhs_hint = false} : vector<1024x13xf32>, vector<13x256xf32>, vector<1024x256xf32> -> vector<1024x256xf32>
    %get3A_9 = arith.constant 0 : index
    %get3A_10 = arith.constant 0 : index
    %get3A_11 = vector.load %arg4[%get3A_9, %get3A_10] : memref<512x256xf32, #tpu.memory_space<vmem>>, vector<512x256xf32>
    %dot_general3A_12 = arith.constant dense<0.000000e+00> : vector<1024x256xf32>
    %dot_general3A_13 = tpu.matmul %get3A_4, %get3A_11, %dot_general3A_12 {dimension_numbers = #tpu.dot_dimension_numbers<[1], [0], [0], [1], [0, 0, 1, 1], [], []>, transpose_lhs_hint = false} : vector<1024x512xf32>, vector<512x256xf32>, vector<1024x256xf32> -> vector<1024x256xf32>
    %add3A = arith.addf %dot_general3A_8, %dot_general3A_13 : vector<1024x256xf32>
    %get3A_14 = arith.constant 0 : index
    %get3A_15 = vector.load %arg5[%get3A_14] : memref<256xf32, #tpu.memory_space<vmem>>, vector<256xf32>
    %broadcast_in_dim3A = vector.shape_cast %get3A_15 : vector<256xf32> to vector<1x256xf32>
    %add3A_16 = vector.broadcast %broadcast_in_dim3A : vector<1x256xf32> to vector<1024x256xf32>
    %add3A_17 = arith.addf %add3A, %add3A_16 : vector<1024x256xf32>
    %swap3A = arith.constant 0 : index
    %swap3A_18 = arith.constant 0 : index
    %swap3A_19 = vector.load %arg8[%swap3A, %swap3A_18] : memref<1024x256xf32, #tpu.memory_space<vmem>>, vector<1024x256xf32>
    tpu.vector_store %arg8[%swap3A, %swap3A_18], %add3A_17 {strides = array<i32>} : memref<1024x256xf32, #tpu.memory_space<vmem>>, vector<1024x256xf32>,
    %get3A_20 = arith.constant 0 : index
    %get3A_21 = arith.constant 0 : index
    %get3A_22 = vector.load %arg6[%get3A_20, %get3A_21] : memref<1x13xf32, #tpu.memory_space<vmem>>, vector<1x13xf32>
    %mul3A = vector.broadcast %get3A_22 : vector<1x13xf32> to vector<1024x13xf32>
    %mul3A_23 = arith.mulf %get3A_1, %mul3A : vector<1024x13xf32>
    %reduce_sum3A = arith.constant dense<0.000000e+00> : vector<1024xf32>
    %reduce_sum3A_24 = vector.multi_reduction <add>, %mul3A_23, %reduce_sum3A [1] : vector<1024x13xf32> to vector<1024xf32>
    %get3A_25 = arith.constant 0 : index
    %get3A_26 = arith.constant 0 : index
    %get3A_27 = vector.load %arg7[%get3A_25, %get3A_26] : memref<1x512xf32, #tpu.memory_space<vmem>>, vector<1x512xf32>
    %mul3A_28 = vector.broadcast %get3A_27 : vector<1x512xf32> to vector<1024x512xf32>
    %mul3A_29 = arith.mulf %get3A_4, %mul3A_28 : vector<1024x512xf32>
    %reduce_sum3A_30 = arith.constant dense<0.000000e+00> : vector<1024xf32>
    %reduce_sum3A_31 = vector.multi_reduction <add>, %mul3A_29, %reduce_sum3A_30 [1] : vector<1024x512xf32> to vector<1024xf32>
    %add3A_32 = arith.addf %reduce_sum3A_24, %reduce_sum3A_31 : vector<1024xf32>
    %swap3A_33 = arith.constant 0 : index
    %swap3A_34 = vector.load %arg9[%swap3A_33] : memref<1024xf32, #tpu.memory_space<vmem>>, vector<1024xf32>
    tpu.vector_store %arg9[%swap3A_33], %add3A_32 {strides = array<i32>} : memref<1024xf32, #tpu.memory_space<vmem>>, vector<1024xf32>,
    %reduce_sum3A_35 = arith.constant dense<0.000000e+00> : vector<256xf32>
    %reduce_sum3A_36 = vector.multi_reduction <add>, %add3A_17, %reduce_sum3A_35 [0] : vector<1024x256xf32> to vector<256xf32>
    %broadcast_in_dim3A_37 = vector.shape_cast %reduce_sum3A_36 : vector<256xf32> to vector<1x256xf32>
    %mul3A_38 = arith.mulf %add3A_17, %add3A_17 : vector<1024x256xf32>
    %reduce_sum3A_39 = arith.constant dense<0.000000e+00> : vector<256xf32>
    %reduce_sum3A_40 = vector.multi_reduction <add>, %mul3A_38, %reduce_sum3A_39 [0] : vector<1024x256xf32> to vector<256xf32>
    %broadcast_in_dim3A_41 = vector.shape_cast %reduce_sum3A_40 : vector<256xf32> to vector<1x256xf32>
    %eq3A = arith.constant 0 : i32
    %eq3A_42 = arith.cmpi eq, %arg0, %eq3A : i32
    %convert_element_type3A = arith.extui %eq3A_42 : i1 to i32
    %cond3A = arith.constant 0 : i32
    %cond3A_43 = arith.cmpi ne, %convert_element_type3A, %cond3A : i32
    scf.if %cond3A_43 {
      %swap3A_48 = arith.constant 0 : index
      %swap3A_49 = arith.constant 0 : index
      %swap3A_50 = vector.load %arg10[%swap3A_48, %swap3A_49] : memref<1x256xf32, #tpu.memory_space<vmem>>, vector<1x256xf32>
      tpu.vector_store %arg10[%swap3A_48, %swap3A_49], %broadcast_in_dim3A_37 {strides = array<i32>} : memref<1x256xf32, #tpu.memory_space<vmem>>, vector<1x256xf32>,
      %swap3A_51 = arith.constant 0 : index
      %swap3A_52 = arith.constant 0 : index
      %swap3A_53 = vector.load %arg11[%swap3A_51, %swap3A_52] : memref<1x256xf32, #tpu.memory_space<vmem>>, vector<1x256xf32>
      tpu.vector_store %arg11[%swap3A_51, %swap3A_52], %broadcast_in_dim3A_41 {strides = array<i32>} : memref<1x256xf32, #tpu.memory_space<vmem>>, vector<1x256xf32>,
    } else {
    }
    %gt3A = arith.constant 0 : i32
    %gt3A_44 = arith.cmpi sgt, %arg0, %gt3A : i32
    %convert_element_type3A_45 = arith.extui %gt3A_44 : i1 to i32
    %cond3A_46 = arith.constant 0 : i32
    %cond3A_47 = arith.cmpi ne, %convert_element_type3A_45, %cond3A_46 : i32
    scf.if %cond3A_47 {
      %get3A_48 = arith.constant 0 : index
      %get3A_49 = arith.constant 0 : index
      %get3A_50 = vector.load %arg10[%get3A_48, %get3A_49] : memref<1x256xf32, #tpu.memory_space<vmem>>, vector<1x256xf32>
      %add3A_51 = arith.addf %get3A_50, %broadcast_in_dim3A_37 : vector<1x256xf32>
      %swap3A_52 = arith.constant 0 : index
      %swap3A_53 = arith.constant 0 : index
      %swap3A_54 = vector.load %arg10[%swap3A_52, %swap3A_53] : memref<1x256xf32, #tpu.memory_space<vmem>>, vector<1x256xf32>
      tpu.vector_store %arg10[%swap3A_52, %swap3A_53], %add3A_51 {strides = array<i32>} : memref<1x256xf32, #tpu.memory_space<vmem>>, vector<1x256xf32>,
      %get3A_55 = arith.constant 0 : index
      %get3A_56 = arith.constant 0 : index
      %get3A_57 = vector.load %arg11[%get3A_55, %get3A_56] : memref<1x256xf32, #tpu.memory_space<vmem>>, vector<1x256xf32>
      %add3A_58 = arith.addf %get3A_57, %broadcast_in_dim3A_41 : vector<1x256xf32>
      %swap3A_59 = arith.constant 0 : index
      %swap3A_60 = arith.constant 0 : index
      %swap3A_61 = vector.load %arg11[%swap3A_59, %swap3A_60] : memref<1x256xf32, #tpu.memory_space<vmem>>, vector<1x256xf32>
      tpu.vector_store %arg11[%swap3A_59, %swap3A_60], %add3A_58 {strides = array<i32>} : memref<1x256xf32, #tpu.memory_space<vmem>>, vector<1x256xf32>,
    } else {
    }
    return
  }
  func.func @transform_0(%arg0: i32) -> (i32, i32) {
    %c0_i32 = arith.constant 0 : i32
    %c0_i32_0 = arith.constant 0 : i32
    return %arg0, %c0_i32 : i32, i32
  }
  func.func @transform_1(%arg0: i32) -> (i32, i32) {
    %c0_i32 = arith.constant 0 : i32
    %c0_i32_0 = arith.constant 0 : i32
    return %arg0, %c0_i32 : i32, i32
  }
  func.func @transform_2(%arg0: i32) -> (i32, i32) {
    %c0_i32 = arith.constant 0 : i32
    %c0_i32_0 = arith.constant 0 : i32
    %c0_i32_1 = arith.constant 0 : i32
    return %c0_i32, %c0_i32_0 : i32, i32
  }
  func.func @transform_3(%arg0: i32) -> (i32, i32) {
    %c0_i32 = arith.constant 0 : i32
    %c0_i32_0 = arith.constant 0 : i32
    %c0_i32_1 = arith.constant 0 : i32
    return %c0_i32, %c0_i32_0 : i32, i32
  }
  func.func @transform_4(%arg0: i32) -> i32 {
    %c0_i32 = arith.constant 0 : i32
    %c0_i32_0 = arith.constant 0 : i32
    return %c0_i32 : i32
  }
  func.func @transform_5(%arg0: i32) -> (i32, i32) {
    %c0_i32 = arith.constant 0 : i32
    %c0_i32_0 = arith.constant 0 : i32
    %c0_i32_1 = arith.constant 0 : i32
    return %c0_i32, %c0_i32_0 : i32, i32
  }
  func.func @transform_6(%arg0: i32) -> (i32, i32) {
    %c0_i32 = arith.constant 0 : i32
    %c0_i32_0 = arith.constant 0 : i32
    %c0_i32_1 = arith.constant 0 : i32
    return %c0_i32, %c0_i32_0 : i32, i32
  }
  func.func @transform_7(%arg0: i32) -> (i32, i32) {
    %c0_i32 = arith.constant 0 : i32
    %c0_i32_0 = arith.constant 0 : i32
    return %arg0, %c0_i32 : i32, i32
  }
  func.func @transform_8(%arg0: i32) -> i32 {
    %c0_i32 = arith.constant 0 : i32
    return %arg0 : i32
  }
  func.func @transform_9(%arg0: i32) -> (i32, i32) {
    %c0_i32 = arith.constant 0 : i32
    %c0_i32_0 = arith.constant 0 : i32
    %c0_i32_1 = arith.constant 0 : i32
    return %c0_i32, %c0_i32_0 : i32, i32
  }
  func.func @transform_10(%arg0: i32) -> (i32, i32) {
    %c0_i32 = arith.constant 0 : i32
    %c0_i32_0 = arith.constant 0 : i32
    %c0_i32_1 = arith.constant 0 : i32
    return %c0_i32, %c0_i32_0 : i32, i32
  }
}

module attributes {stable_mosaic.version = 14 : i64} {
  func.func @_c_body(%arg0: i32, %arg1: memref<1024x128xf32, #tpu.memory_space<vmem>>, %arg2: memref<1x128xf32, #tpu.memory_space<vmem>>, %arg3: memref<1x128xf32, #tpu.memory_space<vmem>>, %arg4: memref<128xf32, #tpu.memory_space<vmem>>, %arg5: memref<128xf32, #tpu.memory_space<vmem>>, %arg6: memref<1x128xf32, #tpu.memory_space<vmem>>, %arg7: memref<1024xf32, #tpu.memory_space<vmem>>, %arg8: memref<1x1xf32, #tpu.memory_space<smem>>, %arg9: memref<1024xf32, #tpu.memory_space<vmem>>) attributes {dimension_semantics = [#tpu.dimension_semantics<arbitrary>], iteration_bounds = array<i64: 16>, scalar_prefetch = 0 : i64, scratch_operands = 0 : i64, tpu.core_type = #tpu.core_type<tc>, window_params = [{transform_indices = @transform_0, window_bounds = array<i64: 1024, 128>}, {pipeline_mode = #tpu.pipeline_mode<synchronous>, transform_indices = @transform_1, window_bounds = array<i64: 1, 128>}, {pipeline_mode = #tpu.pipeline_mode<synchronous>, transform_indices = @transform_2, window_bounds = array<i64: 1, 128>}, {pipeline_mode = #tpu.pipeline_mode<synchronous>, transform_indices = @transform_3, window_bounds = array<i64: 128>}, {pipeline_mode = #tpu.pipeline_mode<synchronous>, transform_indices = @transform_4, window_bounds = array<i64: 128>}, {pipeline_mode = #tpu.pipeline_mode<synchronous>, transform_indices = @transform_5, window_bounds = array<i64: 1, 128>}, {transform_indices = @transform_6, window_bounds = array<i64: 1024>}, {transform_indices = @transform_7, window_bounds = array<i64: 1, 1>}, {transform_indices = @transform_8, window_bounds = array<i64: 1024>}]} {
    %get3A = arith.constant 0 : index
    %get3A_0 = arith.constant 0 : index
    %get3A_1 = vector.load %arg2[%get3A, %get3A_0] : memref<1x128xf32, #tpu.memory_space<vmem>>, vector<1x128xf32>
    %mul3A = arith.constant 6.10351563E-5 : f32
    %mul3A_2 = vector.broadcast %mul3A : f32 to vector<1x128xf32>
    %mul3A_3 = arith.mulf %get3A_1, %mul3A_2 : vector<1x128xf32>
    %get3A_4 = arith.constant 0 : index
    %get3A_5 = arith.constant 0 : index
    %get3A_6 = vector.load %arg3[%get3A_4, %get3A_5] : memref<1x128xf32, #tpu.memory_space<vmem>>, vector<1x128xf32>
    %mul3A_7 = arith.constant 6.10351563E-5 : f32
    %mul3A_8 = vector.broadcast %mul3A_7 : f32 to vector<1x128xf32>
    %mul3A_9 = arith.mulf %get3A_6, %mul3A_8 : vector<1x128xf32>
    %mul3A_10 = arith.mulf %mul3A_3, %mul3A_3 : vector<1x128xf32>
    %sub3A = arith.subf %mul3A_9, %mul3A_10 : vector<1x128xf32>
    %get3A_11 = arith.constant 0 : index
    %get3A_12 = vector.load %arg4[%get3A_11] : memref<128xf32, #tpu.memory_space<vmem>>, vector<128xf32>
    %get3A_13 = arith.constant 0 : index
    %get3A_14 = arith.constant 0 : index
    %get3A_15 = vector.load %arg1[%get3A_13, %get3A_14] : memref<1024x128xf32, #tpu.memory_space<vmem>>, vector<1024x128xf32>
    %sub3A_16 = vector.broadcast %mul3A_3 : vector<1x128xf32> to vector<1024x128xf32>
    %sub3A_17 = arith.subf %get3A_15, %sub3A_16 : vector<1024x128xf32>
    %broadcast_in_dim3A = vector.shape_cast %get3A_12 : vector<128xf32> to vector<1x128xf32>
    %mul3A_18 = vector.broadcast %broadcast_in_dim3A : vector<1x128xf32> to vector<1024x128xf32>
    %mul3A_19 = arith.mulf %mul3A_18, %sub3A_17 : vector<1024x128xf32>
    %add3A = arith.constant 9.99999974E-6 : f32
    %add3A_20 = vector.broadcast %add3A : f32 to vector<1x128xf32>
    %add3A_21 = arith.addf %sub3A, %add3A_20 : vector<1x128xf32>
    %rsqrt3A = math.rsqrt %add3A_21 : vector<1x128xf32>
    %mul3A_22 = vector.broadcast %rsqrt3A : vector<1x128xf32> to vector<1024x128xf32>
    %mul3A_23 = arith.mulf %mul3A_19, %mul3A_22 : vector<1024x128xf32>
    %get3A_24 = arith.constant 0 : index
    %get3A_25 = vector.load %arg5[%get3A_24] : memref<128xf32, #tpu.memory_space<vmem>>, vector<128xf32>
    %broadcast_in_dim3A_26 = vector.shape_cast %get3A_25 : vector<128xf32> to vector<1x128xf32>
    %add3A_27 = vector.broadcast %broadcast_in_dim3A_26 : vector<1x128xf32> to vector<1024x128xf32>
    %add3A_28 = arith.addf %mul3A_23, %add3A_27 : vector<1024x128xf32>
    %max3A = arith.constant 0.000000e+00 : f32
    %max3A_29 = vector.broadcast %max3A : f32 to vector<1024x128xf32>
    %max3A_30 = arith.maximumf %add3A_28, %max3A_29 : vector<1024x128xf32>
    %get3A_31 = arith.constant 0 : index
    %get3A_32 = arith.constant 0 : index
    %get3A_33 = vector.load %arg6[%get3A_31, %get3A_32] : memref<1x128xf32, #tpu.memory_space<vmem>>, vector<1x128xf32>
    %mul3A_34 = vector.broadcast %get3A_33 : vector<1x128xf32> to vector<1024x128xf32>
    %mul3A_35 = arith.mulf %max3A_30, %mul3A_34 : vector<1024x128xf32>
    %reduce_sum3A = arith.constant dense<0.000000e+00> : vector<1024xf32>
    %reduce_sum3A_36 = vector.multi_reduction <add>, %mul3A_35, %reduce_sum3A [1] : vector<1024x128xf32> to vector<1024xf32>
    %get3A_37 = arith.constant 0 : index
    %get3A_38 = vector.load %arg7[%get3A_37] : memref<1024xf32, #tpu.memory_space<vmem>>, vector<1024xf32>
    %add3A_39 = arith.addf %reduce_sum3A_36, %get3A_38 : vector<1024xf32>
    %get3A_40 = arith.constant 0 : index
    %get3A_41 = arith.constant 0 : index
    %get3A_42 = memref.load %arg8[%get3A_40, %get3A_41] : memref<1x1xf32, #tpu.memory_space<smem>>
    %add3A_43 = vector.broadcast %get3A_42 : f32 to vector<1024xf32>
    %add3A_44 = arith.addf %add3A_39, %add3A_43 : vector<1024xf32>
    %swap3A = arith.constant 0 : index
    %swap3A_45 = vector.load %arg9[%swap3A] : memref<1024xf32, #tpu.memory_space<vmem>>, vector<1024xf32>
    tpu.vector_store %arg9[%swap3A], %add3A_44 {strides = array<i32>} : memref<1024xf32, #tpu.memory_space<vmem>>, vector<1024xf32>,
    return
  }
  func.func @transform_0(%arg0: i32) -> (i32, i32) {
    %c0_i32 = arith.constant 0 : i32
    %c0_i32_0 = arith.constant 0 : i32
    return %arg0, %c0_i32 : i32, i32
  }
  func.func @transform_1(%arg0: i32) -> (i32, i32) {
    %c0_i32 = arith.constant 0 : i32
    %c0_i32_0 = arith.constant 0 : i32
    %c0_i32_1 = arith.constant 0 : i32
    return %c0_i32, %c0_i32_0 : i32, i32
  }
  func.func @transform_2(%arg0: i32) -> (i32, i32) {
    %c0_i32 = arith.constant 0 : i32
    %c0_i32_0 = arith.constant 0 : i32
    %c0_i32_1 = arith.constant 0 : i32
    return %c0_i32, %c0_i32_0 : i32, i32
  }
  func.func @transform_3(%arg0: i32) -> i32 {
    %c0_i32 = arith.constant 0 : i32
    %c0_i32_0 = arith.constant 0 : i32
    return %c0_i32 : i32
  }
  func.func @transform_4(%arg0: i32) -> i32 {
    %c0_i32 = arith.constant 0 : i32
    %c0_i32_0 = arith.constant 0 : i32
    return %c0_i32 : i32
  }
  func.func @transform_5(%arg0: i32) -> (i32, i32) {
    %c0_i32 = arith.constant 0 : i32
    %c0_i32_0 = arith.constant 0 : i32
    %c0_i32_1 = arith.constant 0 : i32
    return %c0_i32, %c0_i32_0 : i32, i32
  }
  func.func @transform_6(%arg0: i32) -> i32 {
    %c0_i32 = arith.constant 0 : i32
    return %arg0 : i32
  }
  func.func @transform_7(%arg0: i32) -> (i32, i32) {
    %c0_i32 = arith.constant 0 : i32
    %c0_i32_0 = arith.constant 0 : i32
    %c0_i32_1 = arith.constant 0 : i32
    return %c0_i32, %c0_i32_0 : i32, i32
  }
  func.func @transform_8(%arg0: i32) -> i32 {
    %c0_i32 = arith.constant 0 : i32
    return %arg0 : i32
  }
}

</mosaic_0001>

<sc_bundles>
// kernel: kernel.10.cloned.1.call-start
scs
__scs_entry_jumppad:
0x0: {  	(pc) =	sbr.rel $0x88, $3  }
0x1: {  	(tag) =	ssettag $0x0;
	lr =	simm.s32 $0x1  }
0x2: {  	[smem:$0x3F92] =	sst lr;
	_ =	strace $0xD0000000  }
0x3: {  	_ = 	snop  }
0x4: {  	_ = 	snop  }
0x5: {  	_ = 	snop  }
0x6: {  	_ = 	snop  }
0x7: {  	_ = 	snop  }
__scs_overlays_trampoline_lowered:
0x8: {  	[smem:$0x3FA1] =	sst s0  }
0x9: {  	[smem:$0x3FA2] =	sst s1  }
0xa: {  	[smem:$0x3FA3] =	sst s2  }
0xb: {  	[smem:$0x3FA4] =	sst s3  }
0xc: {  	[smem:$0x3FA5] =	sst s4  }
0xd: {  	[smem:$0x3FA6] =	sst s5  }
0xe: {  	[smem:$0x3FA7] =	sst s6  }
0xf: {  	[smem:$0x3FA8] =	sst s7  }
0x10: {  	[smem:$0x3FA9] =	sst s8  }
0x11: {  	[smem:$0x3FAA] =	sst s9;
	s0 =	simm.s32 @!p0 $0x0  }
0x12: {  	s1 =	sld [smem:$0x3F90];
	s0 =	simm.s32 @p0 $0x1  }
0x13: {  	[smem:$0x3FAB] =	sst s0;
	s0 =	simm.s32 @!p1 $0x0  }
0x14: {  	s2 =	sld [smem:$0x3F8F];
	s0 =	simm.s32 @p1 $0x1  }
0x15: {  	[smem:$0x3FAC] =	sst s0;
	s0 =	simm.s32 @!p2 $0x0  }
0x16: {  	s3 =	sld [smem:$0x3FDB];
	s0 =	simm.s32 @p2 $0x1  }
0x17: {  	s4 =	simm.s32 $0x1BF5;
	[smem:$0x3FAE] =	sst s0  }
0x18: {  	s0 =	sld [smem:$0x3F91];
	_ =	swait.ge [sflag:s4], $0x0  }
0x19: {  	s7 =	sld [smem:$0x3F92]  }
0x1a: {  	s8 =	sadd.s32 $0xFFFFE003, lr  }
0x1b: {  	s9 =	sadd.s32 $0xFFFFFEF7, lr;
	s5 =	simm.s32 $0xFFFFFFFF;
	p2 =	slt.u32 s8, $0xFFFFF086  }
0x1c: {  	p1 =	slt.u32 s9, $0xF7A;
	s5 =	simm.s32 @!p2 $0x0  }
0x1d: {  	s5 =	simm.s32 @p1 $0x1;
	p0 =	seq.s32 s7, s2  }
0x1e: {  	s7 =	smul.u32 @!p0 $0xF7A, s2;
	p2 =	seq.s32 @!p0 s5, $0x0  }
0x1f: {  	s9 =	smul.u32 $0xF7A, s1;
	s8 =	simm.s32 @!p0 $0x1BF5;
	p2 =	por !p2, p0  }
0x20: {  	[sflag:s8] =	ssyncset.s32 @!p0 $0xFFFFF086;
	s6 =	sadd.s32 @!p0 s3, s7;
	s7 =	simm.s32 @!p0 $0x108  }
0x21: {  	s3 =	sadd.s32 s3, s9;
	s6 =	sadd.s32 @!p0 $0x88, s6;
	s7 =	simm.s32 @p2 $0x1082  }
0x22: {  	[simem:s7], [sflag:s8] =	dma.local @!p0 [hbm:s6], $0xF7A  }
0x23: {  	s9 =	sor.u32 $0xD0000000, s2;
	s6 =	simm.s32 $0x108;
	_ =	swait.ge @!p0 [sflag:s8], $0x0  }
0x24: {  	s3 =	sadd.s32 $0x88, s3;
	s6 =	simm.s32 @!p1 $0x1082;
	[sflag:s4] =	ssyncset.s32 $0xFFFFF086  }
0x25: {  	[simem:s6], [sflag:s4] =	dma.local [hbm:s3], $0xF7A  }
0x26: {  	[smem:$0x3F92] =	sst s1;
	(tag) =	ssettag s2;
	_ =	strace s9  }
0x27: {  	s1 =	sld [smem:$0x3FA2]  }
0x28: {  	s2 =	sld [smem:$0x3FA3]  }
0x29: {  	s4 =	sld [smem:$0x3FA5]  }
0x2a: {  	p0 =	seq.s32 s5, $0x0;
	s5 =	sld [smem:$0x3FA6]  }
0x2b: {  	s6 =	sld [smem:$0x3FA7]  }
0x2c: {  	s7 =	sld [smem:$0x3FA8]  }
0x2d: {  	s3 =	simm.s32 $0x108;
	s8 =	sld [smem:$0x3FA9]  }
0x2e: {  	s3 =	simm.s32 @!p0 $0x1082;
	s9 =	sld [smem:$0x3FAA]  }
0x2f: {  	lr =	sadd.s32 s0, s3;
	s0 =	sld [smem:$0x3FA1]  }
0x30: {  	s3 =	sld [smem:$0x3FA4]  }
0x31: {  	[smem:$0x3FAD] =	sst s10  }
0x32: {  	s10 =	sld [smem:$0x3FAB];
	_ =	sdelay $0x3  }
0x33: {  	p0 =	seq.s32 s10, $0x1;
	s10 =	sld [smem:$0x3FAD];
	_ =	sdelay $0x3  }
0x34: {  	[smem:$0x3FAD] =	sst s10  }
0x35: {  	s10 =	sld [smem:$0x3FAC];
	_ =	sdelay $0x3  }
0x36: {  	p1 =	seq.s32 s10, $0x1;
	s10 =	sld [smem:$0x3FAD];
	_ =	sdelay $0x3  }
0x37: {  	[smem:$0x3FAD] =	sst s10  }
0x38: {  	s10 =	sld [smem:$0x3FAE]  }
0x39: {  	_ = 	snop;
	(pc) =	sbr.ind lr, $3  }
0x3a: {  	_ = 	snop  }
0x3b: {  	_ = 	snop  }
0x3c: {  	p2 =	seq.s32 s10, $0x1;
	s10 =	sld [smem:$0x3FAD]  }
0x3d: {  	_ =	shalt  }
0x3e: {  	_ =	shalt  }
0x3f: {  	_ =	shalt  }
0x40: {  	_ =	shalt  }
0x41: {  	_ =	shalt  }
0x42: {  	_ =	shalt  }
0x43: {  	_ =	shalt  }
0x44: {  	_ =	shalt  }
0x45: {  	_ =	shalt  }
0x46: {  	_ =	shalt  }
0x47: {  	_ =	shalt  }
0x48: {  	_ =	shalt  }
0x49: {  	_ =	shalt  }
0x4a: {  	_ =	shalt  }
0x4b: {  	_ =	shalt  }
0x4c: {  	_ =	shalt  }
0x4d: {  	_ =	shalt  }
0x4e: {  	_ =	shalt  }
0x4f: {  	_ =	shalt  }
0x50: {  	_ =	shalt  }
0x51: {  	_ =	shalt  }
0x52: {  	_ =	shalt  }
0x53: {  	_ =	shalt  }
0x54: {  	_ =	shalt  }
0x55: {  	_ =	shalt  }
0x56: {  	_ =	shalt  }
0x57: {  	_ =	shalt  }
0x58: {  	_ =	shalt  }
0x59: {  	_ =	shalt  }
0x5a: {  	_ =	shalt  }
0x5b: {  	_ =	shalt  }
0x5c: {  	_ =	shalt  }
0x5d: {  	_ =	shalt  }
0x5e: {  	_ =	shalt  }
0x5f: {  	_ =	shalt  }
0x60: {  	_ =	shalt  }
0x61: {  	_ =	shalt  }
0x62: {  	_ =	shalt  }
0x63: {  	_ =	shalt  }
0x64: {  	_ =	shalt  }
0x65: {  	_ =	shalt  }
0x66: {  	_ =	shalt  }
0x67: {  	_ =	shalt  }
0x68: {  	_ =	shalt  }
0x69: {  	_ =	shalt  }
0x6a: {  	_ =	shalt  }
0x6b: {  	_ =	shalt  }
0x6c: {  	_ =	shalt  }
0x6d: {  	_ =	shalt  }
0x6e: {  	_ =	shalt  }
0x6f: {  	_ =	shalt  }
0x70: {  	_ =	shalt  }
0x71: {  	_ =	shalt  }
0x72: {  	_ =	shalt  }
0x73: {  	_ =	shalt  }
0x74: {  	_ =	shalt  }
0x75: {  	_ =	shalt  }
0x76: {  	_ =	shalt  }
0x77: {  	_ =	shalt  }
0x78: {  	_ =	shalt  }
0x79: {  	_ =	shalt  }
0x7a: {  	_ =	shalt  }
0x7b: {  	_ =	shalt  }
0x7c: {  	_ =	shalt  }
0x7d: {  	_ =	shalt  }
0x7e: {  	_ =	shalt  }
0x7f: {  	_ =	shalt  }
0x80: {  	_ =	shalt  }
0x81: {  	_ =	shalt  }
0x82: {  	_ =	shalt  }
0x83: {  	_ =	shalt  }
0x84: {  	_ =	shalt  }
0x85: {  	_ =	shalt  }
0x86: {  	_ =	shalt  }
0x87: {  	_ =	shalt  }
.Lfunc_end0:
.L_simem_size_0:
called_computation.1_lowered:
.L_overlay_start_0:
0x88: {  	s2 =	sld [smem:$0x3FD9]  }
0x89: {  	s3 =	sld [smem:$0x3FFE];
	_ =	sdelay $0x1  }
0x8a: {  	s1 =	srdreg.scid  }
0x8b: {  	s0 =	sand.u32 $0x1, s1  }
0x8c: {  	s16 =	sshll.u32 s0, $0xA;
	s2 =	sadd.s32 s3, s2  }
0x8d: {  	s2 =	sadd.s32 s2, s16  }
0x8e: {  	[smem:$0x3FB9] =	sst s2  }
0x8f: {  	_ = 	snop  }
0x90: {  	(tm) =	ssettm $0x1  }
0x91: {  	s17 =	sld [smem:$0x3FFB];
	_ =	sdelay $0x3  }
0x92: {  	_ =	strace s17  }
0x93: {  	s2 =	sld [smem:$0x3FFC];
	_ =	sdelay $0x3  }
0x94: {  	_ =	strace s2  }
0x95: {  	s2 =	sld [smem:$0x3FFD];
	_ =	sdelay $0x3  }
0x96: {  	_ =	strace s2  }
0x97: {  	_ =	strace $0x8FFFFFFF  }
0x98: {  	s18 =	sld [smem:$0x3FDB];
	_ =	sdelay $0x1  }
0x99: {  	s19 =	simm.s32 $_scs_section_size  }
0x9a: {  	s4 =	simm.s32 $_size__tile_overlayer_lowered;
	s5 =	simm.s32 $_tile_overlayer_lowered  }
0x9b: {  	s22 =	simm.s32 $0x1BFF;
	s21 =	sshll.u32 s5, $0x1;
	s2 =	sadd.s32 s19, s18  }
0x9c: {  	s6 =	simm.s32 $0x0;
	s20 =	sshll.u32 s4, $0x1;
	s4 =	sadd.s32 s21, s2  }
0x9d: {  	[timem:s6], [sflag:s22] =	dma.local [hbm:s4], s20  }
0x9e: {  	_ =	swait.ge [sflag:s22], s20  }
0x9f: {  	s3 =	ssub.s32 $0x0, s20;
	[sflag:s22] =	ssyncset.done $0x0  }
0xa0: {  	[sflag:s22] =	ssyncadd.s32 s3;
	_ =	sdelay $0x1  }
0xa1: {  	s23 =	simm.s32 $0x1B8B  }
0xa2: {  	_ =	swait.ge [sflag:s23], $0x1  }
0xa3: {  	[sflag:s23] =	ssyncset.done $0x0  }
0xa4: {  	s25 =	simm.s32 $0x1B8E;
	s24 =	sld [smem:$0x3FFE];
	[sflag:s23] =	ssyncadd.s32 $0xFFFFFFFF  }
0xa5: {  	s26 =	simm.s32 $execute0_lowered;
	[smem:$0x3FD2] =	sst s25  }
0xa6: {  	s4 =	sshll.u32 s26, $0x1;
	_ =	strace $0x80000049;
	[dreg:$0x1] =	wrdreg $0xFFFFFFFF  }
0xa7: {  	s28 =	simm.s32 $_size_execute0_lowered;
	s2 =	sadd.s32 s2, s4;
	[dreg:$0x0] =	wrdreg $0x0  }
0xa8: {  	s4 =	sshll.u32 s28, $0x1;
	[dreg:$0x2] =	wrdreg s2  }
0xa9: {  	[dreg:$0x3] =	wrdreg s4  }
0xaa: {  	[dreg:$0x4] =	wrdreg $0xC0  }
0xab: {  	_ =	task [dreg:s6], $0x5FFFF  }
0xac: {  	[dreg:$0x1] =	wrdreg $0xFFFFFFFF  }
0xad: {  	[dreg:$0x0] =	wrdreg $0x60  }
0xae: {  	[dreg:$0x2] =	wrdreg s24  }
0xaf: {  	[dreg:$0x3] =	wrdreg $0x9  }
0xb0: {  	_ =	task.clear_ibuf [dreg:s6], $0x4FFFF;
	_ =	strace $0x90000049  }
0xb1: {  	s29 =	simm.s32 $0x9;
	_ =	strace $0x8000004B  }
0xb2: {  	_ =	swait.ge [sflag:s29], $0x1  }
0xb3: {  	[sflag:s29] =	ssyncadd.s32 $0xFFFFFFFF  }
0xb4: {  	_ =	strace $0x9000004B  }
0xb5: {  	_ =	sfence  }
0xb6: {  	s30 =	sld [smem:$0x0];
	_ =	sdelay $0x2  }
0xb7: {  	s31 =	sshll.u32 s1, $0xD;
	s1 =	sshrl.u32 s1, $0x2  }
0xb8: {  	s3 =	sand.u32 $0x4000, s31;
	s1 =	sadd.s32 s1, s30  }
0xb9: {  	s0 =	sor.u32 s3, s0;
	s1 =	sshll.u32 s1, $0x11  }
0xba: {  	s0 =	sor.u32 s1, s0  }
0xbb: {  	s0 =	sadd.s32 $0x8F2B, s0  }
0xbc: {  	[sflag:s0] =	ssyncadd.remote.s32 $0x1  }
0xbd: {  	_ =	sfence.sel $0xFFFF  }
0xbe: {  	[dreg:$0x0] =	wrdreg $0xFFFFFFFF;
	(pc) =	sbr.abs _section_cstart, $3  }
0xbf: {  	[dreg:$0x1] =	wrdreg $0xFFFFFFFF  }
0xc0: {  	_ =	task.clear_ibuf [dreg:s6], $0x2FFFF;
	_ =	strace $0x9FFFFFFF  }
0xc1: {  	(tm) =	ssettm $0x7FFFFFFF  }
tec
execute0_lowered:
.L_overlay_start_1:
0x0: {  	(tag) =	ssettag $0x1  }
0x1: {  	v0 =	vlaneseq.u32  }
0x2: {  	v1 =	vmul.u32 $0x80, v0  }
0x3: {  	s4 =	rddreg [dreg:$0x0];
	s2 =	simm.s32 $0x0  }
0x4: {  	s1 =	srdreg.scid;
	[smem:$0x7FF] =	sst s2;
	v3 =	vor.u32 $0x2004, v1  }
0x5: {  	s3 =	sand.u32 $0x1, s1;
	s1 =	rddreg [dreg:$0x1];
	_ =	strace $0x8000004A;
	v25 =	vor.u32 $0x800, v1;
	[tilespmem:$0x1FEB0] =	vst v3  }
0x6: {  	v26 =	vor.u32 $0x801, v1;
	v11 =	vor.u32 $0x1807, v1;
	[tilespmem:$0x1FF20] =	vst v25  }
0x7: {  	v27 =	vor.u32 $0x802, v1;
	v28 =	vor.u32 $0x803, v1;
	v12 =	vor.u32 $0x1808, v1;
	[tilespmem:$0x1FF30] =	vst v11  }
0x8: {  	v29 =	vor.u32 $0x804, v1;
	v30 =	vor.u32 $0x805, v1;
	v13 =	vor.u32 $0x1809, v1;
	[tilespmem:$0x1FF40] =	vst v12  }
0x9: {  	v31 =	vor.u32 $0x806, v1;
	v32 =	vor.u32 $0x807, v1;
	v14 =	vor.u32 $0x180A, v1;
	[tilespmem:$0x1FF50] =	vst v13  }
0xa: {  	v33 =	vor.u32 $0x808, v1;
	v34 =	vor.u32 $0x809, v1;
	v15 =	vor.u32 $0x180B, v1;
	[tilespmem:$0x1FF60] =	vst v14  }
0xb: {  	v35 =	vor.u32 $0x80A, v1;
	v36 =	vor.u32 $0x80B, v1;
	v16 =	vor.u32 $0x180C, v1;
	[tilespmem:$0x1FF70] =	vst v15  }
0xc: {  	v37 =	vor.u32 $0x80C, v1;
	v38 =	vor.u32 $0x80D, v1;
	v17 =	vor.u32 $0x180D, v1;
	[tilespmem:$0x1FF80] =	vst v16  }
0xd: {  	v39 =	vor.u32 $0x80E, v1;
	v40 =	vor.u32 $0x80F, v1;
	v18 =	vor.u32 $0x180E, v1;
	[tilespmem:$0x1FF90] =	vst v17  }
0xe: {  	v41 =	vor.u32 $0x1000, v1;
	v42 =	vor.u32 $0x1001, v1;
	v19 =	vor.u32 $0x180F, v1;
	[tilespmem:$0x1FFA0] =	vst v18  }
0xf: {  	v43 =	vor.u32 $0x1002, v1;
	v44 =	vor.u32 $0x1003, v1;
	v20 =	vor.u32 $0x2000, v1;
	[tilespmem:$0x1FFB0] =	vst v19  }
0x10: {  	v45 =	vor.u32 $0x1004, v1;
	v46 =	vor.u32 $0x1005, v1;
	v21 =	vor.u32 $0x2001, v1;
	[tilespmem:$0x1FFC0] =	vst v20  }
0x11: {  	s9 =	simm.s32 $0x6800;
	v47 =	vor.u32 $0x1006, v1;
	v48 =	vor.u32 $0x1007, v1;
	v22 =	vor.u32 $0x2002, v1;
	[tilespmem:$0x1FFD0] =	vst v21  }
0x12: {  	s0 =	stileid.u32;
	s10 =	simm.s32 $0x3480;
	s11 =	simm.s32 $0xA800;
	v49 =	vor.u32 $0x1008, v1;
	v50 =	vor.u32 $0x1009, v1;
	v23 =	vor.u32 $0x2003, v1;
	[tilespmem:$0x1FFE0] =	vst v22  }
0x13: {  	s12 =	simm.s32 $0x3500;
	s13 =	simm.s32 $0xE800;
	s5 =	sshll.u32 s0, $0x1;
	v51 =	vor.u32 $0x100A, v1;
	v52 =	vor.u32 $0x100B, v1;
	v3 =	vor.u32 $0x2005, v1;
	[tilespmem:$0x1FFF0] =	vst v23  }
0x14: {  	s14 =	simm.s32 $0x16800;
	s5 =	sor.u32 s3, s5;
	s7 =	ssub.s32 $0x2, s3;
	v53 =	vor.u32 $0x100C, v1;
	v54 =	vor.u32 $0x100D, v1;
	[tilespmem:$0x1FEC0] =	vst v3;
	v3 =	vor.u32 $0x2006, v1  }
0x15: {  	v55 =	vor.u32 $0x100E, v1;
	v56 =	vor.u32 $0x100F, v1;
	s6 =	smul.u32 $0x680, s5;
	s5 =	sshll.u32 s5, $0xF;
	s8 =	sshrl.u32 s7, $0x1;
	[tilespmem:$0x1FED0] =	vst v3;
	v3 =	vor.u32 $0x2007, v1  }
0x16: {  	s15 =	simm.s32 $0x0;
	v57 =	vor.u32 $0x1800, v1;
	v58 =	vor.u32 $0x1801, v1;
	s5 =	sadd.s32 s5, s4;
	s31 =	ssub.s32 s7, s8;
	[tilespmem:$0x1FEE0] =	vst v3;
	v3 =	vor.u32 $0x2008, v1  }
0x17: {  	v59 =	vor.u32 $0x1802, v1;
	v60 =	vor.u32 $0x1803, v1;
	s8 =	simm.s32 $0x3400;
	s6 =	sadd.s32 s6, s4;
	s4 =	sadd.s32 $0x3200, s4;
	[tilespmem:$0x1FEF0] =	vst v3;
	v3 =	vor.u32 $0x2009, v1  }
0x18: {  	v2 =	vimm.f32 $0.0e+00;
	v24 =	vor.u32 $0x4, v1;
	s7 =	simm.s32 $0x80;
	s5 =	sadd.s32 $0x506200, s5;
	s3 =	sadd.s32 $0x4F9200, s6;
	[tilespmem:$0x1FF00] =	vst v3;
	v3 =	vor.u32 $0x200A, v1  }
0x19: {  	v61 =	vor.u32 $0x1804, v1;
	v62 =	vor.u32 $0x1805, v1;
	v63 =	vor.u32 $0x1806, v1;
	[dreg:$0x2] =	wrdreg s5;
	s5 =	smax.u32 s31, $0x1;
	s6 =	simm.s32 $0x5;
	[tilespmem:$0x1FF10] =	vst v3  }
.LBB2_1:
0x1a: {  	[tilespmem:s2], [sflag:$0x5] =	stream.linear.gather [hbm4b:s3+s2], $0x3400, $0x38;
	[tilespmem:$0x1E800] =	vst v63  }
0x1b: {  	s16 =	sand.u32 $0x7000, s2;
	s17 =	sand.u32 $0x380, s2;
	_ =	swait.ge [sflag:s6], $0x3400  }
0x1c: {  	s16 =	sor.u32 s17, s16;
	[sflag:s6] =	ssyncset.done $0x0  }
0x1d: {  	s16 =	sadd.s32 $0x16800, s16;
	[sflag:s6] =	ssyncadd.s32 $0xFFFFCC00  }
0x1e: {  	[tilespmem:s16+$0xC70] =	vst v2  }
0x1f: {  	s18 =	simm.s32 $0x0;
	s17 =	simm.s32 $0x200;
	[tilespmem:s16+$0xC20] =	vst v2  }
.LBB2_2:
0x20: {  	s19 =	sand.u32 $0x7000, s17;
	[tilespmem:s16+$0xC30] =	vst v2;
	s18 =	sadd.s32 $0x80, s18;
	p0 =	sne.s32 s17, $0x7E00  }
.Ltmp0:
0x21: {  	s17 =	sadd.s32 $0x200, s17;
	s20 =	sand.u32 $0x380, s18;
	[tilespmem:s16+$0xC40] =	vst v2;
	(pc) =	sbr.rel @p0 .LBB2_2-.Ltmp0, $4  }
0x22: {  	s19 =	sor.u32 s20, s19;
	[tilespmem:s16+$0xC50] =	vst v2  }
0x23: {  	[tilespmem:s16+$0xC60] =	vst v2;
	s16 =	sadd.s32 $0x16800, s19  }
0x24: {  	[tilespmem:s16+$0xC70] =	vst v2  }
0x25: {  	[tilespmem:s16+$0xC20] =	vst v2  }
0x26: {  	[tilespmem:s16+$0xC30] =	vst v2  }
0x27: {  	[tilespmem:s16+$0xC40] =	vst v2  }
0x28: {  	[tilespmem:s16+$0xC50] =	vst v2  }
0x29: {  	[tilespmem:s16+$0xC60] =	vst v2;
	s17 =	simm.s32 $0x0  }
0x2a: {  	v4 =	vld [tilespmem:s17+$0x70]  }
0x2b: {  	v7 =	vld [tilespmem:s17+$0x0]  }
0x2c: {  	v8 =	vld [tilespmem:s17+$0x10]  }
0x2d: {  	v6 =	vld [tilespmem:s17+$0x20]  }
0x2e: {  	v5 =	vld [tilespmem:s17+$0x30]  }
0x2f: {  	v3 =	vld [tilespmem:s17+$0x40];
	v9 =	vshra.s32 v4, $0x3  }
0x30: {  	v4 =	vld [tilespmem:s17+$0x50];
	v7 =	vshra.s32 v7, $0x3;
	[tilespmem:s17+$0x3470] =	vst v9  }
0x31: {  	s16 =	simm.s32 $0x80;
	s18 =	simm.s32 $0x400;
	v8 =	vshra.s32 v8, $0x3;
	[tilespmem:s17+$0x3400] =	vst v7;
	v7 =	vld [tilespmem:s17+$0x60]  }
.LBB2_4:
0x32: {  	p0 =	sne.s32 s18, $0xCE00;
	v9 =	vld [tilespmem:s16+$0x70];
	[tilespmem:s17+$0x3410] =	vst v8;
	v6 =	vshra.s32 v6, $0x3  }
0x33: {  	v8 =	vld [tilespmem:s16+$0x0];
	[tilespmem:s17+$0x3420] =	vst v6;
	v5 =	vshra.s32 v5, $0x3  }
0x34: {  	v10 =	vld [tilespmem:s16+$0x10];
	[tilespmem:s17+$0x3430] =	vst v5;
	v3 =	vshra.s32 v3, $0x3  }
.Ltmp1:
0x35: {  	v6 =	vld [tilespmem:s16+$0x20];
	[tilespmem:s17+$0x3440] =	vst v3;
	v3 =	vshra.s32 v4, $0x3;
	(pc) =	sbr.rel @p0 .LBB2_4-.Ltmp1, $4  }
0x36: {  	v5 =	vld [tilespmem:s16+$0x30];
	[tilespmem:s17+$0x3450] =	vst v3;
	v4 =	vshra.s32 v7, $0x3  }
0x37: {  	v3 =	vld [tilespmem:s16+$0x40];
	v7 =	vshra.s32 v9, $0x3;
	[tilespmem:s17+$0x3460] =	vst v4;
	s17 =	smov.u32 s16  }
0x38: {  	v8 =	vshra.s32 v8, $0x3;
	v4 =	vld [tilespmem:s17+$0x50];
	[tilespmem:s17+$0x3470] =	vst v7  }
0x39: {  	s16 =	sshra.s32 s18, $0x2;
	s18 =	sadd.s32 $0x200, s18;
	[tilespmem:s17+$0x3400] =	vst v8;
	v8 =	vshra.s32 v10, $0x3;
	v7 =	vld [tilespmem:s17+$0x60]  }
0x3a: {  	v9 =	vld [tilespmem:s16+$0x70];
	[tilespmem:s17+$0x3410] =	vst v8;
	v6 =	vshra.s32 v6, $0x3  }
0x3b: {  	v8 =	vld [tilespmem:s16+$0x0];
	[tilespmem:s17+$0x3420] =	vst v6;
	v5 =	vshra.s32 v5, $0x3  }
0x3c: {  	v6 =	vld [tilespmem:s16+$0x10];
	[tilespmem:s17+$0x3430] =	vst v5;
	v3 =	vshra.s32 v3, $0x3  }
0x3d: {  	v5 =	vld [tilespmem:s16+$0x20];
	[tilespmem:s17+$0x3440] =	vst v3;
	v3 =	vshra.s32 v4, $0x3  }
0x3e: {  	v20 =	vld [tilespmem:s16+$0x30];
	[tilespmem:s17+$0x3450] =	vst v3;
	v3 =	vshra.s32 v7, $0x3  }
0x3f: {  	v21 =	vld [tilespmem:s16+$0x40];
	[tilespmem:s17+$0x3460] =	vst v3;
	v3 =	vshra.s32 v9, $0x3  }
0x40: {  	v22 =	vld [tilespmem:s16+$0x50];
	v8 =	vshra.s32 v8, $0x3;
	[tilespmem:s16+$0x3470] =	vst v3  }
0x41: {  	v23 =	vld [tilespmem:s16+$0x60];
	[tilespmem:s16+$0x3400] =	vst v8;
	v3 =	vshra.s32 v6, $0x3  }
0x42: {  	[tilespmem:s16+$0x3410] =	vst v3;
	v3 =	vshra.s32 v5, $0x3  }
0x43: {  	[tilespmem:s16+$0x3420] =	vst v3;
	v3 =	vshra.s32 v20, $0x3  }
0x44: {  	[tilespmem:s16+$0x3430] =	vst v3;
	v3 =	vshra.s32 v21, $0x3  }
0x45: {  	[tilespmem:s16+$0x3440] =	vst v3;
	v3 =	vshra.s32 v22, $0x3  }
0x46: {  	[tilespmem:s16+$0x3450] =	vst v3;
	v3 =	vshra.s32 v23, $0x3  }
0x47: {  	[tilespmem:s16+$0x3460] =	vst v3  }
0x48: {  	[tilespmem:s9], [sflag:$0x1] =	stream.indirect.gather [hbm4b:s4+s7], $0x80, s8, s7, $0xb8;
	[tilespmem:$0x1E800] =	vst v63  }
0x49: {  	_ = 	snop  }
0x4a: {  	[tilespmem:s11], [sflag:$0x2] =	stream.indirect.gather [hbm4b:s4+s7], $0x80, s10, s7, $0xb8;
	[tilespmem:$0x1E800] =	vst v63  }
0x4b: {  	s18 =	simm.s32 $0x40;
	s17 =	simm.s32 $0x3580;
	s16 =	simm.s32 $0x3  }
0x4c: {  	v25 =	vld [tilespmem:$0x1FF10];
	[tilespmem:s13], [sflag:$0x3] =	stream.indirect.gather [hbm4b:s4+s7], $0x80, s12, s7, $0xb8  }
.LBB2_6:
0x4d: {  	s19 =	sadd.s32 $0xFFFFFFFD, s16  }
0x4e: {  	p0 =	sgt.u32 s19, $0x64  }
0x4f: {  	s20 =	sand.u32 @!p0 $0x3, s16  }
0x50: {  	s22 =	sand.u32 $0x3, s19;
	s23 =	simm.s32 @!p0 $0x80;
	s21 =	sshll.u32 @!p0 s20, $0xE  }
0x51: {  	s30 =	sadd.s32 $0x1, s22;
	s20 =	sadd.s32 @!p0 $0x1, s20;
	s21 =	sadd.s32 @!p0 $0x6800, s21  }
0x52: {  	[tilespmem:s21], [sflag:s20] =	stream.indirect.gather @!p0 [hbm4b:s4+s23], $0x80, s17, s23, $0xb8;
	[tilespmem:$0x1E800] =	vst v63  }
0x53: {  	s31 =	smul.u32 $0x4F, s19;
	_ =	swait.ge [sflag:s30], $0x4000  }
0x54: {  	[sflag:s30] =	ssyncset.done $0x0  }
0x55: {  	s21 =	sshrl.u32 s31, $0xA;
	[sflag:s30] =	ssyncadd.s32 $0xFFFFC000  }
0x56: {  	s23 =	sand.u32 $0x3F, s21;
	v3 =	vld [tilespmem:s18+$0xFFFFFFC0]  }
0x57: {  	s20 =	smul.u32 $0xD, s23;
	_ =	sdelay $0x1  }
0x58: {  	s20 =	ssub.s32 s19, s20  }
0x59: {  	s20 =	sand.u32 $0xFF, s20  }
0x5a: {  	s24 =	sshll.u32 s20, $0x7;
	v3 =	vshll.u32 v3, $0x4  }
0x5b: {  	s22 =	sshll.u32 s22, $0xE;
	v4 =	vmov s24;
	v3 =	vand.u32 $0x70, v3  }
0x5c: {  	v4 =	vbroadcast v4, $0x0;
	v3 =	vor.u32 s22, v3  }
0x5d: {  	v6 =	vor.u32 v1, v3  }
0x5e: {  	v5 =	vor.u32 v0, v4;
	v3 =	vor.u32 v24, v3  }
0x5f: {  	v7 =	vmulhi.u32 $0x4EC4EC4F, v5;
	v8 =	vor.u32 $0x1, v6  }
0x60: {  	v9 =	vor.u32 $0x2, v6  }
0x61: {  	v7 =	vshrl.u32 v7, $0x3;
	v10 =	vor.u32 $0x3, v6  }
0x62: {  	v13 =	vor.u32 $0x5, v6;
	v11 =	vmul.u32 $0xFFFFFFE6, v7;
	v12 =	vld.idx.msk [tilespmem:v6+s9+$0x0], $0xffff  }
0x63: {  	v15 =	vimm.s32 $0x0;
	v22 =	vor.u32 $0x6, v6;
	v3 =	vld.idx.msk [tilespmem:v3+s9+$0x0], $0xffff  }
0x64: {  	vm0 =	veq.s32 v4, v0;
	v23 =	vor.u32 $0x7, v6;
	v5 =	vadd.s32 v5, v11;
	v8 =	vld.idx.msk [tilespmem:v8+s9+$0x0], $0xffff  }
0x65: {  	v14 =	vor.u32 $0x8, v6;
	v16 =	vor.u32 $0x9, v6;
	vm1 =	vne.s32 v5, $0x0;
	v4 =	vld.idx.msk [tilespmem:v9+s9+$0x0], $0xffff  }
0x66: {  	v18 =	vor.u32 $0xB, v6;
	v19 =	vor.u32 $0xC, v6;
	vm0 =	vmand vm0, vm1;
	v10 =	vld.idx.msk [tilespmem:v10+s9+$0x0], $0xffff  }
0x67: {  	v20 =	vor.u32 $0xD, v6;
	v21 =	vor.u32 $0xE, v6;
	v13 =	vld.idx.msk [tilespmem:v13+s9+$0x0], $0xffff;
	v15 =	vsel vm0, $0xFFFFFFFF, v15  }
0x68: {  	v17 =	vshll.u32 v5, $0x4;
	v5 =	vshll.u32 v5, $0x7;
	v11 =	vld.idx.msk [tilespmem:v22+s9+$0x0], $0xffff;
	v7 =	vadd.s32 v15, v7  }
0x69: {  	v9 =	vld.idx.msk [tilespmem:v23+s9+$0x0], $0xffff;
	v17 =	vand.u32 $0x70, v17;
	v5 =	vand.u32 $0xC00, v5;
	v22 =	vshll.u32 v7, $0x9  }
0x6a: {  	v14 =	vld.idx.msk [tilespmem:v14+s9+$0x0], $0xffff;
	v5 =	vor.u32 v17, v5;
	v7 =	vshll.u32 v7, $0x7;
	v22 =	vand.u32 $0xFFFFF000, v22  }
0x6b: {  	v16 =	vld.idx.msk [tilespmem:v16+s9+$0x0], $0xffff;
	v15 =	vor.u32 $0xA, v6;
	v7 =	vand.u32 $0x380, v7;
	v5 =	vor.u32 v22, v5  }
0x6c: {  	v17 =	vld.idx.msk [tilespmem:v18+s9+$0x0], $0xffff;
	v6 =	vor.u32 $0xF, v6;
	v5 =	vor.u32 v7, v5  }
0x6d: {  	v7 =	vld.idx.msk [tilespmem:v19+s9+$0x0], $0xffff;
	v18 =	vor.u32 $0x1, v5  }
0x6e: {  	v19 =	vld.idx.msk [tilespmem:v20+s9+$0x0], $0xffff;
	v20 =	vor.u32 $0x2, v5  }
0x6f: {  	v21 =	vld.idx.msk [tilespmem:v21+s9+$0x0], $0xffff;
	v22 =	vor.u32 $0x3, v5  }
0x70: {  	v15 =	vld.idx.msk [tilespmem:v15+s9+$0x0], $0xffff;
	v23 =	vor.u32 $0x4, v5  }
0x71: {  	v6 =	vld.idx.msk [tilespmem:v6+s9+$0x0], $0xffff;
	[tilespmem:v5+s14+$0x0] =	vst.idx.msk $0xffff, v12;
	v12 =	vor.u32 $0x5, v5  }
0x72: {  	[tilespmem:v18+s14+$0x0] =	vst.idx.msk $0xffff, v8;
	v8 =	vor.u32 $0x6, v5  }
0x73: {  	[tilespmem:v20+s14+$0x0] =	vst.idx.msk $0xffff, v4;
	v4 =	vor.u32 $0x7, v5  }
0x74: {  	v18 =	vor.u32 $0x8, v5;
	[tilespmem:v22+s14+$0x0] =	vst.idx.msk $0xffff, v10  }
0x75: {  	[tilespmem:v23+s14+$0x0] =	vst.idx.msk $0xffff, v3;
	v3 =	vor.u32 $0x9, v5  }
0x76: {  	v20 =	vor.u32 $0xA, v5;
	[tilespmem:v12+s14+$0x0] =	vst.idx.msk $0xffff, v13  }
0x77: {  	v22 =	vor.u32 $0xB, v5;
	[tilespmem:v8+s14+$0x0] =	vst.idx.msk $0xffff, v11  }
0x78: {  	v23 =	vor.u32 $0xC, v5;
	[tilespmem:v4+s14+$0x0] =	vst.idx.msk $0xffff, v9  }
0x79: {  	v13 =	vor.u32 $0xD, v5;
	[tilespmem:v18+s14+$0x0] =	vst.idx.msk $0xffff, v14  }
0x7a: {  	[tilespmem:v3+s14+$0x0] =	vst.idx.msk $0xffff, v16;
	v3 =	vor.u32 $0xE, v5  }
0x7b: {  	v5 =	vor.u32 $0xF, v5;
	[tilespmem:v20+s14+$0x0] =	vst.idx.msk $0xffff, v15  }
0x7c: {  	[tilespmem:v22+s14+$0x0] =	vst.idx.msk $0xffff, v17  }
0x7d: {  	[tilespmem:v23+s14+$0x0] =	vst.idx.msk $0xffff, v7  }
0x7e: {  	[tilespmem:v13+s14+$0x0] =	vst.idx.msk $0xffff, v19  }
0x7f: {  	[tilespmem:v3+s14+$0x0] =	vst.idx.msk $0xffff, v21  }
0x80: {  	[tilespmem:v5+s14+$0x0] =	vst.idx.msk $0xffff, v6  }
0x81: {  	v3 =	vld [tilespmem:s18+$0xFFFFFFD0];
	_ =	sdelay $0x2  }
0x82: {  	v14 =	vld [tilespmem:$0x1FF20];
	_ =	sdelay $0x1  }
0x83: {  	v3 =	vshll.u32 v3, $0x4  }
0x84: {  	v3 =	vand.u32 $0x70, v3  }
0x85: {  	s25 =	sor.u32 $0x10, s24;
	v3 =	vor.u32 s22, v3  }
0x86: {  	v15 =	vmov s25;
	v4 =	vor.u32 v14, v3  }
0x87: {  	v5 =	vbroadcast v15, $0x0;
	v16 =	vor.u32 v26, v3  }
0x88: {  	v17 =	vor.u32 v27, v3  }
0x89: {  	v5 =	vor.u32 v0, v5;
	v18 =	vor.u32 v28, v3  }
0x8a: {  	v10 =	vmulhi.u32 $0x4EC4EC4F, v5;
	v19 =	vor.u32 v29, v3  }
0x8b: {  	v20 =	vor.u32 v30, v3;
	v4 =	vld.idx.msk [tilespmem:v4+s9+$0x0], $0xffff  }
0x8c: {  	v22 =	vshrl.u32 v10, $0x3;
	v21 =	vor.u32 v31, v3;
	v6 =	vld.idx.msk [tilespmem:v16+s9+$0x0], $0xffff  }
0x8d: {  	v13 =	vmul.u32 $0xFFFFFFE6, v22;
	v23 =	vor.u32 v32, v3;
	v7 =	vld.idx.msk [tilespmem:v17+s9+$0x0], $0xffff  }
0x8e: {  	v15 =	vor.u32 v33, v3;
	v8 =	vld.idx.msk [tilespmem:v18+s9+$0x0], $0xffff  }
0x8f: {  	v5 =	vadd.s32 v5, v13;
	v13 =	vor.u32 v35, v3;
	v9 =	vld.idx.msk [tilespmem:v19+s9+$0x0], $0xffff  }
0x90: {  	v22 =	vshll.u32 v10, $0x6;
	v10 =	vshll.u32 v10, $0x4;
	v11 =	vld.idx.msk [tilespmem:v20+s9+$0x0], $0xffff;
	v18 =	vor.u32 v36, v3  }
0x91: {  	v17 =	vshll.u32 v5, $0x4;
	v12 =	vld.idx.msk [tilespmem:v21+s9+$0x0], $0xffff;
	v19 =	vor.u32 v37, v3;
	v5 =	vshll.u32 v5, $0x7  }
0x92: {  	v14 =	vld.idx.msk [tilespmem:v23+s9+$0x0], $0xffff;
	v20 =	vor.u32 v38, v3;
	v17 =	vand.u32 $0x70, v17;
	v5 =	vand.u32 $0xC00, v5  }
0x93: {  	v22 =	vand.u32 $0x7FFFF000, v22;
	v16 =	vor.u32 v34, v3;
	v15 =	vld.idx.msk [tilespmem:v15+s9+$0x0], $0xffff;
	v5 =	vor.u32 v17, v5  }
0x94: {  	v10 =	vand.u32 $0x380, v10;
	v21 =	vor.u32 v39, v3;
	v13 =	vld.idx.msk [tilespmem:v13+s9+$0x0], $0xffff;
	v5 =	vor.u32 v22, v5  }
0x95: {  	v3 =	vor.u32 v40, v3;
	v5 =	vor.u32 v10, v5;
	v17 =	vld.idx.msk [tilespmem:v18+s9+$0x0], $0xffff  }
0x96: {  	v10 =	vld.idx.msk [tilespmem:v19+s9+$0x0], $0xffff;
	v18 =	vor.u32 $0x1, v5  }
0x97: {  	v19 =	vld.idx.msk [tilespmem:v20+s9+$0x0], $0xffff;
	v20 =	vor.u32 $0x2, v5  }
0x98: {  	v16 =	vld.idx.msk [tilespmem:v16+s9+$0x0], $0xffff;
	v22 =	vor.u32 $0x3, v5  }
0x99: {  	v21 =	vld.idx.msk [tilespmem:v21+s9+$0x0], $0xffff;
	v23 =	vor.u32 $0x4, v5  }
0x9a: {  	v3 =	vld.idx.msk [tilespmem:v3+s9+$0x0], $0xffff;
	[tilespmem:v5+s14+$0x0] =	vst.idx.msk $0xffff, v4;
	v4 =	vor.u32 $0x5, v5  }
0x9b: {  	[tilespmem:v18+s14+$0x0] =	vst.idx.msk $0xffff, v6;
	v6 =	vor.u32 $0x6, v5  }
0x9c: {  	[tilespmem:v20+s14+$0x0] =	vst.idx.msk $0xffff, v7;
	v7 =	vor.u32 $0x7, v5  }
0x9d: {  	[tilespmem:v22+s14+$0x0] =	vst.idx.msk $0xffff, v8;
	v8 =	vor.u32 $0x8, v5  }
0x9e: {  	[tilespmem:v23+s14+$0x0] =	vst.idx.msk $0xffff, v9;
	v9 =	vor.u32 $0x9, v5  }
0x9f: {  	v18 =	vor.u32 $0xA, v5;
	[tilespmem:v4+s14+$0x0] =	vst.idx.msk $0xffff, v11  }
0xa0: {  	v20 =	vor.u32 $0xB, v5;
	[tilespmem:v6+s14+$0x0] =	vst.idx.msk $0xffff, v12  }
0xa1: {  	v22 =	vor.u32 $0xC, v5;
	[tilespmem:v7+s14+$0x0] =	vst.idx.msk $0xffff, v14  }
0xa2: {  	v23 =	vor.u32 $0xD, v5;
	[tilespmem:v8+s14+$0x0] =	vst.idx.msk $0xffff, v15  }
0xa3: {  	v12 =	vor.u32 $0xE, v5;
	[tilespmem:v9+s14+$0x0] =	vst.idx.msk $0xffff, v16  }
0xa4: {  	[tilespmem:v18+s14+$0x0] =	vst.idx.msk $0xffff, v13;
	v13 =	vor.u32 $0xF, v5  }
0xa5: {  	[tilespmem:v20+s14+$0x0] =	vst.idx.msk $0xffff, v17  }
0xa6: {  	[tilespmem:v22+s14+$0x0] =	vst.idx.msk $0xffff, v10  }
0xa7: {  	[tilespmem:v23+s14+$0x0] =	vst.idx.msk $0xffff, v19  }
0xa8: {  	[tilespmem:v12+s14+$0x0] =	vst.idx.msk $0xffff, v21  }
0xa9: {  	[tilespmem:v13+s14+$0x0] =	vst.idx.msk $0xffff, v3  }
0xaa: {  	v3 =	vld [tilespmem:s18+$0xFFFFFFE0];
	_ =	sdelay $0x4  }
0xab: {  	v3 =	vshll.u32 v3, $0x4  }
0xac: {  	v3 =	vand.u32 $0x70, v3  }
0xad: {  	s26 =	sor.u32 $0x20, s24;
	v3 =	vor.u32 s22, v3  }
0xae: {  	v15 =	vmov s26;
	v14 =	vor.u32 v41, v3  }
0xaf: {  	v5 =	vbroadcast v15, $0x0;
	v16 =	vor.u32 v42, v3  }
0xb0: {  	v17 =	vor.u32 v43, v3  }
0xb1: {  	v5 =	vor.u32 v0, v5;
	v18 =	vor.u32 v44, v3  }
0xb2: {  	v10 =	vmulhi.u32 $0x4EC4EC4F, v5;
	v19 =	vor.u32 v45, v3  }
0xb3: {  	v20 =	vor.u32 v46, v3;
	v4 =	vld.idx.msk [tilespmem:v14+s9+$0x0], $0xffff  }
0xb4: {  	v22 =	vshrl.u32 v10, $0x3;
	v21 =	vor.u32 v47, v3;
	v6 =	vld.idx.msk [tilespmem:v16+s9+$0x0], $0xffff  }
0xb5: {  	v13 =	vmul.u32 $0xFFFFFFE6, v22;
	v23 =	vor.u32 v48, v3;
	v7 =	vld.idx.msk [tilespmem:v17+s9+$0x0], $0xffff  }
0xb6: {  	v15 =	vor.u32 v49, v3;
	v8 =	vld.idx.msk [tilespmem:v18+s9+$0x0], $0xffff  }
0xb7: {  	v5 =	vadd.s32 v5, v13;
	v13 =	vor.u32 v51, v3;
	v9 =	vld.idx.msk [tilespmem:v19+s9+$0x0], $0xffff  }
0xb8: {  	v22 =	vshll.u32 v10, $0x6;
	v10 =	vshll.u32 v10, $0x4;
	v11 =	vld.idx.msk [tilespmem:v20+s9+$0x0], $0xffff;
	v18 =	vor.u32 v52, v3  }
0xb9: {  	v17 =	vshll.u32 v5, $0x4;
	v12 =	vld.idx.msk [tilespmem:v21+s9+$0x0], $0xffff;
	v19 =	vor.u32 v53, v3;
	v5 =	vshll.u32 v5, $0x7  }
0xba: {  	v14 =	vld.idx.msk [tilespmem:v23+s9+$0x0], $0xffff;
	v20 =	vor.u32 v54, v3;
	v17 =	vand.u32 $0x70, v17;
	v5 =	vand.u32 $0xC00, v5  }
0xbb: {  	v22 =	vand.u32 $0x7FFFF000, v22;
	v16 =	vor.u32 v50, v3;
	v15 =	vld.idx.msk [tilespmem:v15+s9+$0x0], $0xffff;
	v5 =	vor.u32 v17, v5  }
0xbc: {  	v10 =	vand.u32 $0x380, v10;
	v21 =	vor.u32 v55, v3;
	v13 =	vld.idx.msk [tilespmem:v13+s9+$0x0], $0xffff;
	v5 =	vor.u32 v22, v5  }
0xbd: {  	v3 =	vor.u32 v56, v3;
	v5 =	vor.u32 v10, v5;
	v17 =	vld.idx.msk [tilespmem:v18+s9+$0x0], $0xffff  }
0xbe: {  	v10 =	vld.idx.msk [tilespmem:v19+s9+$0x0], $0xffff;
	v18 =	vor.u32 $0x1, v5  }
0xbf: {  	v19 =	vld.idx.msk [tilespmem:v20+s9+$0x0], $0xffff;
	v20 =	vor.u32 $0x2, v5  }
0xc0: {  	v16 =	vld.idx.msk [tilespmem:v16+s9+$0x0], $0xffff;
	v22 =	vor.u32 $0x3, v5  }
0xc1: {  	v21 =	vld.idx.msk [tilespmem:v21+s9+$0x0], $0xffff;
	v23 =	vor.u32 $0x4, v5  }
0xc2: {  	v3 =	vld.idx.msk [tilespmem:v3+s9+$0x0], $0xffff;
	[tilespmem:v5+s14+$0x0] =	vst.idx.msk $0xffff, v4;
	v4 =	vor.u32 $0x5, v5  }
0xc3: {  	[tilespmem:v18+s14+$0x0] =	vst.idx.msk $0xffff, v6;
	v6 =	vor.u32 $0x6, v5  }
0xc4: {  	[tilespmem:v20+s14+$0x0] =	vst.idx.msk $0xffff, v7;
	v7 =	vor.u32 $0x7, v5  }
0xc5: {  	[tilespmem:v22+s14+$0x0] =	vst.idx.msk $0xffff, v8;
	v8 =	vor.u32 $0x8, v5  }
0xc6: {  	[tilespmem:v23+s14+$0x0] =	vst.idx.msk $0xffff, v9;
	v9 =	vor.u32 $0x9, v5  }
0xc7: {  	v18 =	vor.u32 $0xA, v5;
	[tilespmem:v4+s14+$0x0] =	vst.idx.msk $0xffff, v11  }
0xc8: {  	v20 =	vor.u32 $0xB, v5;
	[tilespmem:v6+s14+$0x0] =	vst.idx.msk $0xffff, v12  }
0xc9: {  	v22 =	vor.u32 $0xC, v5;
	[tilespmem:v7+s14+$0x0] =	vst.idx.msk $0xffff, v14  }
0xca: {  	v23 =	vor.u32 $0xD, v5;
	[tilespmem:v8+s14+$0x0] =	vst.idx.msk $0xffff, v15  }
0xcb: {  	v12 =	vor.u32 $0xE, v5;
	[tilespmem:v9+s14+$0x0] =	vst.idx.msk $0xffff, v16  }
0xcc: {  	[tilespmem:v18+s14+$0x0] =	vst.idx.msk $0xffff, v13;
	v13 =	vor.u32 $0xF, v5  }
0xcd: {  	[tilespmem:v20+s14+$0x0] =	vst.idx.msk $0xffff, v17  }
0xce: {  	[tilespmem:v22+s14+$0x0] =	vst.idx.msk $0xffff, v10  }
0xcf: {  	[tilespmem:v23+s14+$0x0] =	vst.idx.msk $0xffff, v19  }
0xd0: {  	[tilespmem:v12+s14+$0x0] =	vst.idx.msk $0xffff, v21  }
0xd1: {  	s28 =	sor.u32 $0x30, s24;
	[tilespmem:v13+s14+$0x0] =	vst.idx.msk $0xffff, v3  }
0xd2: {  	v15 =	vmov s28;
	v3 =	vld [tilespmem:s18+$0xFFFFFFF0]  }
0xd3: {  	v5 =	vbroadcast v15, $0x0;
	_ =	sdelay $0x1  }
0xd4: {  	v5 =	vor.u32 v0, v5  }
0xd5: {  	v10 =	vmulhi.u32 $0x4EC4EC4F, v5  }
0xd6: {  	v3 =	vshll.u32 v3, $0x4  }
0xd7: {  	v22 =	vld [tilespmem:$0x1FF40];
	v20 =	vshrl.u32 v10, $0x3;
	v3 =	vand.u32 $0x70, v3  }
0xd8: {  	v13 =	vmul.u32 $0xFFFFFFE6, v20;
	v20 =	vld [tilespmem:$0x1FF60];
	v3 =	vor.u32 s22, v3  }
0xd9: {  	v14 =	vor.u32 v57, v3  }
0xda: {  	v23 =	vld [tilespmem:$0x1FF50];
	v16 =	vor.u32 v58, v3  }
0xdb: {  	v21 =	vld [tilespmem:$0x1FF30]  }
0xdc: {  	v17 =	vor.u32 v59, v3;
	v15 =	vor.u32 v22, v3;
	v22 =	vld [tilespmem:$0x1FF80]  }
0xdd: {  	v5 =	vadd.s32 v5, v13;
	v18 =	vor.u32 v60, v3;
	v13 =	vor.u32 v20, v3;
	v20 =	vld [tilespmem:$0x1FF90]  }
0xde: {  	v19 =	vor.u32 v61, v3;
	v4 =	vld.idx.msk [tilespmem:v14+s9+$0x0], $0xffff  }
0xdf: {  	v11 =	vor.u32 v62, v3;
	v6 =	vld.idx.msk [tilespmem:v16+s9+$0x0], $0xffff  }
0xe0: {  	v14 =	vor.u32 v21, v3;
	v21 =	vld [tilespmem:$0x1FF70]  }
0xe1: {  	v7 =	vld.idx.msk [tilespmem:v17+s9+$0x0], $0xffff  }
0xe2: {  	v12 =	vor.u32 v63, v3;
	v8 =	vld.idx.msk [tilespmem:v18+s9+$0x0], $0xffff  }
0xe3: {  	v9 =	vld.idx.msk [tilespmem:v19+s9+$0x0], $0xffff  }
0xe4: {  	v11 =	vld.idx.msk [tilespmem:v11+s9+$0x0], $0xffff  }
0xe5: {  	v18 =	vor.u32 v21, v3;
	v21 =	vld [tilespmem:$0x1FFA0]  }
0xe6: {  	v16 =	vor.u32 v23, v3;
	v19 =	vor.u32 v22, v3;
	v23 =	vld [tilespmem:$0x1FFB0]  }
0xe7: {  	v17 =	vshll.u32 v5, $0x4;
	v12 =	vld.idx.msk [tilespmem:v12+s9+$0x0], $0xffff;
	v20 =	vor.u32 v20, v3;
	v5 =	vshll.u32 v5, $0x7  }
0xe8: {  	v15 =	vld.idx.msk [tilespmem:v15+s9+$0x0], $0xffff;
	v22 =	vshll.u32 v10, $0x6;
	v17 =	vand.u32 $0x70, v17;
	v5 =	vand.u32 $0xC00, v5  }
0xe9: {  	v10 =	vshll.u32 v10, $0x4;
	v13 =	vld.idx.msk [tilespmem:v13+s9+$0x0], $0xffff;
	v22 =	vand.u32 $0x7FFFF000, v22;
	v5 =	vor.u32 v17, v5  }
0xea: {  	v10 =	vand.u32 $0x380, v10;
	v5 =	vor.u32 v22, v5;
	v14 =	vld.idx.msk [tilespmem:v14+s9+$0x0], $0xffff;
	v21 =	vor.u32 v21, v3  }
0xeb: {  	v5 =	vor.u32 v10, v5;
	v10 =	vld.idx.msk [tilespmem:v19+s9+$0x0], $0xffff;
	v3 =	vor.u32 v23, v3  }
0xec: {  	v17 =	vld.idx.msk [tilespmem:v18+s9+$0x0], $0xffff;
	v18 =	vor.u32 $0x1, v5  }
0xed: {  	v19 =	vld.idx.msk [tilespmem:v20+s9+$0x0], $0xffff;
	v20 =	vor.u32 $0x2, v5  }
0xee: {  	v16 =	vld.idx.msk [tilespmem:v16+s9+$0x0], $0xffff;
	v22 =	vor.u32 $0x3, v5  }
0xef: {  	v23 =	vor.u32 $0x4, v5;
	v21 =	vld.idx.msk [tilespmem:v21+s9+$0x0], $0xffff  }
0xf0: {  	v3 =	vld.idx.msk [tilespmem:v3+s9+$0x0], $0xffff;
	[tilespmem:v5+s14+$0x0] =	vst.idx.msk $0xffff, v4;
	v4 =	vor.u32 $0x5, v5  }
0xf1: {  	[tilespmem:v18+s14+$0x0] =	vst.idx.msk $0xffff, v6;
	v6 =	vor.u32 $0x6, v5  }
0xf2: {  	v18 =	vor.u32 $0x7, v5;
	[tilespmem:v20+s14+$0x0] =	vst.idx.msk $0xffff, v7  }
0xf3: {  	v20 =	vor.u32 $0x8, v5;
	[tilespmem:v22+s14+$0x0] =	vst.idx.msk $0xffff, v8  }
0xf4: {  	v22 =	vor.u32 $0x9, v5;
	[tilespmem:v23+s14+$0x0] =	vst.idx.msk $0xffff, v9  }
0xf5: {  	v23 =	vor.u32 $0xA, v5;
	[tilespmem:v4+s14+$0x0] =	vst.idx.msk $0xffff, v11  }
0xf6: {  	[tilespmem:v6+s14+$0x0] =	vst.idx.msk $0xffff, v12;
	v12 =	vor.u32 $0xB, v5  }
0xf7: {  	[tilespmem:v18+s14+$0x0] =	vst.idx.msk $0xffff, v14;
	v18 =	vor.u32 $0xC, v5  }
0xf8: {  	[tilespmem:v20+s14+$0x0] =	vst.idx.msk $0xffff, v15;
	v20 =	vor.u32 $0xD, v5  }
0xf9: {  	[tilespmem:v22+s14+$0x0] =	vst.idx.msk $0xffff, v16;
	v22 =	vor.u32 $0xE, v5  }
0xfa: {  	[tilespmem:v23+s14+$0x0] =	vst.idx.msk $0xffff, v13;
	v23 =	vor.u32 $0xF, v5  }
0xfb: {  	[tilespmem:v12+s14+$0x0] =	vst.idx.msk $0xffff, v17  }
0xfc: {  	[tilespmem:v18+s14+$0x0] =	vst.idx.msk $0xffff, v10  }
0xfd: {  	[tilespmem:v20+s14+$0x0] =	vst.idx.msk $0xffff, v19  }
0xfe: {  	[tilespmem:v22+s14+$0x0] =	vst.idx.msk $0xffff, v21  }
0xff: {  	[tilespmem:v23+s14+$0x0] =	vst.idx.msk $0xffff, v3  }
0x100: {  	v3 =	vld [tilespmem:s18+$0x0];
	_ =	sdelay $0x1  }
0x101: {  	v14 =	vld [tilespmem:$0x1FFE0]  }
0x102: {  	v12 =	vld [tilespmem:$0x1FFC0]  }
0x103: {  	v13 =	vld [tilespmem:$0x1FFD0]  }
0x104: {  	s29 =	sor.u32 $0x40, s24;
	v15 =	vld [tilespmem:$0x1FFF0];
	v3 =	vshll.u32 v3, $0x4  }
0x105: {  	v11 =	vmov s29;
	v17 =	vld [tilespmem:$0x1FEB0];
	v3 =	vand.u32 $0x70, v3  }
0x106: {  	v4 =	vbroadcast v11, $0x0;
	v18 =	vld [tilespmem:$0x1FEC0];
	v3 =	vor.u32 s22, v3  }
0x107: {  	v19 =	vld [tilespmem:$0x1FED0];
	v5 =	vor.u32 v12, v3  }
0x108: {  	v4 =	vor.u32 v0, v4;
	v20 =	vld [tilespmem:$0x1FEE0];
	v6 =	vor.u32 v13, v3  }
0x109: {  	v7 =	vmulhi.u32 $0x4EC4EC4F, v4;
	v21 =	vld [tilespmem:$0x1FEF0];
	v8 =	vor.u32 v14, v3  }
0x10a: {  	v22 =	vld [tilespmem:$0x1FF00];
	v9 =	vor.u32 v15, v3  }
0x10b: {  	v16 =	vshrl.u32 v7, $0x3;
	v11 =	vor.u32 v17, v3  }
0x10c: {  	v10 =	vmul.u32 $0xFFFFFFE6, v16;
	v12 =	vor.u32 v18, v3;
	v5 =	vld.idx.msk [tilespmem:v5+s9+$0x0], $0xffff  }
0x10d: {  	v13 =	vor.u32 v19, v3;
	v6 =	vld.idx.msk [tilespmem:v6+s9+$0x0], $0xffff  }
0x10e: {  	v4 =	vadd.s32 v4, v10;
	v23 =	vor.u32 $0x200B, v1;
	v10 =	vor.u32 v20, v3;
	v8 =	vld.idx.msk [tilespmem:v8+s9+$0x0], $0xffff  }
0x10f: {  	v14 =	vshll.u32 v4, $0x4;
	v15 =	vor.u32 v21, v3;
	v16 =	vor.u32 v22, v3;
	v9 =	vld.idx.msk [tilespmem:v9+s9+$0x0], $0xffff  }
0x110: {  	v17 =	vor.u32 v25, v3;
	v18 =	vor.u32 v23, v3;
	v19 =	vor.u32 $0x200C, v1;
	v11 =	vld.idx.msk [tilespmem:v11+s9+$0x0], $0xffff  }
0x111: {  	v20 =	vor.u32 $0x200D, v1;
	v21 =	vor.u32 $0x200E, v1;
	v22 =	vor.u32 $0x200F, v1;
	v12 =	vld.idx.msk [tilespmem:v12+s9+$0x0], $0xffff  }
0x112: {  	v4 =	vshll.u32 v4, $0x7;
	v23 =	vshll.u32 v7, $0x6;
	v19 =	vor.u32 v19, v3;
	v13 =	vld.idx.msk [tilespmem:v13+s9+$0x0], $0xffff  }
0x113: {  	v20 =	vor.u32 v20, v3;
	v14 =	vand.u32 $0x70, v14;
	v4 =	vand.u32 $0xC00, v4;
	v10 =	vld.idx.msk [tilespmem:v10+s9+$0x0], $0xffff  }
0x114: {  	v7 =	vshll.u32 v7, $0x4;
	v23 =	vand.u32 $0x7FFFF000, v23;
	v4 =	vor.u32 v14, v4;
	v15 =	vld.idx.msk [tilespmem:v15+s9+$0x0], $0xffff  }
0x115: {  	v21 =	vor.u32 v21, v3;
	v7 =	vand.u32 $0x380, v7;
	v4 =	vor.u32 v23, v4;
	v14 =	vld.idx.msk [tilespmem:v17+s9+$0x0], $0xffff  }
0x116: {  	v3 =	vor.u32 v22, v3;
	v4 =	vor.u32 v7, v4;
	v17 =	vld.idx.msk [tilespmem:v18+s9+$0x0], $0xffff  }
0x117: {  	v18 =	vor.u32 $0x1, v4;
	v7 =	vld.idx.msk [tilespmem:v19+s9+$0x0], $0xffff  }
0x118: {  	v19 =	vld.idx.msk [tilespmem:v20+s9+$0x0], $0xffff;
	v20 =	vor.u32 $0x2, v4  }
0x119: {  	v16 =	vld.idx.msk [tilespmem:v16+s9+$0x0], $0xffff;
	v22 =	vor.u32 $0x3, v4  }
0x11a: {  	v23 =	vor.u32 $0x4, v4;
	v21 =	vld.idx.msk [tilespmem:v21+s9+$0x0], $0xffff  }
0x11b: {  	v3 =	vld.idx.msk [tilespmem:v3+s9+$0x0], $0xffff;
	[tilespmem:v4+s14+$0x0] =	vst.idx.msk $0xffff, v5;
	v5 =	vor.u32 $0x5, v4  }
0x11c: {  	[tilespmem:v18+s14+$0x0] =	vst.idx.msk $0xffff, v6;
	v18 =	vor.u32 $0x6, v4  }
0x11d: {  	[tilespmem:v20+s14+$0x0] =	vst.idx.msk $0xffff, v8;
	v20 =	vor.u32 $0x7, v4  }
0x11e: {  	[tilespmem:v22+s14+$0x0] =	vst.idx.msk $0xffff, v9;
	v22 =	vor.u32 $0x8, v4  }
0x11f: {  	[tilespmem:v23+s14+$0x0] =	vst.idx.msk $0xffff, v11;
	v23 =	vor.u32 $0x9, v4  }
0x120: {  	[tilespmem:v5+s14+$0x0] =	vst.idx.msk $0xffff, v12;
	v12 =	vor.u32 $0xA, v4  }
0x121: {  	[tilespmem:v18+s14+$0x0] =	vst.idx.msk $0xffff, v13;
	v18 =	vor.u32 $0xB, v4  }
0x122: {  	[tilespmem:v20+s14+$0x0] =	vst.idx.msk $0xffff, v10;
	v20 =	vor.u32 $0xC, v4  }
0x123: {  	[tilespmem:v22+s14+$0x0] =	vst.idx.msk $0xffff, v15;
	v22 =	vor.u32 $0xD, v4  }
0x124: {  	[tilespmem:v23+s14+$0x0] =	vst.idx.msk $0xffff, v16;
	v23 =	vor.u32 $0xE, v4  }
0x125: {  	v4 =	vor.u32 $0xF, v4;
	[tilespmem:v12+s14+$0x0] =	vst.idx.msk $0xffff, v14  }
0x126: {  	[tilespmem:v18+s14+$0x0] =	vst.idx.msk $0xffff, v17  }
0x127: {  	[tilespmem:v20+s14+$0x0] =	vst.idx.msk $0xffff, v7  }
0x128: {  	[tilespmem:v22+s14+$0x0] =	vst.idx.msk $0xffff, v19  }
0x129: {  	[tilespmem:v23+s14+$0x0] =	vst.idx.msk $0xffff, v21  }
0x12a: {  	[tilespmem:v4+s14+$0x0] =	vst.idx.msk $0xffff, v3  }
0x12b: {  	v3 =	vld [tilespmem:s18+$0x10];
	_ =	sdelay $0x3  }
0x12c: {  	s30 =	sor.u32 $0x50, s24  }
0x12d: {  	v10 =	vmov s30;
	v3 =	vshll.u32 v3, $0x4  }
0x12e: {  	v4 =	vbroadcast v10, $0x0;
	v3 =	vand.u32 $0x70, v3  }
0x12f: {  	v11 =	vor.u32 $0x2800, v1;
	v3 =	vor.u32 s22, v3  }
0x130: {  	v12 =	vor.u32 $0x2801, v1;
	v4 =	vor.u32 v0, v4;
	v5 =	vor.u32 v11, v3  }
0x131: {  	v13 =	vor.u32 $0x2802, v1;
	v7 =	vmulhi.u32 $0x4EC4EC4F, v4;
	v6 =	vor.u32 v12, v3  }
0x132: {  	v16 =	vor.u32 $0x2804, v1;
	v14 =	vor.u32 $0x2803, v1;
	v8 =	vor.u32 v13, v3  }
0x133: {  	v17 =	vor.u32 $0x2805, v1;
	v15 =	vshrl.u32 v7, $0x3;
	v9 =	vor.u32 v14, v3  }
0x134: {  	v18 =	vor.u32 $0x2806, v1;
	v10 =	vmul.u32 $0xFFFFFFE6, v15;
	v11 =	vor.u32 v16, v3  }
0x135: {  	v20 =	vor.u32 $0x2808, v1;
	v19 =	vor.u32 $0x2807, v1;
	v12 =	vor.u32 v17, v3;
	v5 =	vld.idx.msk [tilespmem:v5+s9+$0x0], $0xffff  }
0x136: {  	v22 =	vor.u32 $0x280A, v1;
	v4 =	vadd.s32 v4, v10;
	v10 =	vor.u32 v18, v3;
	v6 =	vld.idx.msk [tilespmem:v6+s9+$0x0], $0xffff  }
0x137: {  	v21 =	vor.u32 $0x2809, v1;
	v23 =	vor.u32 $0x280B, v1;
	v13 =	vor.u32 v19, v3;
	v8 =	vld.idx.msk [tilespmem:v8+s9+$0x0], $0xffff  }
0x138: {  	v14 =	vshll.u32 v4, $0x4;
	v15 =	vor.u32 v20, v3;
	v16 =	vor.u32 v21, v3;
	v9 =	vld.idx.msk [tilespmem:v9+s9+$0x0], $0xffff  }
0x139: {  	v17 =	vor.u32 v22, v3;
	v18 =	vor.u32 v23, v3;
	v19 =	vor.u32 $0x280C, v1;
	v11 =	vld.idx.msk [tilespmem:v11+s9+$0x0], $0xffff  }
0x13a: {  	v20 =	vor.u32 $0x280D, v1;
	v21 =	vor.u32 $0x280E, v1;
	v22 =	vor.u32 $0x280F, v1;
	v12 =	vld.idx.msk [tilespmem:v12+s9+$0x0], $0xffff  }
0x13b: {  	v4 =	vshll.u32 v4, $0x7;
	v23 =	vshll.u32 v7, $0x6;
	v19 =	vor.u32 v19, v3;
	v10 =	vld.idx.msk [tilespmem:v10+s9+$0x0], $0xffff  }
0x13c: {  	v20 =	vor.u32 v20, v3;
	v14 =	vand.u32 $0x70, v14;
	v4 =	vand.u32 $0xC00, v4;
	v13 =	vld.idx.msk [tilespmem:v13+s9+$0x0], $0xffff  }
0x13d: {  	v7 =	vshll.u32 v7, $0x4;
	v23 =	vand.u32 $0x7FFFF000, v23;
	v4 =	vor.u32 v14, v4;
	v15 =	vld.idx.msk [tilespmem:v15+s9+$0x0], $0xffff  }
0x13e: {  	v21 =	vor.u32 v21, v3;
	v7 =	vand.u32 $0x380, v7;
	v4 =	vor.u32 v23, v4;
	v14 =	vld.idx.msk [tilespmem:v17+s9+$0x0], $0xffff  }
0x13f: {  	v3 =	vor.u32 v22, v3;
	v4 =	vor.u32 v7, v4;
	v17 =	vld.idx.msk [tilespmem:v18+s9+$0x0], $0xffff  }
0x140: {  	v18 =	vor.u32 $0x1, v4;
	v7 =	vld.idx.msk [tilespmem:v19+s9+$0x0], $0xffff  }
0x141: {  	v19 =	vld.idx.msk [tilespmem:v20+s9+$0x0], $0xffff;
	v20 =	vor.u32 $0x2, v4  }
0x142: {  	v16 =	vld.idx.msk [tilespmem:v16+s9+$0x0], $0xffff;
	v22 =	vor.u32 $0x3, v4  }
0x143: {  	v23 =	vor.u32 $0x4, v4;
	v21 =	vld.idx.msk [tilespmem:v21+s9+$0x0], $0xffff  }
0x144: {  	v3 =	vld.idx.msk [tilespmem:v3+s9+$0x0], $0xffff;
	[tilespmem:v4+s14+$0x0] =	vst.idx.msk $0xffff, v5;
	v5 =	vor.u32 $0x5, v4  }
0x145: {  	[tilespmem:v18+s14+$0x0] =	vst.idx.msk $0xffff, v6;
	v18 =	vor.u32 $0x6, v4  }
0x146: {  	[tilespmem:v20+s14+$0x0] =	vst.idx.msk $0xffff, v8;
	v20 =	vor.u32 $0x7, v4  }
0x147: {  	[tilespmem:v22+s14+$0x0] =	vst.idx.msk $0xffff, v9;
	v22 =	vor.u32 $0x8, v4  }
0x148: {  	[tilespmem:v23+s14+$0x0] =	vst.idx.msk $0xffff, v11;
	v23 =	vor.u32 $0x9, v4  }
0x149: {  	[tilespmem:v5+s14+$0x0] =	vst.idx.msk $0xffff, v12;
	v12 =	vor.u32 $0xA, v4  }
0x14a: {  	[tilespmem:v18+s14+$0x0] =	vst.idx.msk $0xffff, v10;
	v18 =	vor.u32 $0xB, v4  }
0x14b: {  	[tilespmem:v20+s14+$0x0] =	vst.idx.msk $0xffff, v13;
	v20 =	vor.u32 $0xC, v4  }
0x14c: {  	[tilespmem:v22+s14+$0x0] =	vst.idx.msk $0xffff, v15;
	v22 =	vor.u32 $0xD, v4  }
0x14d: {  	[tilespmem:v23+s14+$0x0] =	vst.idx.msk $0xffff, v16;
	v23 =	vor.u32 $0xE, v4  }
0x14e: {  	v4 =	vor.u32 $0xF, v4;
	[tilespmem:v12+s14+$0x0] =	vst.idx.msk $0xffff, v14  }
0x14f: {  	[tilespmem:v18+s14+$0x0] =	vst.idx.msk $0xffff, v17  }
0x150: {  	[tilespmem:v20+s14+$0x0] =	vst.idx.msk $0xffff, v7  }
0x151: {  	[tilespmem:v22+s14+$0x0] =	vst.idx.msk $0xffff, v19  }
0x152: {  	[tilespmem:v23+s14+$0x0] =	vst.idx.msk $0xffff, v21  }
0x153: {  	[tilespmem:v4+s14+$0x0] =	vst.idx.msk $0xffff, v3  }
0x154: {  	v3 =	vld [tilespmem:s18+$0x20];
	_ =	sdelay $0x3  }
0x155: {  	s31 =	sor.u32 $0x60, s24  }
0x156: {  	v10 =	vmov s31;
	v3 =	vshll.u32 v3, $0x4  }
0x157: {  	v4 =	vbroadcast v10, $0x0;
	v3 =	vand.u32 $0x70, v3  }
0x158: {  	v11 =	vor.u32 $0x3000, v1;
	v3 =	vor.u32 s22, v3  }
0x159: {  	v12 =	vor.u32 $0x3001, v1;
	v4 =	vor.u32 v0, v4;
	v5 =	vor.u32 v11, v3  }
0x15a: {  	v13 =	vor.u32 $0x3002, v1;
	v7 =	vmulhi.u32 $0x4EC4EC4F, v4;
	v6 =	vor.u32 v12, v3  }
0x15b: {  	v16 =	vor.u32 $0x3004, v1;
	v14 =	vor.u32 $0x3003, v1;
	v8 =	vor.u32 v13, v3  }
0x15c: {  	v17 =	vor.u32 $0x3005, v1;
	v15 =	vshrl.u32 v7, $0x3;
	v9 =	vor.u32 v14, v3  }
0x15d: {  	v18 =	vor.u32 $0x3006, v1;
	v10 =	vmul.u32 $0xFFFFFFE6, v15;
	v11 =	vor.u32 v16, v3  }
0x15e: {  	v20 =	vor.u32 $0x3008, v1;
	v19 =	vor.u32 $0x3007, v1;
	v12 =	vor.u32 v17, v3;
	v5 =	vld.idx.msk [tilespmem:v5+s9+$0x0], $0xffff  }
0x15f: {  	v22 =	vor.u32 $0x300A, v1;
	v4 =	vadd.s32 v4, v10;
	v10 =	vor.u32 v18, v3;
	v6 =	vld.idx.msk [tilespmem:v6+s9+$0x0], $0xffff  }
0x160: {  	v21 =	vor.u32 $0x3009, v1;
	v23 =	vor.u32 $0x300B, v1;
	v13 =	vor.u32 v19, v3;
	v8 =	vld.idx.msk [tilespmem:v8+s9+$0x0], $0xffff  }
0x161: {  	v14 =	vshll.u32 v4, $0x4;
	v15 =	vor.u32 v20, v3;
	v16 =	vor.u32 v21, v3;
	v9 =	vld.idx.msk [tilespmem:v9+s9+$0x0], $0xffff  }
0x162: {  	v17 =	vor.u32 v22, v3;
	v18 =	vor.u32 v23, v3;
	v19 =	vor.u32 $0x300C, v1;
	v11 =	vld.idx.msk [tilespmem:v11+s9+$0x0], $0xffff  }
0x163: {  	v20 =	vor.u32 $0x300D, v1;
	v21 =	vor.u32 $0x300E, v1;
	v22 =	vor.u32 $0x300F, v1;
	v12 =	vld.idx.msk [tilespmem:v12+s9+$0x0], $0xffff  }
0x164: {  	v4 =	vshll.u32 v4, $0x7;
	v23 =	vshll.u32 v7, $0x6;
	v19 =	vor.u32 v19, v3;
	v10 =	vld.idx.msk [tilespmem:v10+s9+$0x0], $0xffff  }
0x165: {  	v20 =	vor.u32 v20, v3;
	v14 =	vand.u32 $0x70, v14;
	v4 =	vand.u32 $0xC00, v4;
	v13 =	vld.idx.msk [tilespmem:v13+s9+$0x0], $0xffff  }
0x166: {  	v7 =	vshll.u32 v7, $0x4;
	v23 =	vand.u32 $0x7FFFF000, v23;
	v4 =	vor.u32 v14, v4;
	v15 =	vld.idx.msk [tilespmem:v15+s9+$0x0], $0xffff  }
0x167: {  	v21 =	vor.u32 v21, v3;
	v7 =	vand.u32 $0x380, v7;
	v4 =	vor.u32 v23, v4;
	v14 =	vld.idx.msk [tilespmem:v17+s9+$0x0], $0xffff  }
0x168: {  	v3 =	vor.u32 v22, v3;
	v4 =	vor.u32 v7, v4;
	v17 =	vld.idx.msk [tilespmem:v18+s9+$0x0], $0xffff  }
0x169: {  	v18 =	vor.u32 $0x1, v4;
	v7 =	vld.idx.msk [tilespmem:v19+s9+$0x0], $0xffff  }
0x16a: {  	v19 =	vld.idx.msk [tilespmem:v20+s9+$0x0], $0xffff;
	v20 =	vor.u32 $0x2, v4  }
0x16b: {  	v16 =	vld.idx.msk [tilespmem:v16+s9+$0x0], $0xffff;
	v22 =	vor.u32 $0x3, v4  }
0x16c: {  	v23 =	vor.u32 $0x4, v4;
	v21 =	vld.idx.msk [tilespmem:v21+s9+$0x0], $0xffff  }
0x16d: {  	v3 =	vld.idx.msk [tilespmem:v3+s9+$0x0], $0xffff;
	[tilespmem:v4+s14+$0x0] =	vst.idx.msk $0xffff, v5;
	v5 =	vor.u32 $0x5, v4  }
0x16e: {  	[tilespmem:v18+s14+$0x0] =	vst.idx.msk $0xffff, v6;
	v18 =	vor.u32 $0x6, v4  }
0x16f: {  	[tilespmem:v20+s14+$0x0] =	vst.idx.msk $0xffff, v8;
	v20 =	vor.u32 $0x7, v4  }
0x170: {  	[tilespmem:v22+s14+$0x0] =	vst.idx.msk $0xffff, v9;
	v22 =	vor.u32 $0x8, v4  }
0x171: {  	[tilespmem:v23+s14+$0x0] =	vst.idx.msk $0xffff, v11;
	v23 =	vor.u32 $0x9, v4  }
0x172: {  	[tilespmem:v5+s14+$0x0] =	vst.idx.msk $0xffff, v12;
	v12 =	vor.u32 $0xA, v4  }
0x173: {  	[tilespmem:v18+s14+$0x0] =	vst.idx.msk $0xffff, v10;
	v18 =	vor.u32 $0xB, v4  }
0x174: {  	[tilespmem:v20+s14+$0x0] =	vst.idx.msk $0xffff, v13;
	v20 =	vor.u32 $0xC, v4  }
0x175: {  	[tilespmem:v22+s14+$0x0] =	vst.idx.msk $0xffff, v15;
	v22 =	vor.u32 $0xD, v4  }
0x176: {  	[tilespmem:v23+s14+$0x0] =	vst.idx.msk $0xffff, v16;
	v23 =	vor.u32 $0xE, v4  }
0x177: {  	v4 =	vor.u32 $0xF, v4;
	[tilespmem:v12+s14+$0x0] =	vst.idx.msk $0xffff, v14  }
0x178: {  	[tilespmem:v18+s14+$0x0] =	vst.idx.msk $0xffff, v17  }
0x179: {  	[tilespmem:v20+s14+$0x0] =	vst.idx.msk $0xffff, v7  }
0x17a: {  	[tilespmem:v22+s14+$0x0] =	vst.idx.msk $0xffff, v19  }
0x17b: {  	[tilespmem:v23+s14+$0x0] =	vst.idx.msk $0xffff, v21  }
0x17c: {  	[tilespmem:v4+s14+$0x0] =	vst.idx.msk $0xffff, v3  }
0x17d: {  	v3 =	vld [tilespmem:s18+$0x30];
	_ =	sdelay $0x3  }
0x17e: {  	s21 =	sor.u32 $0x70, s24  }
0x17f: {  	v10 =	vmov s21;
	v3 =	vshll.u32 v3, $0x4  }
0x180: {  	v4 =	vbroadcast v10, $0x0;
	v3 =	vand.u32 $0x70, v3  }
0x181: {  	v11 =	vor.u32 $0x3800, v1;
	v3 =	vor.u32 s22, v3  }
0x182: {  	v12 =	vor.u32 $0x3801, v1;
	v4 =	vor.u32 v0, v4;
	v5 =	vor.u32 v11, v3  }
0x183: {  	v13 =	vor.u32 $0x3802, v1;
	v7 =	vmulhi.u32 $0x4EC4EC4F, v4;
	v6 =	vor.u32 v12, v3  }
0x184: {  	v16 =	vor.u32 $0x3804, v1;
	v14 =	vor.u32 $0x3803, v1;
	v8 =	vor.u32 v13, v3  }
0x185: {  	v17 =	vor.u32 $0x3805, v1;
	v15 =	vshrl.u32 v7, $0x3;
	v9 =	vor.u32 v14, v3  }
0x186: {  	v18 =	vor.u32 $0x3806, v1;
	v10 =	vmul.u32 $0xFFFFFFE6, v15;
	v11 =	vor.u32 v16, v3  }
0x187: {  	v20 =	vor.u32 $0x3808, v1;
	v19 =	vor.u32 $0x3807, v1;
	v12 =	vor.u32 v17, v3;
	v5 =	vld.idx.msk [tilespmem:v5+s9+$0x0], $0xffff  }
0x188: {  	v22 =	vor.u32 $0x380A, v1;
	v4 =	vadd.s32 v4, v10;
	v10 =	vor.u32 v18, v3;
	v6 =	vld.idx.msk [tilespmem:v6+s9+$0x0], $0xffff  }
0x189: {  	v21 =	vor.u32 $0x3809, v1;
	v23 =	vor.u32 $0x380B, v1;
	v13 =	vor.u32 v19, v3;
	v8 =	vld.idx.msk [tilespmem:v8+s9+$0x0], $0xffff  }
0x18a: {  	v14 =	vshll.u32 v4, $0x4;
	v15 =	vor.u32 v20, v3;
	v16 =	vor.u32 v21, v3;
	v9 =	vld.idx.msk [tilespmem:v9+s9+$0x0], $0xffff  }
0x18b: {  	v17 =	vor.u32 v22, v3;
	v18 =	vor.u32 v23, v3;
	v19 =	vor.u32 $0x380C, v1;
	v11 =	vld.idx.msk [tilespmem:v11+s9+$0x0], $0xffff  }
0x18c: {  	v20 =	vor.u32 $0x380D, v1;
	v21 =	vor.u32 $0x380E, v1;
	v22 =	vor.u32 $0x380F, v1;
	v12 =	vld.idx.msk [tilespmem:v12+s9+$0x0], $0xffff  }
0x18d: {  	v4 =	vshll.u32 v4, $0x7;
	v23 =	vshll.u32 v7, $0x6;
	v19 =	vor.u32 v19, v3;
	v10 =	vld.idx.msk [tilespmem:v10+s9+$0x0], $0xffff  }
0x18e: {  	v20 =	vor.u32 v20, v3;
	v14 =	vand.u32 $0x70, v14;
	v4 =	vand.u32 $0xC00, v4;
	v13 =	vld.idx.msk [tilespmem:v13+s9+$0x0], $0xffff  }
0x18f: {  	v7 =	vshll.u32 v7, $0x4;
	v23 =	vand.u32 $0x7FFFF000, v23;
	v4 =	vor.u32 v14, v4;
	v15 =	vld.idx.msk [tilespmem:v15+s9+$0x0], $0xffff  }
0x190: {  	v21 =	vor.u32 v21, v3;
	v7 =	vand.u32 $0x380, v7;
	v4 =	vor.u32 v23, v4;
	v14 =	vld.idx.msk [tilespmem:v17+s9+$0x0], $0xffff  }
0x191: {  	v3 =	vor.u32 v22, v3;
	v4 =	vor.u32 v7, v4;
	v17 =	vld.idx.msk [tilespmem:v18+s9+$0x0], $0xffff  }
0x192: {  	v18 =	vor.u32 $0x1, v4;
	v7 =	vld.idx.msk [tilespmem:v19+s9+$0x0], $0xffff  }
0x193: {  	v19 =	vld.idx.msk [tilespmem:v20+s9+$0x0], $0xffff;
	v20 =	vor.u32 $0x2, v4  }
0x194: {  	v16 =	vld.idx.msk [tilespmem:v16+s9+$0x0], $0xffff;
	v22 =	vor.u32 $0x3, v4  }
0x195: {  	v23 =	vor.u32 $0x4, v4;
	v21 =	vld.idx.msk [tilespmem:v21+s9+$0x0], $0xffff  }
0x196: {  	v3 =	vld.idx.msk [tilespmem:v3+s9+$0x0], $0xffff;
	[tilespmem:v4+s14+$0x0] =	vst.idx.msk $0xffff, v5;
	v5 =	vor.u32 $0x5, v4  }
0x197: {  	[tilespmem:v18+s14+$0x0] =	vst.idx.msk $0xffff, v6;
	v18 =	vor.u32 $0x6, v4  }
0x198: {  	[tilespmem:v20+s14+$0x0] =	vst.idx.msk $0xffff, v8;
	v20 =	vor.u32 $0x7, v4  }
0x199: {  	[tilespmem:v22+s14+$0x0] =	vst.idx.msk $0xffff, v9;
	v22 =	vor.u32 $0x8, v4  }
0x19a: {  	[tilespmem:v23+s14+$0x0] =	vst.idx.msk $0xffff, v11;
	v23 =	vor.u32 $0x9, v4  }
0x19b: {  	[tilespmem:v5+s14+$0x0] =	vst.idx.msk $0xffff, v12;
	v12 =	vor.u32 $0xA, v4  }
0x19c: {  	[tilespmem:v18+s14+$0x0] =	vst.idx.msk $0xffff, v10;
	v18 =	vor.u32 $0xB, v4  }
0x19d: {  	[tilespmem:v20+s14+$0x0] =	vst.idx.msk $0xffff, v13;
	v20 =	vor.u32 $0xC, v4  }
0x19e: {  	[tilespmem:v22+s14+$0x0] =	vst.idx.msk $0xffff, v15;
	v22 =	vor.u32 $0xD, v4  }
0x19f: {  	[tilespmem:v23+s14+$0x0] =	vst.idx.msk $0xffff, v16;
	v23 =	vor.u32 $0xE, v4  }
0x1a0: {  	v4 =	vor.u32 $0xF, v4;
	[tilespmem:v12+s14+$0x0] =	vst.idx.msk $0xffff, v14  }
0x1a1: {  	p0 =	sne.s32 s20, $0xC;
	[tilespmem:v18+s14+$0x0] =	vst.idx.msk $0xffff, v17  }
0x1a2: {  	s19 =	smul.u32 @!p0 $0x13C, s19;
	[tilespmem:v20+s14+$0x0] =	vst.idx.msk $0xffff, v7  }
0x1a3: {  	s16 =	sadd.s32 $0x1, s16;
	[tilespmem:v22+s14+$0x0] =	vst.idx.msk $0xffff, v19  }
0x1a4: {  	p1 =	sne.s32 s16, $0x6B;
	s20 =	rddreg [dreg:$0x2];
	s19 =	sand.u32 @!p0 $0x3F000, s19;
	[tilespmem:v23+s14+$0x0] =	vst.idx.msk $0xffff, v21  }
0x1a5: {  	s19 =	sadd.s32 @!p0 s19, s20;
	s20 =	simm.s32 @!p0 $0x0;
	s21 =	simm.s32 @!p0 $0x16800;
	[tilespmem:v4+s14+$0x0] =	vst.idx.msk $0xffff, v3  }
0x1a6: {  	[hbm4b:s19+s20] =	stream.linear.scatter @!p0 [tilespmem:s21], [sflag:$0x5], $0x8000, $0x38;
	[tilespmem:$0x1E800] =	vst v63  }
.Ltmp2:
0x1a7: {  	_ = 	snop;
	(pc) =	sbr.rel @p1 .LBB2_6-.Ltmp2, $4  }
0x1a8: {  	s19 =	simm.s32 @!p0 $0x5  }
0x1a9: {  	_ =	swait.ge @!p0 [sflag:s19], $0x8000  }
0x1aa: {  	[sflag:s19] =	ssyncset.done @!p0 $0x0  }
0x1ab: {  	s17 =	sadd.s32 $0x80, s17;
	s18 =	sadd.s32 $0x80, s18;
	[sflag:s19] =	ssyncadd.s32 @!p0 $0xFFFF8000  }
0x1ac: {  	s15 =	sadd.s32 $0x1, s15  }
0x1ad: {  	p0 =	sne.s32 s15, s5  }
.Ltmp3:
0x1ae: {  	_ = 	snop;
	(pc) =	sbr.rel @p0 .LBB2_1-.Ltmp3, $1  }
0x1af: {  	_ =	sdelay $0x3  }
0x1b0: {  	_ =	sfence.sel $0x180000  }
0x1b1: {  	[bflag:$0x0] =	sbarrier.arrive $0xFFFF  }
0x1b2: {  	p0 =	sne.s32 s0, $0x0;
	_ =	strace $0x9000004A  }
0x1b3: {  	s0 =	sadd.s32 @!p0 $0x100000, s1;
	[bflag:$0x2] =	sbarrier.arrive $0xFFFF  }
0x1b4: {  	[sflag:s0] =	ssyncadd.tile.s32 @!p0 $0x1;
	_ =	shalt  }
.Lfunc_end2:
_tile_overlayer_lowered:
.L_overlay_start_2:
0x1b5: {  	(tag) =	ssettag $0x2  }
0x1b6: {  	s0 =	rddreg [dreg:$0x0];
	s2 =	stileid.u32  }
0x1b7: {  	s1 =	rddreg [dreg:$0x1];
	p0 =	sne.s32 s2, $0x0  }
0x1b8: {  	s3 =	rddreg [dreg:$0x2];
	[bflag:$0x3] =	sbarrier.arrive $0xFFFF;
	s2 =	simm.s32 @!p0 $0x1C05  }
0x1b9: {  	[timem:s3], [sflag:s2] =	dma.local @!p0 [hbm:s0], s1  }
0x1ba: {  	s0 =	simm.s32 @!p0 $0x5  }
0x1bb: {  	_ =	swait.ge @!p0 [sflag:s0], s1  }
0x1bc: {  	s1 =	ssub.s32 @!p0 $0x0, s1;
	[sflag:s0] =	ssyncset.done @!p0 $0x0  }
0x1bd: {  	[sflag:s0] =	ssyncadd.s32 @!p0 s1  }
0x1be: {  	[bflag:$0x3] =	sbarrier.arrive $0xFFFF  }
0x1bf: {  	_ =	shalt  }

// kernel: kernel.7.cloned.1.call-start
scs
__scs_entry_jumppad:
0x0: {  	(pc) =	sbr.rel $0x88, $3  }
0x1: {  	(tag) =	ssettag $0x0;
	lr =	simm.s32 $0x1  }
0x2: {  	[smem:$0x3F92] =	sst lr;
	_ =	strace $0xD0000000  }
0x3: {  	_ = 	snop  }
0x4: {  	_ = 	snop  }
0x5: {  	_ = 	snop  }
0x6: {  	_ = 	snop  }
0x7: {  	_ = 	snop  }
__scs_overlays_trampoline_lowered:
0x8: {  	[smem:$0x3FA1] =	sst s0  }
0x9: {  	[smem:$0x3FA2] =	sst s1  }
0xa: {  	[smem:$0x3FA3] =	sst s2  }
0xb: {  	[smem:$0x3FA4] =	sst s3  }
0xc: {  	[smem:$0x3FA5] =	sst s4  }
0xd: {  	[smem:$0x3FA6] =	sst s5  }
0xe: {  	[smem:$0x3FA7] =	sst s6  }
0xf: {  	[smem:$0x3FA8] =	sst s7  }
0x10: {  	[smem:$0x3FA9] =	sst s8  }
0x11: {  	[smem:$0x3FAA] =	sst s9;
	s0 =	simm.s32 @!p0 $0x0  }
0x12: {  	s1 =	sld [smem:$0x3F90];
	s0 =	simm.s32 @p0 $0x1  }
0x13: {  	[smem:$0x3FAB] =	sst s0;
	s0 =	simm.s32 @!p1 $0x0  }
0x14: {  	s2 =	sld [smem:$0x3F8F];
	s0 =	simm.s32 @p1 $0x1  }
0x15: {  	[smem:$0x3FAC] =	sst s0;
	s0 =	simm.s32 @!p2 $0x0  }
0x16: {  	s3 =	sld [smem:$0x3FDB];
	s0 =	simm.s32 @p2 $0x1  }
0x17: {  	s4 =	simm.s32 $0x1BF5;
	[smem:$0x3FAE] =	sst s0  }
0x18: {  	s0 =	sld [smem:$0x3F91];
	_ =	swait.ge [sflag:s4], $0x0  }
0x19: {  	s7 =	sld [smem:$0x3F92]  }
0x1a: {  	s8 =	sadd.s32 $0xFFFFE003, lr  }
0x1b: {  	s9 =	sadd.s32 $0xFFFFFEF7, lr;
	s5 =	simm.s32 $0xFFFFFFFF;
	p2 =	slt.u32 s8, $0xFFFFF086  }
0x1c: {  	p1 =	slt.u32 s9, $0xF7A;
	s5 =	simm.s32 @!p2 $0x0  }
0x1d: {  	s5 =	simm.s32 @p1 $0x1;
	p0 =	seq.s32 s7, s2  }
0x1e: {  	s7 =	smul.u32 @!p0 $0xF7A, s2;
	p2 =	seq.s32 @!p0 s5, $0x0  }
0x1f: {  	s9 =	smul.u32 $0xF7A, s1;
	s8 =	simm.s32 @!p0 $0x1BF5;
	p2 =	por !p2, p0  }
0x20: {  	[sflag:s8] =	ssyncset.s32 @!p0 $0xFFFFF086;
	s6 =	sadd.s32 @!p0 s3, s7;
	s7 =	simm.s32 @!p0 $0x108  }
0x21: {  	s3 =	sadd.s32 s3, s9;
	s6 =	sadd.s32 @!p0 $0x88, s6;
	s7 =	simm.s32 @p2 $0x1082  }
0x22: {  	[simem:s7], [sflag:s8] =	dma.local @!p0 [hbm:s6], $0xF7A  }
0x23: {  	s9 =	sor.u32 $0xD0000000, s2;
	s6 =	simm.s32 $0x108;
	_ =	swait.ge @!p0 [sflag:s8], $0x0  }
0x24: {  	s3 =	sadd.s32 $0x88, s3;
	s6 =	simm.s32 @!p1 $0x1082;
	[sflag:s4] =	ssyncset.s32 $0xFFFFF086  }
0x25: {  	[simem:s6], [sflag:s4] =	dma.local [hbm:s3], $0xF7A  }
0x26: {  	[smem:$0x3F92] =	sst s1;
	(tag) =	ssettag s2;
	_ =	strace s9  }
0x27: {  	s1 =	sld [smem:$0x3FA2]  }
0x28: {  	s2 =	sld [smem:$0x3FA3]  }
0x29: {  	s4 =	sld [smem:$0x3FA5]  }
0x2a: {  	p0 =	seq.s32 s5, $0x0;
	s5 =	sld [smem:$0x3FA6]  }
0x2b: {  	s6 =	sld [smem:$0x3FA7]  }
0x2c: {  	s7 =	sld [smem:$0x3FA8]  }
0x2d: {  	s3 =	simm.s32 $0x108;
	s8 =	sld [smem:$0x3FA9]  }
0x2e: {  	s3 =	simm.s32 @!p0 $0x1082;
	s9 =	sld [smem:$0x3FAA]  }
0x2f: {  	lr =	sadd.s32 s0, s3;
	s0 =	sld [smem:$0x3FA1]  }
0x30: {  	s3 =	sld [smem:$0x3FA4]  }
0x31: {  	[smem:$0x3FAD] =	sst s10  }
0x32: {  	s10 =	sld [smem:$0x3FAB];
	_ =	sdelay $0x3  }
0x33: {  	p0 =	seq.s32 s10, $0x1;
	s10 =	sld [smem:$0x3FAD];
	_ =	sdelay $0x3  }
0x34: {  	[smem:$0x3FAD] =	sst s10  }
0x35: {  	s10 =	sld [smem:$0x3FAC];
	_ =	sdelay $0x3  }
0x36: {  	p1 =	seq.s32 s10, $0x1;
	s10 =	sld [smem:$0x3FAD];
	_ =	sdelay $0x3  }
0x37: {  	[smem:$0x3FAD] =	sst s10  }
0x38: {  	s10 =	sld [smem:$0x3FAE]  }
0x39: {  	_ = 	snop;
	(pc) =	sbr.ind lr, $3  }
0x3a: {  	_ = 	snop  }
0x3b: {  	_ = 	snop  }
0x3c: {  	p2 =	seq.s32 s10, $0x1;
	s10 =	sld [smem:$0x3FAD]  }
0x3d: {  	_ =	shalt  }
0x3e: {  	_ =	shalt  }
0x3f: {  	_ =	shalt  }
0x40: {  	_ =	shalt  }
0x41: {  	_ =	shalt  }
0x42: {  	_ =	shalt  }
0x43: {  	_ =	shalt  }
0x44: {  	_ =	shalt  }
0x45: {  	_ =	shalt  }
0x46: {  	_ =	shalt  }
0x47: {  	_ =	shalt  }
0x48: {  	_ =	shalt  }
0x49: {  	_ =	shalt  }
0x4a: {  	_ =	shalt  }
0x4b: {  	_ =	shalt  }
0x4c: {  	_ =	shalt  }
0x4d: {  	_ =	shalt  }
0x4e: {  	_ =	shalt  }
0x4f: {  	_ =	shalt  }
0x50: {  	_ =	shalt  }
0x51: {  	_ =	shalt  }
0x52: {  	_ =	shalt  }
0x53: {  	_ =	shalt  }
0x54: {  	_ =	shalt  }
0x55: {  	_ =	shalt  }
0x56: {  	_ =	shalt  }
0x57: {  	_ =	shalt  }
0x58: {  	_ =	shalt  }
0x59: {  	_ =	shalt  }
0x5a: {  	_ =	shalt  }
0x5b: {  	_ =	shalt  }
0x5c: {  	_ =	shalt  }
0x5d: {  	_ =	shalt  }
0x5e: {  	_ =	shalt  }
0x5f: {  	_ =	shalt  }
0x60: {  	_ =	shalt  }
0x61: {  	_ =	shalt  }
0x62: {  	_ =	shalt  }
0x63: {  	_ =	shalt  }
0x64: {  	_ =	shalt  }
0x65: {  	_ =	shalt  }
0x66: {  	_ =	shalt  }
0x67: {  	_ =	shalt  }
0x68: {  	_ =	shalt  }
0x69: {  	_ =	shalt  }
0x6a: {  	_ =	shalt  }
0x6b: {  	_ =	shalt  }
0x6c: {  	_ =	shalt  }
0x6d: {  	_ =	shalt  }
0x6e: {  	_ =	shalt  }
0x6f: {  	_ =	shalt  }
0x70: {  	_ =	shalt  }
0x71: {  	_ =	shalt  }
0x72: {  	_ =	shalt  }
0x73: {  	_ =	shalt  }
0x74: {  	_ =	shalt  }
0x75: {  	_ =	shalt  }
0x76: {  	_ =	shalt  }
0x77: {  	_ =	shalt  }
0x78: {  	_ =	shalt  }
0x79: {  	_ =	shalt  }
0x7a: {  	_ =	shalt  }
0x7b: {  	_ =	shalt  }
0x7c: {  	_ =	shalt  }
0x7d: {  	_ =	shalt  }
0x7e: {  	_ =	shalt  }
0x7f: {  	_ =	shalt  }
0x80: {  	_ =	shalt  }
0x81: {  	_ =	shalt  }
0x82: {  	_ =	shalt  }
0x83: {  	_ =	shalt  }
0x84: {  	_ =	shalt  }
0x85: {  	_ =	shalt  }
0x86: {  	_ =	shalt  }
0x87: {  	_ =	shalt  }
.Lfunc_end0:
.L_simem_size_0:
called_computation_lowered:
.L_overlay_start_0:
0x88: {  	s2 =	sld [smem:$0x3FD9]  }
0x89: {  	s3 =	sld [smem:$0x3FFE];
	_ =	sdelay $0x1  }
0x8a: {  	s1 =	srdreg.scid  }
0x8b: {  	s0 =	sand.u32 $0x1, s1  }
0x8c: {  	s17 =	sshll.u32 s0, $0xA;
	s2 =	sadd.s32 s3, s2  }
0x8d: {  	s2 =	sadd.s32 s2, s17  }
0x8e: {  	[smem:$0x3FB9] =	sst s2  }
0x8f: {  	_ = 	snop  }
0x90: {  	s2 =	sld [smem:$0x3FC7];
	(tm) =	ssettm $0x1  }
0x91: {  	s18 =	sld [smem:$0x3FFB];
	_ =	sdelay $0x3  }
0x92: {  	_ =	strace s18  }
0x93: {  	s3 =	sld [smem:$0x3FFC];
	_ =	sdelay $0x3  }
0x94: {  	_ =	strace s3  }
0x95: {  	s3 =	sld [smem:$0x3FFD];
	_ =	sdelay $0x3  }
0x96: {  	_ =	strace s3  }
0x97: {  	_ =	strace $0x8FFFFFFF  }
0x98: {  	s19 =	sld [smem:$0x3FDB];
	_ =	sdelay $0x1  }
0x99: {  	s4 =	simm.s32 $_scs_section_size  }
0x9a: {  	s5 =	simm.s32 $_size__tile_overlayer_lowered;
	s6 =	simm.s32 $_tile_overlayer_lowered  }
0x9b: {  	s22 =	simm.s32 $0x1BFF;
	s21 =	sshll.u32 s6, $0x1;
	s3 =	sadd.s32 s4, s19  }
0x9c: {  	s7 =	simm.s32 $0x0;
	s20 =	sshll.u32 s5, $0x1;
	s5 =	sadd.s32 s21, s3  }
0x9d: {  	[timem:s7], [sflag:s22] =	dma.local [hbm:s5], s20  }
0x9e: {  	_ =	swait.ge [sflag:s22], s20  }
0x9f: {  	s4 =	ssub.s32 $0x0, s20;
	[sflag:s22] =	ssyncset.done $0x0  }
0xa0: {  	[sflag:s22] =	ssyncadd.s32 s4;
	_ =	sdelay $0x1  }
0xa1: {  	s23 =	simm.s32 $0x1B8B  }
0xa2: {  	_ =	swait.ge [sflag:s23], $0x1  }
0xa3: {  	[sflag:s23] =	ssyncset.done $0x0  }
0xa4: {  	s25 =	simm.s32 $0x1B8E;
	s24 =	sld [smem:$0x3FFE];
	[sflag:s23] =	ssyncadd.s32 $0xFFFFFFFF  }
0xa5: {  	s26 =	simm.s32 $execute0_lowered;
	[smem:$0x3FD2] =	sst s25  }
0xa6: {  	s5 =	sshll.u32 s26, $0x1;
	_ =	strace $0x80000046;
	[dreg:$0x1] =	wrdreg $0xFFFFFFFF  }
0xa7: {  	s28 =	simm.s32 $_size_execute0_lowered;
	s3 =	sadd.s32 s3, s5;
	[dreg:$0x0] =	wrdreg $0x0  }
0xa8: {  	s5 =	sshll.u32 s28, $0x1;
	[dreg:$0x2] =	wrdreg s3  }
0xa9: {  	[dreg:$0x3] =	wrdreg s5  }
0xaa: {  	[dreg:$0x4] =	wrdreg $0xC0  }
0xab: {  	_ =	task [dreg:s7], $0x5FFFF  }
0xac: {  	[dreg:$0x1] =	wrdreg $0xFFFFFFFF  }
0xad: {  	[dreg:$0x0] =	wrdreg $0x60  }
0xae: {  	[dreg:$0x2] =	wrdreg s2  }
0xaf: {  	[dreg:$0x3] =	wrdreg s24  }
0xb0: {  	[dreg:$0x4] =	wrdreg $0x9  }
0xb1: {  	_ =	task.clear_ibuf [dreg:s7], $0x5FFFF;
	_ =	strace $0x90000046  }
0xb2: {  	s29 =	simm.s32 $0x9;
	_ =	strace $0x80000048  }
0xb3: {  	_ =	swait.ge [sflag:s29], $0x1  }
0xb4: {  	[sflag:s29] =	ssyncadd.s32 $0xFFFFFFFF  }
0xb5: {  	_ =	strace $0x90000048  }
0xb6: {  	_ =	sfence  }
0xb7: {  	s30 =	sld [smem:$0x0];
	_ =	sdelay $0x2  }
0xb8: {  	s31 =	sshll.u32 s1, $0xD;
	s1 =	sshrl.u32 s1, $0x2  }
0xb9: {  	s3 =	sand.u32 $0x4000, s31;
	s1 =	sadd.s32 s1, s30  }
0xba: {  	s0 =	sor.u32 s3, s0;
	s1 =	sshll.u32 s1, $0x11  }
0xbb: {  	s0 =	sor.u32 s1, s0  }
0xbc: {  	s0 =	sadd.s32 $0x8F2B, s0  }
0xbd: {  	[sflag:s0] =	ssyncadd.remote.s32 $0x1  }
0xbe: {  	_ =	sfence.sel $0xFFFF  }
0xbf: {  	[dreg:$0x0] =	wrdreg $0xFFFFFFFF;
	(pc) =	sbr.abs _section_cstart, $3  }
0xc0: {  	[dreg:$0x1] =	wrdreg $0xFFFFFFFF  }
0xc1: {  	_ =	task.clear_ibuf [dreg:s7], $0x2FFFF;
	_ =	strace $0x9FFFFFFF  }
0xc2: {  	(tm) =	ssettm $0x7FFFFFFF  }
0xc3: {  	_ =	shalt  }
tec
execute0_lowered:
.L_overlay_start_1:
0x0: {  	(tag) =	ssettag $0x1  }
0x1: {  	s2 =	rddreg [dreg:$0x0];
	s0 =	srdreg.scid  }
0x2: {  	s12 =	stileid.u32;
	s1 =	rddreg [dreg:$0x1];
	s3 =	simm.s32 $0x0  }
0x3: {  	s29 =	simm.s32 $0x0;
	s0 =	sand.u32 $0x1, s0;
	s4 =	sshll.u32 s12, $0x1  }
0x4: {  	[smem:$0x7FF] =	sst s3;
	p0 =	sgt.u32 s12, $0xC;
	s4 =	sor.u32 s0, s4  }
0x5: {  	_ =	strace $0x80000047;
	s0 =	ssub.s32 $0x2, s0;
	s5 =	sshll.u32 s4, $0x7  }
0x6: {  	s19 =	smul.u32 $0x187000, s4;
	s6 =	sshrl.u32 s0, $0x1;
	s7 =	ssub.s32 $0x13ED, s4  }
0x7: {  	s8 =	smul.u32 $0x186C00, s4;
	s20 =	sshll.u32 s4, $0x9;
	s10 =	sadd.s32 s5, s1  }
0x8: {  	s5 =	sadd.s32 $0x3200, s1;
	s0 =	ssub.s32 s0, s6;
	s6 =	sshrl.u32 s7, $0x5  }
0x9: {  	v0 =	vlaneseq.u32;
	s7 =	sadd.s32 s2, s20;
	s20 =	simm.s32 $0xC3800;
	s1 =	sshrl.u32 s19, $0x3  }
0xa: {  	v1 =	vmul.u32 $0x11, v0;
	s9 =	sshrl.u32 s8, $0x3;
	s21 =	sadd.s32 $0x4000, s7;
	s23 =	sadd.s32 $0x2400, s10  }
0xb: {  	s25 =	sand.u32 $0x3, s6;
	s14 =	smax.u32 s0, $0x1;
	s26 =	sadd.s32 $0x1, s6  }
0xc: {  	v12 =	vmul.u32 $0x80, v0;
	v2 =	vadd.s32 $0x1, v1;
	s28 =	sand.u32 $0x1, s6;
	s30 =	sadd.s32 $0xFFFFFFFF, s6;
	s19 =	simm.s32 $0x1000  }
0xd: {  	v3 =	vadd.s32 $0x2, v1;
	v4 =	vadd.s32 $0x3, v1;
	v5 =	vadd.s32 $0x4, v1;
	[dreg:$0x3] =	wrdreg s21;
	s1 =	sadd.s32 s2, s1;
	s11 =	sadd.s32 s5, s9  }
0xe: {  	v6 =	vadd.s32 $0x5, v1;
	v7 =	vadd.s32 $0x6, v1;
	v8 =	vadd.s32 $0x7, v1;
	s9 =	sadd.s32 $0x8000, s7;
	[dreg:$0x6] =	wrdreg s23;
	s15 =	sadd.s32 $0x5, s25  }
.Ltmp0:
0xf: {  	v9 =	vadd.s32 $0x8, v1;
	v10 =	vadd.s32 $0x9, v1;
	v11 =	vadd.s32 $0xA, v1;
	s0 =	sand.u32 $0x3, s26;
	s17 =	sadd.s32 $0x5, s28;
	(pc) =	sbr.rel .LBB2_1-.Ltmp0, $4  }
0x10: {  	v13 =	vadd.s32 $0xB, v1;
	v14 =	vadd.s32 $0xC, v1;
	v15 =	vadd.s32 $0xD, v1;
	s31 =	sand.u32 $0x3, s30;
	s23 =	simm.s32 $0x8000;
	s1 =	sadd.s32 $0x18600, s1  }
0x11: {  	v16 =	vadd.s32 $0xE, v1;
	v17 =	vadd.s32 $0xF, v1;
	v18 =	vor.u32 $0x1, v12;
	s25 =	simm.s32 $0x18800;
	s22 =	sadd.s32 $0x30C00, s11;
	[dreg:$0x4] =	wrdreg s1  }
0x12: {  	v19 =	vor.u32 $0x2, v12;
	v20 =	vor.u32 $0x3, v12;
	v21 =	vor.u32 $0x4, v12;
	s26 =	simm.s32 $0x9;
	s24 =	sadd.s32 $0x30D00, s11;
	[dreg:$0x5] =	wrdreg s22  }
0x13: {  	v22 =	vor.u32 $0x5, v12;
	v23 =	vor.u32 $0x6, v12;
	v24 =	vor.u32 $0x7, v12;
	s16 =	sadd.s32 $0x5, s0;
	s18 =	sadd.s32 $0x5, s31;
	[dreg:$0x7] =	wrdreg s24  }
.LBB2_11:
0x14: {  	s29 =	sadd.s32 $0x1, s29  }
0x15: {  	p1 =	sne.s32 s29, s14  }
.Ltmp1:
0x16: {  	_ = 	snop;
	(pc) =	sbr.rel @!p1 .LBB2_12-.Ltmp1, $1  }
0x17: {  	_ =	sdelay $0x3  }
.LBB2_1:
0x18: {  	[tilespmem:s3], [sflag:$0x1] =	stream.strided.gather [hbm4b:s7+s19], $0x2000, s20, s19, $0x38;
	[tilespmem:$0x19000] =	vst v63  }
0x19: {  	s0 =	rddreg [dreg:$0x3];
	s1 =	simm.s32 $0x2000  }
0x1a: {  	[tilespmem:s1], [sflag:$0x2] =	stream.strided.gather [hbm4b:s0+s19], $0x2000, s20, s19, $0x38;
	[tilespmem:$0x19000] =	vst v63  }
0x1b: {  	s28 =	simm.s32 $0x4000;
	s30 =	simm.s32 $0x0;
	s31 =	simm.s32 $0x0  }
0x1c: {  	[tilespmem:s28], [sflag:$0x3] =	stream.strided.gather [hbm4b:s9+s19], $0x2000, s20, s19, $0x38;
	[tilespmem:$0x19000] =	vst v63  }
.LBB2_2:
0x1d: {  	s0 =	sadd.s32 $0x3, s31  }
0x1e: {  	p1 =	sge.u32 s0, s6  }
0x1f: {  	s1 =	sshll.u32 @!p1 s0, $0x5  }
0x20: {  	s11 =	sshll.u32 s31, $0x5;
	s1 =	sor.u32 @!p1 s4, s1  }
0x21: {  	s11 =	sor.u32 s4, s11;
	s10 =	smulhi.u32 @!p1 $0xA80A80A9, s1  }
0x22: {  	s13 =	smulhi.u32 $0xA80A80A9, s11;
	s21 =	sshra.s32 s11, $0x1F  }
0x23: {  	s21 =	smul.u32 $0xA80A80A9, s21;
	s10 =	sshrl.u32 @!p1 s10, $0x7  }
0x24: {  	s12 =	smul.u32 @!p1 $0xC3, s10  }
0x25: {  	s0 =	sand.u32 @!p1 $0x3, s0;
	s13 =	ssub.s32 s13, s11;
	s10 =	smul.u32 @!p1 $0x187000, s10  }
0x26: {  	s1 =	ssub.s32 @!p1 s1, s12;
	s12 =	sadd.s32 s21, s13;
	s13 =	simm.s32 @!p1 $0x1000  }
0x27: {  	s21 =	simm.s32 @!p1 $0xC3800;
	s1 =	sshll.u32 @!p1 s1, $0xC;
	s12 =	sadd.s32 s11, s12  }
0x28: {  	s1 =	sadd.s32 @!p1 s1, s10;
	s22 =	sshrl.u32 s12, $0x1F;
	s12 =	sshra.s32 s12, $0x7  }
0x29: {  	s10 =	sshll.u32 @!p1 s0, $0xD;
	s1 =	sshrl.u32 @!p1 s1, $0x3;
	s12 =	sadd.s32 s22, s12  }
0x2a: {  	s0 =	sadd.s32 @!p1 $0x1, s0;
	s1 =	sadd.s32 @!p1 s2, s1;
	s22 =	smul.u32 $0xFFFFFF3D, s12  }
0x2b: {  	[tilespmem:s10], [sflag:s0] =	stream.strided.gather @!p1 [hbm4b:s1+s13], $0x2000, s21, s13, $0x38;
	[tilespmem:$0x19000] =	vst v63  }
0x2c: {  	s1 =	sand.u32 $0x3, s31  }
0x2d: {  	s0 =	sadd.s32 s11, s22;
	s8 =	sadd.s32 $0x1, s1  }
0x2e: {  	p6 =	slt.s32 s11, $0x1;
	p2 =	sne.s32 s0, $0x0;
	_ =	swait.ge [sflag:s8], $0x2000  }
0x2f: {  	p1 =	por !p6, !p2;
	[sflag:s8] =	ssyncset.done $0x0;
	p2 =	slt.u32 s31, $0x4  }
0x30: {  	[sflag:s8] =	ssyncadd.s32 $0xFFFFE000;
	s11 =	sadd.s32 @!p2 $0x5, s1  }
0x31: {  	v25 =	vmov s1;
	_ =	swait.ge @!p2 [sflag:s11], $0x2000  }
0x32: {  	v25 =	vshll.u32 v25, $0x7;
	[sflag:s11] =	ssyncset.done @!p2 $0x0  }
0x33: {  	v25 =	vbroadcast v25, $0x0;
	[sflag:s11] =	ssyncadd.s32 @!p2 $0xFFFFE000;
	s11 =	simm.s32 $0x0  }
0x34: {  	v26 =	vadd.s32 s11, v14;
	v33 =	vadd.s32 s11, v7;
	v27 =	vadd.s32 s11, v8  }
0x35: {  	v28 =	vadd.s32 s11, v5;
	v29 =	vadd.s32 s11, v6;
	v30 =	vadd.s32 s11, v2  }
0x36: {  	s13 =	simm.s32 $0x1;
	p1 =	por !p1, !p1;
	v35 =	vadd.s32 s11, v4;
	v32 =	vadd.s32 s11, v1;
	v36 =	vadd.s32 s11, v3  }
0x37: {  	s24 =	sand.u32 $0x3, s30;
	s13 =	simm.s32 @!p1 $0x0;
	v57 =	vadd.s32 s11, v11;
	v51 =	vadd.s32 s11, v17;
	v58 =	vadd.s32 s11, v9  }
0x38: {  	s10 =	sshll.u32 s24, $0xD;
	s24 =	ssub.s32 s12, s13;
	s13 =	sshll.u32 s1, $0xF;
	v47 =	vadd.s32 s11, v16;
	v34 =	vand.u32 $0x7F, v27;
	v31 =	vshll.u32 v33, $0x2  }
0x39: {  	s28 =	sor.u32 $0x10840, s10;
	s10 =	sshrl.u32 s13, $0x2;
	s21 =	sand.u32 $0xC00, s11;
	v39 =	vshll.u32 v27, $0x2;
	v60 =	vshll.u32 v30, $0x2;
	v38 =	vand.u32 $0x7F, v29  }
0x3a: {  	s22 =	sand.u32 $0x70, s11;
	s12 =	sadd.s32 s21, s10;
	v40 =	vshll.u32 v29, $0x2;
	v42 =	vshll.u32 v36, $0x2;
	v43 =	vshll.u32 v35, $0x2  }
0x3b: {  	v37 =	vand.u32 $0x1FE00, v31;
	v31 =	vand.u32 $0x7F, v32;
	v32 =	vshll.u32 v32, $0x2;
	s12 =	sadd.s32 s22, s12  }
0x3c: {  	v36 =	vand.u32 $0x7F, v36;
	v35 =	vand.u32 $0x7F, v35;
	v27 =	vand.u32 $0x1FE00, v32;
	v32 =	vld [tilespmem:s12+$0x280]  }
0x3d: {  	v33 =	vand.u32 $0x7F, v33;
	v59 =	vand.u32 $0x7F, v58;
	v42 =	vand.u32 $0x1FE00, v42;
	v29 =	vld [tilespmem:s12+$0x1000]  }
0x3e: {  	v43 =	vand.u32 $0x1FE00, v43;
	v62 =	vand.u32 $0x1FE00, v40;
	v49 =	vand.u32 $0x1FE00, v39;
	v52 =	vld [tilespmem:s12+$0x80]  }
0x3f: {  	v40 =	vshll.u32 v51, $0x2;
	v42 =	vor.u32 v42, v36;
	v35 =	vor.u32 v43, v35;
	v54 =	vld [tilespmem:s12+$0x100]  }
0x40: {  	v63 =	vor.u32 v37, v33;
	v56 =	vld [tilespmem:s12+$0x180];
	v37 =	vor.u32 v49, v34;
	v34 =	vand.u32 $0x7F, v51  }
0x41: {  	v33 =	vld [tilespmem:s12+$0x1100];
	v49 =	vadd.s32 s11, v10;
	v27 =	vor.u32 v27, v31;
	v31 =	vand.u32 $0x1FE00, v60  }
0x42: {  	v45 =	vld [tilespmem:s12+$0x200];
	v50 =	vor.u32 v25, v35;
	v35 =	vor.u32 v62, v38;
	v55 =	vor.u32 v25, v42  }
0x43: {  	v51 =	vld [tilespmem:s12+$0x0];
	v60 =	vshll.u32 v58, $0x2;
	v42 =	vor.u32 v25, v63;
	v43 =	vor.u32 v25, v37  }
0x44: {  	v39 =	vld [tilespmem:s12+$0x1080];
	v58 =	vshll.u32 v49, $0x2;
	v63 =	vshll.u32 v57, $0x2;
	v48 =	vor.u32 v25, v27  }
0x45: {  	v46 =	vld [tilespmem:s12+$0x300];
	v27 =	vand.u32 $0x7F, v30;
	v30 =	vand.u32 $0x7F, v28;
	v28 =	vshll.u32 v28, $0x2  }
0x46: {  	v37 =	vld [tilespmem:s12+$0x1280];
	v38 =	vor.u32 v25, v35;
	v41 =	vor.u32 v31, v27;
	v44 =	vand.u32 $0x1FE00, v28  }
0x47: {  	v58 =	vand.u32 $0x1FE00, v58;
	v31 =	vld [tilespmem:s12+$0x380];
	v61 =	vor.u32 v44, v30;
	v53 =	vor.u32 v25, v41  }
0x48: {  	v27 =	vld [tilespmem:s12+$0x1300];
	v44 =	vand.u32 $0x7F, v47;
	v36 =	vor.u32 v25, v61;
	v61 =	vand.u32 $0x1FE00, v60  }
0x49: {  	v28 =	vld [tilespmem:s12+$0x1200];
	v47 =	vshll.u32 v47, $0x2;
	v60 =	vadd.s32 s11, v15;
	v35 =	vor.u32 v61, v59  }
0x4a: {  	v30 =	vld [tilespmem:s12+$0x1180];
	v59 =	vadd.s32 s11, v13;
	v61 =	vand.u32 $0x7F, v49;
	v49 =	vand.u32 $0x7F, v60  }
0x4b: {  	v41 =	vor.u32 v25, v35;
	v35 =	vld [tilespmem:s12+$0x1380];
	[tilespmem:v48+s23+$0x0] =	vst.idx.msk $0xffff, v51;
	v62 =	vor.u32 v58, v61;
	v51 =	vshll.u32 v60, $0x2  }
0x4c: {  	v61 =	vand.u32 $0x7F, v57;
	v48 =	vor.u32 v25, v62;
	v62 =	vand.u32 $0x1FE00, v63;
	[tilespmem:v53+s23+$0x0] =	vst.idx.msk $0xffff, v52  }
0x4d: {  	v63 =	vshll.u32 v59, $0x2;
	v53 =	vor.u32 v62, v61;
	v52 =	vand.u32 $0x7F, v59;
	[tilespmem:v55+s23+$0x0] =	vst.idx.msk $0xffff, v54  }
0x4e: {  	s13 =	simm.s32 $0x0;
	s12 =	simm.s32 $0x110;
	v54 =	vand.u32 $0x1FE00, v63;
	[tilespmem:v50+s23+$0x0] =	vst.idx.msk $0xffff, v56;
	v50 =	vor.u32 v25, v53;
	v53 =	vshll.u32 v26, $0x2  }
.LBB2_3:
0x4f: {  	p1 =	seq.s32 s12, $0x20F0;
	[tilespmem:v36+s23+$0x0] =	vst.idx.msk $0xffff, v45;
	v36 =	vor.u32 v54, v52;
	v26 =	vand.u32 $0x7F, v26;
	v45 =	vand.u32 $0x1FE00, v53;
	s11 =	sadd.s32 $0x80, s11;
	s13 =	sadd.s32 $0x10, s13  }
0x50: {  	s21 =	smov.u32 s12;
	s12 =	sadd.s32 $0x110, s12;
	[tilespmem:v38+s23+$0x0] =	vst.idx.msk $0xffff, v32;
	v32 =	vor.u32 v25, v36;
	v26 =	vor.u32 v45, v26;
	v36 =	vand.u32 $0x1FE00, v51  }
0x51: {  	[tilespmem:v42+s23+$0x0] =	vst.idx.msk $0xffff, v46;
	v38 =	vor.u32 v25, v26;
	v26 =	vor.u32 v36, v49;
	v36 =	vand.u32 $0x1FE00, v47  }
0x52: {  	v40 =	vand.u32 $0x1FE00, v40;
	[tilespmem:v43+s23+$0x0] =	vst.idx.msk $0xffff, v31;
	v31 =	vor.u32 v25, v26;
	v36 =	vor.u32 v36, v44  }
0x53: {  	v34 =	vor.u32 v40, v34;
	v26 =	vadd.s32 s21, v14;
	[tilespmem:v41+s23+$0x0] =	vst.idx.msk $0xffff, v29;
	v29 =	vor.u32 v25, v36  }
0x54: {  	v40 =	vadd.s32 s21, v7;
	v34 =	vor.u32 v25, v34;
	v36 =	vadd.s32 s21, v8;
	[tilespmem:v48+s23+$0x0] =	vst.idx.msk $0xffff, v39  }
0x55: {  	v41 =	vadd.s32 s21, v6;
	v39 =	vadd.s32 s21, v5;
	v42 =	vand.u32 $0x7F, v36;
	[tilespmem:v50+s23+$0x0] =	vst.idx.msk $0xffff, v33  }
0x56: {  	v43 =	vadd.s32 s21, v4;
	v44 =	vshll.u32 v40, $0x2;
	v33 =	vadd.s32 s21, v2;
	[tilespmem:v32+s23+$0x0] =	vst.idx.msk $0xffff, v30  }
0x57: {  	v45 =	vadd.s32 s21, v3;
	v44 =	vand.u32 $0x1FE00, v44;
	v30 =	vadd.s32 s21, v1;
	[tilespmem:v38+s23+$0x0] =	vst.idx.msk $0xffff, v28  }
0x58: {  	s22 =	sand.u32 $0xC00, s11;
	v46 =	vshll.u32 v36, $0x2;
	v28 =	vand.u32 $0x7F, v30;
	v30 =	vshll.u32 v30, $0x2;
	[tilespmem:v31+s23+$0x0] =	vst.idx.msk $0xffff, v37  }
0x59: {  	s8 =	sand.u32 $0x70, s13;
	s22 =	sadd.s32 s22, s10;
	v30 =	vand.u32 $0x1FE00, v30;
	v31 =	vshll.u32 v33, $0x2;
	v37 =	vand.u32 $0x7F, v41;
	[tilespmem:v29+s23+$0x0] =	vst.idx.msk $0xffff, v27  }
0x5a: {  	s22 =	sadd.s32 s8, s22;
	v38 =	vshll.u32 v41, $0x2;
	v27 =	vor.u32 v30, v28;
	v28 =	vand.u32 $0x1FE00, v31;
	[tilespmem:v34+s23+$0x0] =	vst.idx.msk $0xffff, v35  }
0x5b: {  	v30 =	vand.u32 $0x7F, v39;
	v48 =	vor.u32 v25, v27;
	v27 =	vand.u32 $0x7F, v33;
	v32 =	vld [tilespmem:s22+$0x280]  }
0x5c: {  	v34 =	vshll.u32 v43, $0x2;
	v33 =	vor.u32 v28, v27;
	v28 =	vshll.u32 v45, $0x2;
	v29 =	vld [tilespmem:s22+$0x1000]  }
0x5d: {  	v36 =	vand.u32 $0x7F, v43;
	v39 =	vshll.u32 v39, $0x2;
	v35 =	vand.u32 $0x7F, v45;
	v31 =	vld [tilespmem:s22+$0x380]  }
0x5e: {  	v39 =	vand.u32 $0x1FE00, v39;
	v34 =	vand.u32 $0x1FE00, v34;
	v41 =	vand.u32 $0x1FE00, v28;
	v27 =	vld [tilespmem:s22+$0x1300]  }
0x5f: {  	v34 =	vor.u32 v34, v36;
	v36 =	vor.u32 v39, v30;
	v35 =	vor.u32 v41, v35;
	v28 =	vld [tilespmem:s22+$0x1200]  }
0x60: {  	v50 =	vor.u32 v25, v34;
	v36 =	vor.u32 v25, v36;
	v34 =	vand.u32 $0x1FE00, v38;
	v30 =	vld [tilespmem:s22+$0x1180]  }
0x61: {  	v53 =	vor.u32 v25, v33;
	v33 =	vor.u32 v34, v37;
	v34 =	vand.u32 $0x7F, v40;
	v52 =	vld [tilespmem:s22+$0x80]  }
0x62: {  	v55 =	vor.u32 v25, v35;
	v38 =	vor.u32 v25, v33;
	v35 =	vor.u32 v44, v34;
	v54 =	vld [tilespmem:s22+$0x100]  }
0x63: {  	v57 =	vadd.s32 s21, v11;
	v37 =	vadd.s32 s21, v17;
	v34 =	vand.u32 $0x1FE00, v46;
	v56 =	vld [tilespmem:s22+$0x180]  }
0x64: {  	v39 =	vadd.s32 s21, v9;
	v41 =	vor.u32 v34, v42;
	v34 =	vand.u32 $0x7F, v37;
	v33 =	vld [tilespmem:s22+$0x1100]  }
0x65: {  	v44 =	vand.u32 $0x7F, v39;
	v39 =	vshll.u32 v39, $0x2;
	v40 =	vshll.u32 v37, $0x2;
	v45 =	vld [tilespmem:s22+$0x200]  }
0x66: {  	v42 =	vor.u32 v25, v35;
	v35 =	vand.u32 $0x1FE00, v39;
	v37 =	vadd.s32 s21, v16;
	v51 =	vld [tilespmem:s22+$0x0]  }
0x67: {  	v43 =	vor.u32 v25, v41;
	v35 =	vor.u32 v35, v44;
	v44 =	vand.u32 $0x7F, v37;
	v39 =	vld [tilespmem:s22+$0x1080]  }
0x68: {  	v49 =	vadd.s32 s21, v10;
	v47 =	vshll.u32 v37, $0x2;
	v41 =	vor.u32 v25, v35;
	v46 =	vld [tilespmem:s22+$0x300]  }
0x69: {  	v59 =	vadd.s32 s21, v13;
	v60 =	vadd.s32 s21, v15;
	v58 =	vshll.u32 v49, $0x2;
	v37 =	vld [tilespmem:s22+$0x1280]  }
.Ltmp2:
0x6a: {  	v61 =	vand.u32 $0x7F, v49;
	v49 =	vand.u32 $0x7F, v60;
	v58 =	vand.u32 $0x1FE00, v58;
	v35 =	vld [tilespmem:s22+$0x1380];
	(pc) =	sbr.rel @!p1 .LBB2_3-.Ltmp2, $4  }
0x6b: {  	[tilespmem:v48+s23+$0x0] =	vst.idx.msk $0xffff, v51;
	v48 =	vor.u32 v58, v61;
	v58 =	vshll.u32 v57, $0x2;
	v51 =	vshll.u32 v60, $0x2  }
0x6c: {  	[tilespmem:v53+s23+$0x0] =	vst.idx.msk $0xffff, v52;
	v48 =	vor.u32 v25, v48;
	v52 =	vand.u32 $0x7F, v57;
	v53 =	vand.u32 $0x1FE00, v58  }
0x6d: {  	[tilespmem:v55+s23+$0x0] =	vst.idx.msk $0xffff, v54;
	v53 =	vor.u32 v53, v52;
	v52 =	vand.u32 $0x7F, v59;
	v54 =	vshll.u32 v59, $0x2  }
0x6e: {  	[tilespmem:v50+s23+$0x0] =	vst.idx.msk $0xffff, v56;
	v50 =	vor.u32 v25, v53;
	v54 =	vand.u32 $0x1FE00, v54;
	v53 =	vshll.u32 v26, $0x2  }
0x6f: {  	_ =	sdelay $0x3  }
0x70: {  	[tilespmem:v36+s23+$0x0] =	vst.idx.msk $0xffff, v45  }
0x71: {  	v60 =	vor.u32 v54, v52;
	v26 =	vand.u32 $0x7F, v26;
	v61 =	vand.u32 $0x1FE00, v53;
	[tilespmem:v38+s23+$0x0] =	vst.idx.msk $0xffff, v32  }
0x72: {  	v63 =	vand.u32 $0x1FE00, v51;
	v62 =	vor.u32 v25, v60;
	v26 =	vor.u32 v61, v26;
	[tilespmem:v42+s23+$0x0] =	vst.idx.msk $0xffff, v46  }
0x73: {  	v36 =	vor.u32 v63, v49;
	v26 =	vor.u32 v25, v26;
	[tilespmem:v43+s23+$0x0] =	vst.idx.msk $0xffff, v31  }
0x74: {  	v45 =	vand.u32 $0x1FE00, v47;
	v31 =	vor.u32 v25, v36;
	[tilespmem:v41+s23+$0x0] =	vst.idx.msk $0xffff, v29  }
0x75: {  	v47 =	vand.u32 $0x1FE00, v40;
	s21 =	simm.s32 $0x44;
	v46 =	vor.u32 v45, v44;
	[tilespmem:v48+s23+$0x0] =	vst.idx.msk $0xffff, v39  }
0x76: {  	v34 =	vor.u32 v47, v34;
	v49 =	vadd.s32 s21, v0;
	v29 =	vor.u32 v25, v46;
	[tilespmem:v50+s23+$0x0] =	vst.idx.msk $0xffff, v33  }
0x77: {  	s11 =	simm.s32 $0x77;
	s8 =	simm.s32 $0x0;
	s12 =	simm.s32 $0x22;
	v34 =	vor.u32 v25, v34;
	v56 =	vand.u32 $0x7F, v49;
	v32 =	vshll.u32 v49, $0x2;
	[tilespmem:v62+s23+$0x0] =	vst.idx.msk $0xffff, v30  }
0x78: {  	s13 =	simm.s32 $0x33;
	v30 =	vadd.s32 s12, v0;
	[tilespmem:v26+s23+$0x0] =	vst.idx.msk $0xffff, v28;
	v26 =	vadd.s32 s11, v0;
	v28 =	vadd.s32 s8, v0  }
0x79: {  	s11 =	simm.s32 $0x66;
	v54 =	vand.u32 $0x7F, v30;
	v30 =	vshll.u32 v30, $0x2;
	[tilespmem:v31+s23+$0x0] =	vst.idx.msk $0xffff, v37;
	v31 =	vadd.s32 s13, v0  }
0x7a: {  	v51 =	vand.u32 $0x7F, v28;
	v53 =	vadd.s32 s11, v0;
	v28 =	vshll.u32 v28, $0x2  }
0x7b: {  	s22 =	simm.s32 $0x11;
	v30 =	vand.u32 $0x7FFFFE00, v30;
	[tilespmem:v29+s23+$0x0] =	vst.idx.msk $0xffff, v27;
	v27 =	vand.u32 $0x7F, v26;
	v26 =	vshll.u32 v26, $0x2  }
0x7c: {  	v29 =	vadd.s32 s22, v0;
	s22 =	simm.s32 $0x55;
	v55 =	vand.u32 $0x7F, v31;
	v58 =	vand.u32 $0x7F, v53  }
0x7d: {  	v31 =	vshll.u32 v31, $0x2;
	v36 =	vshll.u32 v53, $0x2;
	v50 =	vadd.s32 s22, v0  }
0x7e: {  	v52 =	vand.u32 $0x7F, v29;
	v26 =	vand.u32 $0x7FFFFE00, v26;
	v29 =	vshll.u32 v29, $0x2  }
0x7f: {  	v36 =	vand.u32 $0x7FFFFE00, v36;
	v57 =	vand.u32 $0x7F, v50;
	v26 =	vor.u32 v26, v27  }
0x80: {  	v27 =	vand.u32 $0x1FE00, v28;
	v28 =	vor.u32 v36, v58;
	v26 =	vor.u32 v25, v26  }
0x81: {  	v29 =	vand.u32 $0x7FFFFE00, v29;
	v27 =	vor.u32 v27, v51;
	v28 =	vor.u32 v25, v28  }
0x82: {  	v33 =	vshll.u32 v50, $0x2;
	v29 =	vor.u32 v29, v52;
	v27 =	vor.u32 v25, v27  }
0x83: {  	v59 =	vor.u32 v25, v29;
	v29 =	vor.u32 v30, v54;
	v30 =	vand.u32 $0x7FFFFE00, v31  }
0x84: {  	[tilespmem:v34+s23+$0x0] =	vst.idx.msk $0xffff, v35;
	v31 =	vor.u32 v25, v29;
	v29 =	vor.u32 v30, v55;
	v30 =	vand.u32 $0x7FFFFE00, v32  }
0x85: {  	s21 =	simm.s32 $0x99;
	v60 =	vor.u32 v25, v29;
	v29 =	vor.u32 v30, v56;
	v30 =	vand.u32 $0x7FFFFE00, v33;
	v26 =	vld.idx.msk [tilespmem:v26+s23+$0x0], $0xffff  }
0x86: {  	v41 =	vadd.s32 s21, v0;
	s13 =	simm.s32 $0x88;
	s22 =	simm.s32 $0xAA;
	v61 =	vor.u32 v25, v29;
	v29 =	vor.u32 v30, v57;
	v62 =	vld.idx.msk [tilespmem:v28+s23+$0x0], $0xffff  }
0x87: {  	s21 =	simm.s32 $0xDD;
	v40 =	vadd.s32 s13, v0;
	s13 =	simm.s32 $0xCC;
	v42 =	vadd.s32 s22, v0;
	s22 =	simm.s32 $0xEE;
	v33 =	vld.idx.msk [tilespmem:v27+s23+$0x0], $0xffff;
	v27 =	vor.u32 v25, v29  }
0x88: {  	v43 =	vadd.s32 s21, v0;
	s12 =	simm.s32 $0xFF;
	v45 =	vadd.s32 s13, v0;
	v46 =	vadd.s32 s22, v0;
	v34 =	vld.idx.msk [tilespmem:v59+s23+$0x0], $0xffff  }
0x89: {  	v35 =	vand.u32 $0x7F, v40;
	v47 =	vand.u32 $0x7F, v46;
	v28 =	vadd.s32 s12, v0;
	v36 =	vld.idx.msk [tilespmem:v31+s23+$0x0], $0xffff  }
0x8a: {  	v32 =	vand.u32 $0x7F, v41;
	s12 =	simm.s32 $0xBB;
	v29 =	vand.u32 $0x7F, v28;
	v63 =	vshll.u32 v28, $0x2;
	v37 =	vld.idx.msk [tilespmem:v60+s23+$0x0], $0xffff  }
0x8b: {  	v44 =	vadd.s32 s12, v0;
	v28 =	vand.u32 $0x7F, v45;
	v31 =	vand.u32 $0x7F, v42;
	v38 =	vld.idx.msk [tilespmem:v61+s23+$0x0], $0xffff  }
0x8c: {  	s10 =	sadd.s32 $0x10800, s10;
	s11 =	simm.s32 $0x187;
	v30 =	vand.u32 $0x7F, v44;
	v48 =	vand.u32 $0x7FFFFE00, v63;
	v39 =	vld.idx.msk [tilespmem:v27+s23+$0x0], $0xffff;
	v27 =	vand.u32 $0x7F, v43;
	[tilespmem:s28+$0x20] =	vst v62  }
.LBB2_5:
0x8d: {  	v40 =	vshll.u32 v40, $0x2  }
0x8e: {  	p1 =	sne.s32 s11, $0x21EF;
	v41 =	vshll.u32 v41, $0x2;
	v42 =	vshll.u32 v42, $0x2;
	[tilespmem:s28+$0xFFFFFFC0] =	vst v33;
	v33 =	vshll.u32 v44, $0x2  }
0x8f: {  	v44 =	vshll.u32 v45, $0x2;
	v45 =	vshll.u32 v46, $0x2;
	v29 =	vor.u32 v48, v29;
	[tilespmem:s28+$0xFFFFFFD0] =	vst v34  }
0x90: {  	v34 =	vshll.u32 v43, $0x2;
	v43 =	vand.u32 $0x7FFFFE00, v45;
	v29 =	vor.u32 v25, v29;
	[tilespmem:s28+$0xFFFFFFE0] =	vst v36  }
0x91: {  	v33 =	vand.u32 $0x7FFFFE00, v33;
	v36 =	vand.u32 $0x1FE00, v40;
	v40 =	vor.u32 v43, v47;
	[tilespmem:s28+$0xFFFFFFF0] =	vst v37  }
0x92: {  	v35 =	vor.u32 v36, v35;
	v36 =	vand.u32 $0x7FFFFE00, v41;
	v37 =	vor.u32 v25, v40;
	[tilespmem:s28+$0x0] =	vst v38  }
0x93: {  	s8 =	sadd.s32 $0xFFFFFF89, s11;
	v35 =	vor.u32 v25, v35;
	v32 =	vor.u32 v36, v32;
	v36 =	vand.u32 $0x7FFFFE00, v42;
	[tilespmem:s28+$0x10] =	vst v39  }
0x94: {  	v40 =	vadd.s32 s8, v0;
	v32 =	vor.u32 v25, v32;
	v31 =	vor.u32 v36, v31;
	[tilespmem:s28+$0x30] =	vst v26  }
0x95: {  	v31 =	vor.u32 v25, v31;
	v26 =	vor.u32 v33, v30;
	v30 =	vand.u32 $0x7FFFFE00, v44  }
0x96: {  	v38 =	vor.u32 v25, v26;
	v28 =	vor.u32 v30, v28;
	v30 =	vand.u32 $0x7FFFFE00, v34;
	v26 =	vld.idx.msk [tilespmem:v29+s23+$0x0], $0xffff  }
0x97: {  	v33 =	vadd.s32 s11, v0;
	v39 =	vor.u32 v25, v28;
	v27 =	vor.u32 v30, v27;
	v49 =	vld.idx.msk [tilespmem:v37+s23+$0x0], $0xffff  }
0x98: {  	s12 =	sadd.s32 $0xFFFFFF9A, s11;
	s13 =	sadd.s32 $0xFFFFFFAB, s11;
	s8 =	sadd.s32 $0xFFFFFFBC, s11;
	v48 =	vshll.u32 v33, $0x2;
	v29 =	vand.u32 $0x7F, v33;
	v50 =	vor.u32 v25, v27;
	v33 =	vld.idx.msk [tilespmem:v35+s23+$0x0], $0xffff  }
.Ltmp3:
0x99: {  	v41 =	vadd.s32 s12, v0;
	s12 =	sadd.s32 $0xFFFFFFCD, s11;
	v42 =	vadd.s32 s13, v0;
	s13 =	sadd.s32 $0xFFFFFFDE, s11;
	v34 =	vld.idx.msk [tilespmem:v32+s23+$0x0], $0xffff;
	(pc) =	sbr.rel @p1 .LBB2_5-.Ltmp3, $4  }
0x9a: {  	v45 =	vadd.s32 s12, v0;
	v43 =	vadd.s32 s13, v0;
	v44 =	vadd.s32 s8, v0;
	s8 =	sadd.s32 $0xFFFFFFEF, s11;
	v36 =	vld.idx.msk [tilespmem:v31+s23+$0x0], $0xffff  }
0x9b: {  	v46 =	vadd.s32 s8, v0;
	v35 =	vand.u32 $0x7F, v40;
	v32 =	vand.u32 $0x7F, v41;
	v37 =	vld.idx.msk [tilespmem:v38+s23+$0x0], $0xffff  }
0x9c: {  	s28 =	sadd.s32 $0x80, s28;
	v30 =	vand.u32 $0x7F, v44;
	v28 =	vand.u32 $0x7F, v45;
	v31 =	vand.u32 $0x7F, v42;
	v38 =	vld.idx.msk [tilespmem:v39+s23+$0x0], $0xffff  }
0x9d: {  	s11 =	sadd.s32 $0x88, s11;
	v47 =	vand.u32 $0x7F, v46;
	v48 =	vand.u32 $0x7FFFFE00, v48;
	v27 =	vand.u32 $0x7F, v43;
	v39 =	vld.idx.msk [tilespmem:v50+s23+$0x0], $0xffff;
	[tilespmem:s28+$0x20] =	vst v49  }
0x9e: {  	v40 =	vshll.u32 v40, $0x2;
	v41 =	vshll.u32 v41, $0x2;
	v42 =	vshll.u32 v42, $0x2  }
0x9f: {  	[tilespmem:s28+$0xFFFFFFC0] =	vst v33;
	v50 =	vshll.u32 v44, $0x2;
	v51 =	vshll.u32 v45, $0x2;
	v52 =	vshll.u32 v46, $0x2  }
0xa0: {  	[tilespmem:s28+$0xFFFFFFD0] =	vst v34;
	v53 =	vshll.u32 v43, $0x2;
	v29 =	vor.u32 v48, v29;
	v54 =	vand.u32 $0x7FFFFE00, v52  }
0xa1: {  	[tilespmem:s28+$0x30] =	vst v26;
	v55 =	vand.u32 $0x1FE00, v40;
	v29 =	vor.u32 v25, v29;
	v56 =	vor.u32 v54, v47  }
0xa2: {  	[tilespmem:s28+$0xFFFFFFE0] =	vst v36;
	v57 =	vand.u32 $0x7FFFFE00, v41;
	v35 =	vor.u32 v55, v35;
	v58 =	vor.u32 v25, v56  }
0xa3: {  	v59 =	vand.u32 $0x7FFFFE00, v42;
	[tilespmem:s28+$0xFFFFFFF0] =	vst v37;
	v32 =	vor.u32 v57, v32;
	v35 =	vor.u32 v25, v35  }
0xa4: {  	v33 =	vand.u32 $0x7FFFFE00, v50;
	v31 =	vor.u32 v59, v31;
	[tilespmem:s28+$0x0] =	vst v38;
	v32 =	vor.u32 v25, v32  }
0xa5: {  	v60 =	vand.u32 $0x7FFFFE00, v51;
	v30 =	vor.u32 v33, v30;
	v26 =	vor.u32 v25, v31;
	[tilespmem:s28+$0x10] =	vst v39  }
0xa6: {  	v61 =	vand.u32 $0x7FFFFE00, v53;
	v28 =	vor.u32 v60, v28;
	v30 =	vor.u32 v25, v30;
	v29 =	vld.idx.msk [tilespmem:v29+s23+$0x0], $0xffff  }
0xa7: {  	v27 =	vor.u32 v61, v27;
	v28 =	vor.u32 v25, v28;
	v62 =	vld.idx.msk [tilespmem:v58+s23+$0x0], $0xffff  }
0xa8: {  	v25 =	vor.u32 v25, v27;
	v63 =	vld.idx.msk [tilespmem:v35+s23+$0x0], $0xffff  }
0xa9: {  	v27 =	vld.idx.msk [tilespmem:v32+s23+$0x0], $0xffff  }
0xaa: {  	v26 =	vld.idx.msk [tilespmem:v26+s23+$0x0], $0xffff  }
0xab: {  	v30 =	vld.idx.msk [tilespmem:v30+s23+$0x0], $0xffff  }
0xac: {  	s8 =	sadd.s32 $0x80, s28;
	v28 =	vld.idx.msk [tilespmem:v28+s23+$0x0], $0xffff  }
0xad: {  	v25 =	vld.idx.msk [tilespmem:v25+s23+$0x0], $0xffff;
	[tilespmem:s8+$0x30] =	vst v29  }
0xae: {  	[tilespmem:s8+$0x20] =	vst v62  }
0xaf: {  	s31 =	sadd.s32 $0x1, s31;
	[tilespmem:s8+$0xFFFFFFC0] =	vst v63  }
0xb0: {  	s11 =	smul.u32 $0x186C00, s24;
	p1 =	sne.s32 s31, s6;
	[tilespmem:s8+$0xFFFFFFD0] =	vst v27  }
.Ltmp4:
0xb1: {  	s0 =	sshll.u32 s0, $0xD;
	[tilespmem:s8+$0xFFFFFFE0] =	vst v26;
	(pc) =	sbr.rel @p1 .LBB2_2-.Ltmp4, $4  }
0xb2: {  	s0 =	sadd.s32 s0, s11;
	[tilespmem:s8+$0xFFFFFFF0] =	vst v30  }
0xb3: {  	s0 =	sshrl.u32 s0, $0x3;
	[tilespmem:s8+$0x0] =	vst v28  }
0xb4: {  	s1 =	sadd.s32 $0x5, s1;
	s30 =	sadd.s32 $0x1, s30;
	s0 =	sadd.s32 s5, s0;
	[tilespmem:s8+$0x10] =	vst v25  }
0xb5: {  	[hbm4b:s0+s3] =	stream.linear.scatter [tilespmem:s10], [sflag:s1], $0x2000, $0x38;
	[tilespmem:$0x19000] =	vst v63  }
0xb6: {  	_ =	swait.ge [sflag:s15], $0x2000  }
0xb7: {  	[sflag:s15] =	ssyncset.done $0x0  }
0xb8: {  	[sflag:s15] =	ssyncadd.s32 $0xFFFFE000  }
0xb9: {  	_ =	swait.ge [sflag:s16], $0x2000  }
0xba: {  	[sflag:s16] =	ssyncset.done $0x0  }
0xbb: {  	[sflag:s16] =	ssyncadd.s32 $0xFFFFE000  }
0xbc: {  	_ =	swait.ge [sflag:s17], $0x2000  }
.Ltmp5:
0xbd: {  	[sflag:s17] =	ssyncset.done $0x0;
	(pc) =	sbr.rel @p0 .LBB2_11-.Ltmp5, $4  }
0xbe: {  	[sflag:s17] =	ssyncadd.s32 $0xFFFFE000  }
0xbf: {  	_ =	swait.ge [sflag:s18], $0x2000  }
0xc0: {  	[sflag:s18] =	ssyncset.done $0x0  }
0xc1: {  	[sflag:s18] =	ssyncadd.s32 $0xFFFFE000  }
0xc2: {  	s0 =	simm.s32 $0x0  }
0xc3: {  	s1 =	rddreg [dreg:$0x4];
	s8 =	simm.s32 $0x400;
	v25 =	vor.u32 s0, v12  }
0xc4: {  	[tilespmem:s25], [sflag:$0x9] =	stream.strided.gather [hbm4b:s1+s8], $0x800, s20, s8, $0x38;
	v26 =	vor.u32 s0, v24;
	[tilespmem:$0x19000] =	vst v63  }
0xc5: {  	v27 =	vor.u32 s0, v18;
	_ =	swait.ge [sflag:s26], $0x800  }
0xc6: {  	v28 =	vor.u32 s0, v19;
	[sflag:s26] =	ssyncset.done $0x0  }
0xc7: {  	v29 =	vor.u32 s0, v20;
	[sflag:s26] =	ssyncadd.s32 $0xFFFFF800  }
0xc8: {  	v30 =	vld.idx.msk [tilespmem:v25+s25+$0x0], $0xffff;
	v25 =	vor.u32 s0, v21  }
0xc9: {  	v31 =	vor.u32 s0, v22;
	v32 =	vld.idx.msk [tilespmem:v26+s25+$0x0], $0xffff  }
0xca: {  	v33 =	vld.idx.msk [tilespmem:v27+s25+$0x0], $0xffff;
	v26 =	vor.u32 s0, v23  }
0xcb: {  	v28 =	vld.idx.msk [tilespmem:v28+s25+$0x0], $0xffff  }
0xcc: {  	v34 =	vld.idx.msk [tilespmem:v29+s25+$0x0], $0xffff  }
0xcd: {  	v27 =	vld.idx.msk [tilespmem:v25+s25+$0x0], $0xffff  }
0xce: {  	s0 =	simm.s32 $0x10840;
	v25 =	vld.idx.msk [tilespmem:v31+s25+$0x0], $0xffff  }
0xcf: {  	v26 =	vld.idx.msk [tilespmem:v26+s25+$0x0], $0xffff;
	[tilespmem:s0+$0x30] =	vst v32  }
0xd0: {  	[tilespmem:s0+$0xFFFFFFC0] =	vst v30  }
0xd1: {  	s1 =	simm.s32 $0x8;
	[tilespmem:s0+$0xFFFFFFD0] =	vst v33  }
0xd2: {  	v29 =	vor.u32 s1, v12;
	[tilespmem:s0+$0xFFFFFFE0] =	vst v28  }
0xd3: {  	s10 =	simm.s32 $0x10;
	v28 =	vor.u32 s1, v24;
	[tilespmem:s0+$0xFFFFFFF0] =	vst v34  }
.LBB2_9:
0xd4: {  	p1 =	sne.s32 s10, $0x78;
	v30 =	vor.u32 s1, v18;
	[tilespmem:s0+$0x0] =	vst v27  }
0xd5: {  	v27 =	vor.u32 s1, v19;
	[tilespmem:s0+$0x10] =	vst v25  }
0xd6: {  	v25 =	vor.u32 s1, v20;
	[tilespmem:s0+$0x20] =	vst v26  }
0xd7: {  	v26 =	vor.u32 s1, v21;
	v29 =	vld.idx.msk [tilespmem:v29+s25+$0x0], $0xffff  }
0xd8: {  	v31 =	vor.u32 s1, v22;
	v28 =	vld.idx.msk [tilespmem:v28+s25+$0x0], $0xffff  }
0xd9: {  	v32 =	vor.u32 s1, v23;
	s1 =	smov.u32 s10;
	v30 =	vld.idx.msk [tilespmem:v30+s25+$0x0], $0xffff  }
0xda: {  	v33 =	vld.idx.msk [tilespmem:v27+s25+$0x0], $0xffff  }
0xdb: {  	v34 =	vld.idx.msk [tilespmem:v25+s25+$0x0], $0xffff  }
0xdc: {  	v27 =	vld.idx.msk [tilespmem:v26+s25+$0x0], $0xffff  }
0xdd: {  	s0 =	sadd.s32 $0x80, s0;
	v25 =	vld.idx.msk [tilespmem:v31+s25+$0x0], $0xffff  }
.Ltmp6:
0xde: {  	v26 =	vld.idx.msk [tilespmem:v32+s25+$0x0], $0xffff;
	[tilespmem:s0+$0x30] =	vst v28;
	(pc) =	sbr.rel @p1 .LBB2_9-.Ltmp6, $4  }
0xdf: {  	[tilespmem:s0+$0xFFFFFFC0] =	vst v29  }
0xe0: {  	[tilespmem:s0+$0xFFFFFFD0] =	vst v30  }
0xe1: {  	v29 =	vor.u32 s10, v12;
	[tilespmem:s0+$0xFFFFFFE0] =	vst v33  }
0xe2: {  	v28 =	vor.u32 s1, v24;
	s10 =	sadd.s32 $0x8, s10;
	[tilespmem:s0+$0xFFFFFFF0] =	vst v34  }
0xe3: {  	_ = 	snop  }
0xe4: {  	v30 =	vor.u32 s1, v18;
	[tilespmem:s0+$0x0] =	vst v27  }
0xe5: {  	v27 =	vor.u32 s1, v19;
	[tilespmem:s0+$0x10] =	vst v25  }
0xe6: {  	v25 =	vor.u32 s1, v20;
	[tilespmem:s0+$0x20] =	vst v26  }
0xe7: {  	v63 =	vor.u32 s1, v21;
	v26 =	vld.idx.msk [tilespmem:v29+s25+$0x0], $0xffff  }
0xe8: {  	v31 =	vor.u32 s1, v22;
	v28 =	vld.idx.msk [tilespmem:v28+s25+$0x0], $0xffff  }
0xe9: {  	v32 =	vor.u32 s1, v23;
	v30 =	vld.idx.msk [tilespmem:v30+s25+$0x0], $0xffff  }
0xea: {  	v27 =	vld.idx.msk [tilespmem:v27+s25+$0x0], $0xffff  }
0xeb: {  	v25 =	vld.idx.msk [tilespmem:v25+s25+$0x0], $0xffff  }
0xec: {  	v29 =	vld.idx.msk [tilespmem:v63+s25+$0x0], $0xffff  }
0xed: {  	s22 =	sadd.s32 $0x80, s0;
	v31 =	vld.idx.msk [tilespmem:v31+s25+$0x0], $0xffff  }
0xee: {  	v32 =	vld.idx.msk [tilespmem:v32+s25+$0x0], $0xffff;
	[tilespmem:s22+$0x30] =	vst v28  }
0xef: {  	[tilespmem:s22+$0xFFFFFFC0] =	vst v26  }
0xf0: {  	[tilespmem:s22+$0xFFFFFFD0] =	vst v30  }
0xf1: {  	[tilespmem:s22+$0xFFFFFFE0] =	vst v27  }
0xf2: {  	[tilespmem:s22+$0xFFFFFFF0] =	vst v25  }
0xf3: {  	[tilespmem:s22+$0x0] =	vst v29  }
0xf4: {  	[tilespmem:s22+$0x10] =	vst v31  }
0xf5: {  	s24 =	rddreg [dreg:$0x5];
	s28 =	simm.s32 $0x10800;
	[tilespmem:s22+$0x20] =	vst v32  }
0xf6: {  	[hbm4b:s24+s3] =	stream.linear.scatter [tilespmem:s28], [sflag:$0x9], $0x800, $0x38;
	[tilespmem:$0x19000] =	vst v63  }
0xf7: {  	_ =	swait.ge [sflag:s26], $0x800  }
0xf8: {  	[sflag:s26] =	ssyncset.done $0x0  }
0xf9: {  	s30 =	rddreg [dreg:$0x6];
	[sflag:s26] =	ssyncadd.s32 $0xFFFFF800  }
0xfa: {  	[tilespmem:s25], [sflag:$0x9] =	stream.linear.gather [hbm4b:s30+s3], $0x400, $0x38;
	[tilespmem:$0x19000] =	vst v63  }
0xfb: {  	_ =	swait.ge [sflag:s26], $0x400  }
0xfc: {  	[sflag:s26] =	ssyncset.done $0x0  }
.Ltmp7:
0xfd: {  	s31 =	rddreg [dreg:$0x7];
	[sflag:s26] =	ssyncadd.s32 $0xFFFFFC00;
	(pc) =	sbr.rel .LBB2_11-.Ltmp7, $4  }
0xfe: {  	[hbm4b:s31+s3] =	stream.linear.scatter [tilespmem:s25], [sflag:$0x9], $0x400, $0x38;
	[tilespmem:$0x19000] =	vst v63  }
0xff: {  	_ =	swait.ge [sflag:s26], $0x400  }
0x100: {  	[sflag:s26] =	ssyncset.done $0x0  }
0x101: {  	[sflag:s26] =	ssyncadd.s32 $0xFFFFFC00  }
.LBB2_12:
0x102: {  	_ =	sfence.sel $0x180000  }
0x103: {  	[bflag:$0x0] =	sbarrier.arrive $0xFFFF  }
0x104: {  	_ =	strace $0x90000047  }
0x105: {  	s0 =	stileid.u32;
	[bflag:$0x2] =	sbarrier.arrive $0xFFFF  }
0x106: {  	p0 =	sne.s32 s0, $0x0;
	s0 =	rddreg [dreg:$0x2]  }
0x107: {  	s0 =	sadd.s32 @!p0 $0x100000, s0  }
0x108: {  	[sflag:s0] =	ssyncadd.tile.s32 @!p0 $0x1;
	_ =	shalt  }
.Lfunc_end2:
_tile_overlayer_lowered:
.L_overlay_start_2:
0x109: {  	(tag) =	ssettag $0x2  }
0x10a: {  	s0 =	rddreg [dreg:$0x0];
	s2 =	stileid.u32  }
0x10b: {  	s1 =	rddreg [dreg:$0x1];
	p0 =	sne.s32 s2, $0x0  }
0x10c: {  	s3 =	rddreg [dreg:$0x2];
	[bflag:$0x3] =	sbarrier.arrive $0xFFFF;
	s2 =	simm.s32 @!p0 $0x1C09  }
0x10d: {  	[timem:s3], [sflag:s2] =	dma.local @!p0 [hbm:s0], s1  }
0x10e: {  	s0 =	simm.s32 @!p0 $0x9  }
0x10f: {  	_ =	swait.ge @!p0 [sflag:s0], s1  }
0x110: {  	s1 =	ssub.s32 @!p0 $0x0, s1;
	[sflag:s0] =	ssyncset.done @!p0 $0x0  }
0x111: {  	[sflag:s0] =	ssyncadd.s32 @!p0 s1  }
0x112: {  	[bflag:$0x3] =	sbarrier.arrive $0xFFFF  }
0x113: {  	_ =	shalt  }

</sc_bundles>
